<compile_context>
chip_gen: v7x
topology: tpu7x:2x2x1
jax: 0.10.2.dev20260603
libtpu: 0.0.44.dev20260713+nightly
codegen_flags: <defaults>
</compile_context>

<pallas_src>
import functools

import jax
import jax.numpy as jnp
from jax import lax
from jax.experimental import pallas as pl
from jax.experimental.pallas import tpu as pltpu
from jax.experimental.pallas import tpu_sc as plsc

NC = 2
NS = 16
NW = NC * NS
CH = 128
ZW = 32
TEAM_MOD = 10
TEAM_KEEP = 5


def _prologue_body(H, C, x_ref, w_ref, ats_ref, atd_ref,
                   asrc_ref, adst_ref, m_ref, ms_ref, md_ref):
    i = pl.program_id(0)
    nb = pl.num_programs(0)
    blk = x_ref.shape[0]
    h = jnp.dot(x_ref[...], w_ref[...], preferred_element_type=jnp.float32)
    h3 = h.reshape(blk, H, C)
    a_s = jnp.sum(h3 * ats_ref[...][None], axis=-1)
    a_d = jnp.sum(h3 * atd_ref[...][None], axis=-1)
    asrc_ref[...] = a_s
    adst_ref[...] = a_d
    bs = jnp.max(a_s, axis=0, keepdims=True)
    bd = jnp.max(a_d, axis=0, keepdims=True)

    @pl.when(i == 0)
    def _():
        ms_ref[...] = bs
        md_ref[...] = bd

    @pl.when(i > 0)
    def _():
        ms_ref[...] = jnp.maximum(ms_ref[...], bs)
        md_ref[...] = jnp.maximum(md_ref[...], bd)

    @pl.when(i == nb - 1)
    def _():
        t = ms_ref[...] + md_ref[...]
        m_ref[...] = jnp.where(t > 0.0, t, 0.2 * t)


def _prologue(x, W_gat, att_src, att_dst):
    n, in_dim = x.shape
    hh, cc = att_src.shape
    blk = 2000
    grid = n // blk
    return pl.pallas_call(
        functools.partial(_prologue_body, hh, cc),
        grid=(grid,),
        in_specs=[
            pl.BlockSpec((blk, in_dim), lambda i: (i, 0)),
            pl.BlockSpec((in_dim, hh * cc), lambda i: (0, 0)),
            pl.BlockSpec((hh, cc), lambda i: (0, 0)),
            pl.BlockSpec((hh, cc), lambda i: (0, 0)),
        ],
        out_specs=[
            pl.BlockSpec((blk, hh), lambda i: (i, 0)),
            pl.BlockSpec((blk, hh), lambda i: (i, 0)),
            pl.BlockSpec((1, hh), lambda i: (0, 0)),
        ],
        out_shape=[
            jax.ShapeDtypeStruct((n, hh), jnp.float32),
            jax.ShapeDtypeStruct((n, hh), jnp.float32),
            jax.ShapeDtypeStruct((1, hh), jnp.float32),
        ],
        scratch_shapes=[
            pltpu.VMEM((1, hh), jnp.float32),
            pltpu.VMEM((1, hh), jnp.float32),
        ],
    )(x, W_gat, att_src, att_dst)


def _make_sc_edge(n, in_dim, hh, ept, nrow, np1, tmod, tkeep):
    mesh = plsc.VectorSubcoreMesh(core_axis_name="c", subcore_axis_name="s",
                                  num_cores=NC, num_subcores=NS)
    rows_per = nrow // NS
    kfull = ept // CH
    assert tmod == 10 and n < 52429
    n_team = (n // tmod) * tkeep

    tail = ept % CH
    assert kfull % 2 == 0 and tail % 16 == 0 and tail < CH

    @functools.partial(
        pl.kernel,
        out_type=jax.ShapeDtypeStruct((NC, nrow, ZW), jnp.float32),
        mesh=mesh,
        compiler_params=pltpu.CompilerParams(use_tc_tiling_on_sc=False,
                                             needs_layout_passes=False),
        scratch_types=[
            pltpu.VMEM((hh * np1,), jnp.float32),
            pltpu.VMEM(((hh // 2) * np1,), jnp.int32),
            pltpu.VMEM((3 * np1,), jnp.int32),
            pltpu.VMEM((2, CH), jnp.int32),
            pltpu.VMEM((2, CH), jnp.int32),
            pltpu.VMEM((1, CH), jnp.int32),
            pltpu.VMEM((1, CH), jnp.int32),
            pltpu.VMEM((CH, ZW), jnp.float32),
            pltpu.VMEM((CH, ZW), jnp.float32),
            pltpu.VMEM((hh * 16,), jnp.float32),
            pltpu.VMEM_SHARED((nrow, ZW), jnp.float32),
            pltpu.SemaphoreType.DMA,
            pltpu.SemaphoreType.DMA,
            pltpu.SemaphoreType.DMA,
            pltpu.SemaphoreType.DMA,
        ],
    )
    def sc_edge(ei_hbm, asrc_hbm, adst_hbm, xp_hbm, msp_hbm, zero_hbm,
                z_hbm, asrc_v, adst_v, xp_v, ibufA, ibufB, didxA, didxB,
                payA, payB, m_v, z_sh, gsA, gsB, ssA, ssB):
        c = lax.axis_index("c")
        s = lax.axis_index("s")
        wid = s * NC + c
        base = wid * ept
        pltpu.sync_copy(asrc_hbm, asrc_v)
        pltpu.sync_copy(adst_hbm, adst_v)
        pltpu.sync_copy(xp_hbm, xp_v)
        pltpu.sync_copy(msp_hbm, m_v)
        pltpu.sync_copy(zero_hbm, z_sh.at[pl.ds(s * rows_per, rows_per)])
        plsc.subcore_barrier()

        m_vecs = [m_v[pl.ds(h * 16, 16)] for h in range(hh)]
        lane = lax.iota(jnp.int32, 16)
        cols = [jnp.full((16,), col, jnp.int32) for col in range(ZW)]
        offs = [jnp.full((16,), h * np1, jnp.int32) for h in range(hh)]

        def fetch(j, ibuf, gs):
            off = base + j * CH
            pltpu.async_copy(ei_hbm.at[0, pl.ds(off, CH)], ibuf.at[0], gs)
            pltpu.async_copy(ei_hbm.at[1, pl.ds(off, CH)], ibuf.at[1], gs)

        def fetch_wait(ibuf, gs):
            pltpu.make_async_copy(ei_hbm.at[0, pl.ds(0, CH)], ibuf.at[0],
                                  gs).wait()
            pltpu.make_async_copy(ei_hbm.at[0, pl.ds(0, CH)], ibuf.at[1],
                                  gs).wait()

        def compute_group(g, ibuf, didx, pay_v):
            row16 = lane + (g * 16)
            src16 = ibuf[0, pl.ds(g * 16, 16)]
            dst16 = ibuf[1, pl.ds(g * 16, 16)]
            q = jax.lax.shift_right_logical(dst16 * 52429, 19)
            r = dst16 - q * tmod
            didx[0, pl.ds(g * 16, 16)] = jnp.where(
                r < tkeep, q * tkeep + r, jnp.full((16,), n_team, jnp.int32))
            a_s = [plsc.load_gather(asrc_v, [src16 + offs[h]])
                   for h in range(hh)]
            ad01r = plsc.load_gather(adst_v, [dst16])
            ad23r = plsc.load_gather(adst_v, [dst16 + offs[1]])
            ad0, ad1 = plsc.unpack(plsc.bitcast(ad01r, jnp.bfloat16),
                                   format=plsc.PackFormat.INTERLEAVED,
                                   preferred_element_type=jnp.float32)
            ad2, ad3 = plsc.unpack(plsc.bitcast(ad23r, jnp.bfloat16),
                                   format=plsc.PackFormat.INTERLEAVED,
                                   preferred_element_type=jnp.float32)
            a_d = [ad0, ad1, ad2, ad3]
            x01r = plsc.load_gather(xp_v, [src16])
            x23r = plsc.load_gather(xp_v, [src16 + offs[1]])
            x4r = plsc.load_gather(xp_v, [src16 + offs[2]])
            x0, x1 = plsc.unpack(plsc.bitcast(x01r, jnp.bfloat16),
                                 format=plsc.PackFormat.INTERLEAVED,
                                 preferred_element_type=jnp.float32)
            x2, x3 = plsc.unpack(plsc.bitcast(x23r, jnp.bfloat16),
                                 format=plsc.PackFormat.INTERLEAVED,
                                 preferred_element_type=jnp.float32)
            xs = [x0, x1, x2, x3, plsc.bitcast(x4r, jnp.float32)]
            for h in range(hh):
                al = a_s[h] + a_d[h]
                al = jnp.where(al > 0.0, al, 0.2 * al)
                p = jnp.exp(al - m_vecs[h])
                plsc.store_scatter(pay_v, [row16, cols[hh * in_dim + h]], p)
                for i in range(in_dim):
                    plsc.store_scatter(pay_v, [row16, cols[h * in_dim + i]],
                                       p * xs[i])

        fetch(0, ibufA, gsA)
        fetch(1, ibufB, gsB)

        def body(j2, carry):
            for par, (ibuf, didx, pay, gs, ss) in enumerate(
                    [(ibufA, didxA, payA, gsA, ssA),
                     (ibufB, didxB, payB, gsB, ssB)]):
                j = j2 * 2 + par

                @pl.when(j2 > 0)
                def _():
                    pltpu.make_async_copy(z_hbm.at[0, pl.ds(0, CH)], pay,
                                          ss).wait()

                fetch_wait(ibuf, gs)
                for g in range(CH // 16):
                    compute_group(g, ibuf, didx, pay)

                @pl.when(j + 2 < kfull)
                def _():
                    fetch(j + 2, ibuf, gs)

                pltpu.async_copy(pay, z_sh.at[didx.at[0]], ss, add=True)
            return carry

        lax.fori_loop(0, kfull // 2, body, 0)
        pltpu.make_async_copy(z_hbm.at[0, pl.ds(0, CH)], payA, ssA).wait()
        pltpu.make_async_copy(z_hbm.at[0, pl.ds(0, CH)], payB, ssB).wait()

        if tail:
            off = base + kfull * CH
            pltpu.sync_copy(ei_hbm.at[0, pl.ds(off, tail)],
                            ibufA.at[0, pl.ds(0, tail)])
            pltpu.sync_copy(ei_hbm.at[1, pl.ds(off, tail)],
                            ibufA.at[1, pl.ds(0, tail)])
            junk = jnp.full((16,), n_team, jnp.int32)
            for g in range(tail // 16, CH // 16):
                didxA[0, pl.ds(g * 16, 16)] = junk
            for g in range(tail // 16):
                compute_group(g, ibufA, didxA, payA)
            pltpu.sync_copy(payA, z_sh.at[didxA.at[0]], add=True)

        plsc.subcore_barrier()
        pltpu.sync_copy(z_sh.at[pl.ds(s * rows_per, rows_per)],
                        z_hbm.at[c, pl.ds(s * rows_per, rows_per)])

    return sc_edge


def _epilogue_body(hh, cc, in_dim, act, z0_ref, z1_ref, xt_ref, ast_ref,
                   adt_ref, m_ref, wg_ref, bg_ref, w1_ref, b1_ref, w2_ref,
                   b2_ref, w3_ref, b3_ref, mean_ref, std_ref):
    zz = z0_ref[...] + z1_ref[...]
    al = ast_ref[...] + adt_ref[...]
    al = jnp.where(al > 0.0, al, 0.2 * al)
    p = jnp.exp(al - m_ref[...])
    xv = xt_ref[...]
    wg = wg_ref[...]
    embs = []
    for h in range(hh):
        zh = zz[:, h * in_dim:(h + 1) * in_dim] + p[:, h:h + 1] * xv
        den = zz[:, hh * in_dim + h:hh * in_dim + h + 1] + p[:, h:h + 1]
        zh = zh / (den + 1e-16)
        embs.append(jnp.dot(zh, wg[:, h * cc:(h + 1) * cc],
                            preferred_element_type=jnp.float32))
    emb = jnp.concatenate(embs, axis=1) + bg_ref[...]
    hdn = jnp.maximum(
        jnp.dot(emb, w1_ref[...], preferred_element_type=jnp.float32)
        + b1_ref[...], 0.0)
    hdn = jnp.maximum(
        jnp.dot(hdn, w2_ref[...], preferred_element_type=jnp.float32)
        + b2_ref[...], 0.0)
    a_out = jnp.dot(hdn, w3_ref[...], preferred_element_type=jnp.float32) \
        + b3_ref[...]
    mean_ref[...] = a_out[:, :act]
    log_std = jnp.clip(a_out[:, act:], -20.0, 2.0)
    std_ref[...] = jnp.exp(log_std)


def _epilogue(z0, z1, xt, ast, adt, m, W_gat, b_gat, aW1, ab1, aW2, ab2,
              aW3, ab3):
    nt, in_dim = xt.shape
    hh = ast.shape[1]
    cc = W_gat.shape[1] // hh
    hid = aW1.shape[1]
    act = aW3.shape[1] // 2
    blk = 1000
    grid = nt // blk
    c0 = lambda i: (0, 0)
    return pl.pallas_call(
        functools.partial(_epilogue_body, hh, cc, in_dim, act),
        grid=(grid,),
        in_specs=[
            pl.BlockSpec((blk, ZW), lambda i: (i, 0)),
            pl.BlockSpec((blk, ZW), lambda i: (i, 0)),
            pl.BlockSpec((blk, in_dim), lambda i: (i, 0)),
            pl.BlockSpec((blk, hh), lambda i: (i, 0)),
            pl.BlockSpec((blk, hh), lambda i: (i, 0)),
            pl.BlockSpec((1, hh), c0),
            pl.BlockSpec((in_dim, hh * cc), c0),
            pl.BlockSpec((1, hh * cc), c0),
            pl.BlockSpec((hh * cc, hid), c0),
            pl.BlockSpec((1, hid), c0),
            pl.BlockSpec((hid, hid), c0),
            pl.BlockSpec((1, hid), c0),
            pl.BlockSpec((hid, 2 * act), c0),
            pl.BlockSpec((1, 2 * act), c0),
        ],
        out_specs=[
            pl.BlockSpec((blk, act), lambda i: (i, 0)),
            pl.BlockSpec((blk, act), lambda i: (i, 0)),
        ],
        out_shape=[
            jax.ShapeDtypeStruct((nt, act), jnp.float32),
            jax.ShapeDtypeStruct((nt, act), jnp.float32),
        ],
    )(z0, z1, xt, ast, adt, m, W_gat, b_gat.reshape(1, -1), aW1,
      ab1.reshape(1, -1), aW2, ab2.reshape(1, -1), aW3, ab3.reshape(1, -1))


def _critic_body(obs_ref, w1_ref, b1_ref, w2_ref, b2_ref, w3_ref, b3_ref,
                 out_ref):
    v = jnp.maximum(
        jnp.dot(obs_ref[...], w1_ref[...], preferred_element_type=jnp.float32)
        + b1_ref[...], 0.0)
    v = jnp.maximum(
        jnp.dot(v, w2_ref[...], preferred_element_type=jnp.float32)
        + b2_ref[...], 0.0)
    out_ref[...] = jnp.dot(v, w3_ref[...],
                           preferred_element_type=jnp.float32) + b3_ref[...]


def _critic(obs, cW1, cb1, cW2, cb2, cW3, cb3):
    b, in_dim = obs.shape
    hid = cW1.shape[1]
    return pl.pallas_call(
        _critic_body,
        out_shape=jax.ShapeDtypeStruct((b, 1), jnp.float32),
    )(obs, cW1, cb1.reshape(1, -1), cW2, cb2.reshape(1, -1), cW3,
      cb3.reshape(1, -1))


def kernel(x, edge_index, observation, W_gat, att_src, att_dst, b_gat,
           aW1, ab1, aW2, ab2, aW3, ab3, cW1, cb1, cW2, cb2, cW3, cb3):
    n, in_dim = x.shape
    hh, cc = att_src.shape
    e = edge_index.shape[1]

    a_src, a_dst, m = _prologue(x, W_gat, att_src, att_dst)

    ept = e // NW
    assert e % NW == 0

    n_team = (n // TEAM_MOD) * TEAM_KEEP
    nrow = (n_team + NS + 127) // 128 * 128
    np1 = -(-(n + 1) // 8) * 8
    pad1 = lambda a: jnp.pad(a, (0, np1 - n))
    asrc_flat = jnp.concatenate([pad1(a_src[:, h]) for h in range(hh)])
    pair = lambda a, b: (
        jax.lax.bitcast_convert_type(a.astype(jnp.bfloat16),
                                     jnp.uint16).astype(jnp.uint32)
        | (jax.lax.bitcast_convert_type(b.astype(jnp.bfloat16),
                                        jnp.uint16).astype(jnp.uint32) << 16)
    ).astype(jnp.int32)
    adst_flat = jnp.concatenate([pad1(pair(a_dst[:, 0], a_dst[:, 1])),
                                 pad1(pair(a_dst[:, 2], a_dst[:, 3]))])
    x4 = jax.lax.bitcast_convert_type(x[:, 4], jnp.int32)
    xp = jnp.concatenate([pad1(pair(x[:, 0], x[:, 1])),
                          pad1(pair(x[:, 2], x[:, 3])), pad1(x4)])
    msp = jnp.broadcast_to(m.reshape(hh, 1), (hh, 16)).reshape(-1)
    zeros = jnp.zeros((nrow // NS, ZW), jnp.float32)

    sc_edge = _make_sc_edge(n, in_dim, hh, ept, nrow, np1,
                            TEAM_MOD, TEAM_KEEP)
    z = sc_edge(edge_index.astype(jnp.int32), asrc_flat, adst_flat, xp,
                msp, zeros)

    ng = n // TEAM_MOD
    zt = z[:, :n_team, :]
    sel = lambda a: a.reshape(ng, TEAM_MOD, -1)[:, :TEAM_KEEP].reshape(
        ng * TEAM_KEEP, -1)
    xt, ast, adt = sel(x), sel(a_src), sel(a_dst)

    mean, std = _epilogue(zt[0], zt[1], xt, ast, adt, m, W_gat, b_gat,
                          aW1, ab1, aW2, ab2, aW3, ab3)
    value = _critic(observation, cW1, cb1, cW2, cb2, cW3, cb3)
    return (mean, std, value)

# --- scband reference (transcript-rebuilt; emitter-appended) ---
"""Pipeline reference for scband-actor-critic-gnn-721554506422 (READ-ONLY COPY).

The authoritative reference and input builder live on the scoring server;
editing this copy changes nothing except your own understanding.
"""

import jax, jax.numpy as jnp
import numpy as np

N = 10000
E = 320000
H = 4
C = 128
IN = 5
P = 5
EV = 5
IN_DIM = 100
HID = 512
ACT = 2
OBS_B = 1024


def setup_inputs(seed: int = 0):
    key = jax.random.key(seed)
    ks = jax.random.split(key, 16)

    def w(k, shape, fan_in):
        return jax.random.normal(k, shape, dtype=jnp.float32) * (1.0 / np.sqrt(fan_in))

    inp = {}
    inp['x'] = jax.random.normal(ks[0], (N, IN), dtype=jnp.float32)
    inp['edge_index'] = jax.random.randint(ks[1], (2, E), 0, N)
    inp['observation'] = jax.random.normal(ks[2], (OBS_B, IN_DIM), dtype=jnp.float32)
    # GATConv(5, 128, heads=4, concat=True) params
    inp['W_gat'] = w(ks[3], (IN, H * C), IN)
    inp['att_src'] = w(ks[4], (H, C), C)
    inp['att_dst'] = w(ks[5], (H, C), C)
    inp['b_gat'] = jnp.zeros((H * C,), dtype=jnp.float32)
    # actor MLP: 512 -> 512 -> 512 -> 4
    inp['aW1'] = w(ks[6], (H * C, HID), H * C)
    inp['ab1'] = jnp.zeros((HID,), dtype=jnp.float32)
    inp['aW2'] = w(ks[7], (HID, HID), HID)
    inp['ab2'] = jnp.zeros((HID,), dtype=jnp.float32)
    inp['aW3'] = w(ks[8], (HID, ACT * 2), HID)
    inp['ab3'] = jnp.zeros((ACT * 2,), dtype=jnp.float32)
    # critic MLP: in_dim -> 512 -> 512 -> 1
    inp['cW1'] = w(ks[9], (IN_DIM, HID), IN_DIM)
    inp['cb1'] = jnp.zeros((HID,), dtype=jnp.float32)
    inp['cW2'] = w(ks[10], (HID, HID), HID)
    inp['cb2'] = jnp.zeros((HID,), dtype=jnp.float32)
    inp['cW3'] = w(ks[11], (HID, 1), HID)
    inp['cb3'] = jnp.zeros((1,), dtype=jnp.float32)
    return inp


def _gat(x, edge_index, W_gat, att_src, att_dst, b_gat):
    n = x.shape[0]
    # PyG GATConv adds self-loops by default
    loops = jnp.arange(n, dtype=edge_index.dtype)
    src = jnp.concatenate([edge_index[0], loops])
    dst = jnp.concatenate([edge_index[1], loops])
    h = (x @ W_gat).reshape(n, H, C)
    a_src = (h * att_src[None, :, :]).sum(-1)  # [N, H]
    a_dst = (h * att_dst[None, :, :]).sum(-1)  # [N, H]
    alpha = a_src[src] + a_dst[dst]            # [E+N, H] gather
    alpha = jnp.where(alpha > 0, alpha, 0.2 * alpha)  # LeakyReLU(0.2)
    amax = jax.ops.segment_max(alpha, dst, num_segments=n)
    alpha = jnp.exp(alpha - amax[dst])
    denom = jax.ops.segment_sum(alpha, dst, num_segments=n)
    alpha = alpha / (denom[dst] + 1e-16)
    msg = h[src] * alpha[:, :, None]           # [E+N, H, C] gather
    out = jax.ops.segment_sum(msg, dst, num_segments=n)  # scatter-add
    return out.reshape(n, H * C) + b_gat       # concat=True


def reference(x, edge_index, observation, W_gat, att_src, att_dst, b_gat,
              aW1, ab1, aW2, ab2, aW3, ab3, cW1, cb1, cW2, cb2, cW3, cb3):
    n = x.shape[0]
    emb = _gat(x, edge_index, W_gat, att_src, att_dst, b_gat)
    idx = np.arange(n)
    team_idx = jnp.asarray(idx[idx % (P + EV) < P])  # team == 'pursuer'
    e_t = emb[team_idx]
    hdn = jax.nn.relu(e_t @ aW1 + ab1)
    hdn = jax.nn.relu(hdn @ aW2 + ab2)
    a_out = hdn @ aW3 + ab3
    mean, log_std = jnp.split(a_out, 2, axis=-1)
    log_std = jnp.clip(log_std, -20.0, 2.0)
    std = jnp.exp(log_std)
    v = jax.nn.relu(observation @ cW1 + cb1)
    v = jax.nn.relu(v @ cW2 + cb2)
    value = v @ cW3 + cb3
    return (mean, std, value)

if __name__ == "__main__":
    import jax
    _d = setup_inputs()
    print(jax.jit(kernel)(*tuple(_d.values())))

</pallas_src>

<mosaic_0001>
#map = affine_map<(d0, d1) -> (0, 0)>
#map1 = affine_map<(d0, d1) -> (0)>
#map2 = affine_map<(d0, d1) -> (0, 0, 0)>
module attributes {stable_mosaic.version = 14 : i64} {
  func.func @sc_edge(%arg0: i32, %arg1: i32, %arg2: memref<2x320000xi32, #tpu.memory_space<hbm>>, %arg3: memref<40032xf32, #tpu.memory_space<hbm>>, %arg4: memref<20016xi32, #tpu.memory_space<hbm>>, %arg5: memref<30024xi32, #tpu.memory_space<hbm>>, %arg6: memref<64xf32, #tpu.memory_space<hbm>>, %arg7: memref<320x32xf32, #tpu.memory_space<hbm>>, %arg8: memref<2x5120x32xf32, #tpu.memory_space<hbm>>, %arg9: memref<40032xf32, #tpu.memory_space<vmem>>, %arg10: memref<20016xi32, #tpu.memory_space<vmem>>, %arg11: memref<30024xi32, #tpu.memory_space<vmem>>, %arg12: memref<2x128xi32, #tpu.memory_space<vmem>>, %arg13: memref<2x128xi32, #tpu.memory_space<vmem>>, %arg14: memref<1x128xi32, #tpu.memory_space<vmem>>, %arg15: memref<1x128xi32, #tpu.memory_space<vmem>>, %arg16: memref<128x32xf32, #tpu.memory_space<vmem>>, %arg17: memref<128x32xf32, #tpu.memory_space<vmem>>, %arg18: memref<64xf32, #tpu.memory_space<vmem>>, %arg19: memref<5120x32xf32, #tpu.memory_space<vmem_shared>>, %arg20: memref<!tpu.dma_semaphore, #tpu.memory_space<semaphore_mem>>, %arg21: memref<!tpu.dma_semaphore, #tpu.memory_space<semaphore_mem>>, %arg22: memref<!tpu.dma_semaphore, #tpu.memory_space<semaphore_mem>>, %arg23: memref<!tpu.dma_semaphore, #tpu.memory_space<semaphore_mem>>) attributes {dimension_semantics = [#tpu.dimension_semantics<core_parallel>, #tpu.dimension_semantics<subcore_parallel>], iteration_bounds = array<i64: 2, 16>, scalar_prefetch = 0 : i64, scratch_operands = 15 : i64, tpu.core_type = #tpu.core_type<sc_vector_subcore>, window_params = [{transform_indices = #map}, {transform_indices = #map1}, {transform_indices = #map1}, {transform_indices = #map1}, {transform_indices = #map1}, {transform_indices = #map}, {transform_indices = #map2}]} {
    %mul3A = arith.constant 2 : i32
    %mul3A_0 = arith.muli %arg1, %mul3A : i32
    %add3A = arith.addi %mul3A_0, %arg0 : i32
    %mul3A_1 = arith.constant 10000 : i32
    %mul3A_2 = arith.muli %add3A, %mul3A_1 : i32
    "tpu.region"() ({
      %run_scoped3A_311 = tpu.sem_alloc : memref<!tpu.dma_semaphore, #tpu.memory_space<semaphore_mem>>
      tpu.enqueue_dma source(%arg3 : memref<40032xf32, #tpu.memory_space<hbm>>) target(%arg9 : memref<40032xf32, #tpu.memory_space<vmem>>) target_semaphore(%run_scoped3A_311 : memref<!tpu.dma_semaphore, #tpu.memory_space<semaphore_mem>>)
      tpu.wait_dma2 semaphore(%run_scoped3A_311 : memref<!tpu.dma_semaphore, #tpu.memory_space<semaphore_mem>>) src(%arg3 : memref<40032xf32, #tpu.memory_space<hbm>>) dst(%arg9 : memref<40032xf32, #tpu.memory_space<vmem>>)
      tpu.yield
    }) : () -> ()
    "tpu.region"() ({
      %run_scoped3A_311 = tpu.sem_alloc : memref<!tpu.dma_semaphore, #tpu.memory_space<semaphore_mem>>
      tpu.enqueue_dma source(%arg4 : memref<20016xi32, #tpu.memory_space<hbm>>) target(%arg10 : memref<20016xi32, #tpu.memory_space<vmem>>) target_semaphore(%run_scoped3A_311 : memref<!tpu.dma_semaphore, #tpu.memory_space<semaphore_mem>>)
      tpu.wait_dma2 semaphore(%run_scoped3A_311 : memref<!tpu.dma_semaphore, #tpu.memory_space<semaphore_mem>>) src(%arg4 : memref<20016xi32, #tpu.memory_space<hbm>>) dst(%arg10 : memref<20016xi32, #tpu.memory_space<vmem>>)
      tpu.yield
    }) : () -> ()
    "tpu.region"() ({
      %run_scoped3A_311 = tpu.sem_alloc : memref<!tpu.dma_semaphore, #tpu.memory_space<semaphore_mem>>
      tpu.enqueue_dma source(%arg5 : memref<30024xi32, #tpu.memory_space<hbm>>) target(%arg11 : memref<30024xi32, #tpu.memory_space<vmem>>) target_semaphore(%run_scoped3A_311 : memref<!tpu.dma_semaphore, #tpu.memory_space<semaphore_mem>>)
      tpu.wait_dma2 semaphore(%run_scoped3A_311 : memref<!tpu.dma_semaphore, #tpu.memory_space<semaphore_mem>>) src(%arg5 : memref<30024xi32, #tpu.memory_space<hbm>>) dst(%arg11 : memref<30024xi32, #tpu.memory_space<vmem>>)
      tpu.yield
    }) : () -> ()
    "tpu.region"() ({
      %run_scoped3A_311 = tpu.sem_alloc : memref<!tpu.dma_semaphore, #tpu.memory_space<semaphore_mem>>
      tpu.enqueue_dma source(%arg6 : memref<64xf32, #tpu.memory_space<hbm>>) target(%arg18 : memref<64xf32, #tpu.memory_space<vmem>>) target_semaphore(%run_scoped3A_311 : memref<!tpu.dma_semaphore, #tpu.memory_space<semaphore_mem>>)
      tpu.wait_dma2 semaphore(%run_scoped3A_311 : memref<!tpu.dma_semaphore, #tpu.memory_space<semaphore_mem>>) src(%arg6 : memref<64xf32, #tpu.memory_space<hbm>>) dst(%arg18 : memref<64xf32, #tpu.memory_space<vmem>>)
      tpu.yield
    }) : () -> ()
    %mul3A_3 = arith.constant 320 : i32
    %mul3A_4 = arith.muli %arg1, %mul3A_3 : i32
    "tpu.region"() ({
      %run_scoped3A_311 = tpu.sem_alloc : memref<!tpu.dma_semaphore, #tpu.memory_space<semaphore_mem>>
      %dma_start3A_312 = arith.constant 0 : i32
      %dma_start3A_313 = tpu.memref_slice %arg19[%mul3A_4, %dma_start3A_312] : memref<5120x32xf32, #tpu.memory_space<vmem_shared>> -> memref<320x32xf32, #tpu.memory_space<vmem_shared>>
      tpu.enqueue_dma source(%arg7 : memref<320x32xf32, #tpu.memory_space<hbm>>) target(%dma_start3A_313 : memref<320x32xf32, #tpu.memory_space<vmem_shared>>) target_semaphore(%run_scoped3A_311 : memref<!tpu.dma_semaphore, #tpu.memory_space<semaphore_mem>>)
      %dma_wait3A_314 = arith.constant 0 : i32
      %dma_wait3A_315 = tpu.memref_slice %arg19[%mul3A_4, %dma_wait3A_314] : memref<5120x32xf32, #tpu.memory_space<vmem_shared>> -> memref<320x32xf32, #tpu.memory_space<vmem_shared>>
      tpu.wait_dma2 semaphore(%run_scoped3A_311 : memref<!tpu.dma_semaphore, #tpu.memory_space<semaphore_mem>>) src(%arg7 : memref<320x32xf32, #tpu.memory_space<hbm>>) dst(%dma_wait3A_315 : memref<320x32xf32, #tpu.memory_space<vmem_shared>>)
      tpu.yield
    }) : () -> ()
    %barrier3A = arith.constant 0 : index
    tpu.barrier barrier_id(%barrier3A)
    %get3A = arith.constant 0 : index
    %get3A_5 = tpu.vector_load %arg18[%get3A] {strides = array<i32>} : memref<64xf32, #tpu.memory_space<vmem>>, vector<16xf32>,
    %get3A_6 = arith.constant 16 : index
    %get3A_7 = tpu.vector_load %arg18[%get3A_6] {strides = array<i32>} : memref<64xf32, #tpu.memory_space<vmem>>, vector<16xf32>,
    %get3A_8 = arith.constant 32 : index
    %get3A_9 = tpu.vector_load %arg18[%get3A_8] {strides = array<i32>} : memref<64xf32, #tpu.memory_space<vmem>>, vector<16xf32>,
    %get3A_10 = arith.constant 48 : index
    %get3A_11 = tpu.vector_load %arg18[%get3A_10] {strides = array<i32>} : memref<64xf32, #tpu.memory_space<vmem>>, vector<16xf32>,
    %iota3A = tpu.iota {dimensions = array<i32: 0>} : vector<16xi32>
    %broadcast_in_dim3A = arith.constant 0 : i32
    %broadcast_in_dim3A_12 = vector.broadcast %broadcast_in_dim3A : i32 to vector<16xi32>
    %broadcast_in_dim3A_13 = arith.constant 1 : i32
    %broadcast_in_dim3A_14 = vector.broadcast %broadcast_in_dim3A_13 : i32 to vector<16xi32>
    %broadcast_in_dim3A_15 = arith.constant 2 : i32
    %broadcast_in_dim3A_16 = vector.broadcast %broadcast_in_dim3A_15 : i32 to vector<16xi32>
    %broadcast_in_dim3A_17 = arith.constant 3 : i32
    %broadcast_in_dim3A_18 = vector.broadcast %broadcast_in_dim3A_17 : i32 to vector<16xi32>
    %broadcast_in_dim3A_19 = arith.constant 4 : i32
    %broadcast_in_dim3A_20 = vector.broadcast %broadcast_in_dim3A_19 : i32 to vector<16xi32>
    %broadcast_in_dim3A_21 = arith.constant 5 : i32
    %broadcast_in_dim3A_22 = vector.broadcast %broadcast_in_dim3A_21 : i32 to vector<16xi32>
    %broadcast_in_dim3A_23 = arith.constant 6 : i32
    %broadcast_in_dim3A_24 = vector.broadcast %broadcast_in_dim3A_23 : i32 to vector<16xi32>
    %broadcast_in_dim3A_25 = arith.constant 7 : i32
    %broadcast_in_dim3A_26 = vector.broadcast %broadcast_in_dim3A_25 : i32 to vector<16xi32>
    %broadcast_in_dim3A_27 = arith.constant 8 : i32
    %broadcast_in_dim3A_28 = vector.broadcast %broadcast_in_dim3A_27 : i32 to vector<16xi32>
    %broadcast_in_dim3A_29 = arith.constant 9 : i32
    %broadcast_in_dim3A_30 = vector.broadcast %broadcast_in_dim3A_29 : i32 to vector<16xi32>
    %broadcast_in_dim3A_31 = arith.constant 10 : i32
    %broadcast_in_dim3A_32 = vector.broadcast %broadcast_in_dim3A_31 : i32 to vector<16xi32>
    %broadcast_in_dim3A_33 = arith.constant 11 : i32
    %broadcast_in_dim3A_34 = vector.broadcast %broadcast_in_dim3A_33 : i32 to vector<16xi32>
    %broadcast_in_dim3A_35 = arith.constant 12 : i32
    %broadcast_in_dim3A_36 = vector.broadcast %broadcast_in_dim3A_35 : i32 to vector<16xi32>
    %broadcast_in_dim3A_37 = arith.constant 13 : i32
    %broadcast_in_dim3A_38 = vector.broadcast %broadcast_in_dim3A_37 : i32 to vector<16xi32>
    %broadcast_in_dim3A_39 = arith.constant 14 : i32
    %broadcast_in_dim3A_40 = vector.broadcast %broadcast_in_dim3A_39 : i32 to vector<16xi32>
    %broadcast_in_dim3A_41 = arith.constant 15 : i32
    %broadcast_in_dim3A_42 = vector.broadcast %broadcast_in_dim3A_41 : i32 to vector<16xi32>
    %broadcast_in_dim3A_43 = arith.constant 16 : i32
    %broadcast_in_dim3A_44 = vector.broadcast %broadcast_in_dim3A_43 : i32 to vector<16xi32>
    %broadcast_in_dim3A_45 = arith.constant 17 : i32
    %broadcast_in_dim3A_46 = vector.broadcast %broadcast_in_dim3A_45 : i32 to vector<16xi32>
    %broadcast_in_dim3A_47 = arith.constant 18 : i32
    %broadcast_in_dim3A_48 = vector.broadcast %broadcast_in_dim3A_47 : i32 to vector<16xi32>
    %broadcast_in_dim3A_49 = arith.constant 19 : i32
    %broadcast_in_dim3A_50 = vector.broadcast %broadcast_in_dim3A_49 : i32 to vector<16xi32>
    %broadcast_in_dim3A_51 = arith.constant 20 : i32
    %broadcast_in_dim3A_52 = vector.broadcast %broadcast_in_dim3A_51 : i32 to vector<16xi32>
    %broadcast_in_dim3A_53 = arith.constant 21 : i32
    %broadcast_in_dim3A_54 = vector.broadcast %broadcast_in_dim3A_53 : i32 to vector<16xi32>
    %broadcast_in_dim3A_55 = arith.constant 22 : i32
    %broadcast_in_dim3A_56 = vector.broadcast %broadcast_in_dim3A_55 : i32 to vector<16xi32>
    %broadcast_in_dim3A_57 = arith.constant 23 : i32
    %broadcast_in_dim3A_58 = vector.broadcast %broadcast_in_dim3A_57 : i32 to vector<16xi32>
    %broadcast_in_dim3A_59 = arith.constant 24 : i32
    %broadcast_in_dim3A_60 = vector.broadcast %broadcast_in_dim3A_59 : i32 to vector<16xi32>
    %broadcast_in_dim3A_61 = arith.constant 25 : i32
    %broadcast_in_dim3A_62 = vector.broadcast %broadcast_in_dim3A_61 : i32 to vector<16xi32>
    %broadcast_in_dim3A_63 = arith.constant 26 : i32
    %broadcast_in_dim3A_64 = vector.broadcast %broadcast_in_dim3A_63 : i32 to vector<16xi32>
    %broadcast_in_dim3A_65 = arith.constant 27 : i32
    %broadcast_in_dim3A_66 = vector.broadcast %broadcast_in_dim3A_65 : i32 to vector<16xi32>
    %broadcast_in_dim3A_67 = arith.constant 28 : i32
    %broadcast_in_dim3A_68 = vector.broadcast %broadcast_in_dim3A_67 : i32 to vector<16xi32>
    %broadcast_in_dim3A_69 = arith.constant 29 : i32
    %broadcast_in_dim3A_70 = vector.broadcast %broadcast_in_dim3A_69 : i32 to vector<16xi32>
    %broadcast_in_dim3A_71 = arith.constant 30 : i32
    %broadcast_in_dim3A_72 = vector.broadcast %broadcast_in_dim3A_71 : i32 to vector<16xi32>
    %broadcast_in_dim3A_73 = arith.constant 31 : i32
    %broadcast_in_dim3A_74 = vector.broadcast %broadcast_in_dim3A_73 : i32 to vector<16xi32>
    %broadcast_in_dim3A_75 = arith.constant 0 : i32
    %broadcast_in_dim3A_76 = vector.broadcast %broadcast_in_dim3A_75 : i32 to vector<16xi32>
    %broadcast_in_dim3A_77 = arith.constant 10008 : i32
    %broadcast_in_dim3A_78 = vector.broadcast %broadcast_in_dim3A_77 : i32 to vector<16xi32>
    %broadcast_in_dim3A_79 = arith.constant 20016 : i32
    %broadcast_in_dim3A_80 = vector.broadcast %broadcast_in_dim3A_79 : i32 to vector<16xi32>
    %broadcast_in_dim3A_81 = arith.constant 30024 : i32
    %broadcast_in_dim3A_82 = vector.broadcast %broadcast_in_dim3A_81 : i32 to vector<16xi32>
    %add3A_83 = arith.constant 0 : i32
    %add3A_84 = arith.addi %mul3A_2, %add3A_83 : i32
    %dma_start3A = arith.constant 0 : i32
    %dma_start3A_85 = arith.constant 0 : i32
    %dma_start3A_86 = arith.constant 0 : i32
    %dma_start3A_87 = tpu.memref_slice %arg12[%dma_start3A_85, %dma_start3A_86] : memref<2x128xi32, #tpu.memory_space<vmem>> -> memref<1x128xi32, #tpu.memory_space<vmem>>
    %dma_start3A_88 = tpu.memref_squeeze %dma_start3A_87 : memref<1x128xi32, #tpu.memory_space<vmem>> -> memref<128xi32, #tpu.memory_space<vmem>>
    %dma_start3A_89 = tpu.memref_slice %arg2[%dma_start3A, %add3A_84] : memref<2x320000xi32, #tpu.memory_space<hbm>> -> memref<1x128xi32, #tpu.memory_space<hbm>>
    %dma_start3A_90 = tpu.memref_squeeze %dma_start3A_89 : memref<1x128xi32, #tpu.memory_space<hbm>> -> memref<128xi32, #tpu.memory_space<hbm>>
    %dma_start3A_91 = arith.constant 0 : i32
    %dma_start3A_92 = tpu.memref_slice %arg12[%dma_start3A_85, %dma_start3A_91] : memref<2x128xi32, #tpu.memory_space<vmem>> -> memref<1x128xi32, #tpu.memory_space<vmem>>
    %dma_start3A_93 = tpu.memref_squeeze %dma_start3A_92 : memref<1x128xi32, #tpu.memory_space<vmem>> -> memref<128xi32, #tpu.memory_space<vmem>>
    %dma_start3A_94 = tpu.memref_slice %arg2[%dma_start3A, %add3A_84] : memref<2x320000xi32, #tpu.memory_space<hbm>> -> memref<1x128xi32, #tpu.memory_space<hbm>>
    %dma_start3A_95 = tpu.memref_squeeze %dma_start3A_94 : memref<1x128xi32, #tpu.memory_space<hbm>> -> memref<128xi32, #tpu.memory_space<hbm>>
    tpu.enqueue_dma source(%dma_start3A_95 : memref<128xi32, #tpu.memory_space<hbm>>) target(%dma_start3A_93 : memref<128xi32, #tpu.memory_space<vmem>>) target_semaphore(%arg20 : memref<!tpu.dma_semaphore, #tpu.memory_space<semaphore_mem>>)
    %dma_start3A_96 = arith.constant 1 : i32
    %dma_start3A_97 = arith.constant 1 : i32
    %dma_start3A_98 = arith.constant 0 : i32
    %dma_start3A_99 = tpu.memref_slice %arg12[%dma_start3A_97, %dma_start3A_98] : memref<2x128xi32, #tpu.memory_space<vmem>> -> memref<1x128xi32, #tpu.memory_space<vmem>>
    %dma_start3A_100 = tpu.memref_squeeze %dma_start3A_99 : memref<1x128xi32, #tpu.memory_space<vmem>> -> memref<128xi32, #tpu.memory_space<vmem>>
    %dma_start3A_101 = tpu.memref_slice %arg2[%dma_start3A_96, %add3A_84] : memref<2x320000xi32, #tpu.memory_space<hbm>> -> memref<1x128xi32, #tpu.memory_space<hbm>>
    %dma_start3A_102 = tpu.memref_squeeze %dma_start3A_101 : memref<1x128xi32, #tpu.memory_space<hbm>> -> memref<128xi32, #tpu.memory_space<hbm>>
    %dma_start3A_103 = arith.constant 0 : i32
    %dma_start3A_104 = tpu.memref_slice %arg12[%dma_start3A_97, %dma_start3A_103] : memref<2x128xi32, #tpu.memory_space<vmem>> -> memref<1x128xi32, #tpu.memory_space<vmem>>
    %dma_start3A_105 = tpu.memref_squeeze %dma_start3A_104 : memref<1x128xi32, #tpu.memory_space<vmem>> -> memref<128xi32, #tpu.memory_space<vmem>>
    %dma_start3A_106 = tpu.memref_slice %arg2[%dma_start3A_96, %add3A_84] : memref<2x320000xi32, #tpu.memory_space<hbm>> -> memref<1x128xi32, #tpu.memory_space<hbm>>
    %dma_start3A_107 = tpu.memref_squeeze %dma_start3A_106 : memref<1x128xi32, #tpu.memory_space<hbm>> -> memref<128xi32, #tpu.memory_space<hbm>>
    tpu.enqueue_dma source(%dma_start3A_107 : memref<128xi32, #tpu.memory_space<hbm>>) target(%dma_start3A_105 : memref<128xi32, #tpu.memory_space<vmem>>) target_semaphore(%arg20 : memref<!tpu.dma_semaphore, #tpu.memory_space<semaphore_mem>>)
    %add3A_108 = arith.constant 128 : i32
    %add3A_109 = arith.addi %mul3A_2, %add3A_108 : i32
    %dma_start3A_110 = arith.constant 0 : i32
    %dma_start3A_111 = arith.constant 0 : i32
    %dma_start3A_112 = arith.constant 0 : i32
    %dma_start3A_113 = tpu.memref_slice %arg13[%dma_start3A_111, %dma_start3A_112] : memref<2x128xi32, #tpu.memory_space<vmem>> -> memref<1x128xi32, #tpu.memory_space<vmem>>
    %dma_start3A_114 = tpu.memref_squeeze %dma_start3A_113 : memref<1x128xi32, #tpu.memory_space<vmem>> -> memref<128xi32, #tpu.memory_space<vmem>>
    %dma_start3A_115 = tpu.memref_slice %arg2[%dma_start3A_110, %add3A_109] : memref<2x320000xi32, #tpu.memory_space<hbm>> -> memref<1x128xi32, #tpu.memory_space<hbm>>
    %dma_start3A_116 = tpu.memref_squeeze %dma_start3A_115 : memref<1x128xi32, #tpu.memory_space<hbm>> -> memref<128xi32, #tpu.memory_space<hbm>>
    %dma_start3A_117 = arith.constant 0 : i32
    %dma_start3A_118 = tpu.memref_slice %arg13[%dma_start3A_111, %dma_start3A_117] : memref<2x128xi32, #tpu.memory_space<vmem>> -> memref<1x128xi32, #tpu.memory_space<vmem>>
    %dma_start3A_119 = tpu.memref_squeeze %dma_start3A_118 : memref<1x128xi32, #tpu.memory_space<vmem>> -> memref<128xi32, #tpu.memory_space<vmem>>
    %dma_start3A_120 = tpu.memref_slice %arg2[%dma_start3A_110, %add3A_109] : memref<2x320000xi32, #tpu.memory_space<hbm>> -> memref<1x128xi32, #tpu.memory_space<hbm>>
    %dma_start3A_121 = tpu.memref_squeeze %dma_start3A_120 : memref<1x128xi32, #tpu.memory_space<hbm>> -> memref<128xi32, #tpu.memory_space<hbm>>
    tpu.enqueue_dma source(%dma_start3A_121 : memref<128xi32, #tpu.memory_space<hbm>>) target(%dma_start3A_119 : memref<128xi32, #tpu.memory_space<vmem>>) target_semaphore(%arg21 : memref<!tpu.dma_semaphore, #tpu.memory_space<semaphore_mem>>)
    %dma_start3A_122 = arith.constant 1 : i32
    %dma_start3A_123 = arith.constant 1 : i32
    %dma_start3A_124 = arith.constant 0 : i32
    %dma_start3A_125 = tpu.memref_slice %arg13[%dma_start3A_123, %dma_start3A_124] : memref<2x128xi32, #tpu.memory_space<vmem>> -> memref<1x128xi32, #tpu.memory_space<vmem>>
    %dma_start3A_126 = tpu.memref_squeeze %dma_start3A_125 : memref<1x128xi32, #tpu.memory_space<vmem>> -> memref<128xi32, #tpu.memory_space<vmem>>
    %dma_start3A_127 = tpu.memref_slice %arg2[%dma_start3A_122, %add3A_109] : memref<2x320000xi32, #tpu.memory_space<hbm>> -> memref<1x128xi32, #tpu.memory_space<hbm>>
    %dma_start3A_128 = tpu.memref_squeeze %dma_start3A_127 : memref<1x128xi32, #tpu.memory_space<hbm>> -> memref<128xi32, #tpu.memory_space<hbm>>
    %dma_start3A_129 = arith.constant 0 : i32
    %dma_start3A_130 = tpu.memref_slice %arg13[%dma_start3A_123, %dma_start3A_129] : memref<2x128xi32, #tpu.memory_space<vmem>> -> memref<1x128xi32, #tpu.memory_space<vmem>>
    %dma_start3A_131 = tpu.memref_squeeze %dma_start3A_130 : memref<1x128xi32, #tpu.memory_space<vmem>> -> memref<128xi32, #tpu.memory_space<vmem>>
    %dma_start3A_132 = tpu.memref_slice %arg2[%dma_start3A_122, %add3A_109] : memref<2x320000xi32, #tpu.memory_space<hbm>> -> memref<1x128xi32, #tpu.memory_space<hbm>>
    %dma_start3A_133 = tpu.memref_squeeze %dma_start3A_132 : memref<1x128xi32, #tpu.memory_space<hbm>> -> memref<128xi32, #tpu.memory_space<hbm>>
    tpu.enqueue_dma source(%dma_start3A_133 : memref<128xi32, #tpu.memory_space<hbm>>) target(%dma_start3A_131 : memref<128xi32, #tpu.memory_space<vmem>>) target_semaphore(%arg21 : memref<!tpu.dma_semaphore, #tpu.memory_space<semaphore_mem>>)
    %scan3A = arith.constant 0 : i32
    %scan3A_134 = arith.constant 0 : i32
    %scan3A_135 = arith.constant 39 : i32
    %scan3A_136 = arith.addi %scan3A_134, %scan3A_135 : i32
    %scan3A_137 = arith.constant 1 : i32
    scf.for %scan3A_311 = %scan3A_134 to %scan3A_136 step %scan3A_137  : i32 {
      %mul3A_312 = arith.constant 2 : i32
      %mul3A_313 = arith.muli %scan3A_311, %mul3A_312 : i32
      %add3A_314 = arith.constant 0 : i32
      %add3A_315 = arith.addi %mul3A_313, %add3A_314 : i32
      %gt3A_316 = arith.constant 0 : i32
      %gt3A_317 = arith.cmpi sgt, %scan3A_311, %gt3A_316 : i32
      %convert_element_type3A = arith.extui %gt3A_317 : i1 to i32
      %cond3A = arith.constant 0 : i32
      %cond3A_318 = arith.cmpi ne, %convert_element_type3A, %cond3A : i32
      scf.if %cond3A_318 {
        %dma_wait3A_2396 = arith.constant 0 : i32
        %dma_wait3A_2397 = arith.constant 0 : i32
        %dma_wait3A_2398 = arith.constant 0 : i32
        %dma_wait3A_2399 = tpu.memref_slice %arg8[%dma_wait3A_2396, %dma_wait3A_2397, %dma_wait3A_2398] : memref<2x5120x32xf32, #tpu.memory_space<hbm>> -> memref<1x128x32xf32, #tpu.memory_space<hbm>>
        %dma_wait3A_2400 = tpu.memref_squeeze %dma_wait3A_2399 : memref<1x128x32xf32, #tpu.memory_space<hbm>> -> memref<128x32xf32, #tpu.memory_space<hbm>>
        %dma_wait3A_2401 = arith.constant 0 : i32
        %dma_wait3A_2402 = arith.constant 0 : i32
        %dma_wait3A_2403 = tpu.memref_slice %arg8[%dma_wait3A_2396, %dma_wait3A_2401, %dma_wait3A_2402] : memref<2x5120x32xf32, #tpu.memory_space<hbm>> -> memref<1x128x32xf32, #tpu.memory_space<hbm>>
        %dma_wait3A_2404 = tpu.memref_squeeze %dma_wait3A_2403 : memref<1x128x32xf32, #tpu.memory_space<hbm>> -> memref<128x32xf32, #tpu.memory_space<hbm>>
        tpu.wait_dma2 semaphore(%arg22 : memref<!tpu.dma_semaphore, #tpu.memory_space<semaphore_mem>>) src(%dma_wait3A_2404 : memref<128x32xf32, #tpu.memory_space<hbm>>) dst(%arg16 : memref<128x32xf32, #tpu.memory_space<vmem>>)
      } else {
      }
      %dma_wait3A_319 = arith.constant 0 : i32
      %dma_wait3A_320 = arith.constant 0 : i32
      %dma_wait3A_321 = arith.constant 0 : i32
      %dma_wait3A_322 = tpu.memref_slice %arg12[%dma_wait3A_320, %dma_wait3A_321] : memref<2x128xi32, #tpu.memory_space<vmem>> -> memref<1x128xi32, #tpu.memory_space<vmem>>
      %dma_wait3A_323 = tpu.memref_squeeze %dma_wait3A_322 : memref<1x128xi32, #tpu.memory_space<vmem>> -> memref<128xi32, #tpu.memory_space<vmem>>
      %dma_wait3A_324 = arith.constant 0 : i32
      %dma_wait3A_325 = tpu.memref_slice %arg2[%dma_wait3A_319, %dma_wait3A_324] : memref<2x320000xi32, #tpu.memory_space<hbm>> -> memref<1x128xi32, #tpu.memory_space<hbm>>
      %dma_wait3A_326 = tpu.memref_squeeze %dma_wait3A_325 : memref<1x128xi32, #tpu.memory_space<hbm>> -> memref<128xi32, #tpu.memory_space<hbm>>
      %dma_wait3A_327 = arith.constant 0 : i32
      %dma_wait3A_328 = tpu.memref_slice %arg12[%dma_wait3A_320, %dma_wait3A_327] : memref<2x128xi32, #tpu.memory_space<vmem>> -> memref<1x128xi32, #tpu.memory_space<vmem>>
      %dma_wait3A_329 = tpu.memref_squeeze %dma_wait3A_328 : memref<1x128xi32, #tpu.memory_space<vmem>> -> memref<128xi32, #tpu.memory_space<vmem>>
      %dma_wait3A_330 = arith.constant 0 : i32
      %dma_wait3A_331 = tpu.memref_slice %arg2[%dma_wait3A_319, %dma_wait3A_330] : memref<2x320000xi32, #tpu.memory_space<hbm>> -> memref<1x128xi32, #tpu.memory_space<hbm>>
      %dma_wait3A_332 = tpu.memref_squeeze %dma_wait3A_331 : memref<1x128xi32, #tpu.memory_space<hbm>> -> memref<128xi32, #tpu.memory_space<hbm>>
      tpu.wait_dma2 semaphore(%arg20 : memref<!tpu.dma_semaphore, #tpu.memory_space<semaphore_mem>>) src(%dma_wait3A_332 : memref<128xi32, #tpu.memory_space<hbm>>) dst(%dma_wait3A_329 : memref<128xi32, #tpu.memory_space<vmem>>)
      %dma_wait3A_333 = arith.constant 0 : i32
      %dma_wait3A_334 = arith.constant 1 : i32
      %dma_wait3A_335 = arith.constant 0 : i32
      %dma_wait3A_336 = tpu.memref_slice %arg12[%dma_wait3A_334, %dma_wait3A_335] : memref<2x128xi32, #tpu.memory_space<vmem>> -> memref<1x128xi32, #tpu.memory_space<vmem>>
      %dma_wait3A_337 = tpu.memref_squeeze %dma_wait3A_336 : memref<1x128xi32, #tpu.memory_space<vmem>> -> memref<128xi32, #tpu.memory_space<vmem>>
      %dma_wait3A_338 = arith.constant 0 : i32
      %dma_wait3A_339 = tpu.memref_slice %arg2[%dma_wait3A_333, %dma_wait3A_338] : memref<2x320000xi32, #tpu.memory_space<hbm>> -> memref<1x128xi32, #tpu.memory_space<hbm>>
      %dma_wait3A_340 = tpu.memref_squeeze %dma_wait3A_339 : memref<1x128xi32, #tpu.memory_space<hbm>> -> memref<128xi32, #tpu.memory_space<hbm>>
      %dma_wait3A_341 = arith.constant 0 : i32
      %dma_wait3A_342 = tpu.memref_slice %arg12[%dma_wait3A_334, %dma_wait3A_341] : memref<2x128xi32, #tpu.memory_space<vmem>> -> memref<1x128xi32, #tpu.memory_space<vmem>>
      %dma_wait3A_343 = tpu.memref_squeeze %dma_wait3A_342 : memref<1x128xi32, #tpu.memory_space<vmem>> -> memref<128xi32, #tpu.memory_space<vmem>>
      %dma_wait3A_344 = arith.constant 0 : i32
      %dma_wait3A_345 = tpu.memref_slice %arg2[%dma_wait3A_333, %dma_wait3A_344] : memref<2x320000xi32, #tpu.memory_space<hbm>> -> memref<1x128xi32, #tpu.memory_space<hbm>>
      %dma_wait3A_346 = tpu.memref_squeeze %dma_wait3A_345 : memref<1x128xi32, #tpu.memory_space<hbm>> -> memref<128xi32, #tpu.memory_space<hbm>>
      tpu.wait_dma2 semaphore(%arg20 : memref<!tpu.dma_semaphore, #tpu.memory_space<semaphore_mem>>) src(%dma_wait3A_346 : memref<128xi32, #tpu.memory_space<hbm>>) dst(%dma_wait3A_343 : memref<128xi32, #tpu.memory_space<vmem>>)
      %add3A_347 = arith.constant 0 : i32
      %add3A_348 = vector.broadcast %add3A_347 : i32 to vector<16xi32>
      %add3A_349 = arith.addi %iota3A, %add3A_348 : vector<16xi32>
      %get3A_350 = arith.constant 0 : i32
      %get3A_351 = arith.index_cast %get3A_350 : i32 to index
      %get3A_352 = arith.constant 0 : index
      %get3A_353 = tpu.vector_load %arg12[%get3A_351, %get3A_352] {strides = array<i32>} : memref<2x128xi32, #tpu.memory_space<vmem>>, vector<16xi32>,
      %get3A_354 = arith.constant 1 : i32
      %get3A_355 = arith.index_cast %get3A_354 : i32 to index
      %get3A_356 = arith.constant 0 : index
      %get3A_357 = tpu.vector_load %arg12[%get3A_355, %get3A_356] {strides = array<i32>} : memref<2x128xi32, #tpu.memory_space<vmem>>, vector<16xi32>,
      %mul3A_358 = arith.constant 52429 : i32
      %mul3A_359 = vector.broadcast %mul3A_358 : i32 to vector<16xi32>
      %mul3A_360 = arith.muli %get3A_357, %mul3A_359 : vector<16xi32>
      %shift_right_logical3A_361 = arith.constant 19 : i32
      %shift_right_logical3A_362 = vector.broadcast %shift_right_logical3A_361 : i32 to vector<16xi32>
      %shift_right_logical3A_363 = arith.shrui %mul3A_360, %shift_right_logical3A_362 : vector<16xi32>
      %mul3A_364 = arith.constant 10 : i32
      %mul3A_365 = vector.broadcast %mul3A_364 : i32 to vector<16xi32>
      %mul3A_366 = arith.muli %shift_right_logical3A_363, %mul3A_365 : vector<16xi32>
      %sub3A_367 = arith.subi %get3A_357, %mul3A_366 : vector<16xi32>
      %lt3A_368 = arith.constant 5 : i32
      %lt3A_369 = vector.broadcast %lt3A_368 : i32 to vector<16xi32>
      %lt3A_370 = arith.cmpi slt, %sub3A_367, %lt3A_369 : vector<16xi32>
      %mul3A_371 = arith.constant 5 : i32
      %mul3A_372 = vector.broadcast %mul3A_371 : i32 to vector<16xi32>
      %mul3A_373 = arith.muli %shift_right_logical3A_363, %mul3A_372 : vector<16xi32>
      %add3A_374 = arith.addi %mul3A_373, %sub3A_367 : vector<16xi32>
      %broadcast_in_dim3A_375 = arith.constant 5000 : i32
      %broadcast_in_dim3A_376 = vector.broadcast %broadcast_in_dim3A_375 : i32 to vector<16xi32>
      %select_n3A_377 = arith.select %lt3A_370, %add3A_374, %broadcast_in_dim3A_376 : vector<16xi1>, vector<16xi32>
      %swap3A_378 = arith.constant 0 : i32
      %swap3A_379 = arith.index_cast %swap3A_378 : i32 to index
      %swap3A_380 = arith.constant 0 : index
      %swap3A_381 = tpu.vector_load %arg14[%swap3A_379, %swap3A_380] {strides = array<i32>} : memref<1x128xi32, #tpu.memory_space<vmem>>, vector<16xi32>,
      tpu.vector_store %arg14[%swap3A_379, %swap3A_380], %select_n3A_377 {strides = array<i32>} : memref<1x128xi32, #tpu.memory_space<vmem>>, vector<16xi32>,
      %add3A_382 = arith.addi %get3A_353, %broadcast_in_dim3A_76 : vector<16xi32>
      %gather3A_383 = tpu.vector_load_idx %arg9[%add3A_382] : memref<40032xf32, #tpu.memory_space<vmem>>[vector<16xi32>], vector<16xf32>,
      %add3A_384 = arith.addi %get3A_353, %broadcast_in_dim3A_78 : vector<16xi32>
      %gather3A_385 = tpu.vector_load_idx %arg9[%add3A_384] : memref<40032xf32, #tpu.memory_space<vmem>>[vector<16xi32>], vector<16xf32>,
      %add3A_386 = arith.addi %get3A_353, %broadcast_in_dim3A_80 : vector<16xi32>
      %gather3A_387 = tpu.vector_load_idx %arg9[%add3A_386] : memref<40032xf32, #tpu.memory_space<vmem>>[vector<16xi32>], vector<16xf32>,
      %add3A_388 = arith.addi %get3A_353, %broadcast_in_dim3A_82 : vector<16xi32>
      %gather3A_389 = tpu.vector_load_idx %arg9[%add3A_388] : memref<40032xf32, #tpu.memory_space<vmem>>[vector<16xi32>], vector<16xf32>,
      %gather3A_390 = tpu.vector_load_idx %arg10[%get3A_357] : memref<20016xi32, #tpu.memory_space<vmem>>[vector<16xi32>], vector<16xi32>,
      %add3A_391 = arith.addi %get3A_357, %broadcast_in_dim3A_78 : vector<16xi32>
      %gather3A_392 = tpu.vector_load_idx %arg10[%add3A_391] : memref<20016xi32, #tpu.memory_space<vmem>>[vector<16xi32>], vector<16xi32>,
      %bitcast3A_393 = vector.bitcast %gather3A_390 : vector<16xi32> to vector<32xbf16>
      %unpack3A_394 = tpu.unpack_subelements %bitcast3A_393, 0 {pack_format = #tpu.pack_format<interleaved>} : vector<32xbf16> -> vector<16xf32>
      %unpack3A_395 = tpu.unpack_subelements %bitcast3A_393, 1 {pack_format = #tpu.pack_format<interleaved>} : vector<32xbf16> -> vector<16xf32>
      %bitcast3A_396 = vector.bitcast %gather3A_392 : vector<16xi32> to vector<32xbf16>
      %unpack3A_397 = tpu.unpack_subelements %bitcast3A_396, 0 {pack_format = #tpu.pack_format<interleaved>} : vector<32xbf16> -> vector<16xf32>
      %unpack3A_398 = tpu.unpack_subelements %bitcast3A_396, 1 {pack_format = #tpu.pack_format<interleaved>} : vector<32xbf16> -> vector<16xf32>
      %gather3A_399 = tpu.vector_load_idx %arg11[%get3A_353] : memref<30024xi32, #tpu.memory_space<vmem>>[vector<16xi32>], vector<16xi32>,
      %add3A_400 = arith.addi %get3A_353, %broadcast_in_dim3A_78 : vector<16xi32>
      %gather3A_401 = tpu.vector_load_idx %arg11[%add3A_400] : memref<30024xi32, #tpu.memory_space<vmem>>[vector<16xi32>], vector<16xi32>,
      %add3A_402 = arith.addi %get3A_353, %broadcast_in_dim3A_80 : vector<16xi32>
      %gather3A_403 = tpu.vector_load_idx %arg11[%add3A_402] : memref<30024xi32, #tpu.memory_space<vmem>>[vector<16xi32>], vector<16xi32>,
      %bitcast3A_404 = vector.bitcast %gather3A_399 : vector<16xi32> to vector<32xbf16>
      %unpack3A_405 = tpu.unpack_subelements %bitcast3A_404, 0 {pack_format = #tpu.pack_format<interleaved>} : vector<32xbf16> -> vector<16xf32>
      %unpack3A_406 = tpu.unpack_subelements %bitcast3A_404, 1 {pack_format = #tpu.pack_format<interleaved>} : vector<32xbf16> -> vector<16xf32>
      %bitcast3A_407 = vector.bitcast %gather3A_401 : vector<16xi32> to vector<32xbf16>
      %unpack3A_408 = tpu.unpack_subelements %bitcast3A_407, 0 {pack_format = #tpu.pack_format<interleaved>} : vector<32xbf16> -> vector<16xf32>
      %unpack3A_409 = tpu.unpack_subelements %bitcast3A_407, 1 {pack_format = #tpu.pack_format<interleaved>} : vector<32xbf16> -> vector<16xf32>
      %bitcast3A_410 = vector.bitcast %gather3A_403 : vector<16xi32> to vector<16xf32>
      %add3A_411 = arith.addf %gather3A_383, %unpack3A_394 : vector<16xf32>
      %gt3A_412 = arith.constant 0.000000e+00 : f32
      %gt3A_413 = vector.broadcast %gt3A_412 : f32 to vector<16xf32>
      %gt3A_414 = arith.cmpf ogt, %add3A_411, %gt3A_413 : vector<16xf32>
      %mul3A_415 = arith.constant 2.000000e-01 : f32
      %mul3A_416 = vector.broadcast %mul3A_415 : f32 to vector<16xf32>
      %mul3A_417 = arith.mulf %mul3A_416, %add3A_411 : vector<16xf32>
      %select_n3A_418 = arith.select %gt3A_414, %add3A_411, %mul3A_417 : vector<16xi1>, vector<16xf32>
      %sub3A_419 = arith.subf %select_n3A_418, %get3A_5 : vector<16xf32>
      %exp3A_420 = math.exp %sub3A_419 : vector<16xf32>
      tpu.vector_store_idx %arg16[%add3A_349, %broadcast_in_dim3A_52], %exp3A_420 : memref<128x32xf32, #tpu.memory_space<vmem>>[vector<16xi32>, vector<16xi32>], vector<16xf32>,
      %mul3A_421 = arith.mulf %exp3A_420, %unpack3A_405 : vector<16xf32>
      tpu.vector_store_idx %arg16[%add3A_349, %broadcast_in_dim3A_12], %mul3A_421 : memref<128x32xf32, #tpu.memory_space<vmem>>[vector<16xi32>, vector<16xi32>], vector<16xf32>,
      %mul3A_422 = arith.mulf %exp3A_420, %unpack3A_406 : vector<16xf32>
      tpu.vector_store_idx %arg16[%add3A_349, %broadcast_in_dim3A_14], %mul3A_422 : memref<128x32xf32, #tpu.memory_space<vmem>>[vector<16xi32>, vector<16xi32>], vector<16xf32>,
      %mul3A_423 = arith.mulf %exp3A_420, %unpack3A_408 : vector<16xf32>
      tpu.vector_store_idx %arg16[%add3A_349, %broadcast_in_dim3A_16], %mul3A_423 : memref<128x32xf32, #tpu.memory_space<vmem>>[vector<16xi32>, vector<16xi32>], vector<16xf32>,
      %mul3A_424 = arith.mulf %exp3A_420, %unpack3A_409 : vector<16xf32>
      tpu.vector_store_idx %arg16[%add3A_349, %broadcast_in_dim3A_18], %mul3A_424 : memref<128x32xf32, #tpu.memory_space<vmem>>[vector<16xi32>, vector<16xi32>], vector<16xf32>,
      %mul3A_425 = arith.mulf %exp3A_420, %bitcast3A_410 : vector<16xf32>
      tpu.vector_store_idx %arg16[%add3A_349, %broadcast_in_dim3A_20], %mul3A_425 : memref<128x32xf32, #tpu.memory_space<vmem>>[vector<16xi32>, vector<16xi32>], vector<16xf32>,
      %add3A_426 = arith.addf %gather3A_385, %unpack3A_395 : vector<16xf32>
      %gt3A_427 = arith.constant 0.000000e+00 : f32
      %gt3A_428 = vector.broadcast %gt3A_427 : f32 to vector<16xf32>
      %gt3A_429 = arith.cmpf ogt, %add3A_426, %gt3A_428 : vector<16xf32>
      %mul3A_430 = arith.constant 2.000000e-01 : f32
      %mul3A_431 = vector.broadcast %mul3A_430 : f32 to vector<16xf32>
      %mul3A_432 = arith.mulf %mul3A_431, %add3A_426 : vector<16xf32>
      %select_n3A_433 = arith.select %gt3A_429, %add3A_426, %mul3A_432 : vector<16xi1>, vector<16xf32>
      %sub3A_434 = arith.subf %select_n3A_433, %get3A_7 : vector<16xf32>
      %exp3A_435 = math.exp %sub3A_434 : vector<16xf32>
      tpu.vector_store_idx %arg16[%add3A_349, %broadcast_in_dim3A_54], %exp3A_435 : memref<128x32xf32, #tpu.memory_space<vmem>>[vector<16xi32>, vector<16xi32>], vector<16xf32>,
      %mul3A_436 = arith.mulf %exp3A_435, %unpack3A_405 : vector<16xf32>
      tpu.vector_store_idx %arg16[%add3A_349, %broadcast_in_dim3A_22], %mul3A_436 : memref<128x32xf32, #tpu.memory_space<vmem>>[vector<16xi32>, vector<16xi32>], vector<16xf32>,
      %mul3A_437 = arith.mulf %exp3A_435, %unpack3A_406 : vector<16xf32>
      tpu.vector_store_idx %arg16[%add3A_349, %broadcast_in_dim3A_24], %mul3A_437 : memref<128x32xf32, #tpu.memory_space<vmem>>[vector<16xi32>, vector<16xi32>], vector<16xf32>,
      %mul3A_438 = arith.mulf %exp3A_435, %unpack3A_408 : vector<16xf32>
      tpu.vector_store_idx %arg16[%add3A_349, %broadcast_in_dim3A_26], %mul3A_438 : memref<128x32xf32, #tpu.memory_space<vmem>>[vector<16xi32>, vector<16xi32>], vector<16xf32>,
      %mul3A_439 = arith.mulf %exp3A_435, %unpack3A_409 : vector<16xf32>
      tpu.vector_store_idx %arg16[%add3A_349, %broadcast_in_dim3A_28], %mul3A_439 : memref<128x32xf32, #tpu.memory_space<vmem>>[vector<16xi32>, vector<16xi32>], vector<16xf32>,
      %mul3A_440 = arith.mulf %exp3A_435, %bitcast3A_410 : vector<16xf32>
      tpu.vector_store_idx %arg16[%add3A_349, %broadcast_in_dim3A_30], %mul3A_440 : memref<128x32xf32, #tpu.memory_space<vmem>>[vector<16xi32>, vector<16xi32>], vector<16xf32>,
      %add3A_441 = arith.addf %gather3A_387, %unpack3A_397 : vector<16xf32>
      %gt3A_442 = arith.constant 0.000000e+00 : f32
      %gt3A_443 = vector.broadcast %gt3A_442 : f32 to vector<16xf32>
      %gt3A_444 = arith.cmpf ogt, %add3A_441, %gt3A_443 : vector<16xf32>
      %mul3A_445 = arith.constant 2.000000e-01 : f32
      %mul3A_446 = vector.broadcast %mul3A_445 : f32 to vector<16xf32>
      %mul3A_447 = arith.mulf %mul3A_446, %add3A_441 : vector<16xf32>
      %select_n3A_448 = arith.select %gt3A_444, %add3A_441, %mul3A_447 : vector<16xi1>, vector<16xf32>
      %sub3A_449 = arith.subf %select_n3A_448, %get3A_9 : vector<16xf32>
      %exp3A_450 = math.exp %sub3A_449 : vector<16xf32>
      tpu.vector_store_idx %arg16[%add3A_349, %broadcast_in_dim3A_56], %exp3A_450 : memref<128x32xf32, #tpu.memory_space<vmem>>[vector<16xi32>, vector<16xi32>], vector<16xf32>,
      %mul3A_451 = arith.mulf %exp3A_450, %unpack3A_405 : vector<16xf32>
      tpu.vector_store_idx %arg16[%add3A_349, %broadcast_in_dim3A_32], %mul3A_451 : memref<128x32xf32, #tpu.memory_space<vmem>>[vector<16xi32>, vector<16xi32>], vector<16xf32>,
      %mul3A_452 = arith.mulf %exp3A_450, %unpack3A_406 : vector<16xf32>
      tpu.vector_store_idx %arg16[%add3A_349, %broadcast_in_dim3A_34], %mul3A_452 : memref<128x32xf32, #tpu.memory_space<vmem>>[vector<16xi32>, vector<16xi32>], vector<16xf32>,
      %mul3A_453 = arith.mulf %exp3A_450, %unpack3A_408 : vector<16xf32>
      tpu.vector_store_idx %arg16[%add3A_349, %broadcast_in_dim3A_36], %mul3A_453 : memref<128x32xf32, #tpu.memory_space<vmem>>[vector<16xi32>, vector<16xi32>], vector<16xf32>,
      %mul3A_454 = arith.mulf %exp3A_450, %unpack3A_409 : vector<16xf32>
      tpu.vector_store_idx %arg16[%add3A_349, %broadcast_in_dim3A_38], %mul3A_454 : memref<128x32xf32, #tpu.memory_space<vmem>>[vector<16xi32>, vector<16xi32>], vector<16xf32>,
      %mul3A_455 = arith.mulf %exp3A_450, %bitcast3A_410 : vector<16xf32>
      tpu.vector_store_idx %arg16[%add3A_349, %broadcast_in_dim3A_40], %mul3A_455 : memref<128x32xf32, #tpu.memory_space<vmem>>[vector<16xi32>, vector<16xi32>], vector<16xf32>,
      %add3A_456 = arith.addf %gather3A_389, %unpack3A_398 : vector<16xf32>
      %gt3A_457 = arith.constant 0.000000e+00 : f32
      %gt3A_458 = vector.broadcast %gt3A_457 : f32 to vector<16xf32>
      %gt3A_459 = arith.cmpf ogt, %add3A_456, %gt3A_458 : vector<16xf32>
      %mul3A_460 = arith.constant 2.000000e-01 : f32
      %mul3A_461 = vector.broadcast %mul3A_460 : f32 to vector<16xf32>
      %mul3A_462 = arith.mulf %mul3A_461, %add3A_456 : vector<16xf32>
      %select_n3A_463 = arith.select %gt3A_459, %add3A_456, %mul3A_462 : vector<16xi1>, vector<16xf32>
      %sub3A_464 = arith.subf %select_n3A_463, %get3A_11 : vector<16xf32>
      %exp3A_465 = math.exp %sub3A_464 : vector<16xf32>
      tpu.vector_store_idx %arg16[%add3A_349, %broadcast_in_dim3A_58], %exp3A_465 : memref<128x32xf32, #tpu.memory_space<vmem>>[vector<16xi32>, vector<16xi32>], vector<16xf32>,
      %mul3A_466 = arith.mulf %exp3A_465, %unpack3A_405 : vector<16xf32>
      tpu.vector_store_idx %arg16[%add3A_349, %broadcast_in_dim3A_42], %mul3A_466 : memref<128x32xf32, #tpu.memory_space<vmem>>[vector<16xi32>, vector<16xi32>], vector<16xf32>,
      %mul3A_467 = arith.mulf %exp3A_465, %unpack3A_406 : vector<16xf32>
      tpu.vector_store_idx %arg16[%add3A_349, %broadcast_in_dim3A_44], %mul3A_467 : memref<128x32xf32, #tpu.memory_space<vmem>>[vector<16xi32>, vector<16xi32>], vector<16xf32>,
      %mul3A_468 = arith.mulf %exp3A_465, %unpack3A_408 : vector<16xf32>
      tpu.vector_store_idx %arg16[%add3A_349, %broadcast_in_dim3A_46], %mul3A_468 : memref<128x32xf32, #tpu.memory_space<vmem>>[vector<16xi32>, vector<16xi32>], vector<16xf32>,
      %mul3A_469 = arith.mulf %exp3A_465, %unpack3A_409 : vector<16xf32>
      tpu.vector_store_idx %arg16[%add3A_349, %broadcast_in_dim3A_48], %mul3A_469 : memref<128x32xf32, #tpu.memory_space<vmem>>[vector<16xi32>, vector<16xi32>], vector<16xf32>,
      %mul3A_470 = arith.mulf %exp3A_465, %bitcast3A_410 : vector<16xf32>
      tpu.vector_store_idx %arg16[%add3A_349, %broadcast_in_dim3A_50], %mul3A_470 : memref<128x32xf32, #tpu.memory_space<vmem>>[vector<16xi32>, vector<16xi32>], vector<16xf32>,
      %add3A_471 = arith.constant 16 : i32
      %add3A_472 = vector.broadcast %add3A_471 : i32 to vector<16xi32>
      %add3A_473 = arith.addi %iota3A, %add3A_472 : vector<16xi32>
      %get3A_474 = arith.constant 0 : i32
      %get3A_475 = arith.index_cast %get3A_474 : i32 to index
      %get3A_476 = arith.constant 16 : index
      %get3A_477 = tpu.vector_load %arg12[%get3A_475, %get3A_476] {strides = array<i32>} : memref<2x128xi32, #tpu.memory_space<vmem>>, vector<16xi32>,
      %get3A_478 = arith.constant 1 : i32
      %get3A_479 = arith.index_cast %get3A_478 : i32 to index
      %get3A_480 = arith.constant 16 : index
      %get3A_481 = tpu.vector_load %arg12[%get3A_479, %get3A_480] {strides = array<i32>} : memref<2x128xi32, #tpu.memory_space<vmem>>, vector<16xi32>,
      %mul3A_482 = arith.constant 52429 : i32
      %mul3A_483 = vector.broadcast %mul3A_482 : i32 to vector<16xi32>
      %mul3A_484 = arith.muli %get3A_481, %mul3A_483 : vector<16xi32>
      %shift_right_logical3A_485 = arith.constant 19 : i32
      %shift_right_logical3A_486 = vector.broadcast %shift_right_logical3A_485 : i32 to vector<16xi32>
      %shift_right_logical3A_487 = arith.shrui %mul3A_484, %shift_right_logical3A_486 : vector<16xi32>
      %mul3A_488 = arith.constant 10 : i32
      %mul3A_489 = vector.broadcast %mul3A_488 : i32 to vector<16xi32>
      %mul3A_490 = arith.muli %shift_right_logical3A_487, %mul3A_489 : vector<16xi32>
      %sub3A_491 = arith.subi %get3A_481, %mul3A_490 : vector<16xi32>
      %lt3A_492 = arith.constant 5 : i32
      %lt3A_493 = vector.broadcast %lt3A_492 : i32 to vector<16xi32>
      %lt3A_494 = arith.cmpi slt, %sub3A_491, %lt3A_493 : vector<16xi32>
      %mul3A_495 = arith.constant 5 : i32
      %mul3A_496 = vector.broadcast %mul3A_495 : i32 to vector<16xi32>
      %mul3A_497 = arith.muli %shift_right_logical3A_487, %mul3A_496 : vector<16xi32>
      %add3A_498 = arith.addi %mul3A_497, %sub3A_491 : vector<16xi32>
      %broadcast_in_dim3A_499 = arith.constant 5000 : i32
      %broadcast_in_dim3A_500 = vector.broadcast %broadcast_in_dim3A_499 : i32 to vector<16xi32>
      %select_n3A_501 = arith.select %lt3A_494, %add3A_498, %broadcast_in_dim3A_500 : vector<16xi1>, vector<16xi32>
      %swap3A_502 = arith.constant 0 : i32
      %swap3A_503 = arith.index_cast %swap3A_502 : i32 to index
      %swap3A_504 = arith.constant 16 : index
      %swap3A_505 = tpu.vector_load %arg14[%swap3A_503, %swap3A_504] {strides = array<i32>} : memref<1x128xi32, #tpu.memory_space<vmem>>, vector<16xi32>,
      tpu.vector_store %arg14[%swap3A_503, %swap3A_504], %select_n3A_501 {strides = array<i32>} : memref<1x128xi32, #tpu.memory_space<vmem>>, vector<16xi32>,
      %add3A_506 = arith.addi %get3A_477, %broadcast_in_dim3A_76 : vector<16xi32>
      %gather3A_507 = tpu.vector_load_idx %arg9[%add3A_506] : memref<40032xf32, #tpu.memory_space<vmem>>[vector<16xi32>], vector<16xf32>,
      %add3A_508 = arith.addi %get3A_477, %broadcast_in_dim3A_78 : vector<16xi32>
      %gather3A_509 = tpu.vector_load_idx %arg9[%add3A_508] : memref<40032xf32, #tpu.memory_space<vmem>>[vector<16xi32>], vector<16xf32>,
      %add3A_510 = arith.addi %get3A_477, %broadcast_in_dim3A_80 : vector<16xi32>
      %gather3A_511 = tpu.vector_load_idx %arg9[%add3A_510] : memref<40032xf32, #tpu.memory_space<vmem>>[vector<16xi32>], vector<16xf32>,
      %add3A_512 = arith.addi %get3A_477, %broadcast_in_dim3A_82 : vector<16xi32>
      %gather3A_513 = tpu.vector_load_idx %arg9[%add3A_512] : memref<40032xf32, #tpu.memory_space<vmem>>[vector<16xi32>], vector<16xf32>,
      %gather3A_514 = tpu.vector_load_idx %arg10[%get3A_481] : memref<20016xi32, #tpu.memory_space<vmem>>[vector<16xi32>], vector<16xi32>,
      %add3A_515 = arith.addi %get3A_481, %broadcast_in_dim3A_78 : vector<16xi32>
      %gather3A_516 = tpu.vector_load_idx %arg10[%add3A_515] : memref<20016xi32, #tpu.memory_space<vmem>>[vector<16xi32>], vector<16xi32>,
      %bitcast3A_517 = vector.bitcast %gather3A_514 : vector<16xi32> to vector<32xbf16>
      %unpack3A_518 = tpu.unpack_subelements %bitcast3A_517, 0 {pack_format = #tpu.pack_format<interleaved>} : vector<32xbf16> -> vector<16xf32>
      %unpack3A_519 = tpu.unpack_subelements %bitcast3A_517, 1 {pack_format = #tpu.pack_format<interleaved>} : vector<32xbf16> -> vector<16xf32>
      %bitcast3A_520 = vector.bitcast %gather3A_516 : vector<16xi32> to vector<32xbf16>
      %unpack3A_521 = tpu.unpack_subelements %bitcast3A_520, 0 {pack_format = #tpu.pack_format<interleaved>} : vector<32xbf16> -> vector<16xf32>
      %unpack3A_522 = tpu.unpack_subelements %bitcast3A_520, 1 {pack_format = #tpu.pack_format<interleaved>} : vector<32xbf16> -> vector<16xf32>
      %gather3A_523 = tpu.vector_load_idx %arg11[%get3A_477] : memref<30024xi32, #tpu.memory_space<vmem>>[vector<16xi32>], vector<16xi32>,
      %add3A_524 = arith.addi %get3A_477, %broadcast_in_dim3A_78 : vector<16xi32>
      %gather3A_525 = tpu.vector_load_idx %arg11[%add3A_524] : memref<30024xi32, #tpu.memory_space<vmem>>[vector<16xi32>], vector<16xi32>,
      %add3A_526 = arith.addi %get3A_477, %broadcast_in_dim3A_80 : vector<16xi32>
      %gather3A_527 = tpu.vector_load_idx %arg11[%add3A_526] : memref<30024xi32, #tpu.memory_space<vmem>>[vector<16xi32>], vector<16xi32>,
      %bitcast3A_528 = vector.bitcast %gather3A_523 : vector<16xi32> to vector<32xbf16>
      %unpack3A_529 = tpu.unpack_subelements %bitcast3A_528, 0 {pack_format = #tpu.pack_format<interleaved>} : vector<32xbf16> -> vector<16xf32>
      %unpack3A_530 = tpu.unpack_subelements %bitcast3A_528, 1 {pack_format = #tpu.pack_format<interleaved>} : vector<32xbf16> -> vector<16xf32>
      %bitcast3A_531 = vector.bitcast %gather3A_525 : vector<16xi32> to vector<32xbf16>
      %unpack3A_532 = tpu.unpack_subelements %bitcast3A_531, 0 {pack_format = #tpu.pack_format<interleaved>} : vector<32xbf16> -> vector<16xf32>
      %unpack3A_533 = tpu.unpack_subelements %bitcast3A_531, 1 {pack_format = #tpu.pack_format<interleaved>} : vector<32xbf16> -> vector<16xf32>
      %bitcast3A_534 = vector.bitcast %gather3A_527 : vector<16xi32> to vector<16xf32>
      %add3A_535 = arith.addf %gather3A_507, %unpack3A_518 : vector<16xf32>
      %gt3A_536 = arith.constant 0.000000e+00 : f32
      %gt3A_537 = vector.broadcast %gt3A_536 : f32 to vector<16xf32>
      %gt3A_538 = arith.cmpf ogt, %add3A_535, %gt3A_537 : vector<16xf32>
      %mul3A_539 = arith.constant 2.000000e-01 : f32
      %mul3A_540 = vector.broadcast %mul3A_539 : f32 to vector<16xf32>
      %mul3A_541 = arith.mulf %mul3A_540, %add3A_535 : vector<16xf32>
      %select_n3A_542 = arith.select %gt3A_538, %add3A_535, %mul3A_541 : vector<16xi1>, vector<16xf32>
      %sub3A_543 = arith.subf %select_n3A_542, %get3A_5 : vector<16xf32>
      %exp3A_544 = math.exp %sub3A_543 : vector<16xf32>
      tpu.vector_store_idx %arg16[%add3A_473, %broadcast_in_dim3A_52], %exp3A_544 : memref<128x32xf32, #tpu.memory_space<vmem>>[vector<16xi32>, vector<16xi32>], vector<16xf32>,
      %mul3A_545 = arith.mulf %exp3A_544, %unpack3A_529 : vector<16xf32>
      tpu.vector_store_idx %arg16[%add3A_473, %broadcast_in_dim3A_12], %mul3A_545 : memref<128x32xf32, #tpu.memory_space<vmem>>[vector<16xi32>, vector<16xi32>], vector<16xf32>,
      %mul3A_546 = arith.mulf %exp3A_544, %unpack3A_530 : vector<16xf32>
      tpu.vector_store_idx %arg16[%add3A_473, %broadcast_in_dim3A_14], %mul3A_546 : memref<128x32xf32, #tpu.memory_space<vmem>>[vector<16xi32>, vector<16xi32>], vector<16xf32>,
      %mul3A_547 = arith.mulf %exp3A_544, %unpack3A_532 : vector<16xf32>
      tpu.vector_store_idx %arg16[%add3A_473, %broadcast_in_dim3A_16], %mul3A_547 : memref<128x32xf32, #tpu.memory_space<vmem>>[vector<16xi32>, vector<16xi32>], vector<16xf32>,
      %mul3A_548 = arith.mulf %exp3A_544, %unpack3A_533 : vector<16xf32>
      tpu.vector_store_idx %arg16[%add3A_473, %broadcast_in_dim3A_18], %mul3A_548 : memref<128x32xf32, #tpu.memory_space<vmem>>[vector<16xi32>, vector<16xi32>], vector<16xf32>,
      %mul3A_549 = arith.mulf %exp3A_544, %bitcast3A_534 : vector<16xf32>
      tpu.vector_store_idx %arg16[%add3A_473, %broadcast_in_dim3A_20], %mul3A_549 : memref<128x32xf32, #tpu.memory_space<vmem>>[vector<16xi32>, vector<16xi32>], vector<16xf32>,
      %add3A_550 = arith.addf %gather3A_509, %unpack3A_519 : vector<16xf32>
      %gt3A_551 = arith.constant 0.000000e+00 : f32
      %gt3A_552 = vector.broadcast %gt3A_551 : f32 to vector<16xf32>
      %gt3A_553 = arith.cmpf ogt, %add3A_550, %gt3A_552 : vector<16xf32>
      %mul3A_554 = arith.constant 2.000000e-01 : f32
      %mul3A_555 = vector.broadcast %mul3A_554 : f32 to vector<16xf32>
      %mul3A_556 = arith.mulf %mul3A_555, %add3A_550 : vector<16xf32>
      %select_n3A_557 = arith.select %gt3A_553, %add3A_550, %mul3A_556 : vector<16xi1>, vector<16xf32>
      %sub3A_558 = arith.subf %select_n3A_557, %get3A_7 : vector<16xf32>
      %exp3A_559 = math.exp %sub3A_558 : vector<16xf32>
      tpu.vector_store_idx %arg16[%add3A_473, %broadcast_in_dim3A_54], %exp3A_559 : memref<128x32xf32, #tpu.memory_space<vmem>>[vector<16xi32>, vector<16xi32>], vector<16xf32>,
      %mul3A_560 = arith.mulf %exp3A_559, %unpack3A_529 : vector<16xf32>
      tpu.vector_store_idx %arg16[%add3A_473, %broadcast_in_dim3A_22], %mul3A_560 : memref<128x32xf32, #tpu.memory_space<vmem>>[vector<16xi32>, vector<16xi32>], vector<16xf32>,
      %mul3A_561 = arith.mulf %exp3A_559, %unpack3A_530 : vector<16xf32>
      tpu.vector_store_idx %arg16[%add3A_473, %broadcast_in_dim3A_24], %mul3A_561 : memref<128x32xf32, #tpu.memory_space<vmem>>[vector<16xi32>, vector<16xi32>], vector<16xf32>,
      %mul3A_562 = arith.mulf %exp3A_559, %unpack3A_532 : vector<16xf32>
      tpu.vector_store_idx %arg16[%add3A_473, %broadcast_in_dim3A_26], %mul3A_562 : memref<128x32xf32, #tpu.memory_space<vmem>>[vector<16xi32>, vector<16xi32>], vector<16xf32>,
      %mul3A_563 = arith.mulf %exp3A_559, %unpack3A_533 : vector<16xf32>
      tpu.vector_store_idx %arg16[%add3A_473, %broadcast_in_dim3A_28], %mul3A_563 : memref<128x32xf32, #tpu.memory_space<vmem>>[vector<16xi32>, vector<16xi32>], vector<16xf32>,
      %mul3A_564 = arith.mulf %exp3A_559, %bitcast3A_534 : vector<16xf32>
      tpu.vector_store_idx %arg16[%add3A_473, %broadcast_in_dim3A_30], %mul3A_564 : memref<128x32xf32, #tpu.memory_space<vmem>>[vector<16xi32>, vector<16xi32>], vector<16xf32>,
      %add3A_565 = arith.addf %gather3A_511, %unpack3A_521 : vector<16xf32>
      %gt3A_566 = arith.constant 0.000000e+00 : f32
      %gt3A_567 = vector.broadcast %gt3A_566 : f32 to vector<16xf32>
      %gt3A_568 = arith.cmpf ogt, %add3A_565, %gt3A_567 : vector<16xf32>
      %mul3A_569 = arith.constant 2.000000e-01 : f32
      %mul3A_570 = vector.broadcast %mul3A_569 : f32 to vector<16xf32>
      %mul3A_571 = arith.mulf %mul3A_570, %add3A_565 : vector<16xf32>
      %select_n3A_572 = arith.select %gt3A_568, %add3A_565, %mul3A_571 : vector<16xi1>, vector<16xf32>
      %sub3A_573 = arith.subf %select_n3A_572, %get3A_9 : vector<16xf32>
      %exp3A_574 = math.exp %sub3A_573 : vector<16xf32>
      tpu.vector_store_idx %arg16[%add3A_473, %broadcast_in_dim3A_56], %exp3A_574 : memref<128x32xf32, #tpu.memory_space<vmem>>[vector<16xi32>, vector<16xi32>], vector<16xf32>,
      %mul3A_575 = arith.mulf %exp3A_574, %unpack3A_529 : vector<16xf32>
      tpu.vector_store_idx %arg16[%add3A_473, %broadcast_in_dim3A_32], %mul3A_575 : memref<128x32xf32, #tpu.memory_space<vmem>>[vector<16xi32>, vector<16xi32>], vector<16xf32>,
      %mul3A_576 = arith.mulf %exp3A_574, %unpack3A_530 : vector<16xf32>
      tpu.vector_store_idx %arg16[%add3A_473, %broadcast_in_dim3A_34], %mul3A_576 : memref<128x32xf32, #tpu.memory_space<vmem>>[vector<16xi32>, vector<16xi32>], vector<16xf32>,
      %mul3A_577 = arith.mulf %exp3A_574, %unpack3A_532 : vector<16xf32>
      tpu.vector_store_idx %arg16[%add3A_473, %broadcast_in_dim3A_36], %mul3A_577 : memref<128x32xf32, #tpu.memory_space<vmem>>[vector<16xi32>, vector<16xi32>], vector<16xf32>,
      %mul3A_578 = arith.mulf %exp3A_574, %unpack3A_533 : vector<16xf32>
      tpu.vector_store_idx %arg16[%add3A_473, %broadcast_in_dim3A_38], %mul3A_578 : memref<128x32xf32, #tpu.memory_space<vmem>>[vector<16xi32>, vector<16xi32>], vector<16xf32>,
      %mul3A_579 = arith.mulf %exp3A_574, %bitcast3A_534 : vector<16xf32>
      tpu.vector_store_idx %arg16[%add3A_473, %broadcast_in_dim3A_40], %mul3A_579 : memref<128x32xf32, #tpu.memory_space<vmem>>[vector<16xi32>, vector<16xi32>], vector<16xf32>,
      %add3A_580 = arith.addf %gather3A_513, %unpack3A_522 : vector<16xf32>
      %gt3A_581 = arith.constant 0.000000e+00 : f32
      %gt3A_582 = vector.broadcast %gt3A_581 : f32 to vector<16xf32>
      %gt3A_583 = arith.cmpf ogt, %add3A_580, %gt3A_582 : vector<16xf32>
      %mul3A_584 = arith.constant 2.000000e-01 : f32
      %mul3A_585 = vector.broadcast %mul3A_584 : f32 to vector<16xf32>
      %mul3A_586 = arith.mulf %mul3A_585, %add3A_580 : vector<16xf32>
      %select_n3A_587 = arith.select %gt3A_583, %add3A_580, %mul3A_586 : vector<16xi1>, vector<16xf32>
      %sub3A_588 = arith.subf %select_n3A_587, %get3A_11 : vector<16xf32>
      %exp3A_589 = math.exp %sub3A_588 : vector<16xf32>
      tpu.vector_store_idx %arg16[%add3A_473, %broadcast_in_dim3A_58], %exp3A_589 : memref<128x32xf32, #tpu.memory_space<vmem>>[vector<16xi32>, vector<16xi32>], vector<16xf32>,
      %mul3A_590 = arith.mulf %exp3A_589, %unpack3A_529 : vector<16xf32>
      tpu.vector_store_idx %arg16[%add3A_473, %broadcast_in_dim3A_42], %mul3A_590 : memref<128x32xf32, #tpu.memory_space<vmem>>[vector<16xi32>, vector<16xi32>], vector<16xf32>,
      %mul3A_591 = arith.mulf %exp3A_589, %unpack3A_530 : vector<16xf32>
      tpu.vector_store_idx %arg16[%add3A_473, %broadcast_in_dim3A_44], %mul3A_591 : memref<128x32xf32, #tpu.memory_space<vmem>>[vector<16xi32>, vector<16xi32>], vector<16xf32>,
      %mul3A_592 = arith.mulf %exp3A_589, %unpack3A_532 : vector<16xf32>
      tpu.vector_store_idx %arg16[%add3A_473, %broadcast_in_dim3A_46], %mul3A_592 : memref<128x32xf32, #tpu.memory_space<vmem>>[vector<16xi32>, vector<16xi32>], vector<16xf32>,
      %mul3A_593 = arith.mulf %exp3A_589, %unpack3A_533 : vector<16xf32>
      tpu.vector_store_idx %arg16[%add3A_473, %broadcast_in_dim3A_48], %mul3A_593 : memref<128x32xf32, #tpu.memory_space<vmem>>[vector<16xi32>, vector<16xi32>], vector<16xf32>,
      %mul3A_594 = arith.mulf %exp3A_589, %bitcast3A_534 : vector<16xf32>
      tpu.vector_store_idx %arg16[%add3A_473, %broadcast_in_dim3A_50], %mul3A_594 : memref<128x32xf32, #tpu.memory_space<vmem>>[vector<16xi32>, vector<16xi32>], vector<16xf32>,
      %add3A_595 = arith.constant 32 : i32
      %add3A_596 = vector.broadcast %add3A_595 : i32 to vector<16xi32>
      %add3A_597 = arith.addi %iota3A, %add3A_596 : vector<16xi32>
      %get3A_598 = arith.constant 0 : i32
      %get3A_599 = arith.index_cast %get3A_598 : i32 to index
      %get3A_600 = arith.constant 32 : index
      %get3A_601 = tpu.vector_load %arg12[%get3A_599, %get3A_600] {strides = array<i32>} : memref<2x128xi32, #tpu.memory_space<vmem>>, vector<16xi32>,
      %get3A_602 = arith.constant 1 : i32
      %get3A_603 = arith.index_cast %get3A_602 : i32 to index
      %get3A_604 = arith.constant 32 : index
      %get3A_605 = tpu.vector_load %arg12[%get3A_603, %get3A_604] {strides = array<i32>} : memref<2x128xi32, #tpu.memory_space<vmem>>, vector<16xi32>,
      %mul3A_606 = arith.constant 52429 : i32
      %mul3A_607 = vector.broadcast %mul3A_606 : i32 to vector<16xi32>
      %mul3A_608 = arith.muli %get3A_605, %mul3A_607 : vector<16xi32>
      %shift_right_logical3A_609 = arith.constant 19 : i32
      %shift_right_logical3A_610 = vector.broadcast %shift_right_logical3A_609 : i32 to vector<16xi32>
      %shift_right_logical3A_611 = arith.shrui %mul3A_608, %shift_right_logical3A_610 : vector<16xi32>
      %mul3A_612 = arith.constant 10 : i32
      %mul3A_613 = vector.broadcast %mul3A_612 : i32 to vector<16xi32>
      %mul3A_614 = arith.muli %shift_right_logical3A_611, %mul3A_613 : vector<16xi32>
      %sub3A_615 = arith.subi %get3A_605, %mul3A_614 : vector<16xi32>
      %lt3A_616 = arith.constant 5 : i32
      %lt3A_617 = vector.broadcast %lt3A_616 : i32 to vector<16xi32>
      %lt3A_618 = arith.cmpi slt, %sub3A_615, %lt3A_617 : vector<16xi32>
      %mul3A_619 = arith.constant 5 : i32
      %mul3A_620 = vector.broadcast %mul3A_619 : i32 to vector<16xi32>
      %mul3A_621 = arith.muli %shift_right_logical3A_611, %mul3A_620 : vector<16xi32>
      %add3A_622 = arith.addi %mul3A_621, %sub3A_615 : vector<16xi32>
      %broadcast_in_dim3A_623 = arith.constant 5000 : i32
      %broadcast_in_dim3A_624 = vector.broadcast %broadcast_in_dim3A_623 : i32 to vector<16xi32>
      %select_n3A_625 = arith.select %lt3A_618, %add3A_622, %broadcast_in_dim3A_624 : vector<16xi1>, vector<16xi32>
      %swap3A_626 = arith.constant 0 : i32
      %swap3A_627 = arith.index_cast %swap3A_626 : i32 to index
      %swap3A_628 = arith.constant 32 : index
      %swap3A_629 = tpu.vector_load %arg14[%swap3A_627, %swap3A_628] {strides = array<i32>} : memref<1x128xi32, #tpu.memory_space<vmem>>, vector<16xi32>,
      tpu.vector_store %arg14[%swap3A_627, %swap3A_628], %select_n3A_625 {strides = array<i32>} : memref<1x128xi32, #tpu.memory_space<vmem>>, vector<16xi32>,
      %add3A_630 = arith.addi %get3A_601, %broadcast_in_dim3A_76 : vector<16xi32>
      %gather3A_631 = tpu.vector_load_idx %arg9[%add3A_630] : memref<40032xf32, #tpu.memory_space<vmem>>[vector<16xi32>], vector<16xf32>,
      %add3A_632 = arith.addi %get3A_601, %broadcast_in_dim3A_78 : vector<16xi32>
      %gather3A_633 = tpu.vector_load_idx %arg9[%add3A_632] : memref<40032xf32, #tpu.memory_space<vmem>>[vector<16xi32>], vector<16xf32>,
      %add3A_634 = arith.addi %get3A_601, %broadcast_in_dim3A_80 : vector<16xi32>
      %gather3A_635 = tpu.vector_load_idx %arg9[%add3A_634] : memref<40032xf32, #tpu.memory_space<vmem>>[vector<16xi32>], vector<16xf32>,
      %add3A_636 = arith.addi %get3A_601, %broadcast_in_dim3A_82 : vector<16xi32>
      %gather3A_637 = tpu.vector_load_idx %arg9[%add3A_636] : memref<40032xf32, #tpu.memory_space<vmem>>[vector<16xi32>], vector<16xf32>,
      %gather3A_638 = tpu.vector_load_idx %arg10[%get3A_605] : memref<20016xi32, #tpu.memory_space<vmem>>[vector<16xi32>], vector<16xi32>,
      %add3A_639 = arith.addi %get3A_605, %broadcast_in_dim3A_78 : vector<16xi32>
      %gather3A_640 = tpu.vector_load_idx %arg10[%add3A_639] : memref<20016xi32, #tpu.memory_space<vmem>>[vector<16xi32>], vector<16xi32>,
      %bitcast3A_641 = vector.bitcast %gather3A_638 : vector<16xi32> to vector<32xbf16>
      %unpack3A_642 = tpu.unpack_subelements %bitcast3A_641, 0 {pack_format = #tpu.pack_format<interleaved>} : vector<32xbf16> -> vector<16xf32>
      %unpack3A_643 = tpu.unpack_subelements %bitcast3A_641, 1 {pack_format = #tpu.pack_format<interleaved>} : vector<32xbf16> -> vector<16xf32>
      %bitcast3A_644 = vector.bitcast %gather3A_640 : vector<16xi32> to vector<32xbf16>
      %unpack3A_645 = tpu.unpack_subelements %bitcast3A_644, 0 {pack_format = #tpu.pack_format<interleaved>} : vector<32xbf16> -> vector<16xf32>
      %unpack3A_646 = tpu.unpack_subelements %bitcast3A_644, 1 {pack_format = #tpu.pack_format<interleaved>} : vector<32xbf16> -> vector<16xf32>
      %gather3A_647 = tpu.vector_load_idx %arg11[%get3A_601] : memref<30024xi32, #tpu.memory_space<vmem>>[vector<16xi32>], vector<16xi32>,
      %add3A_648 = arith.addi %get3A_601, %broadcast_in_dim3A_78 : vector<16xi32>
      %gather3A_649 = tpu.vector_load_idx %arg11[%add3A_648] : memref<30024xi32, #tpu.memory_space<vmem>>[vector<16xi32>], vector<16xi32>,
      %add3A_650 = arith.addi %get3A_601, %broadcast_in_dim3A_80 : vector<16xi32>
      %gather3A_651 = tpu.vector_load_idx %arg11[%add3A_650] : memref<30024xi32, #tpu.memory_space<vmem>>[vector<16xi32>], vector<16xi32>,
      %bitcast3A_652 = vector.bitcast %gather3A_647 : vector<16xi32> to vector<32xbf16>
      %unpack3A_653 = tpu.unpack_subelements %bitcast3A_652, 0 {pack_format = #tpu.pack_format<interleaved>} : vector<32xbf16> -> vector<16xf32>
      %unpack3A_654 = tpu.unpack_subelements %bitcast3A_652, 1 {pack_format = #tpu.pack_format<interleaved>} : vector<32xbf16> -> vector<16xf32>
      %bitcast3A_655 = vector.bitcast %gather3A_649 : vector<16xi32> to vector<32xbf16>
      %unpack3A_656 = tpu.unpack_subelements %bitcast3A_655, 0 {pack_format = #tpu.pack_format<interleaved>} : vector<32xbf16> -> vector<16xf32>
      %unpack3A_657 = tpu.unpack_subelements %bitcast3A_655, 1 {pack_format = #tpu.pack_format<interleaved>} : vector<32xbf16> -> vector<16xf32>
      %bitcast3A_658 = vector.bitcast %gather3A_651 : vector<16xi32> to vector<16xf32>
      %add3A_659 = arith.addf %gather3A_631, %unpack3A_642 : vector<16xf32>
      %gt3A_660 = arith.constant 0.000000e+00 : f32
      %gt3A_661 = vector.broadcast %gt3A_660 : f32 to vector<16xf32>
      %gt3A_662 = arith.cmpf ogt, %add3A_659, %gt3A_661 : vector<16xf32>
      %mul3A_663 = arith.constant 2.000000e-01 : f32
      %mul3A_664 = vector.broadcast %mul3A_663 : f32 to vector<16xf32>
      %mul3A_665 = arith.mulf %mul3A_664, %add3A_659 : vector<16xf32>
      %select_n3A_666 = arith.select %gt3A_662, %add3A_659, %mul3A_665 : vector<16xi1>, vector<16xf32>
      %sub3A_667 = arith.subf %select_n3A_666, %get3A_5 : vector<16xf32>
      %exp3A_668 = math.exp %sub3A_667 : vector<16xf32>
      tpu.vector_store_idx %arg16[%add3A_597, %broadcast_in_dim3A_52], %exp3A_668 : memref<128x32xf32, #tpu.memory_space<vmem>>[vector<16xi32>, vector<16xi32>], vector<16xf32>,
      %mul3A_669 = arith.mulf %exp3A_668, %unpack3A_653 : vector<16xf32>
      tpu.vector_store_idx %arg16[%add3A_597, %broadcast_in_dim3A_12], %mul3A_669 : memref<128x32xf32, #tpu.memory_space<vmem>>[vector<16xi32>, vector<16xi32>], vector<16xf32>,
      %mul3A_670 = arith.mulf %exp3A_668, %unpack3A_654 : vector<16xf32>
      tpu.vector_store_idx %arg16[%add3A_597, %broadcast_in_dim3A_14], %mul3A_670 : memref<128x32xf32, #tpu.memory_space<vmem>>[vector<16xi32>, vector<16xi32>], vector<16xf32>,
      %mul3A_671 = arith.mulf %exp3A_668, %unpack3A_656 : vector<16xf32>
      tpu.vector_store_idx %arg16[%add3A_597, %broadcast_in_dim3A_16], %mul3A_671 : memref<128x32xf32, #tpu.memory_space<vmem>>[vector<16xi32>, vector<16xi32>], vector<16xf32>,
      %mul3A_672 = arith.mulf %exp3A_668, %unpack3A_657 : vector<16xf32>
      tpu.vector_store_idx %arg16[%add3A_597, %broadcast_in_dim3A_18], %mul3A_672 : memref<128x32xf32, #tpu.memory_space<vmem>>[vector<16xi32>, vector<16xi32>], vector<16xf32>,
      %mul3A_673 = arith.mulf %exp3A_668, %bitcast3A_658 : vector<16xf32>
      tpu.vector_store_idx %arg16[%add3A_597, %broadcast_in_dim3A_20], %mul3A_673 : memref<128x32xf32, #tpu.memory_space<vmem>>[vector<16xi32>, vector<16xi32>], vector<16xf32>,
      %add3A_674 = arith.addf %gather3A_633, %unpack3A_643 : vector<16xf32>
      %gt3A_675 = arith.constant 0.000000e+00 : f32
      %gt3A_676 = vector.broadcast %gt3A_675 : f32 to vector<16xf32>
      %gt3A_677 = arith.cmpf ogt, %add3A_674, %gt3A_676 : vector<16xf32>
      %mul3A_678 = arith.constant 2.000000e-01 : f32
      %mul3A_679 = vector.broadcast %mul3A_678 : f32 to vector<16xf32>
      %mul3A_680 = arith.mulf %mul3A_679, %add3A_674 : vector<16xf32>
      %select_n3A_681 = arith.select %gt3A_677, %add3A_674, %mul3A_680 : vector<16xi1>, vector<16xf32>
      %sub3A_682 = arith.subf %select_n3A_681, %get3A_7 : vector<16xf32>
      %exp3A_683 = math.exp %sub3A_682 : vector<16xf32>
      tpu.vector_store_idx %arg16[%add3A_597, %broadcast_in_dim3A_54], %exp3A_683 : memref<128x32xf32, #tpu.memory_space<vmem>>[vector<16xi32>, vector<16xi32>], vector<16xf32>,
      %mul3A_684 = arith.mulf %exp3A_683, %unpack3A_653 : vector<16xf32>
      tpu.vector_store_idx %arg16[%add3A_597, %broadcast_in_dim3A_22], %mul3A_684 : memref<128x32xf32, #tpu.memory_space<vmem>>[vector<16xi32>, vector<16xi32>], vector<16xf32>,
      %mul3A_685 = arith.mulf %exp3A_683, %unpack3A_654 : vector<16xf32>
      tpu.vector_store_idx %arg16[%add3A_597, %broadcast_in_dim3A_24], %mul3A_685 : memref<128x32xf32, #tpu.memory_space<vmem>>[vector<16xi32>, vector<16xi32>], vector<16xf32>,
      %mul3A_686 = arith.mulf %exp3A_683, %unpack3A_656 : vector<16xf32>
      tpu.vector_store_idx %arg16[%add3A_597, %broadcast_in_dim3A_26], %mul3A_686 : memref<128x32xf32, #tpu.memory_space<vmem>>[vector<16xi32>, vector<16xi32>], vector<16xf32>,
      %mul3A_687 = arith.mulf %exp3A_683, %unpack3A_657 : vector<16xf32>
      tpu.vector_store_idx %arg16[%add3A_597, %broadcast_in_dim3A_28], %mul3A_687 : memref<128x32xf32, #tpu.memory_space<vmem>>[vector<16xi32>, vector<16xi32>], vector<16xf32>,
      %mul3A_688 = arith.mulf %exp3A_683, %bitcast3A_658 : vector<16xf32>
      tpu.vector_store_idx %arg16[%add3A_597, %broadcast_in_dim3A_30], %mul3A_688 : memref<128x32xf32, #tpu.memory_space<vmem>>[vector<16xi32>, vector<16xi32>], vector<16xf32>,
      %add3A_689 = arith.addf %gather3A_635, %unpack3A_645 : vector<16xf32>
      %gt3A_690 = arith.constant 0.000000e+00 : f32
      %gt3A_691 = vector.broadcast %gt3A_690 : f32 to vector<16xf32>
      %gt3A_692 = arith.cmpf ogt, %add3A_689, %gt3A_691 : vector<16xf32>
      %mul3A_693 = arith.constant 2.000000e-01 : f32
      %mul3A_694 = vector.broadcast %mul3A_693 : f32 to vector<16xf32>
      %mul3A_695 = arith.mulf %mul3A_694, %add3A_689 : vector<16xf32>
      %select_n3A_696 = arith.select %gt3A_692, %add3A_689, %mul3A_695 : vector<16xi1>, vector<16xf32>
      %sub3A_697 = arith.subf %select_n3A_696, %get3A_9 : vector<16xf32>
      %exp3A_698 = math.exp %sub3A_697 : vector<16xf32>
      tpu.vector_store_idx %arg16[%add3A_597, %broadcast_in_dim3A_56], %exp3A_698 : memref<128x32xf32, #tpu.memory_space<vmem>>[vector<16xi32>, vector<16xi32>], vector<16xf32>,
      %mul3A_699 = arith.mulf %exp3A_698, %unpack3A_653 : vector<16xf32>
      tpu.vector_store_idx %arg16[%add3A_597, %broadcast_in_dim3A_32], %mul3A_699 : memref<128x32xf32, #tpu.memory_space<vmem>>[vector<16xi32>, vector<16xi32>], vector<16xf32>,
      %mul3A_700 = arith.mulf %exp3A_698, %unpack3A_654 : vector<16xf32>
      tpu.vector_store_idx %arg16[%add3A_597, %broadcast_in_dim3A_34], %mul3A_700 : memref<128x32xf32, #tpu.memory_space<vmem>>[vector<16xi32>, vector<16xi32>], vector<16xf32>,
      %mul3A_701 = arith.mulf %exp3A_698, %unpack3A_656 : vector<16xf32>
      tpu.vector_store_idx %arg16[%add3A_597, %broadcast_in_dim3A_36], %mul3A_701 : memref<128x32xf32, #tpu.memory_space<vmem>>[vector<16xi32>, vector<16xi32>], vector<16xf32>,
      %mul3A_702 = arith.mulf %exp3A_698, %unpack3A_657 : vector<16xf32>
      tpu.vector_store_idx %arg16[%add3A_597, %broadcast_in_dim3A_38], %mul3A_702 : memref<128x32xf32, #tpu.memory_space<vmem>>[vector<16xi32>, vector<16xi32>], vector<16xf32>,
      %mul3A_703 = arith.mulf %exp3A_698, %bitcast3A_658 : vector<16xf32>
      tpu.vector_store_idx %arg16[%add3A_597, %broadcast_in_dim3A_40], %mul3A_703 : memref<128x32xf32, #tpu.memory_space<vmem>>[vector<16xi32>, vector<16xi32>], vector<16xf32>,
      %add3A_704 = arith.addf %gather3A_637, %unpack3A_646 : vector<16xf32>
      %gt3A_705 = arith.constant 0.000000e+00 : f32
      %gt3A_706 = vector.broadcast %gt3A_705 : f32 to vector<16xf32>
      %gt3A_707 = arith.cmpf ogt, %add3A_704, %gt3A_706 : vector<16xf32>
      %mul3A_708 = arith.constant 2.000000e-01 : f32
      %mul3A_709 = vector.broadcast %mul3A_708 : f32 to vector<16xf32>
      %mul3A_710 = arith.mulf %mul3A_709, %add3A_704 : vector<16xf32>
      %select_n3A_711 = arith.select %gt3A_707, %add3A_704, %mul3A_710 : vector<16xi1>, vector<16xf32>
      %sub3A_712 = arith.subf %select_n3A_711, %get3A_11 : vector<16xf32>
      %exp3A_713 = math.exp %sub3A_712 : vector<16xf32>
      tpu.vector_store_idx %arg16[%add3A_597, %broadcast_in_dim3A_58], %exp3A_713 : memref<128x32xf32, #tpu.memory_space<vmem>>[vector<16xi32>, vector<16xi32>], vector<16xf32>,
      %mul3A_714 = arith.mulf %exp3A_713, %unpack3A_653 : vector<16xf32>
      tpu.vector_store_idx %arg16[%add3A_597, %broadcast_in_dim3A_42], %mul3A_714 : memref<128x32xf32, #tpu.memory_space<vmem>>[vector<16xi32>, vector<16xi32>], vector<16xf32>,
      %mul3A_715 = arith.mulf %exp3A_713, %unpack3A_654 : vector<16xf32>
      tpu.vector_store_idx %arg16[%add3A_597, %broadcast_in_dim3A_44], %mul3A_715 : memref<128x32xf32, #tpu.memory_space<vmem>>[vector<16xi32>, vector<16xi32>], vector<16xf32>,
      %mul3A_716 = arith.mulf %exp3A_713, %unpack3A_656 : vector<16xf32>
      tpu.vector_store_idx %arg16[%add3A_597, %broadcast_in_dim3A_46], %mul3A_716 : memref<128x32xf32, #tpu.memory_space<vmem>>[vector<16xi32>, vector<16xi32>], vector<16xf32>,
      %mul3A_717 = arith.mulf %exp3A_713, %unpack3A_657 : vector<16xf32>
      tpu.vector_store_idx %arg16[%add3A_597, %broadcast_in_dim3A_48], %mul3A_717 : memref<128x32xf32, #tpu.memory_space<vmem>>[vector<16xi32>, vector<16xi32>], vector<16xf32>,
      %mul3A_718 = arith.mulf %exp3A_713, %bitcast3A_658 : vector<16xf32>
      tpu.vector_store_idx %arg16[%add3A_597, %broadcast_in_dim3A_50], %mul3A_718 : memref<128x32xf32, #tpu.memory_space<vmem>>[vector<16xi32>, vector<16xi32>], vector<16xf32>,
      %add3A_719 = arith.constant 48 : i32
      %add3A_720 = vector.broadcast %add3A_719 : i32 to vector<16xi32>
      %add3A_721 = arith.addi %iota3A, %add3A_720 : vector<16xi32>
      %get3A_722 = arith.constant 0 : i32
      %get3A_723 = arith.index_cast %get3A_722 : i32 to index
      %get3A_724 = arith.constant 48 : index
      %get3A_725 = tpu.vector_load %arg12[%get3A_723, %get3A_724] {strides = array<i32>} : memref<2x128xi32, #tpu.memory_space<vmem>>, vector<16xi32>,
      %get3A_726 = arith.constant 1 : i32
      %get3A_727 = arith.index_cast %get3A_726 : i32 to index
      %get3A_728 = arith.constant 48 : index
      %get3A_729 = tpu.vector_load %arg12[%get3A_727, %get3A_728] {strides = array<i32>} : memref<2x128xi32, #tpu.memory_space<vmem>>, vector<16xi32>,
      %mul3A_730 = arith.constant 52429 : i32
      %mul3A_731 = vector.broadcast %mul3A_730 : i32 to vector<16xi32>
      %mul3A_732 = arith.muli %get3A_729, %mul3A_731 : vector<16xi32>
      %shift_right_logical3A_733 = arith.constant 19 : i32
      %shift_right_logical3A_734 = vector.broadcast %shift_right_logical3A_733 : i32 to vector<16xi32>
      %shift_right_logical3A_735 = arith.shrui %mul3A_732, %shift_right_logical3A_734 : vector<16xi32>
      %mul3A_736 = arith.constant 10 : i32
      %mul3A_737 = vector.broadcast %mul3A_736 : i32 to vector<16xi32>
      %mul3A_738 = arith.muli %shift_right_logical3A_735, %mul3A_737 : vector<16xi32>
      %sub3A_739 = arith.subi %get3A_729, %mul3A_738 : vector<16xi32>
      %lt3A_740 = arith.constant 5 : i32
      %lt3A_741 = vector.broadcast %lt3A_740 : i32 to vector<16xi32>
      %lt3A_742 = arith.cmpi slt, %sub3A_739, %lt3A_741 : vector<16xi32>
      %mul3A_743 = arith.constant 5 : i32
      %mul3A_744 = vector.broadcast %mul3A_743 : i32 to vector<16xi32>
      %mul3A_745 = arith.muli %shift_right_logical3A_735, %mul3A_744 : vector<16xi32>
      %add3A_746 = arith.addi %mul3A_745, %sub3A_739 : vector<16xi32>
      %broadcast_in_dim3A_747 = arith.constant 5000 : i32
      %broadcast_in_dim3A_748 = vector.broadcast %broadcast_in_dim3A_747 : i32 to vector<16xi32>
      %select_n3A_749 = arith.select %lt3A_742, %add3A_746, %broadcast_in_dim3A_748 : vector<16xi1>, vector<16xi32>
      %swap3A_750 = arith.constant 0 : i32
      %swap3A_751 = arith.index_cast %swap3A_750 : i32 to index
      %swap3A_752 = arith.constant 48 : index
      %swap3A_753 = tpu.vector_load %arg14[%swap3A_751, %swap3A_752] {strides = array<i32>} : memref<1x128xi32, #tpu.memory_space<vmem>>, vector<16xi32>,
      tpu.vector_store %arg14[%swap3A_751, %swap3A_752], %select_n3A_749 {strides = array<i32>} : memref<1x128xi32, #tpu.memory_space<vmem>>, vector<16xi32>,
      %add3A_754 = arith.addi %get3A_725, %broadcast_in_dim3A_76 : vector<16xi32>
      %gather3A_755 = tpu.vector_load_idx %arg9[%add3A_754] : memref<40032xf32, #tpu.memory_space<vmem>>[vector<16xi32>], vector<16xf32>,
      %add3A_756 = arith.addi %get3A_725, %broadcast_in_dim3A_78 : vector<16xi32>
      %gather3A_757 = tpu.vector_load_idx %arg9[%add3A_756] : memref<40032xf32, #tpu.memory_space<vmem>>[vector<16xi32>], vector<16xf32>,
      %add3A_758 = arith.addi %get3A_725, %broadcast_in_dim3A_80 : vector<16xi32>
      %gather3A_759 = tpu.vector_load_idx %arg9[%add3A_758] : memref<40032xf32, #tpu.memory_space<vmem>>[vector<16xi32>], vector<16xf32>,
      %add3A_760 = arith.addi %get3A_725, %broadcast_in_dim3A_82 : vector<16xi32>
      %gather3A_761 = tpu.vector_load_idx %arg9[%add3A_760] : memref<40032xf32, #tpu.memory_space<vmem>>[vector<16xi32>], vector<16xf32>,
      %gather3A_762 = tpu.vector_load_idx %arg10[%get3A_729] : memref<20016xi32, #tpu.memory_space<vmem>>[vector<16xi32>], vector<16xi32>,
      %add3A_763 = arith.addi %get3A_729, %broadcast_in_dim3A_78 : vector<16xi32>
      %gather3A_764 = tpu.vector_load_idx %arg10[%add3A_763] : memref<20016xi32, #tpu.memory_space<vmem>>[vector<16xi32>], vector<16xi32>,
      %bitcast3A_765 = vector.bitcast %gather3A_762 : vector<16xi32> to vector<32xbf16>
      %unpack3A_766 = tpu.unpack_subelements %bitcast3A_765, 0 {pack_format = #tpu.pack_format<interleaved>} : vector<32xbf16> -> vector<16xf32>
      %unpack3A_767 = tpu.unpack_subelements %bitcast3A_765, 1 {pack_format = #tpu.pack_format<interleaved>} : vector<32xbf16> -> vector<16xf32>
      %bitcast3A_768 = vector.bitcast %gather3A_764 : vector<16xi32> to vector<32xbf16>
      %unpack3A_769 = tpu.unpack_subelements %bitcast3A_768, 0 {pack_format = #tpu.pack_format<interleaved>} : vector<32xbf16> -> vector<16xf32>
      %unpack3A_770 = tpu.unpack_subelements %bitcast3A_768, 1 {pack_format = #tpu.pack_format<interleaved>} : vector<32xbf16> -> vector<16xf32>
      %gather3A_771 = tpu.vector_load_idx %arg11[%get3A_725] : memref<30024xi32, #tpu.memory_space<vmem>>[vector<16xi32>], vector<16xi32>,
      %add3A_772 = arith.addi %get3A_725, %broadcast_in_dim3A_78 : vector<16xi32>
      %gather3A_773 = tpu.vector_load_idx %arg11[%add3A_772] : memref<30024xi32, #tpu.memory_space<vmem>>[vector<16xi32>], vector<16xi32>,
      %add3A_774 = arith.addi %get3A_725, %broadcast_in_dim3A_80 : vector<16xi32>
      %gather3A_775 = tpu.vector_load_idx %arg11[%add3A_774] : memref<30024xi32, #tpu.memory_space<vmem>>[vector<16xi32>], vector<16xi32>,
      %bitcast3A_776 = vector.bitcast %gather3A_771 : vector<16xi32> to vector<32xbf16>
      %unpack3A_777 = tpu.unpack_subelements %bitcast3A_776, 0 {pack_format = #tpu.pack_format<interleaved>} : vector<32xbf16> -> vector<16xf32>
      %unpack3A_778 = tpu.unpack_subelements %bitcast3A_776, 1 {pack_format = #tpu.pack_format<interleaved>} : vector<32xbf16> -> vector<16xf32>
      %bitcast3A_779 = vector.bitcast %gather3A_773 : vector<16xi32> to vector<32xbf16>
      %unpack3A_780 = tpu.unpack_subelements %bitcast3A_779, 0 {pack_format = #tpu.pack_format<interleaved>} : vector<32xbf16> -> vector<16xf32>
      %unpack3A_781 = tpu.unpack_subelements %bitcast3A_779, 1 {pack_format = #tpu.pack_format<interleaved>} : vector<32xbf16> -> vector<16xf32>
      %bitcast3A_782 = vector.bitcast %gather3A_775 : vector<16xi32> to vector<16xf32>
      %add3A_783 = arith.addf %gather3A_755, %unpack3A_766 : vector<16xf32>
      %gt3A_784 = arith.constant 0.000000e+00 : f32
      %gt3A_785 = vector.broadcast %gt3A_784 : f32 to vector<16xf32>
      %gt3A_786 = arith.cmpf ogt, %add3A_783, %gt3A_785 : vector<16xf32>
      %mul3A_787 = arith.constant 2.000000e-01 : f32
      %mul3A_788 = vector.broadcast %mul3A_787 : f32 to vector<16xf32>
      %mul3A_789 = arith.mulf %mul3A_788, %add3A_783 : vector<16xf32>
      %select_n3A_790 = arith.select %gt3A_786, %add3A_783, %mul3A_789 : vector<16xi1>, vector<16xf32>
      %sub3A_791 = arith.subf %select_n3A_790, %get3A_5 : vector<16xf32>
      %exp3A_792 = math.exp %sub3A_791 : vector<16xf32>
      tpu.vector_store_idx %arg16[%add3A_721, %broadcast_in_dim3A_52], %exp3A_792 : memref<128x32xf32, #tpu.memory_space<vmem>>[vector<16xi32>, vector<16xi32>], vector<16xf32>,
      %mul3A_793 = arith.mulf %exp3A_792, %unpack3A_777 : vector<16xf32>
      tpu.vector_store_idx %arg16[%add3A_721, %broadcast_in_dim3A_12], %mul3A_793 : memref<128x32xf32, #tpu.memory_space<vmem>>[vector<16xi32>, vector<16xi32>], vector<16xf32>,
      %mul3A_794 = arith.mulf %exp3A_792, %unpack3A_778 : vector<16xf32>
      tpu.vector_store_idx %arg16[%add3A_721, %broadcast_in_dim3A_14], %mul3A_794 : memref<128x32xf32, #tpu.memory_space<vmem>>[vector<16xi32>, vector<16xi32>], vector<16xf32>,
      %mul3A_795 = arith.mulf %exp3A_792, %unpack3A_780 : vector<16xf32>
      tpu.vector_store_idx %arg16[%add3A_721, %broadcast_in_dim3A_16], %mul3A_795 : memref<128x32xf32, #tpu.memory_space<vmem>>[vector<16xi32>, vector<16xi32>], vector<16xf32>,
      %mul3A_796 = arith.mulf %exp3A_792, %unpack3A_781 : vector<16xf32>
      tpu.vector_store_idx %arg16[%add3A_721, %broadcast_in_dim3A_18], %mul3A_796 : memref<128x32xf32, #tpu.memory_space<vmem>>[vector<16xi32>, vector<16xi32>], vector<16xf32>,
      %mul3A_797 = arith.mulf %exp3A_792, %bitcast3A_782 : vector<16xf32>
      tpu.vector_store_idx %arg16[%add3A_721, %broadcast_in_dim3A_20], %mul3A_797 : memref<128x32xf32, #tpu.memory_space<vmem>>[vector<16xi32>, vector<16xi32>], vector<16xf32>,
      %add3A_798 = arith.addf %gather3A_757, %unpack3A_767 : vector<16xf32>
      %gt3A_799 = arith.constant 0.000000e+00 : f32
      %gt3A_800 = vector.broadcast %gt3A_799 : f32 to vector<16xf32>
      %gt3A_801 = arith.cmpf ogt, %add3A_798, %gt3A_800 : vector<16xf32>
      %mul3A_802 = arith.constant 2.000000e-01 : f32
      %mul3A_803 = vector.broadcast %mul3A_802 : f32 to vector<16xf32>
      %mul3A_804 = arith.mulf %mul3A_803, %add3A_798 : vector<16xf32>
      %select_n3A_805 = arith.select %gt3A_801, %add3A_798, %mul3A_804 : vector<16xi1>, vector<16xf32>
      %sub3A_806 = arith.subf %select_n3A_805, %get3A_7 : vector<16xf32>
      %exp3A_807 = math.exp %sub3A_806 : vector<16xf32>
      tpu.vector_store_idx %arg16[%add3A_721, %broadcast_in_dim3A_54], %exp3A_807 : memref<128x32xf32, #tpu.memory_space<vmem>>[vector<16xi32>, vector<16xi32>], vector<16xf32>,
      %mul3A_808 = arith.mulf %exp3A_807, %unpack3A_777 : vector<16xf32>
      tpu.vector_store_idx %arg16[%add3A_721, %broadcast_in_dim3A_22], %mul3A_808 : memref<128x32xf32, #tpu.memory_space<vmem>>[vector<16xi32>, vector<16xi32>], vector<16xf32>,
      %mul3A_809 = arith.mulf %exp3A_807, %unpack3A_778 : vector<16xf32>
      tpu.vector_store_idx %arg16[%add3A_721, %broadcast_in_dim3A_24], %mul3A_809 : memref<128x32xf32, #tpu.memory_space<vmem>>[vector<16xi32>, vector<16xi32>], vector<16xf32>,
      %mul3A_810 = arith.mulf %exp3A_807, %unpack3A_780 : vector<16xf32>
      tpu.vector_store_idx %arg16[%add3A_721, %broadcast_in_dim3A_26], %mul3A_810 : memref<128x32xf32, #tpu.memory_space<vmem>>[vector<16xi32>, vector<16xi32>], vector<16xf32>,
      %mul3A_811 = arith.mulf %exp3A_807, %unpack3A_781 : vector<16xf32>
      tpu.vector_store_idx %arg16[%add3A_721, %broadcast_in_dim3A_28], %mul3A_811 : memref<128x32xf32, #tpu.memory_space<vmem>>[vector<16xi32>, vector<16xi32>], vector<16xf32>,
      %mul3A_812 = arith.mulf %exp3A_807, %bitcast3A_782 : vector<16xf32>
      tpu.vector_store_idx %arg16[%add3A_721, %broadcast_in_dim3A_30], %mul3A_812 : memref<128x32xf32, #tpu.memory_space<vmem>>[vector<16xi32>, vector<16xi32>], vector<16xf32>,
      %add3A_813 = arith.addf %gather3A_759, %unpack3A_769 : vector<16xf32>
      %gt3A_814 = arith.constant 0.000000e+00 : f32
      %gt3A_815 = vector.broadcast %gt3A_814 : f32 to vector<16xf32>
      %gt3A_816 = arith.cmpf ogt, %add3A_813, %gt3A_815 : vector<16xf32>
      %mul3A_817 = arith.constant 2.000000e-01 : f32
      %mul3A_818 = vector.broadcast %mul3A_817 : f32 to vector<16xf32>
      %mul3A_819 = arith.mulf %mul3A_818, %add3A_813 : vector<16xf32>
      %select_n3A_820 = arith.select %gt3A_816, %add3A_813, %mul3A_819 : vector<16xi1>, vector<16xf32>
      %sub3A_821 = arith.subf %select_n3A_820, %get3A_9 : vector<16xf32>
      %exp3A_822 = math.exp %sub3A_821 : vector<16xf32>
      tpu.vector_store_idx %arg16[%add3A_721, %broadcast_in_dim3A_56], %exp3A_822 : memref<128x32xf32, #tpu.memory_space<vmem>>[vector<16xi32>, vector<16xi32>], vector<16xf32>,
      %mul3A_823 = arith.mulf %exp3A_822, %unpack3A_777 : vector<16xf32>
      tpu.vector_store_idx %arg16[%add3A_721, %broadcast_in_dim3A_32], %mul3A_823 : memref<128x32xf32, #tpu.memory_space<vmem>>[vector<16xi32>, vector<16xi32>], vector<16xf32>,
      %mul3A_824 = arith.mulf %exp3A_822, %unpack3A_778 : vector<16xf32>
      tpu.vector_store_idx %arg16[%add3A_721, %broadcast_in_dim3A_34], %mul3A_824 : memref<128x32xf32, #tpu.memory_space<vmem>>[vector<16xi32>, vector<16xi32>], vector<16xf32>,
      %mul3A_825 = arith.mulf %exp3A_822, %unpack3A_780 : vector<16xf32>
      tpu.vector_store_idx %arg16[%add3A_721, %broadcast_in_dim3A_36], %mul3A_825 : memref<128x32xf32, #tpu.memory_space<vmem>>[vector<16xi32>, vector<16xi32>], vector<16xf32>,
      %mul3A_826 = arith.mulf %exp3A_822, %unpack3A_781 : vector<16xf32>
      tpu.vector_store_idx %arg16[%add3A_721, %broadcast_in_dim3A_38], %mul3A_826 : memref<128x32xf32, #tpu.memory_space<vmem>>[vector<16xi32>, vector<16xi32>], vector<16xf32>,
      %mul3A_827 = arith.mulf %exp3A_822, %bitcast3A_782 : vector<16xf32>
      tpu.vector_store_idx %arg16[%add3A_721, %broadcast_in_dim3A_40], %mul3A_827 : memref<128x32xf32, #tpu.memory_space<vmem>>[vector<16xi32>, vector<16xi32>], vector<16xf32>,
      %add3A_828 = arith.addf %gather3A_761, %unpack3A_770 : vector<16xf32>
      %gt3A_829 = arith.constant 0.000000e+00 : f32
      %gt3A_830 = vector.broadcast %gt3A_829 : f32 to vector<16xf32>
      %gt3A_831 = arith.cmpf ogt, %add3A_828, %gt3A_830 : vector<16xf32>
      %mul3A_832 = arith.constant 2.000000e-01 : f32
      %mul3A_833 = vector.broadcast %mul3A_832 : f32 to vector<16xf32>
      %mul3A_834 = arith.mulf %mul3A_833, %add3A_828 : vector<16xf32>
      %select_n3A_835 = arith.select %gt3A_831, %add3A_828, %mul3A_834 : vector<16xi1>, vector<16xf32>
      %sub3A_836 = arith.subf %select_n3A_835, %get3A_11 : vector<16xf32>
      %exp3A_837 = math.exp %sub3A_836 : vector<16xf32>
      tpu.vector_store_idx %arg16[%add3A_721, %broadcast_in_dim3A_58], %exp3A_837 : memref<128x32xf32, #tpu.memory_space<vmem>>[vector<16xi32>, vector<16xi32>], vector<16xf32>,
      %mul3A_838 = arith.mulf %exp3A_837, %unpack3A_777 : vector<16xf32>
      tpu.vector_store_idx %arg16[%add3A_721, %broadcast_in_dim3A_42], %mul3A_838 : memref<128x32xf32, #tpu.memory_space<vmem>>[vector<16xi32>, vector<16xi32>], vector<16xf32>,
      %mul3A_839 = arith.mulf %exp3A_837, %unpack3A_778 : vector<16xf32>
      tpu.vector_store_idx %arg16[%add3A_721, %broadcast_in_dim3A_44], %mul3A_839 : memref<128x32xf32, #tpu.memory_space<vmem>>[vector<16xi32>, vector<16xi32>], vector<16xf32>,
      %mul3A_840 = arith.mulf %exp3A_837, %unpack3A_780 : vector<16xf32>
      tpu.vector_store_idx %arg16[%add3A_721, %broadcast_in_dim3A_46], %mul3A_840 : memref<128x32xf32, #tpu.memory_space<vmem>>[vector<16xi32>, vector<16xi32>], vector<16xf32>,
      %mul3A_841 = arith.mulf %exp3A_837, %unpack3A_781 : vector<16xf32>
      tpu.vector_store_idx %arg16[%add3A_721, %broadcast_in_dim3A_48], %mul3A_841 : memref<128x32xf32, #tpu.memory_space<vmem>>[vector<16xi32>, vector<16xi32>], vector<16xf32>,
      %mul3A_842 = arith.mulf %exp3A_837, %bitcast3A_782 : vector<16xf32>
      tpu.vector_store_idx %arg16[%add3A_721, %broadcast_in_dim3A_50], %mul3A_842 : memref<128x32xf32, #tpu.memory_space<vmem>>[vector<16xi32>, vector<16xi32>], vector<16xf32>,
      %add3A_843 = arith.constant 64 : i32
      %add3A_844 = vector.broadcast %add3A_843 : i32 to vector<16xi32>
      %add3A_845 = arith.addi %iota3A, %add3A_844 : vector<16xi32>
      %get3A_846 = arith.constant 0 : i32
      %get3A_847 = arith.index_cast %get3A_846 : i32 to index
      %get3A_848 = arith.constant 64 : index
      %get3A_849 = tpu.vector_load %arg12[%get3A_847, %get3A_848] {strides = array<i32>} : memref<2x128xi32, #tpu.memory_space<vmem>>, vector<16xi32>,
      %get3A_850 = arith.constant 1 : i32
      %get3A_851 = arith.index_cast %get3A_850 : i32 to index
      %get3A_852 = arith.constant 64 : index
      %get3A_853 = tpu.vector_load %arg12[%get3A_851, %get3A_852] {strides = array<i32>} : memref<2x128xi32, #tpu.memory_space<vmem>>, vector<16xi32>,
      %mul3A_854 = arith.constant 52429 : i32
      %mul3A_855 = vector.broadcast %mul3A_854 : i32 to vector<16xi32>
      %mul3A_856 = arith.muli %get3A_853, %mul3A_855 : vector<16xi32>
      %shift_right_logical3A_857 = arith.constant 19 : i32
      %shift_right_logical3A_858 = vector.broadcast %shift_right_logical3A_857 : i32 to vector<16xi32>
      %shift_right_logical3A_859 = arith.shrui %mul3A_856, %shift_right_logical3A_858 : vector<16xi32>
      %mul3A_860 = arith.constant 10 : i32
      %mul3A_861 = vector.broadcast %mul3A_860 : i32 to vector<16xi32>
      %mul3A_862 = arith.muli %shift_right_logical3A_859, %mul3A_861 : vector<16xi32>
      %sub3A_863 = arith.subi %get3A_853, %mul3A_862 : vector<16xi32>
      %lt3A_864 = arith.constant 5 : i32
      %lt3A_865 = vector.broadcast %lt3A_864 : i32 to vector<16xi32>
      %lt3A_866 = arith.cmpi slt, %sub3A_863, %lt3A_865 : vector<16xi32>
      %mul3A_867 = arith.constant 5 : i32
      %mul3A_868 = vector.broadcast %mul3A_867 : i32 to vector<16xi32>
      %mul3A_869 = arith.muli %shift_right_logical3A_859, %mul3A_868 : vector<16xi32>
      %add3A_870 = arith.addi %mul3A_869, %sub3A_863 : vector<16xi32>
      %broadcast_in_dim3A_871 = arith.constant 5000 : i32
      %broadcast_in_dim3A_872 = vector.broadcast %broadcast_in_dim3A_871 : i32 to vector<16xi32>
      %select_n3A_873 = arith.select %lt3A_866, %add3A_870, %broadcast_in_dim3A_872 : vector<16xi1>, vector<16xi32>
      %swap3A_874 = arith.constant 0 : i32
      %swap3A_875 = arith.index_cast %swap3A_874 : i32 to index
      %swap3A_876 = arith.constant 64 : index
      %swap3A_877 = tpu.vector_load %arg14[%swap3A_875, %swap3A_876] {strides = array<i32>} : memref<1x128xi32, #tpu.memory_space<vmem>>, vector<16xi32>,
      tpu.vector_store %arg14[%swap3A_875, %swap3A_876], %select_n3A_873 {strides = array<i32>} : memref<1x128xi32, #tpu.memory_space<vmem>>, vector<16xi32>,
      %add3A_878 = arith.addi %get3A_849, %broadcast_in_dim3A_76 : vector<16xi32>
      %gather3A_879 = tpu.vector_load_idx %arg9[%add3A_878] : memref<40032xf32, #tpu.memory_space<vmem>>[vector<16xi32>], vector<16xf32>,
      %add3A_880 = arith.addi %get3A_849, %broadcast_in_dim3A_78 : vector<16xi32>
      %gather3A_881 = tpu.vector_load_idx %arg9[%add3A_880] : memref<40032xf32, #tpu.memory_space<vmem>>[vector<16xi32>], vector<16xf32>,
      %add3A_882 = arith.addi %get3A_849, %broadcast_in_dim3A_80 : vector<16xi32>
      %gather3A_883 = tpu.vector_load_idx %arg9[%add3A_882] : memref<40032xf32, #tpu.memory_space<vmem>>[vector<16xi32>], vector<16xf32>,
      %add3A_884 = arith.addi %get3A_849, %broadcast_in_dim3A_82 : vector<16xi32>
      %gather3A_885 = tpu.vector_load_idx %arg9[%add3A_884] : memref<40032xf32, #tpu.memory_space<vmem>>[vector<16xi32>], vector<16xf32>,
      %gather3A_886 = tpu.vector_load_idx %arg10[%get3A_853] : memref<20016xi32, #tpu.memory_space<vmem>>[vector<16xi32>], vector<16xi32>,
      %add3A_887 = arith.addi %get3A_853, %broadcast_in_dim3A_78 : vector<16xi32>
      %gather3A_888 = tpu.vector_load_idx %arg10[%add3A_887] : memref<20016xi32, #tpu.memory_space<vmem>>[vector<16xi32>], vector<16xi32>,
      %bitcast3A_889 = vector.bitcast %gather3A_886 : vector<16xi32> to vector<32xbf16>
      %unpack3A_890 = tpu.unpack_subelements %bitcast3A_889, 0 {pack_format = #tpu.pack_format<interleaved>} : vector<32xbf16> -> vector<16xf32>
      %unpack3A_891 = tpu.unpack_subelements %bitcast3A_889, 1 {pack_format = #tpu.pack_format<interleaved>} : vector<32xbf16> -> vector<16xf32>
      %bitcast3A_892 = vector.bitcast %gather3A_888 : vector<16xi32> to vector<32xbf16>
      %unpack3A_893 = tpu.unpack_subelements %bitcast3A_892, 0 {pack_format = #tpu.pack_format<interleaved>} : vector<32xbf16> -> vector<16xf32>
      %unpack3A_894 = tpu.unpack_subelements %bitcast3A_892, 1 {pack_format = #tpu.pack_format<interleaved>} : vector<32xbf16> -> vector<16xf32>
      %gather3A_895 = tpu.vector_load_idx %arg11[%get3A_849] : memref<30024xi32, #tpu.memory_space<vmem>>[vector<16xi32>], vector<16xi32>,
      %add3A_896 = arith.addi %get3A_849, %broadcast_in_dim3A_78 : vector<16xi32>
      %gather3A_897 = tpu.vector_load_idx %arg11[%add3A_896] : memref<30024xi32, #tpu.memory_space<vmem>>[vector<16xi32>], vector<16xi32>,
      %add3A_898 = arith.addi %get3A_849, %broadcast_in_dim3A_80 : vector<16xi32>
      %gather3A_899 = tpu.vector_load_idx %arg11[%add3A_898] : memref<30024xi32, #tpu.memory_space<vmem>>[vector<16xi32>], vector<16xi32>,
      %bitcast3A_900 = vector.bitcast %gather3A_895 : vector<16xi32> to vector<32xbf16>
      %unpack3A_901 = tpu.unpack_subelements %bitcast3A_900, 0 {pack_format = #tpu.pack_format<interleaved>} : vector<32xbf16> -> vector<16xf32>
      %unpack3A_902 = tpu.unpack_subelements %bitcast3A_900, 1 {pack_format = #tpu.pack_format<interleaved>} : vector<32xbf16> -> vector<16xf32>
      %bitcast3A_903 = vector.bitcast %gather3A_897 : vector<16xi32> to vector<32xbf16>
      %unpack3A_904 = tpu.unpack_subelements %bitcast3A_903, 0 {pack_format = #tpu.pack_format<interleaved>} : vector<32xbf16> -> vector<16xf32>
      %unpack3A_905 = tpu.unpack_subelements %bitcast3A_903, 1 {pack_format = #tpu.pack_format<interleaved>} : vector<32xbf16> -> vector<16xf32>
      %bitcast3A_906 = vector.bitcast %gather3A_899 : vector<16xi32> to vector<16xf32>
      %add3A_907 = arith.addf %gather3A_879, %unpack3A_890 : vector<16xf32>
      %gt3A_908 = arith.constant 0.000000e+00 : f32
      %gt3A_909 = vector.broadcast %gt3A_908 : f32 to vector<16xf32>
      %gt3A_910 = arith.cmpf ogt, %add3A_907, %gt3A_909 : vector<16xf32>
      %mul3A_911 = arith.constant 2.000000e-01 : f32
      %mul3A_912 = vector.broadcast %mul3A_911 : f32 to vector<16xf32>
      %mul3A_913 = arith.mulf %mul3A_912, %add3A_907 : vector<16xf32>
      %select_n3A_914 = arith.select %gt3A_910, %add3A_907, %mul3A_913 : vector<16xi1>, vector<16xf32>
      %sub3A_915 = arith.subf %select_n3A_914, %get3A_5 : vector<16xf32>
      %exp3A_916 = math.exp %sub3A_915 : vector<16xf32>
      tpu.vector_store_idx %arg16[%add3A_845, %broadcast_in_dim3A_52], %exp3A_916 : memref<128x32xf32, #tpu.memory_space<vmem>>[vector<16xi32>, vector<16xi32>], vector<16xf32>,
      %mul3A_917 = arith.mulf %exp3A_916, %unpack3A_901 : vector<16xf32>
      tpu.vector_store_idx %arg16[%add3A_845, %broadcast_in_dim3A_12], %mul3A_917 : memref<128x32xf32, #tpu.memory_space<vmem>>[vector<16xi32>, vector<16xi32>], vector<16xf32>,
      %mul3A_918 = arith.mulf %exp3A_916, %unpack3A_902 : vector<16xf32>
      tpu.vector_store_idx %arg16[%add3A_845, %broadcast_in_dim3A_14], %mul3A_918 : memref<128x32xf32, #tpu.memory_space<vmem>>[vector<16xi32>, vector<16xi32>], vector<16xf32>,
      %mul3A_919 = arith.mulf %exp3A_916, %unpack3A_904 : vector<16xf32>
      tpu.vector_store_idx %arg16[%add3A_845, %broadcast_in_dim3A_16], %mul3A_919 : memref<128x32xf32, #tpu.memory_space<vmem>>[vector<16xi32>, vector<16xi32>], vector<16xf32>,
      %mul3A_920 = arith.mulf %exp3A_916, %unpack3A_905 : vector<16xf32>
      tpu.vector_store_idx %arg16[%add3A_845, %broadcast_in_dim3A_18], %mul3A_920 : memref<128x32xf32, #tpu.memory_space<vmem>>[vector<16xi32>, vector<16xi32>], vector<16xf32>,
      %mul3A_921 = arith.mulf %exp3A_916, %bitcast3A_906 : vector<16xf32>
      tpu.vector_store_idx %arg16[%add3A_845, %broadcast_in_dim3A_20], %mul3A_921 : memref<128x32xf32, #tpu.memory_space<vmem>>[vector<16xi32>, vector<16xi32>], vector<16xf32>,
      %add3A_922 = arith.addf %gather3A_881, %unpack3A_891 : vector<16xf32>
      %gt3A_923 = arith.constant 0.000000e+00 : f32
      %gt3A_924 = vector.broadcast %gt3A_923 : f32 to vector<16xf32>
      %gt3A_925 = arith.cmpf ogt, %add3A_922, %gt3A_924 : vector<16xf32>
      %mul3A_926 = arith.constant 2.000000e-01 : f32
      %mul3A_927 = vector.broadcast %mul3A_926 : f32 to vector<16xf32>
      %mul3A_928 = arith.mulf %mul3A_927, %add3A_922 : vector<16xf32>
      %select_n3A_929 = arith.select %gt3A_925, %add3A_922, %mul3A_928 : vector<16xi1>, vector<16xf32>
      %sub3A_930 = arith.subf %select_n3A_929, %get3A_7 : vector<16xf32>
      %exp3A_931 = math.exp %sub3A_930 : vector<16xf32>
      tpu.vector_store_idx %arg16[%add3A_845, %broadcast_in_dim3A_54], %exp3A_931 : memref<128x32xf32, #tpu.memory_space<vmem>>[vector<16xi32>, vector<16xi32>], vector<16xf32>,
      %mul3A_932 = arith.mulf %exp3A_931, %unpack3A_901 : vector<16xf32>
      tpu.vector_store_idx %arg16[%add3A_845, %broadcast_in_dim3A_22], %mul3A_932 : memref<128x32xf32, #tpu.memory_space<vmem>>[vector<16xi32>, vector<16xi32>], vector<16xf32>,
      %mul3A_933 = arith.mulf %exp3A_931, %unpack3A_902 : vector<16xf32>
      tpu.vector_store_idx %arg16[%add3A_845, %broadcast_in_dim3A_24], %mul3A_933 : memref<128x32xf32, #tpu.memory_space<vmem>>[vector<16xi32>, vector<16xi32>], vector<16xf32>,
      %mul3A_934 = arith.mulf %exp3A_931, %unpack3A_904 : vector<16xf32>
      tpu.vector_store_idx %arg16[%add3A_845, %broadcast_in_dim3A_26], %mul3A_934 : memref<128x32xf32, #tpu.memory_space<vmem>>[vector<16xi32>, vector<16xi32>], vector<16xf32>,
      %mul3A_935 = arith.mulf %exp3A_931, %unpack3A_905 : vector<16xf32>
      tpu.vector_store_idx %arg16[%add3A_845, %broadcast_in_dim3A_28], %mul3A_935 : memref<128x32xf32, #tpu.memory_space<vmem>>[vector<16xi32>, vector<16xi32>], vector<16xf32>,
      %mul3A_936 = arith.mulf %exp3A_931, %bitcast3A_906 : vector<16xf32>
      tpu.vector_store_idx %arg16[%add3A_845, %broadcast_in_dim3A_30], %mul3A_936 : memref<128x32xf32, #tpu.memory_space<vmem>>[vector<16xi32>, vector<16xi32>], vector<16xf32>,
      %add3A_937 = arith.addf %gather3A_883, %unpack3A_893 : vector<16xf32>
      %gt3A_938 = arith.constant 0.000000e+00 : f32
      %gt3A_939 = vector.broadcast %gt3A_938 : f32 to vector<16xf32>
      %gt3A_940 = arith.cmpf ogt, %add3A_937, %gt3A_939 : vector<16xf32>
      %mul3A_941 = arith.constant 2.000000e-01 : f32
      %mul3A_942 = vector.broadcast %mul3A_941 : f32 to vector<16xf32>
      %mul3A_943 = arith.mulf %mul3A_942, %add3A_937 : vector<16xf32>
      %select_n3A_944 = arith.select %gt3A_940, %add3A_937, %mul3A_943 : vector<16xi1>, vector<16xf32>
      %sub3A_945 = arith.subf %select_n3A_944, %get3A_9 : vector<16xf32>
      %exp3A_946 = math.exp %sub3A_945 : vector<16xf32>
      tpu.vector_store_idx %arg16[%add3A_845, %broadcast_in_dim3A_56], %exp3A_946 : memref<128x32xf32, #tpu.memory_space<vmem>>[vector<16xi32>, vector<16xi32>], vector<16xf32>,
      %mul3A_947 = arith.mulf %exp3A_946, %unpack3A_901 : vector<16xf32>
      tpu.vector_store_idx %arg16[%add3A_845, %broadcast_in_dim3A_32], %mul3A_947 : memref<128x32xf32, #tpu.memory_space<vmem>>[vector<16xi32>, vector<16xi32>], vector<16xf32>,
      %mul3A_948 = arith.mulf %exp3A_946, %unpack3A_902 : vector<16xf32>
      tpu.vector_store_idx %arg16[%add3A_845, %broadcast_in_dim3A_34], %mul3A_948 : memref<128x32xf32, #tpu.memory_space<vmem>>[vector<16xi32>, vector<16xi32>], vector<16xf32>,
      %mul3A_949 = arith.mulf %exp3A_946, %unpack3A_904 : vector<16xf32>
      tpu.vector_store_idx %arg16[%add3A_845, %broadcast_in_dim3A_36], %mul3A_949 : memref<128x32xf32, #tpu.memory_space<vmem>>[vector<16xi32>, vector<16xi32>], vector<16xf32>,
      %mul3A_950 = arith.mulf %exp3A_946, %unpack3A_905 : vector<16xf32>
      tpu.vector_store_idx %arg16[%add3A_845, %broadcast_in_dim3A_38], %mul3A_950 : memref<128x32xf32, #tpu.memory_space<vmem>>[vector<16xi32>, vector<16xi32>], vector<16xf32>,
      %mul3A_951 = arith.mulf %exp3A_946, %bitcast3A_906 : vector<16xf32>
      tpu.vector_store_idx %arg16[%add3A_845, %broadcast_in_dim3A_40], %mul3A_951 : memref<128x32xf32, #tpu.memory_space<vmem>>[vector<16xi32>, vector<16xi32>], vector<16xf32>,
      %add3A_952 = arith.addf %gather3A_885, %unpack3A_894 : vector<16xf32>
      %gt3A_953 = arith.constant 0.000000e+00 : f32
      %gt3A_954 = vector.broadcast %gt3A_953 : f32 to vector<16xf32>
      %gt3A_955 = arith.cmpf ogt, %add3A_952, %gt3A_954 : vector<16xf32>
      %mul3A_956 = arith.constant 2.000000e-01 : f32
      %mul3A_957 = vector.broadcast %mul3A_956 : f32 to vector<16xf32>
      %mul3A_958 = arith.mulf %mul3A_957, %add3A_952 : vector<16xf32>
      %select_n3A_959 = arith.select %gt3A_955, %add3A_952, %mul3A_958 : vector<16xi1>, vector<16xf32>
      %sub3A_960 = arith.subf %select_n3A_959, %get3A_11 : vector<16xf32>
      %exp3A_961 = math.exp %sub3A_960 : vector<16xf32>
      tpu.vector_store_idx %arg16[%add3A_845, %broadcast_in_dim3A_58], %exp3A_961 : memref<128x32xf32, #tpu.memory_space<vmem>>[vector<16xi32>, vector<16xi32>], vector<16xf32>,
      %mul3A_962 = arith.mulf %exp3A_961, %unpack3A_901 : vector<16xf32>
      tpu.vector_store_idx %arg16[%add3A_845, %broadcast_in_dim3A_42], %mul3A_962 : memref<128x32xf32, #tpu.memory_space<vmem>>[vector<16xi32>, vector<16xi32>], vector<16xf32>,
      %mul3A_963 = arith.mulf %exp3A_961, %unpack3A_902 : vector<16xf32>
      tpu.vector_store_idx %arg16[%add3A_845, %broadcast_in_dim3A_44], %mul3A_963 : memref<128x32xf32, #tpu.memory_space<vmem>>[vector<16xi32>, vector<16xi32>], vector<16xf32>,
      %mul3A_964 = arith.mulf %exp3A_961, %unpack3A_904 : vector<16xf32>
      tpu.vector_store_idx %arg16[%add3A_845, %broadcast_in_dim3A_46], %mul3A_964 : memref<128x32xf32, #tpu.memory_space<vmem>>[vector<16xi32>, vector<16xi32>], vector<16xf32>,
      %mul3A_965 = arith.mulf %exp3A_961, %unpack3A_905 : vector<16xf32>
      tpu.vector_store_idx %arg16[%add3A_845, %broadcast_in_dim3A_48], %mul3A_965 : memref<128x32xf32, #tpu.memory_space<vmem>>[vector<16xi32>, vector<16xi32>], vector<16xf32>,
      %mul3A_966 = arith.mulf %exp3A_961, %bitcast3A_906 : vector<16xf32>
      tpu.vector_store_idx %arg16[%add3A_845, %broadcast_in_dim3A_50], %mul3A_966 : memref<128x32xf32, #tpu.memory_space<vmem>>[vector<16xi32>, vector<16xi32>], vector<16xf32>,
      %add3A_967 = arith.constant 80 : i32
      %add3A_968 = vector.broadcast %add3A_967 : i32 to vector<16xi32>
      %add3A_969 = arith.addi %iota3A, %add3A_968 : vector<16xi32>
      %get3A_970 = arith.constant 0 : i32
      %get3A_971 = arith.index_cast %get3A_970 : i32 to index
      %get3A_972 = arith.constant 80 : index
      %get3A_973 = tpu.vector_load %arg12[%get3A_971, %get3A_972] {strides = array<i32>} : memref<2x128xi32, #tpu.memory_space<vmem>>, vector<16xi32>,
      %get3A_974 = arith.constant 1 : i32
      %get3A_975 = arith.index_cast %get3A_974 : i32 to index
      %get3A_976 = arith.constant 80 : index
      %get3A_977 = tpu.vector_load %arg12[%get3A_975, %get3A_976] {strides = array<i32>} : memref<2x128xi32, #tpu.memory_space<vmem>>, vector<16xi32>,
      %mul3A_978 = arith.constant 52429 : i32
      %mul3A_979 = vector.broadcast %mul3A_978 : i32 to vector<16xi32>
      %mul3A_980 = arith.muli %get3A_977, %mul3A_979 : vector<16xi32>
      %shift_right_logical3A_981 = arith.constant 19 : i32
      %shift_right_logical3A_982 = vector.broadcast %shift_right_logical3A_981 : i32 to vector<16xi32>
      %shift_right_logical3A_983 = arith.shrui %mul3A_980, %shift_right_logical3A_982 : vector<16xi32>
      %mul3A_984 = arith.constant 10 : i32
      %mul3A_985 = vector.broadcast %mul3A_984 : i32 to vector<16xi32>
      %mul3A_986 = arith.muli %shift_right_logical3A_983, %mul3A_985 : vector<16xi32>
      %sub3A_987 = arith.subi %get3A_977, %mul3A_986 : vector<16xi32>
      %lt3A_988 = arith.constant 5 : i32
      %lt3A_989 = vector.broadcast %lt3A_988 : i32 to vector<16xi32>
      %lt3A_990 = arith.cmpi slt, %sub3A_987, %lt3A_989 : vector<16xi32>
      %mul3A_991 = arith.constant 5 : i32
      %mul3A_992 = vector.broadcast %mul3A_991 : i32 to vector<16xi32>
      %mul3A_993 = arith.muli %shift_right_logical3A_983, %mul3A_992 : vector<16xi32>
      %add3A_994 = arith.addi %mul3A_993, %sub3A_987 : vector<16xi32>
      %broadcast_in_dim3A_995 = arith.constant 5000 : i32
      %broadcast_in_dim3A_996 = vector.broadcast %broadcast_in_dim3A_995 : i32 to vector<16xi32>
      %select_n3A_997 = arith.select %lt3A_990, %add3A_994, %broadcast_in_dim3A_996 : vector<16xi1>, vector<16xi32>
      %swap3A_998 = arith.constant 0 : i32
      %swap3A_999 = arith.index_cast %swap3A_998 : i32 to index
      %swap3A_1000 = arith.constant 80 : index
      %swap3A_1001 = tpu.vector_load %arg14[%swap3A_999, %swap3A_1000] {strides = array<i32>} : memref<1x128xi32, #tpu.memory_space<vmem>>, vector<16xi32>,
      tpu.vector_store %arg14[%swap3A_999, %swap3A_1000], %select_n3A_997 {strides = array<i32>} : memref<1x128xi32, #tpu.memory_space<vmem>>, vector<16xi32>,
      %add3A_1002 = arith.addi %get3A_973, %broadcast_in_dim3A_76 : vector<16xi32>
      %gather3A_1003 = tpu.vector_load_idx %arg9[%add3A_1002] : memref<40032xf32, #tpu.memory_space<vmem>>[vector<16xi32>], vector<16xf32>,
      %add3A_1004 = arith.addi %get3A_973, %broadcast_in_dim3A_78 : vector<16xi32>
      %gather3A_1005 = tpu.vector_load_idx %arg9[%add3A_1004] : memref<40032xf32, #tpu.memory_space<vmem>>[vector<16xi32>], vector<16xf32>,
      %add3A_1006 = arith.addi %get3A_973, %broadcast_in_dim3A_80 : vector<16xi32>
      %gather3A_1007 = tpu.vector_load_idx %arg9[%add3A_1006] : memref<40032xf32, #tpu.memory_space<vmem>>[vector<16xi32>], vector<16xf32>,
      %add3A_1008 = arith.addi %get3A_973, %broadcast_in_dim3A_82 : vector<16xi32>
      %gather3A_1009 = tpu.vector_load_idx %arg9[%add3A_1008] : memref<40032xf32, #tpu.memory_space<vmem>>[vector<16xi32>], vector<16xf32>,
      %gather3A_1010 = tpu.vector_load_idx %arg10[%get3A_977] : memref<20016xi32, #tpu.memory_space<vmem>>[vector<16xi32>], vector<16xi32>,
      %add3A_1011 = arith.addi %get3A_977, %broadcast_in_dim3A_78 : vector<16xi32>
      %gather3A_1012 = tpu.vector_load_idx %arg10[%add3A_1011] : memref<20016xi32, #tpu.memory_space<vmem>>[vector<16xi32>], vector<16xi32>,
      %bitcast3A_1013 = vector.bitcast %gather3A_1010 : vector<16xi32> to vector<32xbf16>
      %unpack3A_1014 = tpu.unpack_subelements %bitcast3A_1013, 0 {pack_format = #tpu.pack_format<interleaved>} : vector<32xbf16> -> vector<16xf32>
      %unpack3A_1015 = tpu.unpack_subelements %bitcast3A_1013, 1 {pack_format = #tpu.pack_format<interleaved>} : vector<32xbf16> -> vector<16xf32>
      %bitcast3A_1016 = vector.bitcast %gather3A_1012 : vector<16xi32> to vector<32xbf16>
      %unpack3A_1017 = tpu.unpack_subelements %bitcast3A_1016, 0 {pack_format = #tpu.pack_format<interleaved>} : vector<32xbf16> -> vector<16xf32>
      %unpack3A_1018 = tpu.unpack_subelements %bitcast3A_1016, 1 {pack_format = #tpu.pack_format<interleaved>} : vector<32xbf16> -> vector<16xf32>
      %gather3A_1019 = tpu.vector_load_idx %arg11[%get3A_973] : memref<30024xi32, #tpu.memory_space<vmem>>[vector<16xi32>], vector<16xi32>,
      %add3A_1020 = arith.addi %get3A_973, %broadcast_in_dim3A_78 : vector<16xi32>
      %gather3A_1021 = tpu.vector_load_idx %arg11[%add3A_1020] : memref<30024xi32, #tpu.memory_space<vmem>>[vector<16xi32>], vector<16xi32>,
      %add3A_1022 = arith.addi %get3A_973, %broadcast_in_dim3A_80 : vector<16xi32>
      %gather3A_1023 = tpu.vector_load_idx %arg11[%add3A_1022] : memref<30024xi32, #tpu.memory_space<vmem>>[vector<16xi32>], vector<16xi32>,
      %bitcast3A_1024 = vector.bitcast %gather3A_1019 : vector<16xi32> to vector<32xbf16>
      %unpack3A_1025 = tpu.unpack_subelements %bitcast3A_1024, 0 {pack_format = #tpu.pack_format<interleaved>} : vector<32xbf16> -> vector<16xf32>
      %unpack3A_1026 = tpu.unpack_subelements %bitcast3A_1024, 1 {pack_format = #tpu.pack_format<interleaved>} : vector<32xbf16> -> vector<16xf32>
      %bitcast3A_1027 = vector.bitcast %gather3A_1021 : vector<16xi32> to vector<32xbf16>
      %unpack3A_1028 = tpu.unpack_subelements %bitcast3A_1027, 0 {pack_format = #tpu.pack_format<interleaved>} : vector<32xbf16> -> vector<16xf32>
      %unpack3A_1029 = tpu.unpack_subelements %bitcast3A_1027, 1 {pack_format = #tpu.pack_format<interleaved>} : vector<32xbf16> -> vector<16xf32>
      %bitcast3A_1030 = vector.bitcast %gather3A_1023 : vector<16xi32> to vector<16xf32>
      %add3A_1031 = arith.addf %gather3A_1003, %unpack3A_1014 : vector<16xf32>
      %gt3A_1032 = arith.constant 0.000000e+00 : f32
      %gt3A_1033 = vector.broadcast %gt3A_1032 : f32 to vector<16xf32>
      %gt3A_1034 = arith.cmpf ogt, %add3A_1031, %gt3A_1033 : vector<16xf32>
      %mul3A_1035 = arith.constant 2.000000e-01 : f32
      %mul3A_1036 = vector.broadcast %mul3A_1035 : f32 to vector<16xf32>
      %mul3A_1037 = arith.mulf %mul3A_1036, %add3A_1031 : vector<16xf32>
      %select_n3A_1038 = arith.select %gt3A_1034, %add3A_1031, %mul3A_1037 : vector<16xi1>, vector<16xf32>
      %sub3A_1039 = arith.subf %select_n3A_1038, %get3A_5 : vector<16xf32>
      %exp3A_1040 = math.exp %sub3A_1039 : vector<16xf32>
      tpu.vector_store_idx %arg16[%add3A_969, %broadcast_in_dim3A_52], %exp3A_1040 : memref<128x32xf32, #tpu.memory_space<vmem>>[vector<16xi32>, vector<16xi32>], vector<16xf32>,
      %mul3A_1041 = arith.mulf %exp3A_1040, %unpack3A_1025 : vector<16xf32>
      tpu.vector_store_idx %arg16[%add3A_969, %broadcast_in_dim3A_12], %mul3A_1041 : memref<128x32xf32, #tpu.memory_space<vmem>>[vector<16xi32>, vector<16xi32>], vector<16xf32>,
      %mul3A_1042 = arith.mulf %exp3A_1040, %unpack3A_1026 : vector<16xf32>
      tpu.vector_store_idx %arg16[%add3A_969, %broadcast_in_dim3A_14], %mul3A_1042 : memref<128x32xf32, #tpu.memory_space<vmem>>[vector<16xi32>, vector<16xi32>], vector<16xf32>,
      %mul3A_1043 = arith.mulf %exp3A_1040, %unpack3A_1028 : vector<16xf32>
      tpu.vector_store_idx %arg16[%add3A_969, %broadcast_in_dim3A_16], %mul3A_1043 : memref<128x32xf32, #tpu.memory_space<vmem>>[vector<16xi32>, vector<16xi32>], vector<16xf32>,
      %mul3A_1044 = arith.mulf %exp3A_1040, %unpack3A_1029 : vector<16xf32>
      tpu.vector_store_idx %arg16[%add3A_969, %broadcast_in_dim3A_18], %mul3A_1044 : memref<128x32xf32, #tpu.memory_space<vmem>>[vector<16xi32>, vector<16xi32>], vector<16xf32>,
      %mul3A_1045 = arith.mulf %exp3A_1040, %bitcast3A_1030 : vector<16xf32>
      tpu.vector_store_idx %arg16[%add3A_969, %broadcast_in_dim3A_20], %mul3A_1045 : memref<128x32xf32, #tpu.memory_space<vmem>>[vector<16xi32>, vector<16xi32>], vector<16xf32>,
      %add3A_1046 = arith.addf %gather3A_1005, %unpack3A_1015 : vector<16xf32>
      %gt3A_1047 = arith.constant 0.000000e+00 : f32
      %gt3A_1048 = vector.broadcast %gt3A_1047 : f32 to vector<16xf32>
      %gt3A_1049 = arith.cmpf ogt, %add3A_1046, %gt3A_1048 : vector<16xf32>
      %mul3A_1050 = arith.constant 2.000000e-01 : f32
      %mul3A_1051 = vector.broadcast %mul3A_1050 : f32 to vector<16xf32>
      %mul3A_1052 = arith.mulf %mul3A_1051, %add3A_1046 : vector<16xf32>
      %select_n3A_1053 = arith.select %gt3A_1049, %add3A_1046, %mul3A_1052 : vector<16xi1>, vector<16xf32>
      %sub3A_1054 = arith.subf %select_n3A_1053, %get3A_7 : vector<16xf32>
      %exp3A_1055 = math.exp %sub3A_1054 : vector<16xf32>
      tpu.vector_store_idx %arg16[%add3A_969, %broadcast_in_dim3A_54], %exp3A_1055 : memref<128x32xf32, #tpu.memory_space<vmem>>[vector<16xi32>, vector<16xi32>], vector<16xf32>,
      %mul3A_1056 = arith.mulf %exp3A_1055, %unpack3A_1025 : vector<16xf32>
      tpu.vector_store_idx %arg16[%add3A_969, %broadcast_in_dim3A_22], %mul3A_1056 : memref<128x32xf32, #tpu.memory_space<vmem>>[vector<16xi32>, vector<16xi32>], vector<16xf32>,
      %mul3A_1057 = arith.mulf %exp3A_1055, %unpack3A_1026 : vector<16xf32>
      tpu.vector_store_idx %arg16[%add3A_969, %broadcast_in_dim3A_24], %mul3A_1057 : memref<128x32xf32, #tpu.memory_space<vmem>>[vector<16xi32>, vector<16xi32>], vector<16xf32>,
      %mul3A_1058 = arith.mulf %exp3A_1055, %unpack3A_1028 : vector<16xf32>
      tpu.vector_store_idx %arg16[%add3A_969, %broadcast_in_dim3A_26], %mul3A_1058 : memref<128x32xf32, #tpu.memory_space<vmem>>[vector<16xi32>, vector<16xi32>], vector<16xf32>,
      %mul3A_1059 = arith.mulf %exp3A_1055, %unpack3A_1029 : vector<16xf32>
      tpu.vector_store_idx %arg16[%add3A_969, %broadcast_in_dim3A_28], %mul3A_1059 : memref<128x32xf32, #tpu.memory_space<vmem>>[vector<16xi32>, vector<16xi32>], vector<16xf32>,
      %mul3A_1060 = arith.mulf %exp3A_1055, %bitcast3A_1030 : vector<16xf32>
      tpu.vector_store_idx %arg16[%add3A_969, %broadcast_in_dim3A_30], %mul3A_1060 : memref<128x32xf32, #tpu.memory_space<vmem>>[vector<16xi32>, vector<16xi32>], vector<16xf32>,
      %add3A_1061 = arith.addf %gather3A_1007, %unpack3A_1017 : vector<16xf32>
      %gt3A_1062 = arith.constant 0.000000e+00 : f32
      %gt3A_1063 = vector.broadcast %gt3A_1062 : f32 to vector<16xf32>
      %gt3A_1064 = arith.cmpf ogt, %add3A_1061, %gt3A_1063 : vector<16xf32>
      %mul3A_1065 = arith.constant 2.000000e-01 : f32
      %mul3A_1066 = vector.broadcast %mul3A_1065 : f32 to vector<16xf32>
      %mul3A_1067 = arith.mulf %mul3A_1066, %add3A_1061 : vector<16xf32>
      %select_n3A_1068 = arith.select %gt3A_1064, %add3A_1061, %mul3A_1067 : vector<16xi1>, vector<16xf32>
      %sub3A_1069 = arith.subf %select_n3A_1068, %get3A_9 : vector<16xf32>
      %exp3A_1070 = math.exp %sub3A_1069 : vector<16xf32>
      tpu.vector_store_idx %arg16[%add3A_969, %broadcast_in_dim3A_56], %exp3A_1070 : memref<128x32xf32, #tpu.memory_space<vmem>>[vector<16xi32>, vector<16xi32>], vector<16xf32>,
      %mul3A_1071 = arith.mulf %exp3A_1070, %unpack3A_1025 : vector<16xf32>
      tpu.vector_store_idx %arg16[%add3A_969, %broadcast_in_dim3A_32], %mul3A_1071 : memref<128x32xf32, #tpu.memory_space<vmem>>[vector<16xi32>, vector<16xi32>], vector<16xf32>,
      %mul3A_1072 = arith.mulf %exp3A_1070, %unpack3A_1026 : vector<16xf32>
      tpu.vector_store_idx %arg16[%add3A_969, %broadcast_in_dim3A_34], %mul3A_1072 : memref<128x32xf32, #tpu.memory_space<vmem>>[vector<16xi32>, vector<16xi32>], vector<16xf32>,
      %mul3A_1073 = arith.mulf %exp3A_1070, %unpack3A_1028 : vector<16xf32>
      tpu.vector_store_idx %arg16[%add3A_969, %broadcast_in_dim3A_36], %mul3A_1073 : memref<128x32xf32, #tpu.memory_space<vmem>>[vector<16xi32>, vector<16xi32>], vector<16xf32>,
      %mul3A_1074 = arith.mulf %exp3A_1070, %unpack3A_1029 : vector<16xf32>
      tpu.vector_store_idx %arg16[%add3A_969, %broadcast_in_dim3A_38], %mul3A_1074 : memref<128x32xf32, #tpu.memory_space<vmem>>[vector<16xi32>, vector<16xi32>], vector<16xf32>,
      %mul3A_1075 = arith.mulf %exp3A_1070, %bitcast3A_1030 : vector<16xf32>
      tpu.vector_store_idx %arg16[%add3A_969, %broadcast_in_dim3A_40], %mul3A_1075 : memref<128x32xf32, #tpu.memory_space<vmem>>[vector<16xi32>, vector<16xi32>], vector<16xf32>,
      %add3A_1076 = arith.addf %gather3A_1009, %unpack3A_1018 : vector<16xf32>
      %gt3A_1077 = arith.constant 0.000000e+00 : f32
      %gt3A_1078 = vector.broadcast %gt3A_1077 : f32 to vector<16xf32>
      %gt3A_1079 = arith.cmpf ogt, %add3A_1076, %gt3A_1078 : vector<16xf32>
      %mul3A_1080 = arith.constant 2.000000e-01 : f32
      %mul3A_1081 = vector.broadcast %mul3A_1080 : f32 to vector<16xf32>
      %mul3A_1082 = arith.mulf %mul3A_1081, %add3A_1076 : vector<16xf32>
      %select_n3A_1083 = arith.select %gt3A_1079, %add3A_1076, %mul3A_1082 : vector<16xi1>, vector<16xf32>
      %sub3A_1084 = arith.subf %select_n3A_1083, %get3A_11 : vector<16xf32>
      %exp3A_1085 = math.exp %sub3A_1084 : vector<16xf32>
      tpu.vector_store_idx %arg16[%add3A_969, %broadcast_in_dim3A_58], %exp3A_1085 : memref<128x32xf32, #tpu.memory_space<vmem>>[vector<16xi32>, vector<16xi32>], vector<16xf32>,
      %mul3A_1086 = arith.mulf %exp3A_1085, %unpack3A_1025 : vector<16xf32>
      tpu.vector_store_idx %arg16[%add3A_969, %broadcast_in_dim3A_42], %mul3A_1086 : memref<128x32xf32, #tpu.memory_space<vmem>>[vector<16xi32>, vector<16xi32>], vector<16xf32>,
      %mul3A_1087 = arith.mulf %exp3A_1085, %unpack3A_1026 : vector<16xf32>
      tpu.vector_store_idx %arg16[%add3A_969, %broadcast_in_dim3A_44], %mul3A_1087 : memref<128x32xf32, #tpu.memory_space<vmem>>[vector<16xi32>, vector<16xi32>], vector<16xf32>,
      %mul3A_1088 = arith.mulf %exp3A_1085, %unpack3A_1028 : vector<16xf32>
      tpu.vector_store_idx %arg16[%add3A_969, %broadcast_in_dim3A_46], %mul3A_1088 : memref<128x32xf32, #tpu.memory_space<vmem>>[vector<16xi32>, vector<16xi32>], vector<16xf32>,
      %mul3A_1089 = arith.mulf %exp3A_1085, %unpack3A_1029 : vector<16xf32>
      tpu.vector_store_idx %arg16[%add3A_969, %broadcast_in_dim3A_48], %mul3A_1089 : memref<128x32xf32, #tpu.memory_space<vmem>>[vector<16xi32>, vector<16xi32>], vector<16xf32>,
      %mul3A_1090 = arith.mulf %exp3A_1085, %bitcast3A_1030 : vector<16xf32>
      tpu.vector_store_idx %arg16[%add3A_969, %broadcast_in_dim3A_50], %mul3A_1090 : memref<128x32xf32, #tpu.memory_space<vmem>>[vector<16xi32>, vector<16xi32>], vector<16xf32>,
      %add3A_1091 = arith.constant 96 : i32
      %add3A_1092 = vector.broadcast %add3A_1091 : i32 to vector<16xi32>
      %add3A_1093 = arith.addi %iota3A, %add3A_1092 : vector<16xi32>
      %get3A_1094 = arith.constant 0 : i32
      %get3A_1095 = arith.index_cast %get3A_1094 : i32 to index
      %get3A_1096 = arith.constant 96 : index
      %get3A_1097 = tpu.vector_load %arg12[%get3A_1095, %get3A_1096] {strides = array<i32>} : memref<2x128xi32, #tpu.memory_space<vmem>>, vector<16xi32>,
      %get3A_1098 = arith.constant 1 : i32
      %get3A_1099 = arith.index_cast %get3A_1098 : i32 to index
      %get3A_1100 = arith.constant 96 : index
      %get3A_1101 = tpu.vector_load %arg12[%get3A_1099, %get3A_1100] {strides = array<i32>} : memref<2x128xi32, #tpu.memory_space<vmem>>, vector<16xi32>,
      %mul3A_1102 = arith.constant 52429 : i32
      %mul3A_1103 = vector.broadcast %mul3A_1102 : i32 to vector<16xi32>
      %mul3A_1104 = arith.muli %get3A_1101, %mul3A_1103 : vector<16xi32>
      %shift_right_logical3A_1105 = arith.constant 19 : i32
      %shift_right_logical3A_1106 = vector.broadcast %shift_right_logical3A_1105 : i32 to vector<16xi32>
      %shift_right_logical3A_1107 = arith.shrui %mul3A_1104, %shift_right_logical3A_1106 : vector<16xi32>
      %mul3A_1108 = arith.constant 10 : i32
      %mul3A_1109 = vector.broadcast %mul3A_1108 : i32 to vector<16xi32>
      %mul3A_1110 = arith.muli %shift_right_logical3A_1107, %mul3A_1109 : vector<16xi32>
      %sub3A_1111 = arith.subi %get3A_1101, %mul3A_1110 : vector<16xi32>
      %lt3A_1112 = arith.constant 5 : i32
      %lt3A_1113 = vector.broadcast %lt3A_1112 : i32 to vector<16xi32>
      %lt3A_1114 = arith.cmpi slt, %sub3A_1111, %lt3A_1113 : vector<16xi32>
      %mul3A_1115 = arith.constant 5 : i32
      %mul3A_1116 = vector.broadcast %mul3A_1115 : i32 to vector<16xi32>
      %mul3A_1117 = arith.muli %shift_right_logical3A_1107, %mul3A_1116 : vector<16xi32>
      %add3A_1118 = arith.addi %mul3A_1117, %sub3A_1111 : vector<16xi32>
      %broadcast_in_dim3A_1119 = arith.constant 5000 : i32
      %broadcast_in_dim3A_1120 = vector.broadcast %broadcast_in_dim3A_1119 : i32 to vector<16xi32>
      %select_n3A_1121 = arith.select %lt3A_1114, %add3A_1118, %broadcast_in_dim3A_1120 : vector<16xi1>, vector<16xi32>
      %swap3A_1122 = arith.constant 0 : i32
      %swap3A_1123 = arith.index_cast %swap3A_1122 : i32 to index
      %swap3A_1124 = arith.constant 96 : index
      %swap3A_1125 = tpu.vector_load %arg14[%swap3A_1123, %swap3A_1124] {strides = array<i32>} : memref<1x128xi32, #tpu.memory_space<vmem>>, vector<16xi32>,
      tpu.vector_store %arg14[%swap3A_1123, %swap3A_1124], %select_n3A_1121 {strides = array<i32>} : memref<1x128xi32, #tpu.memory_space<vmem>>, vector<16xi32>,
      %add3A_1126 = arith.addi %get3A_1097, %broadcast_in_dim3A_76 : vector<16xi32>
      %gather3A_1127 = tpu.vector_load_idx %arg9[%add3A_1126] : memref<40032xf32, #tpu.memory_space<vmem>>[vector<16xi32>], vector<16xf32>,
      %add3A_1128 = arith.addi %get3A_1097, %broadcast_in_dim3A_78 : vector<16xi32>
      %gather3A_1129 = tpu.vector_load_idx %arg9[%add3A_1128] : memref<40032xf32, #tpu.memory_space<vmem>>[vector<16xi32>], vector<16xf32>,
      %add3A_1130 = arith.addi %get3A_1097, %broadcast_in_dim3A_80 : vector<16xi32>
      %gather3A_1131 = tpu.vector_load_idx %arg9[%add3A_1130] : memref<40032xf32, #tpu.memory_space<vmem>>[vector<16xi32>], vector<16xf32>,
      %add3A_1132 = arith.addi %get3A_1097, %broadcast_in_dim3A_82 : vector<16xi32>
      %gather3A_1133 = tpu.vector_load_idx %arg9[%add3A_1132] : memref<40032xf32, #tpu.memory_space<vmem>>[vector<16xi32>], vector<16xf32>,
      %gather3A_1134 = tpu.vector_load_idx %arg10[%get3A_1101] : memref<20016xi32, #tpu.memory_space<vmem>>[vector<16xi32>], vector<16xi32>,
      %add3A_1135 = arith.addi %get3A_1101, %broadcast_in_dim3A_78 : vector<16xi32>
      %gather3A_1136 = tpu.vector_load_idx %arg10[%add3A_1135] : memref<20016xi32, #tpu.memory_space<vmem>>[vector<16xi32>], vector<16xi32>,
      %bitcast3A_1137 = vector.bitcast %gather3A_1134 : vector<16xi32> to vector<32xbf16>
      %unpack3A_1138 = tpu.unpack_subelements %bitcast3A_1137, 0 {pack_format = #tpu.pack_format<interleaved>} : vector<32xbf16> -> vector<16xf32>
      %unpack3A_1139 = tpu.unpack_subelements %bitcast3A_1137, 1 {pack_format = #tpu.pack_format<interleaved>} : vector<32xbf16> -> vector<16xf32>
      %bitcast3A_1140 = vector.bitcast %gather3A_1136 : vector<16xi32> to vector<32xbf16>
      %unpack3A_1141 = tpu.unpack_subelements %bitcast3A_1140, 0 {pack_format = #tpu.pack_format<interleaved>} : vector<32xbf16> -> vector<16xf32>
      %unpack3A_1142 = tpu.unpack_subelements %bitcast3A_1140, 1 {pack_format = #tpu.pack_format<interleaved>} : vector<32xbf16> -> vector<16xf32>
      %gather3A_1143 = tpu.vector_load_idx %arg11[%get3A_1097] : memref<30024xi32, #tpu.memory_space<vmem>>[vector<16xi32>], vector<16xi32>,
      %add3A_1144 = arith.addi %get3A_1097, %broadcast_in_dim3A_78 : vector<16xi32>
      %gather3A_1145 = tpu.vector_load_idx %arg11[%add3A_1144] : memref<30024xi32, #tpu.memory_space<vmem>>[vector<16xi32>], vector<16xi32>,
      %add3A_1146 = arith.addi %get3A_1097, %broadcast_in_dim3A_80 : vector<16xi32>
      %gather3A_1147 = tpu.vector_load_idx %arg11[%add3A_1146] : memref<30024xi32, #tpu.memory_space<vmem>>[vector<16xi32>], vector<16xi32>,
      %bitcast3A_1148 = vector.bitcast %gather3A_1143 : vector<16xi32> to vector<32xbf16>
      %unpack3A_1149 = tpu.unpack_subelements %bitcast3A_1148, 0 {pack_format = #tpu.pack_format<interleaved>} : vector<32xbf16> -> vector<16xf32>
      %unpack3A_1150 = tpu.unpack_subelements %bitcast3A_1148, 1 {pack_format = #tpu.pack_format<interleaved>} : vector<32xbf16> -> vector<16xf32>
      %bitcast3A_1151 = vector.bitcast %gather3A_1145 : vector<16xi32> to vector<32xbf16>
      %unpack3A_1152 = tpu.unpack_subelements %bitcast3A_1151, 0 {pack_format = #tpu.pack_format<interleaved>} : vector<32xbf16> -> vector<16xf32>
      %unpack3A_1153 = tpu.unpack_subelements %bitcast3A_1151, 1 {pack_format = #tpu.pack_format<interleaved>} : vector<32xbf16> -> vector<16xf32>
      %bitcast3A_1154 = vector.bitcast %gather3A_1147 : vector<16xi32> to vector<16xf32>
      %add3A_1155 = arith.addf %gather3A_1127, %unpack3A_1138 : vector<16xf32>
      %gt3A_1156 = arith.constant 0.000000e+00 : f32
      %gt3A_1157 = vector.broadcast %gt3A_1156 : f32 to vector<16xf32>
      %gt3A_1158 = arith.cmpf ogt, %add3A_1155, %gt3A_1157 : vector<16xf32>
      %mul3A_1159 = arith.constant 2.000000e-01 : f32
      %mul3A_1160 = vector.broadcast %mul3A_1159 : f32 to vector<16xf32>
      %mul3A_1161 = arith.mulf %mul3A_1160, %add3A_1155 : vector<16xf32>
      %select_n3A_1162 = arith.select %gt3A_1158, %add3A_1155, %mul3A_1161 : vector<16xi1>, vector<16xf32>
      %sub3A_1163 = arith.subf %select_n3A_1162, %get3A_5 : vector<16xf32>
      %exp3A_1164 = math.exp %sub3A_1163 : vector<16xf32>
      tpu.vector_store_idx %arg16[%add3A_1093, %broadcast_in_dim3A_52], %exp3A_1164 : memref<128x32xf32, #tpu.memory_space<vmem>>[vector<16xi32>, vector<16xi32>], vector<16xf32>,
      %mul3A_1165 = arith.mulf %exp3A_1164, %unpack3A_1149 : vector<16xf32>
      tpu.vector_store_idx %arg16[%add3A_1093, %broadcast_in_dim3A_12], %mul3A_1165 : memref<128x32xf32, #tpu.memory_space<vmem>>[vector<16xi32>, vector<16xi32>], vector<16xf32>,
      %mul3A_1166 = arith.mulf %exp3A_1164, %unpack3A_1150 : vector<16xf32>
      tpu.vector_store_idx %arg16[%add3A_1093, %broadcast_in_dim3A_14], %mul3A_1166 : memref<128x32xf32, #tpu.memory_space<vmem>>[vector<16xi32>, vector<16xi32>], vector<16xf32>,
      %mul3A_1167 = arith.mulf %exp3A_1164, %unpack3A_1152 : vector<16xf32>
      tpu.vector_store_idx %arg16[%add3A_1093, %broadcast_in_dim3A_16], %mul3A_1167 : memref<128x32xf32, #tpu.memory_space<vmem>>[vector<16xi32>, vector<16xi32>], vector<16xf32>,
      %mul3A_1168 = arith.mulf %exp3A_1164, %unpack3A_1153 : vector<16xf32>
      tpu.vector_store_idx %arg16[%add3A_1093, %broadcast_in_dim3A_18], %mul3A_1168 : memref<128x32xf32, #tpu.memory_space<vmem>>[vector<16xi32>, vector<16xi32>], vector<16xf32>,
      %mul3A_1169 = arith.mulf %exp3A_1164, %bitcast3A_1154 : vector<16xf32>
      tpu.vector_store_idx %arg16[%add3A_1093, %broadcast_in_dim3A_20], %mul3A_1169 : memref<128x32xf32, #tpu.memory_space<vmem>>[vector<16xi32>, vector<16xi32>], vector<16xf32>,
      %add3A_1170 = arith.addf %gather3A_1129, %unpack3A_1139 : vector<16xf32>
      %gt3A_1171 = arith.constant 0.000000e+00 : f32
      %gt3A_1172 = vector.broadcast %gt3A_1171 : f32 to vector<16xf32>
      %gt3A_1173 = arith.cmpf ogt, %add3A_1170, %gt3A_1172 : vector<16xf32>
      %mul3A_1174 = arith.constant 2.000000e-01 : f32
      %mul3A_1175 = vector.broadcast %mul3A_1174 : f32 to vector<16xf32>
      %mul3A_1176 = arith.mulf %mul3A_1175, %add3A_1170 : vector<16xf32>
      %select_n3A_1177 = arith.select %gt3A_1173, %add3A_1170, %mul3A_1176 : vector<16xi1>, vector<16xf32>
      %sub3A_1178 = arith.subf %select_n3A_1177, %get3A_7 : vector<16xf32>
      %exp3A_1179 = math.exp %sub3A_1178 : vector<16xf32>
      tpu.vector_store_idx %arg16[%add3A_1093, %broadcast_in_dim3A_54], %exp3A_1179 : memref<128x32xf32, #tpu.memory_space<vmem>>[vector<16xi32>, vector<16xi32>], vector<16xf32>,
      %mul3A_1180 = arith.mulf %exp3A_1179, %unpack3A_1149 : vector<16xf32>
      tpu.vector_store_idx %arg16[%add3A_1093, %broadcast_in_dim3A_22], %mul3A_1180 : memref<128x32xf32, #tpu.memory_space<vmem>>[vector<16xi32>, vector<16xi32>], vector<16xf32>,
      %mul3A_1181 = arith.mulf %exp3A_1179, %unpack3A_1150 : vector<16xf32>
      tpu.vector_store_idx %arg16[%add3A_1093, %broadcast_in_dim3A_24], %mul3A_1181 : memref<128x32xf32, #tpu.memory_space<vmem>>[vector<16xi32>, vector<16xi32>], vector<16xf32>,
      %mul3A_1182 = arith.mulf %exp3A_1179, %unpack3A_1152 : vector<16xf32>
      tpu.vector_store_idx %arg16[%add3A_1093, %broadcast_in_dim3A_26], %mul3A_1182 : memref<128x32xf32, #tpu.memory_space<vmem>>[vector<16xi32>, vector<16xi32>], vector<16xf32>,
      %mul3A_1183 = arith.mulf %exp3A_1179, %unpack3A_1153 : vector<16xf32>
      tpu.vector_store_idx %arg16[%add3A_1093, %broadcast_in_dim3A_28], %mul3A_1183 : memref<128x32xf32, #tpu.memory_space<vmem>>[vector<16xi32>, vector<16xi32>], vector<16xf32>,
      %mul3A_1184 = arith.mulf %exp3A_1179, %bitcast3A_1154 : vector<16xf32>
      tpu.vector_store_idx %arg16[%add3A_1093, %broadcast_in_dim3A_30], %mul3A_1184 : memref<128x32xf32, #tpu.memory_space<vmem>>[vector<16xi32>, vector<16xi32>], vector<16xf32>,
      %add3A_1185 = arith.addf %gather3A_1131, %unpack3A_1141 : vector<16xf32>
      %gt3A_1186 = arith.constant 0.000000e+00 : f32
      %gt3A_1187 = vector.broadcast %gt3A_1186 : f32 to vector<16xf32>
      %gt3A_1188 = arith.cmpf ogt, %add3A_1185, %gt3A_1187 : vector<16xf32>
      %mul3A_1189 = arith.constant 2.000000e-01 : f32
      %mul3A_1190 = vector.broadcast %mul3A_1189 : f32 to vector<16xf32>
      %mul3A_1191 = arith.mulf %mul3A_1190, %add3A_1185 : vector<16xf32>
      %select_n3A_1192 = arith.select %gt3A_1188, %add3A_1185, %mul3A_1191 : vector<16xi1>, vector<16xf32>
      %sub3A_1193 = arith.subf %select_n3A_1192, %get3A_9 : vector<16xf32>
      %exp3A_1194 = math.exp %sub3A_1193 : vector<16xf32>
      tpu.vector_store_idx %arg16[%add3A_1093, %broadcast_in_dim3A_56], %exp3A_1194 : memref<128x32xf32, #tpu.memory_space<vmem>>[vector<16xi32>, vector<16xi32>], vector<16xf32>,
      %mul3A_1195 = arith.mulf %exp3A_1194, %unpack3A_1149 : vector<16xf32>
      tpu.vector_store_idx %arg16[%add3A_1093, %broadcast_in_dim3A_32], %mul3A_1195 : memref<128x32xf32, #tpu.memory_space<vmem>>[vector<16xi32>, vector<16xi32>], vector<16xf32>,
      %mul3A_1196 = arith.mulf %exp3A_1194, %unpack3A_1150 : vector<16xf32>
      tpu.vector_store_idx %arg16[%add3A_1093, %broadcast_in_dim3A_34], %mul3A_1196 : memref<128x32xf32, #tpu.memory_space<vmem>>[vector<16xi32>, vector<16xi32>], vector<16xf32>,
      %mul3A_1197 = arith.mulf %exp3A_1194, %unpack3A_1152 : vector<16xf32>
      tpu.vector_store_idx %arg16[%add3A_1093, %broadcast_in_dim3A_36], %mul3A_1197 : memref<128x32xf32, #tpu.memory_space<vmem>>[vector<16xi32>, vector<16xi32>], vector<16xf32>,
      %mul3A_1198 = arith.mulf %exp3A_1194, %unpack3A_1153 : vector<16xf32>
      tpu.vector_store_idx %arg16[%add3A_1093, %broadcast_in_dim3A_38], %mul3A_1198 : memref<128x32xf32, #tpu.memory_space<vmem>>[vector<16xi32>, vector<16xi32>], vector<16xf32>,
      %mul3A_1199 = arith.mulf %exp3A_1194, %bitcast3A_1154 : vector<16xf32>
      tpu.vector_store_idx %arg16[%add3A_1093, %broadcast_in_dim3A_40], %mul3A_1199 : memref<128x32xf32, #tpu.memory_space<vmem>>[vector<16xi32>, vector<16xi32>], vector<16xf32>,
      %add3A_1200 = arith.addf %gather3A_1133, %unpack3A_1142 : vector<16xf32>
      %gt3A_1201 = arith.constant 0.000000e+00 : f32
      %gt3A_1202 = vector.broadcast %gt3A_1201 : f32 to vector<16xf32>
      %gt3A_1203 = arith.cmpf ogt, %add3A_1200, %gt3A_1202 : vector<16xf32>
      %mul3A_1204 = arith.constant 2.000000e-01 : f32
      %mul3A_1205 = vector.broadcast %mul3A_1204 : f32 to vector<16xf32>
      %mul3A_1206 = arith.mulf %mul3A_1205, %add3A_1200 : vector<16xf32>
      %select_n3A_1207 = arith.select %gt3A_1203, %add3A_1200, %mul3A_1206 : vector<16xi1>, vector<16xf32>
      %sub3A_1208 = arith.subf %select_n3A_1207, %get3A_11 : vector<16xf32>
      %exp3A_1209 = math.exp %sub3A_1208 : vector<16xf32>
      tpu.vector_store_idx %arg16[%add3A_1093, %broadcast_in_dim3A_58], %exp3A_1209 : memref<128x32xf32, #tpu.memory_space<vmem>>[vector<16xi32>, vector<16xi32>], vector<16xf32>,
      %mul3A_1210 = arith.mulf %exp3A_1209, %unpack3A_1149 : vector<16xf32>
      tpu.vector_store_idx %arg16[%add3A_1093, %broadcast_in_dim3A_42], %mul3A_1210 : memref<128x32xf32, #tpu.memory_space<vmem>>[vector<16xi32>, vector<16xi32>], vector<16xf32>,
      %mul3A_1211 = arith.mulf %exp3A_1209, %unpack3A_1150 : vector<16xf32>
      tpu.vector_store_idx %arg16[%add3A_1093, %broadcast_in_dim3A_44], %mul3A_1211 : memref<128x32xf32, #tpu.memory_space<vmem>>[vector<16xi32>, vector<16xi32>], vector<16xf32>,
      %mul3A_1212 = arith.mulf %exp3A_1209, %unpack3A_1152 : vector<16xf32>
      tpu.vector_store_idx %arg16[%add3A_1093, %broadcast_in_dim3A_46], %mul3A_1212 : memref<128x32xf32, #tpu.memory_space<vmem>>[vector<16xi32>, vector<16xi32>], vector<16xf32>,
      %mul3A_1213 = arith.mulf %exp3A_1209, %unpack3A_1153 : vector<16xf32>
      tpu.vector_store_idx %arg16[%add3A_1093, %broadcast_in_dim3A_48], %mul3A_1213 : memref<128x32xf32, #tpu.memory_space<vmem>>[vector<16xi32>, vector<16xi32>], vector<16xf32>,
      %mul3A_1214 = arith.mulf %exp3A_1209, %bitcast3A_1154 : vector<16xf32>
      tpu.vector_store_idx %arg16[%add3A_1093, %broadcast_in_dim3A_50], %mul3A_1214 : memref<128x32xf32, #tpu.memory_space<vmem>>[vector<16xi32>, vector<16xi32>], vector<16xf32>,
      %add3A_1215 = arith.constant 112 : i32
      %add3A_1216 = vector.broadcast %add3A_1215 : i32 to vector<16xi32>
      %add3A_1217 = arith.addi %iota3A, %add3A_1216 : vector<16xi32>
      %get3A_1218 = arith.constant 0 : i32
      %get3A_1219 = arith.index_cast %get3A_1218 : i32 to index
      %get3A_1220 = arith.constant 112 : index
      %get3A_1221 = tpu.vector_load %arg12[%get3A_1219, %get3A_1220] {strides = array<i32>} : memref<2x128xi32, #tpu.memory_space<vmem>>, vector<16xi32>,
      %get3A_1222 = arith.constant 1 : i32
      %get3A_1223 = arith.index_cast %get3A_1222 : i32 to index
      %get3A_1224 = arith.constant 112 : index
      %get3A_1225 = tpu.vector_load %arg12[%get3A_1223, %get3A_1224] {strides = array<i32>} : memref<2x128xi32, #tpu.memory_space<vmem>>, vector<16xi32>,
      %mul3A_1226 = arith.constant 52429 : i32
      %mul3A_1227 = vector.broadcast %mul3A_1226 : i32 to vector<16xi32>
      %mul3A_1228 = arith.muli %get3A_1225, %mul3A_1227 : vector<16xi32>
      %shift_right_logical3A_1229 = arith.constant 19 : i32
      %shift_right_logical3A_1230 = vector.broadcast %shift_right_logical3A_1229 : i32 to vector<16xi32>
      %shift_right_logical3A_1231 = arith.shrui %mul3A_1228, %shift_right_logical3A_1230 : vector<16xi32>
      %mul3A_1232 = arith.constant 10 : i32
      %mul3A_1233 = vector.broadcast %mul3A_1232 : i32 to vector<16xi32>
      %mul3A_1234 = arith.muli %shift_right_logical3A_1231, %mul3A_1233 : vector<16xi32>
      %sub3A_1235 = arith.subi %get3A_1225, %mul3A_1234 : vector<16xi32>
      %lt3A_1236 = arith.constant 5 : i32
      %lt3A_1237 = vector.broadcast %lt3A_1236 : i32 to vector<16xi32>
      %lt3A_1238 = arith.cmpi slt, %sub3A_1235, %lt3A_1237 : vector<16xi32>
      %mul3A_1239 = arith.constant 5 : i32
      %mul3A_1240 = vector.broadcast %mul3A_1239 : i32 to vector<16xi32>
      %mul3A_1241 = arith.muli %shift_right_logical3A_1231, %mul3A_1240 : vector<16xi32>
      %add3A_1242 = arith.addi %mul3A_1241, %sub3A_1235 : vector<16xi32>
      %broadcast_in_dim3A_1243 = arith.constant 5000 : i32
      %broadcast_in_dim3A_1244 = vector.broadcast %broadcast_in_dim3A_1243 : i32 to vector<16xi32>
      %select_n3A_1245 = arith.select %lt3A_1238, %add3A_1242, %broadcast_in_dim3A_1244 : vector<16xi1>, vector<16xi32>
      %swap3A_1246 = arith.constant 0 : i32
      %swap3A_1247 = arith.index_cast %swap3A_1246 : i32 to index
      %swap3A_1248 = arith.constant 112 : index
      %swap3A_1249 = tpu.vector_load %arg14[%swap3A_1247, %swap3A_1248] {strides = array<i32>} : memref<1x128xi32, #tpu.memory_space<vmem>>, vector<16xi32>,
      tpu.vector_store %arg14[%swap3A_1247, %swap3A_1248], %select_n3A_1245 {strides = array<i32>} : memref<1x128xi32, #tpu.memory_space<vmem>>, vector<16xi32>,
      %add3A_1250 = arith.addi %get3A_1221, %broadcast_in_dim3A_76 : vector<16xi32>
      %gather3A_1251 = tpu.vector_load_idx %arg9[%add3A_1250] : memref<40032xf32, #tpu.memory_space<vmem>>[vector<16xi32>], vector<16xf32>,
      %add3A_1252 = arith.addi %get3A_1221, %broadcast_in_dim3A_78 : vector<16xi32>
      %gather3A_1253 = tpu.vector_load_idx %arg9[%add3A_1252] : memref<40032xf32, #tpu.memory_space<vmem>>[vector<16xi32>], vector<16xf32>,
      %add3A_1254 = arith.addi %get3A_1221, %broadcast_in_dim3A_80 : vector<16xi32>
      %gather3A_1255 = tpu.vector_load_idx %arg9[%add3A_1254] : memref<40032xf32, #tpu.memory_space<vmem>>[vector<16xi32>], vector<16xf32>,
      %add3A_1256 = arith.addi %get3A_1221, %broadcast_in_dim3A_82 : vector<16xi32>
      %gather3A_1257 = tpu.vector_load_idx %arg9[%add3A_1256] : memref<40032xf32, #tpu.memory_space<vmem>>[vector<16xi32>], vector<16xf32>,
      %gather3A_1258 = tpu.vector_load_idx %arg10[%get3A_1225] : memref<20016xi32, #tpu.memory_space<vmem>>[vector<16xi32>], vector<16xi32>,
      %add3A_1259 = arith.addi %get3A_1225, %broadcast_in_dim3A_78 : vector<16xi32>
      %gather3A_1260 = tpu.vector_load_idx %arg10[%add3A_1259] : memref<20016xi32, #tpu.memory_space<vmem>>[vector<16xi32>], vector<16xi32>,
      %bitcast3A_1261 = vector.bitcast %gather3A_1258 : vector<16xi32> to vector<32xbf16>
      %unpack3A_1262 = tpu.unpack_subelements %bitcast3A_1261, 0 {pack_format = #tpu.pack_format<interleaved>} : vector<32xbf16> -> vector<16xf32>
      %unpack3A_1263 = tpu.unpack_subelements %bitcast3A_1261, 1 {pack_format = #tpu.pack_format<interleaved>} : vector<32xbf16> -> vector<16xf32>
      %bitcast3A_1264 = vector.bitcast %gather3A_1260 : vector<16xi32> to vector<32xbf16>
      %unpack3A_1265 = tpu.unpack_subelements %bitcast3A_1264, 0 {pack_format = #tpu.pack_format<interleaved>} : vector<32xbf16> -> vector<16xf32>
      %unpack3A_1266 = tpu.unpack_subelements %bitcast3A_1264, 1 {pack_format = #tpu.pack_format<interleaved>} : vector<32xbf16> -> vector<16xf32>
      %gather3A_1267 = tpu.vector_load_idx %arg11[%get3A_1221] : memref<30024xi32, #tpu.memory_space<vmem>>[vector<16xi32>], vector<16xi32>,
      %add3A_1268 = arith.addi %get3A_1221, %broadcast_in_dim3A_78 : vector<16xi32>
      %gather3A_1269 = tpu.vector_load_idx %arg11[%add3A_1268] : memref<30024xi32, #tpu.memory_space<vmem>>[vector<16xi32>], vector<16xi32>,
      %add3A_1270 = arith.addi %get3A_1221, %broadcast_in_dim3A_80 : vector<16xi32>
      %gather3A_1271 = tpu.vector_load_idx %arg11[%add3A_1270] : memref<30024xi32, #tpu.memory_space<vmem>>[vector<16xi32>], vector<16xi32>,
      %bitcast3A_1272 = vector.bitcast %gather3A_1267 : vector<16xi32> to vector<32xbf16>
      %unpack3A_1273 = tpu.unpack_subelements %bitcast3A_1272, 0 {pack_format = #tpu.pack_format<interleaved>} : vector<32xbf16> -> vector<16xf32>
      %unpack3A_1274 = tpu.unpack_subelements %bitcast3A_1272, 1 {pack_format = #tpu.pack_format<interleaved>} : vector<32xbf16> -> vector<16xf32>
      %bitcast3A_1275 = vector.bitcast %gather3A_1269 : vector<16xi32> to vector<32xbf16>
      %unpack3A_1276 = tpu.unpack_subelements %bitcast3A_1275, 0 {pack_format = #tpu.pack_format<interleaved>} : vector<32xbf16> -> vector<16xf32>
      %unpack3A_1277 = tpu.unpack_subelements %bitcast3A_1275, 1 {pack_format = #tpu.pack_format<interleaved>} : vector<32xbf16> -> vector<16xf32>
      %bitcast3A_1278 = vector.bitcast %gather3A_1271 : vector<16xi32> to vector<16xf32>
      %add3A_1279 = arith.addf %gather3A_1251, %unpack3A_1262 : vector<16xf32>
      %gt3A_1280 = arith.constant 0.000000e+00 : f32
      %gt3A_1281 = vector.broadcast %gt3A_1280 : f32 to vector<16xf32>
      %gt3A_1282 = arith.cmpf ogt, %add3A_1279, %gt3A_1281 : vector<16xf32>
      %mul3A_1283 = arith.constant 2.000000e-01 : f32
      %mul3A_1284 = vector.broadcast %mul3A_1283 : f32 to vector<16xf32>
      %mul3A_1285 = arith.mulf %mul3A_1284, %add3A_1279 : vector<16xf32>
      %select_n3A_1286 = arith.select %gt3A_1282, %add3A_1279, %mul3A_1285 : vector<16xi1>, vector<16xf32>
      %sub3A_1287 = arith.subf %select_n3A_1286, %get3A_5 : vector<16xf32>
      %exp3A_1288 = math.exp %sub3A_1287 : vector<16xf32>
      tpu.vector_store_idx %arg16[%add3A_1217, %broadcast_in_dim3A_52], %exp3A_1288 : memref<128x32xf32, #tpu.memory_space<vmem>>[vector<16xi32>, vector<16xi32>], vector<16xf32>,
      %mul3A_1289 = arith.mulf %exp3A_1288, %unpack3A_1273 : vector<16xf32>
      tpu.vector_store_idx %arg16[%add3A_1217, %broadcast_in_dim3A_12], %mul3A_1289 : memref<128x32xf32, #tpu.memory_space<vmem>>[vector<16xi32>, vector<16xi32>], vector<16xf32>,
      %mul3A_1290 = arith.mulf %exp3A_1288, %unpack3A_1274 : vector<16xf32>
      tpu.vector_store_idx %arg16[%add3A_1217, %broadcast_in_dim3A_14], %mul3A_1290 : memref<128x32xf32, #tpu.memory_space<vmem>>[vector<16xi32>, vector<16xi32>], vector<16xf32>,
      %mul3A_1291 = arith.mulf %exp3A_1288, %unpack3A_1276 : vector<16xf32>
      tpu.vector_store_idx %arg16[%add3A_1217, %broadcast_in_dim3A_16], %mul3A_1291 : memref<128x32xf32, #tpu.memory_space<vmem>>[vector<16xi32>, vector<16xi32>], vector<16xf32>,
      %mul3A_1292 = arith.mulf %exp3A_1288, %unpack3A_1277 : vector<16xf32>
      tpu.vector_store_idx %arg16[%add3A_1217, %broadcast_in_dim3A_18], %mul3A_1292 : memref<128x32xf32, #tpu.memory_space<vmem>>[vector<16xi32>, vector<16xi32>], vector<16xf32>,
      %mul3A_1293 = arith.mulf %exp3A_1288, %bitcast3A_1278 : vector<16xf32>
      tpu.vector_store_idx %arg16[%add3A_1217, %broadcast_in_dim3A_20], %mul3A_1293 : memref<128x32xf32, #tpu.memory_space<vmem>>[vector<16xi32>, vector<16xi32>], vector<16xf32>,
      %add3A_1294 = arith.addf %gather3A_1253, %unpack3A_1263 : vector<16xf32>
      %gt3A_1295 = arith.constant 0.000000e+00 : f32
      %gt3A_1296 = vector.broadcast %gt3A_1295 : f32 to vector<16xf32>
      %gt3A_1297 = arith.cmpf ogt, %add3A_1294, %gt3A_1296 : vector<16xf32>
      %mul3A_1298 = arith.constant 2.000000e-01 : f32
      %mul3A_1299 = vector.broadcast %mul3A_1298 : f32 to vector<16xf32>
      %mul3A_1300 = arith.mulf %mul3A_1299, %add3A_1294 : vector<16xf32>
      %select_n3A_1301 = arith.select %gt3A_1297, %add3A_1294, %mul3A_1300 : vector<16xi1>, vector<16xf32>
      %sub3A_1302 = arith.subf %select_n3A_1301, %get3A_7 : vector<16xf32>
      %exp3A_1303 = math.exp %sub3A_1302 : vector<16xf32>
      tpu.vector_store_idx %arg16[%add3A_1217, %broadcast_in_dim3A_54], %exp3A_1303 : memref<128x32xf32, #tpu.memory_space<vmem>>[vector<16xi32>, vector<16xi32>], vector<16xf32>,
      %mul3A_1304 = arith.mulf %exp3A_1303, %unpack3A_1273 : vector<16xf32>
      tpu.vector_store_idx %arg16[%add3A_1217, %broadcast_in_dim3A_22], %mul3A_1304 : memref<128x32xf32, #tpu.memory_space<vmem>>[vector<16xi32>, vector<16xi32>], vector<16xf32>,
      %mul3A_1305 = arith.mulf %exp3A_1303, %unpack3A_1274 : vector<16xf32>
      tpu.vector_store_idx %arg16[%add3A_1217, %broadcast_in_dim3A_24], %mul3A_1305 : memref<128x32xf32, #tpu.memory_space<vmem>>[vector<16xi32>, vector<16xi32>], vector<16xf32>,
      %mul3A_1306 = arith.mulf %exp3A_1303, %unpack3A_1276 : vector<16xf32>
      tpu.vector_store_idx %arg16[%add3A_1217, %broadcast_in_dim3A_26], %mul3A_1306 : memref<128x32xf32, #tpu.memory_space<vmem>>[vector<16xi32>, vector<16xi32>], vector<16xf32>,
      %mul3A_1307 = arith.mulf %exp3A_1303, %unpack3A_1277 : vector<16xf32>
      tpu.vector_store_idx %arg16[%add3A_1217, %broadcast_in_dim3A_28], %mul3A_1307 : memref<128x32xf32, #tpu.memory_space<vmem>>[vector<16xi32>, vector<16xi32>], vector<16xf32>,
      %mul3A_1308 = arith.mulf %exp3A_1303, %bitcast3A_1278 : vector<16xf32>
      tpu.vector_store_idx %arg16[%add3A_1217, %broadcast_in_dim3A_30], %mul3A_1308 : memref<128x32xf32, #tpu.memory_space<vmem>>[vector<16xi32>, vector<16xi32>], vector<16xf32>,
      %add3A_1309 = arith.addf %gather3A_1255, %unpack3A_1265 : vector<16xf32>
      %gt3A_1310 = arith.constant 0.000000e+00 : f32
      %gt3A_1311 = vector.broadcast %gt3A_1310 : f32 to vector<16xf32>
      %gt3A_1312 = arith.cmpf ogt, %add3A_1309, %gt3A_1311 : vector<16xf32>
      %mul3A_1313 = arith.constant 2.000000e-01 : f32
      %mul3A_1314 = vector.broadcast %mul3A_1313 : f32 to vector<16xf32>
      %mul3A_1315 = arith.mulf %mul3A_1314, %add3A_1309 : vector<16xf32>
      %select_n3A_1316 = arith.select %gt3A_1312, %add3A_1309, %mul3A_1315 : vector<16xi1>, vector<16xf32>
      %sub3A_1317 = arith.subf %select_n3A_1316, %get3A_9 : vector<16xf32>
      %exp3A_1318 = math.exp %sub3A_1317 : vector<16xf32>
      tpu.vector_store_idx %arg16[%add3A_1217, %broadcast_in_dim3A_56], %exp3A_1318 : memref<128x32xf32, #tpu.memory_space<vmem>>[vector<16xi32>, vector<16xi32>], vector<16xf32>,
      %mul3A_1319 = arith.mulf %exp3A_1318, %unpack3A_1273 : vector<16xf32>
      tpu.vector_store_idx %arg16[%add3A_1217, %broadcast_in_dim3A_32], %mul3A_1319 : memref<128x32xf32, #tpu.memory_space<vmem>>[vector<16xi32>, vector<16xi32>], vector<16xf32>,
      %mul3A_1320 = arith.mulf %exp3A_1318, %unpack3A_1274 : vector<16xf32>
      tpu.vector_store_idx %arg16[%add3A_1217, %broadcast_in_dim3A_34], %mul3A_1320 : memref<128x32xf32, #tpu.memory_space<vmem>>[vector<16xi32>, vector<16xi32>], vector<16xf32>,
      %mul3A_1321 = arith.mulf %exp3A_1318, %unpack3A_1276 : vector<16xf32>
      tpu.vector_store_idx %arg16[%add3A_1217, %broadcast_in_dim3A_36], %mul3A_1321 : memref<128x32xf32, #tpu.memory_space<vmem>>[vector<16xi32>, vector<16xi32>], vector<16xf32>,
      %mul3A_1322 = arith.mulf %exp3A_1318, %unpack3A_1277 : vector<16xf32>
      tpu.vector_store_idx %arg16[%add3A_1217, %broadcast_in_dim3A_38], %mul3A_1322 : memref<128x32xf32, #tpu.memory_space<vmem>>[vector<16xi32>, vector<16xi32>], vector<16xf32>,
      %mul3A_1323 = arith.mulf %exp3A_1318, %bitcast3A_1278 : vector<16xf32>
      tpu.vector_store_idx %arg16[%add3A_1217, %broadcast_in_dim3A_40], %mul3A_1323 : memref<128x32xf32, #tpu.memory_space<vmem>>[vector<16xi32>, vector<16xi32>], vector<16xf32>,
      %add3A_1324 = arith.addf %gather3A_1257, %unpack3A_1266 : vector<16xf32>
      %gt3A_1325 = arith.constant 0.000000e+00 : f32
      %gt3A_1326 = vector.broadcast %gt3A_1325 : f32 to vector<16xf32>
      %gt3A_1327 = arith.cmpf ogt, %add3A_1324, %gt3A_1326 : vector<16xf32>
      %mul3A_1328 = arith.constant 2.000000e-01 : f32
      %mul3A_1329 = vector.broadcast %mul3A_1328 : f32 to vector<16xf32>
      %mul3A_1330 = arith.mulf %mul3A_1329, %add3A_1324 : vector<16xf32>
      %select_n3A_1331 = arith.select %gt3A_1327, %add3A_1324, %mul3A_1330 : vector<16xi1>, vector<16xf32>
      %sub3A_1332 = arith.subf %select_n3A_1331, %get3A_11 : vector<16xf32>
      %exp3A_1333 = math.exp %sub3A_1332 : vector<16xf32>
      tpu.vector_store_idx %arg16[%add3A_1217, %broadcast_in_dim3A_58], %exp3A_1333 : memref<128x32xf32, #tpu.memory_space<vmem>>[vector<16xi32>, vector<16xi32>], vector<16xf32>,
      %mul3A_1334 = arith.mulf %exp3A_1333, %unpack3A_1273 : vector<16xf32>
      tpu.vector_store_idx %arg16[%add3A_1217, %broadcast_in_dim3A_42], %mul3A_1334 : memref<128x32xf32, #tpu.memory_space<vmem>>[vector<16xi32>, vector<16xi32>], vector<16xf32>,
      %mul3A_1335 = arith.mulf %exp3A_1333, %unpack3A_1274 : vector<16xf32>
      tpu.vector_store_idx %arg16[%add3A_1217, %broadcast_in_dim3A_44], %mul3A_1335 : memref<128x32xf32, #tpu.memory_space<vmem>>[vector<16xi32>, vector<16xi32>], vector<16xf32>,
      %mul3A_1336 = arith.mulf %exp3A_1333, %unpack3A_1276 : vector<16xf32>
      tpu.vector_store_idx %arg16[%add3A_1217, %broadcast_in_dim3A_46], %mul3A_1336 : memref<128x32xf32, #tpu.memory_space<vmem>>[vector<16xi32>, vector<16xi32>], vector<16xf32>,
      %mul3A_1337 = arith.mulf %exp3A_1333, %unpack3A_1277 : vector<16xf32>
      tpu.vector_store_idx %arg16[%add3A_1217, %broadcast_in_dim3A_48], %mul3A_1337 : memref<128x32xf32, #tpu.memory_space<vmem>>[vector<16xi32>, vector<16xi32>], vector<16xf32>,
      %mul3A_1338 = arith.mulf %exp3A_1333, %bitcast3A_1278 : vector<16xf32>
      tpu.vector_store_idx %arg16[%add3A_1217, %broadcast_in_dim3A_50], %mul3A_1338 : memref<128x32xf32, #tpu.memory_space<vmem>>[vector<16xi32>, vector<16xi32>], vector<16xf32>,
      %add3A_1339 = arith.constant 2 : i32
      %add3A_1340 = arith.addi %add3A_315, %add3A_1339 : i32
      %lt3A_1341 = arith.constant 78 : i32
      %lt3A_1342 = arith.cmpi slt, %add3A_1340, %lt3A_1341 : i32
      %convert_element_type3A_1343 = arith.extui %lt3A_1342 : i1 to i32
      %cond3A_1344 = arith.constant 0 : i32
      %cond3A_1345 = arith.cmpi ne, %convert_element_type3A_1343, %cond3A_1344 : i32
      scf.if %cond3A_1345 {
        %add3A_2396 = arith.constant 2 : i32
        %add3A_2397 = arith.addi %add3A_315, %add3A_2396 : i32
        %mul3A_2398 = arith.constant 128 : i32
        %mul3A_2399 = arith.muli %add3A_2397, %mul3A_2398 : i32
        %add3A_2400 = arith.addi %mul3A_2, %mul3A_2399 : i32
        %dma_start3A_2401 = arith.constant 0 : i32
        %dma_start3A_2402 = arith.constant 0 : i32
        %dma_start3A_2403 = arith.constant 0 : i32
        %dma_start3A_2404 = tpu.memref_slice %arg12[%dma_start3A_2402, %dma_start3A_2403] : memref<2x128xi32, #tpu.memory_space<vmem>> -> memref<1x128xi32, #tpu.memory_space<vmem>>
        %dma_start3A_2405 = tpu.memref_squeeze %dma_start3A_2404 : memref<1x128xi32, #tpu.memory_space<vmem>> -> memref<128xi32, #tpu.memory_space<vmem>>
        %dma_start3A_2406 = tpu.memref_slice %arg2[%dma_start3A_2401, %add3A_2400] : memref<2x320000xi32, #tpu.memory_space<hbm>> -> memref<1x128xi32, #tpu.memory_space<hbm>>
        %dma_start3A_2407 = tpu.memref_squeeze %dma_start3A_2406 : memref<1x128xi32, #tpu.memory_space<hbm>> -> memref<128xi32, #tpu.memory_space<hbm>>
        %dma_start3A_2408 = arith.constant 0 : i32
        %dma_start3A_2409 = tpu.memref_slice %arg12[%dma_start3A_2402, %dma_start3A_2408] : memref<2x128xi32, #tpu.memory_space<vmem>> -> memref<1x128xi32, #tpu.memory_space<vmem>>
        %dma_start3A_2410 = tpu.memref_squeeze %dma_start3A_2409 : memref<1x128xi32, #tpu.memory_space<vmem>> -> memref<128xi32, #tpu.memory_space<vmem>>
        %dma_start3A_2411 = tpu.memref_slice %arg2[%dma_start3A_2401, %add3A_2400] : memref<2x320000xi32, #tpu.memory_space<hbm>> -> memref<1x128xi32, #tpu.memory_space<hbm>>
        %dma_start3A_2412 = tpu.memref_squeeze %dma_start3A_2411 : memref<1x128xi32, #tpu.memory_space<hbm>> -> memref<128xi32, #tpu.memory_space<hbm>>
        tpu.enqueue_dma source(%dma_start3A_2412 : memref<128xi32, #tpu.memory_space<hbm>>) target(%dma_start3A_2410 : memref<128xi32, #tpu.memory_space<vmem>>) target_semaphore(%arg20 : memref<!tpu.dma_semaphore, #tpu.memory_space<semaphore_mem>>)
        %dma_start3A_2413 = arith.constant 1 : i32
        %dma_start3A_2414 = arith.constant 1 : i32
        %dma_start3A_2415 = arith.constant 0 : i32
        %dma_start3A_2416 = tpu.memref_slice %arg12[%dma_start3A_2414, %dma_start3A_2415] : memref<2x128xi32, #tpu.memory_space<vmem>> -> memref<1x128xi32, #tpu.memory_space<vmem>>
        %dma_start3A_2417 = tpu.memref_squeeze %dma_start3A_2416 : memref<1x128xi32, #tpu.memory_space<vmem>> -> memref<128xi32, #tpu.memory_space<vmem>>
        %dma_start3A_2418 = tpu.memref_slice %arg2[%dma_start3A_2413, %add3A_2400] : memref<2x320000xi32, #tpu.memory_space<hbm>> -> memref<1x128xi32, #tpu.memory_space<hbm>>
        %dma_start3A_2419 = tpu.memref_squeeze %dma_start3A_2418 : memref<1x128xi32, #tpu.memory_space<hbm>> -> memref<128xi32, #tpu.memory_space<hbm>>
        %dma_start3A_2420 = arith.constant 0 : i32
        %dma_start3A_2421 = tpu.memref_slice %arg12[%dma_start3A_2414, %dma_start3A_2420] : memref<2x128xi32, #tpu.memory_space<vmem>> -> memref<1x128xi32, #tpu.memory_space<vmem>>
        %dma_start3A_2422 = tpu.memref_squeeze %dma_start3A_2421 : memref<1x128xi32, #tpu.memory_space<vmem>> -> memref<128xi32, #tpu.memory_space<vmem>>
        %dma_start3A_2423 = tpu.memref_slice %arg2[%dma_start3A_2413, %add3A_2400] : memref<2x320000xi32, #tpu.memory_space<hbm>> -> memref<1x128xi32, #tpu.memory_space<hbm>>
        %dma_start3A_2424 = tpu.memref_squeeze %dma_start3A_2423 : memref<1x128xi32, #tpu.memory_space<hbm>> -> memref<128xi32, #tpu.memory_space<hbm>>
        tpu.enqueue_dma source(%dma_start3A_2424 : memref<128xi32, #tpu.memory_space<hbm>>) target(%dma_start3A_2422 : memref<128xi32, #tpu.memory_space<vmem>>) target_semaphore(%arg20 : memref<!tpu.dma_semaphore, #tpu.memory_space<semaphore_mem>>)
      } else {
      }
      %dma_start3A_1346 = arith.constant 0 : i32
      %dma_start3A_1347 = arith.constant 0 : i32
      %dma_start3A_1348 = tpu.memref_slice %arg14[%dma_start3A_1346, %dma_start3A_1347] : memref<1x128xi32, #tpu.memory_space<vmem>> -> memref<1x128xi32, #tpu.memory_space<vmem>>
      %dma_start3A_1349 = tpu.memref_squeeze %dma_start3A_1348 : memref<1x128xi32, #tpu.memory_space<vmem>> -> memref<128xi32, #tpu.memory_space<vmem>>
      %dma_start3A_1350 = arith.constant 0 : i32
      %dma_start3A_1351 = arith.constant 0 : i32
      %dma_start3A_1352 = tpu.memref_slice %arg19[%dma_start3A_1350, %dma_start3A_1351] : memref<5120x32xf32, #tpu.memory_space<vmem_shared>> -> memref<5120x32xf32, #tpu.memory_space<vmem_shared>>
      tpu.enqueue_indirect_dma source(%arg16 : memref<128x32xf32, #tpu.memory_space<vmem>>) target(%dma_start3A_1352 : memref<5120x32xf32, #tpu.memory_space<vmem_shared>>) offsets(%dma_start3A_1349 : memref<128xi32, #tpu.memory_space<vmem>>) semaphore(%arg22 : memref<!tpu.dma_semaphore, #tpu.memory_space<semaphore_mem>>) {add = true}
      %mul3A_1353 = arith.constant 2 : i32
      %mul3A_1354 = arith.muli %scan3A_311, %mul3A_1353 : i32
      %add3A_1355 = arith.constant 1 : i32
      %add3A_1356 = arith.addi %mul3A_1354, %add3A_1355 : i32
      %gt3A_1357 = arith.constant 0 : i32
      %gt3A_1358 = arith.cmpi sgt, %scan3A_311, %gt3A_1357 : i32
      %convert_element_type3A_1359 = arith.extui %gt3A_1358 : i1 to i32
      %cond3A_1360 = arith.constant 0 : i32
      %cond3A_1361 = arith.cmpi ne, %convert_element_type3A_1359, %cond3A_1360 : i32
      scf.if %cond3A_1361 {
        %dma_wait3A_2396 = arith.constant 0 : i32
        %dma_wait3A_2397 = arith.constant 0 : i32
        %dma_wait3A_2398 = arith.constant 0 : i32
        %dma_wait3A_2399 = tpu.memref_slice %arg8[%dma_wait3A_2396, %dma_wait3A_2397, %dma_wait3A_2398] : memref<2x5120x32xf32, #tpu.memory_space<hbm>> -> memref<1x128x32xf32, #tpu.memory_space<hbm>>
        %dma_wait3A_2400 = tpu.memref_squeeze %dma_wait3A_2399 : memref<1x128x32xf32, #tpu.memory_space<hbm>> -> memref<128x32xf32, #tpu.memory_space<hbm>>
        %dma_wait3A_2401 = arith.constant 0 : i32
        %dma_wait3A_2402 = arith.constant 0 : i32
        %dma_wait3A_2403 = tpu.memref_slice %arg8[%dma_wait3A_2396, %dma_wait3A_2401, %dma_wait3A_2402] : memref<2x5120x32xf32, #tpu.memory_space<hbm>> -> memref<1x128x32xf32, #tpu.memory_space<hbm>>
        %dma_wait3A_2404 = tpu.memref_squeeze %dma_wait3A_2403 : memref<1x128x32xf32, #tpu.memory_space<hbm>> -> memref<128x32xf32, #tpu.memory_space<hbm>>
        tpu.wait_dma2 semaphore(%arg23 : memref<!tpu.dma_semaphore, #tpu.memory_space<semaphore_mem>>) src(%dma_wait3A_2404 : memref<128x32xf32, #tpu.memory_space<hbm>>) dst(%arg17 : memref<128x32xf32, #tpu.memory_space<vmem>>)
      } else {
      }
      %dma_wait3A_1362 = arith.constant 0 : i32
      %dma_wait3A_1363 = arith.constant 0 : i32
      %dma_wait3A_1364 = arith.constant 0 : i32
      %dma_wait3A_1365 = tpu.memref_slice %arg13[%dma_wait3A_1363, %dma_wait3A_1364] : memref<2x128xi32, #tpu.memory_space<vmem>> -> memref<1x128xi32, #tpu.memory_space<vmem>>
      %dma_wait3A_1366 = tpu.memref_squeeze %dma_wait3A_1365 : memref<1x128xi32, #tpu.memory_space<vmem>> -> memref<128xi32, #tpu.memory_space<vmem>>
      %dma_wait3A_1367 = arith.constant 0 : i32
      %dma_wait3A_1368 = tpu.memref_slice %arg2[%dma_wait3A_1362, %dma_wait3A_1367] : memref<2x320000xi32, #tpu.memory_space<hbm>> -> memref<1x128xi32, #tpu.memory_space<hbm>>
      %dma_wait3A_1369 = tpu.memref_squeeze %dma_wait3A_1368 : memref<1x128xi32, #tpu.memory_space<hbm>> -> memref<128xi32, #tpu.memory_space<hbm>>
      %dma_wait3A_1370 = arith.constant 0 : i32
      %dma_wait3A_1371 = tpu.memref_slice %arg13[%dma_wait3A_1363, %dma_wait3A_1370] : memref<2x128xi32, #tpu.memory_space<vmem>> -> memref<1x128xi32, #tpu.memory_space<vmem>>
      %dma_wait3A_1372 = tpu.memref_squeeze %dma_wait3A_1371 : memref<1x128xi32, #tpu.memory_space<vmem>> -> memref<128xi32, #tpu.memory_space<vmem>>
      %dma_wait3A_1373 = arith.constant 0 : i32
      %dma_wait3A_1374 = tpu.memref_slice %arg2[%dma_wait3A_1362, %dma_wait3A_1373] : memref<2x320000xi32, #tpu.memory_space<hbm>> -> memref<1x128xi32, #tpu.memory_space<hbm>>
      %dma_wait3A_1375 = tpu.memref_squeeze %dma_wait3A_1374 : memref<1x128xi32, #tpu.memory_space<hbm>> -> memref<128xi32, #tpu.memory_space<hbm>>
      tpu.wait_dma2 semaphore(%arg21 : memref<!tpu.dma_semaphore, #tpu.memory_space<semaphore_mem>>) src(%dma_wait3A_1375 : memref<128xi32, #tpu.memory_space<hbm>>) dst(%dma_wait3A_1372 : memref<128xi32, #tpu.memory_space<vmem>>)
      %dma_wait3A_1376 = arith.constant 0 : i32
      %dma_wait3A_1377 = arith.constant 1 : i32
      %dma_wait3A_1378 = arith.constant 0 : i32
      %dma_wait3A_1379 = tpu.memref_slice %arg13[%dma_wait3A_1377, %dma_wait3A_1378] : memref<2x128xi32, #tpu.memory_space<vmem>> -> memref<1x128xi32, #tpu.memory_space<vmem>>
      %dma_wait3A_1380 = tpu.memref_squeeze %dma_wait3A_1379 : memref<1x128xi32, #tpu.memory_space<vmem>> -> memref<128xi32, #tpu.memory_space<vmem>>
      %dma_wait3A_1381 = arith.constant 0 : i32
      %dma_wait3A_1382 = tpu.memref_slice %arg2[%dma_wait3A_1376, %dma_wait3A_1381] : memref<2x320000xi32, #tpu.memory_space<hbm>> -> memref<1x128xi32, #tpu.memory_space<hbm>>
      %dma_wait3A_1383 = tpu.memref_squeeze %dma_wait3A_1382 : memref<1x128xi32, #tpu.memory_space<hbm>> -> memref<128xi32, #tpu.memory_space<hbm>>
      %dma_wait3A_1384 = arith.constant 0 : i32
      %dma_wait3A_1385 = tpu.memref_slice %arg13[%dma_wait3A_1377, %dma_wait3A_1384] : memref<2x128xi32, #tpu.memory_space<vmem>> -> memref<1x128xi32, #tpu.memory_space<vmem>>
      %dma_wait3A_1386 = tpu.memref_squeeze %dma_wait3A_1385 : memref<1x128xi32, #tpu.memory_space<vmem>> -> memref<128xi32, #tpu.memory_space<vmem>>
      %dma_wait3A_1387 = arith.constant 0 : i32
      %dma_wait3A_1388 = tpu.memref_slice %arg2[%dma_wait3A_1376, %dma_wait3A_1387] : memref<2x320000xi32, #tpu.memory_space<hbm>> -> memref<1x128xi32, #tpu.memory_space<hbm>>
      %dma_wait3A_1389 = tpu.memref_squeeze %dma_wait3A_1388 : memref<1x128xi32, #tpu.memory_space<hbm>> -> memref<128xi32, #tpu.memory_space<hbm>>
      tpu.wait_dma2 semaphore(%arg21 : memref<!tpu.dma_semaphore, #tpu.memory_space<semaphore_mem>>) src(%dma_wait3A_1389 : memref<128xi32, #tpu.memory_space<hbm>>) dst(%dma_wait3A_1386 : memref<128xi32, #tpu.memory_space<vmem>>)
      %add3A_1390 = arith.constant 0 : i32
      %add3A_1391 = vector.broadcast %add3A_1390 : i32 to vector<16xi32>
      %add3A_1392 = arith.addi %iota3A, %add3A_1391 : vector<16xi32>
      %get3A_1393 = arith.constant 0 : i32
      %get3A_1394 = arith.index_cast %get3A_1393 : i32 to index
      %get3A_1395 = arith.constant 0 : index
      %get3A_1396 = tpu.vector_load %arg13[%get3A_1394, %get3A_1395] {strides = array<i32>} : memref<2x128xi32, #tpu.memory_space<vmem>>, vector<16xi32>,
      %get3A_1397 = arith.constant 1 : i32
      %get3A_1398 = arith.index_cast %get3A_1397 : i32 to index
      %get3A_1399 = arith.constant 0 : index
      %get3A_1400 = tpu.vector_load %arg13[%get3A_1398, %get3A_1399] {strides = array<i32>} : memref<2x128xi32, #tpu.memory_space<vmem>>, vector<16xi32>,
      %mul3A_1401 = arith.constant 52429 : i32
      %mul3A_1402 = vector.broadcast %mul3A_1401 : i32 to vector<16xi32>
      %mul3A_1403 = arith.muli %get3A_1400, %mul3A_1402 : vector<16xi32>
      %shift_right_logical3A_1404 = arith.constant 19 : i32
      %shift_right_logical3A_1405 = vector.broadcast %shift_right_logical3A_1404 : i32 to vector<16xi32>
      %shift_right_logical3A_1406 = arith.shrui %mul3A_1403, %shift_right_logical3A_1405 : vector<16xi32>
      %mul3A_1407 = arith.constant 10 : i32
      %mul3A_1408 = vector.broadcast %mul3A_1407 : i32 to vector<16xi32>
      %mul3A_1409 = arith.muli %shift_right_logical3A_1406, %mul3A_1408 : vector<16xi32>
      %sub3A_1410 = arith.subi %get3A_1400, %mul3A_1409 : vector<16xi32>
      %lt3A_1411 = arith.constant 5 : i32
      %lt3A_1412 = vector.broadcast %lt3A_1411 : i32 to vector<16xi32>
      %lt3A_1413 = arith.cmpi slt, %sub3A_1410, %lt3A_1412 : vector<16xi32>
      %mul3A_1414 = arith.constant 5 : i32
      %mul3A_1415 = vector.broadcast %mul3A_1414 : i32 to vector<16xi32>
      %mul3A_1416 = arith.muli %shift_right_logical3A_1406, %mul3A_1415 : vector<16xi32>
      %add3A_1417 = arith.addi %mul3A_1416, %sub3A_1410 : vector<16xi32>
      %broadcast_in_dim3A_1418 = arith.constant 5000 : i32
      %broadcast_in_dim3A_1419 = vector.broadcast %broadcast_in_dim3A_1418 : i32 to vector<16xi32>
      %select_n3A_1420 = arith.select %lt3A_1413, %add3A_1417, %broadcast_in_dim3A_1419 : vector<16xi1>, vector<16xi32>
      %swap3A_1421 = arith.constant 0 : i32
      %swap3A_1422 = arith.index_cast %swap3A_1421 : i32 to index
      %swap3A_1423 = arith.constant 0 : index
      %swap3A_1424 = tpu.vector_load %arg15[%swap3A_1422, %swap3A_1423] {strides = array<i32>} : memref<1x128xi32, #tpu.memory_space<vmem>>, vector<16xi32>,
      tpu.vector_store %arg15[%swap3A_1422, %swap3A_1423], %select_n3A_1420 {strides = array<i32>} : memref<1x128xi32, #tpu.memory_space<vmem>>, vector<16xi32>,
      %add3A_1425 = arith.addi %get3A_1396, %broadcast_in_dim3A_76 : vector<16xi32>
      %gather3A_1426 = tpu.vector_load_idx %arg9[%add3A_1425] : memref<40032xf32, #tpu.memory_space<vmem>>[vector<16xi32>], vector<16xf32>,
      %add3A_1427 = arith.addi %get3A_1396, %broadcast_in_dim3A_78 : vector<16xi32>
      %gather3A_1428 = tpu.vector_load_idx %arg9[%add3A_1427] : memref<40032xf32, #tpu.memory_space<vmem>>[vector<16xi32>], vector<16xf32>,
      %add3A_1429 = arith.addi %get3A_1396, %broadcast_in_dim3A_80 : vector<16xi32>
      %gather3A_1430 = tpu.vector_load_idx %arg9[%add3A_1429] : memref<40032xf32, #tpu.memory_space<vmem>>[vector<16xi32>], vector<16xf32>,
      %add3A_1431 = arith.addi %get3A_1396, %broadcast_in_dim3A_82 : vector<16xi32>
      %gather3A_1432 = tpu.vector_load_idx %arg9[%add3A_1431] : memref<40032xf32, #tpu.memory_space<vmem>>[vector<16xi32>], vector<16xf32>,
      %gather3A_1433 = tpu.vector_load_idx %arg10[%get3A_1400] : memref<20016xi32, #tpu.memory_space<vmem>>[vector<16xi32>], vector<16xi32>,
      %add3A_1434 = arith.addi %get3A_1400, %broadcast_in_dim3A_78 : vector<16xi32>
      %gather3A_1435 = tpu.vector_load_idx %arg10[%add3A_1434] : memref<20016xi32, #tpu.memory_space<vmem>>[vector<16xi32>], vector<16xi32>,
      %bitcast3A_1436 = vector.bitcast %gather3A_1433 : vector<16xi32> to vector<32xbf16>
      %unpack3A_1437 = tpu.unpack_subelements %bitcast3A_1436, 0 {pack_format = #tpu.pack_format<interleaved>} : vector<32xbf16> -> vector<16xf32>
      %unpack3A_1438 = tpu.unpack_subelements %bitcast3A_1436, 1 {pack_format = #tpu.pack_format<interleaved>} : vector<32xbf16> -> vector<16xf32>
      %bitcast3A_1439 = vector.bitcast %gather3A_1435 : vector<16xi32> to vector<32xbf16>
      %unpack3A_1440 = tpu.unpack_subelements %bitcast3A_1439, 0 {pack_format = #tpu.pack_format<interleaved>} : vector<32xbf16> -> vector<16xf32>
      %unpack3A_1441 = tpu.unpack_subelements %bitcast3A_1439, 1 {pack_format = #tpu.pack_format<interleaved>} : vector<32xbf16> -> vector<16xf32>
      %gather3A_1442 = tpu.vector_load_idx %arg11[%get3A_1396] : memref<30024xi32, #tpu.memory_space<vmem>>[vector<16xi32>], vector<16xi32>,
      %add3A_1443 = arith.addi %get3A_1396, %broadcast_in_dim3A_78 : vector<16xi32>
      %gather3A_1444 = tpu.vector_load_idx %arg11[%add3A_1443] : memref<30024xi32, #tpu.memory_space<vmem>>[vector<16xi32>], vector<16xi32>,
      %add3A_1445 = arith.addi %get3A_1396, %broadcast_in_dim3A_80 : vector<16xi32>
      %gather3A_1446 = tpu.vector_load_idx %arg11[%add3A_1445] : memref<30024xi32, #tpu.memory_space<vmem>>[vector<16xi32>], vector<16xi32>,
      %bitcast3A_1447 = vector.bitcast %gather3A_1442 : vector<16xi32> to vector<32xbf16>
      %unpack3A_1448 = tpu.unpack_subelements %bitcast3A_1447, 0 {pack_format = #tpu.pack_format<interleaved>} : vector<32xbf16> -> vector<16xf32>
      %unpack3A_1449 = tpu.unpack_subelements %bitcast3A_1447, 1 {pack_format = #tpu.pack_format<interleaved>} : vector<32xbf16> -> vector<16xf32>
      %bitcast3A_1450 = vector.bitcast %gather3A_1444 : vector<16xi32> to vector<32xbf16>
      %unpack3A_1451 = tpu.unpack_subelements %bitcast3A_1450, 0 {pack_format = #tpu.pack_format<interleaved>} : vector<32xbf16> -> vector<16xf32>
      %unpack3A_1452 = tpu.unpack_subelements %bitcast3A_1450, 1 {pack_format = #tpu.pack_format<interleaved>} : vector<32xbf16> -> vector<16xf32>
      %bitcast3A_1453 = vector.bitcast %gather3A_1446 : vector<16xi32> to vector<16xf32>
      %add3A_1454 = arith.addf %gather3A_1426, %unpack3A_1437 : vector<16xf32>
      %gt3A_1455 = arith.constant 0.000000e+00 : f32
      %gt3A_1456 = vector.broadcast %gt3A_1455 : f32 to vector<16xf32>
      %gt3A_1457 = arith.cmpf ogt, %add3A_1454, %gt3A_1456 : vector<16xf32>
      %mul3A_1458 = arith.constant 2.000000e-01 : f32
      %mul3A_1459 = vector.broadcast %mul3A_1458 : f32 to vector<16xf32>
      %mul3A_1460 = arith.mulf %mul3A_1459, %add3A_1454 : vector<16xf32>
      %select_n3A_1461 = arith.select %gt3A_1457, %add3A_1454, %mul3A_1460 : vector<16xi1>, vector<16xf32>
      %sub3A_1462 = arith.subf %select_n3A_1461, %get3A_5 : vector<16xf32>
      %exp3A_1463 = math.exp %sub3A_1462 : vector<16xf32>
      tpu.vector_store_idx %arg17[%add3A_1392, %broadcast_in_dim3A_52], %exp3A_1463 : memref<128x32xf32, #tpu.memory_space<vmem>>[vector<16xi32>, vector<16xi32>], vector<16xf32>,
      %mul3A_1464 = arith.mulf %exp3A_1463, %unpack3A_1448 : vector<16xf32>
      tpu.vector_store_idx %arg17[%add3A_1392, %broadcast_in_dim3A_12], %mul3A_1464 : memref<128x32xf32, #tpu.memory_space<vmem>>[vector<16xi32>, vector<16xi32>], vector<16xf32>,
      %mul3A_1465 = arith.mulf %exp3A_1463, %unpack3A_1449 : vector<16xf32>
      tpu.vector_store_idx %arg17[%add3A_1392, %broadcast_in_dim3A_14], %mul3A_1465 : memref<128x32xf32, #tpu.memory_space<vmem>>[vector<16xi32>, vector<16xi32>], vector<16xf32>,
      %mul3A_1466 = arith.mulf %exp3A_1463, %unpack3A_1451 : vector<16xf32>
      tpu.vector_store_idx %arg17[%add3A_1392, %broadcast_in_dim3A_16], %mul3A_1466 : memref<128x32xf32, #tpu.memory_space<vmem>>[vector<16xi32>, vector<16xi32>], vector<16xf32>,
      %mul3A_1467 = arith.mulf %exp3A_1463, %unpack3A_1452 : vector<16xf32>
      tpu.vector_store_idx %arg17[%add3A_1392, %broadcast_in_dim3A_18], %mul3A_1467 : memref<128x32xf32, #tpu.memory_space<vmem>>[vector<16xi32>, vector<16xi32>], vector<16xf32>,
      %mul3A_1468 = arith.mulf %exp3A_1463, %bitcast3A_1453 : vector<16xf32>
      tpu.vector_store_idx %arg17[%add3A_1392, %broadcast_in_dim3A_20], %mul3A_1468 : memref<128x32xf32, #tpu.memory_space<vmem>>[vector<16xi32>, vector<16xi32>], vector<16xf32>,
      %add3A_1469 = arith.addf %gather3A_1428, %unpack3A_1438 : vector<16xf32>
      %gt3A_1470 = arith.constant 0.000000e+00 : f32
      %gt3A_1471 = vector.broadcast %gt3A_1470 : f32 to vector<16xf32>
      %gt3A_1472 = arith.cmpf ogt, %add3A_1469, %gt3A_1471 : vector<16xf32>
      %mul3A_1473 = arith.constant 2.000000e-01 : f32
      %mul3A_1474 = vector.broadcast %mul3A_1473 : f32 to vector<16xf32>
      %mul3A_1475 = arith.mulf %mul3A_1474, %add3A_1469 : vector<16xf32>
      %select_n3A_1476 = arith.select %gt3A_1472, %add3A_1469, %mul3A_1475 : vector<16xi1>, vector<16xf32>
      %sub3A_1477 = arith.subf %select_n3A_1476, %get3A_7 : vector<16xf32>
      %exp3A_1478 = math.exp %sub3A_1477 : vector<16xf32>
      tpu.vector_store_idx %arg17[%add3A_1392, %broadcast_in_dim3A_54], %exp3A_1478 : memref<128x32xf32, #tpu.memory_space<vmem>>[vector<16xi32>, vector<16xi32>], vector<16xf32>,
      %mul3A_1479 = arith.mulf %exp3A_1478, %unpack3A_1448 : vector<16xf32>
      tpu.vector_store_idx %arg17[%add3A_1392, %broadcast_in_dim3A_22], %mul3A_1479 : memref<128x32xf32, #tpu.memory_space<vmem>>[vector<16xi32>, vector<16xi32>], vector<16xf32>,
      %mul3A_1480 = arith.mulf %exp3A_1478, %unpack3A_1449 : vector<16xf32>
      tpu.vector_store_idx %arg17[%add3A_1392, %broadcast_in_dim3A_24], %mul3A_1480 : memref<128x32xf32, #tpu.memory_space<vmem>>[vector<16xi32>, vector<16xi32>], vector<16xf32>,
      %mul3A_1481 = arith.mulf %exp3A_1478, %unpack3A_1451 : vector<16xf32>
      tpu.vector_store_idx %arg17[%add3A_1392, %broadcast_in_dim3A_26], %mul3A_1481 : memref<128x32xf32, #tpu.memory_space<vmem>>[vector<16xi32>, vector<16xi32>], vector<16xf32>,
      %mul3A_1482 = arith.mulf %exp3A_1478, %unpack3A_1452 : vector<16xf32>
      tpu.vector_store_idx %arg17[%add3A_1392, %broadcast_in_dim3A_28], %mul3A_1482 : memref<128x32xf32, #tpu.memory_space<vmem>>[vector<16xi32>, vector<16xi32>], vector<16xf32>,
      %mul3A_1483 = arith.mulf %exp3A_1478, %bitcast3A_1453 : vector<16xf32>
      tpu.vector_store_idx %arg17[%add3A_1392, %broadcast_in_dim3A_30], %mul3A_1483 : memref<128x32xf32, #tpu.memory_space<vmem>>[vector<16xi32>, vector<16xi32>], vector<16xf32>,
      %add3A_1484 = arith.addf %gather3A_1430, %unpack3A_1440 : vector<16xf32>
      %gt3A_1485 = arith.constant 0.000000e+00 : f32
      %gt3A_1486 = vector.broadcast %gt3A_1485 : f32 to vector<16xf32>
      %gt3A_1487 = arith.cmpf ogt, %add3A_1484, %gt3A_1486 : vector<16xf32>
      %mul3A_1488 = arith.constant 2.000000e-01 : f32
      %mul3A_1489 = vector.broadcast %mul3A_1488 : f32 to vector<16xf32>
      %mul3A_1490 = arith.mulf %mul3A_1489, %add3A_1484 : vector<16xf32>
      %select_n3A_1491 = arith.select %gt3A_1487, %add3A_1484, %mul3A_1490 : vector<16xi1>, vector<16xf32>
      %sub3A_1492 = arith.subf %select_n3A_1491, %get3A_9 : vector<16xf32>
      %exp3A_1493 = math.exp %sub3A_1492 : vector<16xf32>
      tpu.vector_store_idx %arg17[%add3A_1392, %broadcast_in_dim3A_56], %exp3A_1493 : memref<128x32xf32, #tpu.memory_space<vmem>>[vector<16xi32>, vector<16xi32>], vector<16xf32>,
      %mul3A_1494 = arith.mulf %exp3A_1493, %unpack3A_1448 : vector<16xf32>
      tpu.vector_store_idx %arg17[%add3A_1392, %broadcast_in_dim3A_32], %mul3A_1494 : memref<128x32xf32, #tpu.memory_space<vmem>>[vector<16xi32>, vector<16xi32>], vector<16xf32>,
      %mul3A_1495 = arith.mulf %exp3A_1493, %unpack3A_1449 : vector<16xf32>
      tpu.vector_store_idx %arg17[%add3A_1392, %broadcast_in_dim3A_34], %mul3A_1495 : memref<128x32xf32, #tpu.memory_space<vmem>>[vector<16xi32>, vector<16xi32>], vector<16xf32>,
      %mul3A_1496 = arith.mulf %exp3A_1493, %unpack3A_1451 : vector<16xf32>
      tpu.vector_store_idx %arg17[%add3A_1392, %broadcast_in_dim3A_36], %mul3A_1496 : memref<128x32xf32, #tpu.memory_space<vmem>>[vector<16xi32>, vector<16xi32>], vector<16xf32>,
      %mul3A_1497 = arith.mulf %exp3A_1493, %unpack3A_1452 : vector<16xf32>
      tpu.vector_store_idx %arg17[%add3A_1392, %broadcast_in_dim3A_38], %mul3A_1497 : memref<128x32xf32, #tpu.memory_space<vmem>>[vector<16xi32>, vector<16xi32>], vector<16xf32>,
      %mul3A_1498 = arith.mulf %exp3A_1493, %bitcast3A_1453 : vector<16xf32>
      tpu.vector_store_idx %arg17[%add3A_1392, %broadcast_in_dim3A_40], %mul3A_1498 : memref<128x32xf32, #tpu.memory_space<vmem>>[vector<16xi32>, vector<16xi32>], vector<16xf32>,
      %add3A_1499 = arith.addf %gather3A_1432, %unpack3A_1441 : vector<16xf32>
      %gt3A_1500 = arith.constant 0.000000e+00 : f32
      %gt3A_1501 = vector.broadcast %gt3A_1500 : f32 to vector<16xf32>
      %gt3A_1502 = arith.cmpf ogt, %add3A_1499, %gt3A_1501 : vector<16xf32>
      %mul3A_1503 = arith.constant 2.000000e-01 : f32
      %mul3A_1504 = vector.broadcast %mul3A_1503 : f32 to vector<16xf32>
      %mul3A_1505 = arith.mulf %mul3A_1504, %add3A_1499 : vector<16xf32>
      %select_n3A_1506 = arith.select %gt3A_1502, %add3A_1499, %mul3A_1505 : vector<16xi1>, vector<16xf32>
      %sub3A_1507 = arith.subf %select_n3A_1506, %get3A_11 : vector<16xf32>
      %exp3A_1508 = math.exp %sub3A_1507 : vector<16xf32>
      tpu.vector_store_idx %arg17[%add3A_1392, %broadcast_in_dim3A_58], %exp3A_1508 : memref<128x32xf32, #tpu.memory_space<vmem>>[vector<16xi32>, vector<16xi32>], vector<16xf32>,
      %mul3A_1509 = arith.mulf %exp3A_1508, %unpack3A_1448 : vector<16xf32>
      tpu.vector_store_idx %arg17[%add3A_1392, %broadcast_in_dim3A_42], %mul3A_1509 : memref<128x32xf32, #tpu.memory_space<vmem>>[vector<16xi32>, vector<16xi32>], vector<16xf32>,
      %mul3A_1510 = arith.mulf %exp3A_1508, %unpack3A_1449 : vector<16xf32>
      tpu.vector_store_idx %arg17[%add3A_1392, %broadcast_in_dim3A_44], %mul3A_1510 : memref<128x32xf32, #tpu.memory_space<vmem>>[vector<16xi32>, vector<16xi32>], vector<16xf32>,
      %mul3A_1511 = arith.mulf %exp3A_1508, %unpack3A_1451 : vector<16xf32>
      tpu.vector_store_idx %arg17[%add3A_1392, %broadcast_in_dim3A_46], %mul3A_1511 : memref<128x32xf32, #tpu.memory_space<vmem>>[vector<16xi32>, vector<16xi32>], vector<16xf32>,
      %mul3A_1512 = arith.mulf %exp3A_1508, %unpack3A_1452 : vector<16xf32>
      tpu.vector_store_idx %arg17[%add3A_1392, %broadcast_in_dim3A_48], %mul3A_1512 : memref<128x32xf32, #tpu.memory_space<vmem>>[vector<16xi32>, vector<16xi32>], vector<16xf32>,
      %mul3A_1513 = arith.mulf %exp3A_1508, %bitcast3A_1453 : vector<16xf32>
      tpu.vector_store_idx %arg17[%add3A_1392, %broadcast_in_dim3A_50], %mul3A_1513 : memref<128x32xf32, #tpu.memory_space<vmem>>[vector<16xi32>, vector<16xi32>], vector<16xf32>,
      %add3A_1514 = arith.constant 16 : i32
      %add3A_1515 = vector.broadcast %add3A_1514 : i32 to vector<16xi32>
      %add3A_1516 = arith.addi %iota3A, %add3A_1515 : vector<16xi32>
      %get3A_1517 = arith.constant 0 : i32
      %get3A_1518 = arith.index_cast %get3A_1517 : i32 to index
      %get3A_1519 = arith.constant 16 : index
      %get3A_1520 = tpu.vector_load %arg13[%get3A_1518, %get3A_1519] {strides = array<i32>} : memref<2x128xi32, #tpu.memory_space<vmem>>, vector<16xi32>,
      %get3A_1521 = arith.constant 1 : i32
      %get3A_1522 = arith.index_cast %get3A_1521 : i32 to index
      %get3A_1523 = arith.constant 16 : index
      %get3A_1524 = tpu.vector_load %arg13[%get3A_1522, %get3A_1523] {strides = array<i32>} : memref<2x128xi32, #tpu.memory_space<vmem>>, vector<16xi32>,
      %mul3A_1525 = arith.constant 52429 : i32
      %mul3A_1526 = vector.broadcast %mul3A_1525 : i32 to vector<16xi32>
      %mul3A_1527 = arith.muli %get3A_1524, %mul3A_1526 : vector<16xi32>
      %shift_right_logical3A_1528 = arith.constant 19 : i32
      %shift_right_logical3A_1529 = vector.broadcast %shift_right_logical3A_1528 : i32 to vector<16xi32>
      %shift_right_logical3A_1530 = arith.shrui %mul3A_1527, %shift_right_logical3A_1529 : vector<16xi32>
      %mul3A_1531 = arith.constant 10 : i32
      %mul3A_1532 = vector.broadcast %mul3A_1531 : i32 to vector<16xi32>
      %mul3A_1533 = arith.muli %shift_right_logical3A_1530, %mul3A_1532 : vector<16xi32>
      %sub3A_1534 = arith.subi %get3A_1524, %mul3A_1533 : vector<16xi32>
      %lt3A_1535 = arith.constant 5 : i32
      %lt3A_1536 = vector.broadcast %lt3A_1535 : i32 to vector<16xi32>
      %lt3A_1537 = arith.cmpi slt, %sub3A_1534, %lt3A_1536 : vector<16xi32>
      %mul3A_1538 = arith.constant 5 : i32
      %mul3A_1539 = vector.broadcast %mul3A_1538 : i32 to vector<16xi32>
      %mul3A_1540 = arith.muli %shift_right_logical3A_1530, %mul3A_1539 : vector<16xi32>
      %add3A_1541 = arith.addi %mul3A_1540, %sub3A_1534 : vector<16xi32>
      %broadcast_in_dim3A_1542 = arith.constant 5000 : i32
      %broadcast_in_dim3A_1543 = vector.broadcast %broadcast_in_dim3A_1542 : i32 to vector<16xi32>
      %select_n3A_1544 = arith.select %lt3A_1537, %add3A_1541, %broadcast_in_dim3A_1543 : vector<16xi1>, vector<16xi32>
      %swap3A_1545 = arith.constant 0 : i32
      %swap3A_1546 = arith.index_cast %swap3A_1545 : i32 to index
      %swap3A_1547 = arith.constant 16 : index
      %swap3A_1548 = tpu.vector_load %arg15[%swap3A_1546, %swap3A_1547] {strides = array<i32>} : memref<1x128xi32, #tpu.memory_space<vmem>>, vector<16xi32>,
      tpu.vector_store %arg15[%swap3A_1546, %swap3A_1547], %select_n3A_1544 {strides = array<i32>} : memref<1x128xi32, #tpu.memory_space<vmem>>, vector<16xi32>,
      %add3A_1549 = arith.addi %get3A_1520, %broadcast_in_dim3A_76 : vector<16xi32>
      %gather3A_1550 = tpu.vector_load_idx %arg9[%add3A_1549] : memref<40032xf32, #tpu.memory_space<vmem>>[vector<16xi32>], vector<16xf32>,
      %add3A_1551 = arith.addi %get3A_1520, %broadcast_in_dim3A_78 : vector<16xi32>
      %gather3A_1552 = tpu.vector_load_idx %arg9[%add3A_1551] : memref<40032xf32, #tpu.memory_space<vmem>>[vector<16xi32>], vector<16xf32>,
      %add3A_1553 = arith.addi %get3A_1520, %broadcast_in_dim3A_80 : vector<16xi32>
      %gather3A_1554 = tpu.vector_load_idx %arg9[%add3A_1553] : memref<40032xf32, #tpu.memory_space<vmem>>[vector<16xi32>], vector<16xf32>,
      %add3A_1555 = arith.addi %get3A_1520, %broadcast_in_dim3A_82 : vector<16xi32>
      %gather3A_1556 = tpu.vector_load_idx %arg9[%add3A_1555] : memref<40032xf32, #tpu.memory_space<vmem>>[vector<16xi32>], vector<16xf32>,
      %gather3A_1557 = tpu.vector_load_idx %arg10[%get3A_1524] : memref<20016xi32, #tpu.memory_space<vmem>>[vector<16xi32>], vector<16xi32>,
      %add3A_1558 = arith.addi %get3A_1524, %broadcast_in_dim3A_78 : vector<16xi32>
      %gather3A_1559 = tpu.vector_load_idx %arg10[%add3A_1558] : memref<20016xi32, #tpu.memory_space<vmem>>[vector<16xi32>], vector<16xi32>,
      %bitcast3A_1560 = vector.bitcast %gather3A_1557 : vector<16xi32> to vector<32xbf16>
      %unpack3A_1561 = tpu.unpack_subelements %bitcast3A_1560, 0 {pack_format = #tpu.pack_format<interleaved>} : vector<32xbf16> -> vector<16xf32>
      %unpack3A_1562 = tpu.unpack_subelements %bitcast3A_1560, 1 {pack_format = #tpu.pack_format<interleaved>} : vector<32xbf16> -> vector<16xf32>
      %bitcast3A_1563 = vector.bitcast %gather3A_1559 : vector<16xi32> to vector<32xbf16>
      %unpack3A_1564 = tpu.unpack_subelements %bitcast3A_1563, 0 {pack_format = #tpu.pack_format<interleaved>} : vector<32xbf16> -> vector<16xf32>
      %unpack3A_1565 = tpu.unpack_subelements %bitcast3A_1563, 1 {pack_format = #tpu.pack_format<interleaved>} : vector<32xbf16> -> vector<16xf32>
      %gather3A_1566 = tpu.vector_load_idx %arg11[%get3A_1520] : memref<30024xi32, #tpu.memory_space<vmem>>[vector<16xi32>], vector<16xi32>,
      %add3A_1567 = arith.addi %get3A_1520, %broadcast_in_dim3A_78 : vector<16xi32>
      %gather3A_1568 = tpu.vector_load_idx %arg11[%add3A_1567] : memref<30024xi32, #tpu.memory_space<vmem>>[vector<16xi32>], vector<16xi32>,
      %add3A_1569 = arith.addi %get3A_1520, %broadcast_in_dim3A_80 : vector<16xi32>
      %gather3A_1570 = tpu.vector_load_idx %arg11[%add3A_1569] : memref<30024xi32, #tpu.memory_space<vmem>>[vector<16xi32>], vector<16xi32>,
      %bitcast3A_1571 = vector.bitcast %gather3A_1566 : vector<16xi32> to vector<32xbf16>
      %unpack3A_1572 = tpu.unpack_subelements %bitcast3A_1571, 0 {pack_format = #tpu.pack_format<interleaved>} : vector<32xbf16> -> vector<16xf32>
      %unpack3A_1573 = tpu.unpack_subelements %bitcast3A_1571, 1 {pack_format = #tpu.pack_format<interleaved>} : vector<32xbf16> -> vector<16xf32>
      %bitcast3A_1574 = vector.bitcast %gather3A_1568 : vector<16xi32> to vector<32xbf16>
      %unpack3A_1575 = tpu.unpack_subelements %bitcast3A_1574, 0 {pack_format = #tpu.pack_format<interleaved>} : vector<32xbf16> -> vector<16xf32>
      %unpack3A_1576 = tpu.unpack_subelements %bitcast3A_1574, 1 {pack_format = #tpu.pack_format<interleaved>} : vector<32xbf16> -> vector<16xf32>
      %bitcast3A_1577 = vector.bitcast %gather3A_1570 : vector<16xi32> to vector<16xf32>
      %add3A_1578 = arith.addf %gather3A_1550, %unpack3A_1561 : vector<16xf32>
      %gt3A_1579 = arith.constant 0.000000e+00 : f32
      %gt3A_1580 = vector.broadcast %gt3A_1579 : f32 to vector<16xf32>
      %gt3A_1581 = arith.cmpf ogt, %add3A_1578, %gt3A_1580 : vector<16xf32>
      %mul3A_1582 = arith.constant 2.000000e-01 : f32
      %mul3A_1583 = vector.broadcast %mul3A_1582 : f32 to vector<16xf32>
      %mul3A_1584 = arith.mulf %mul3A_1583, %add3A_1578 : vector<16xf32>
      %select_n3A_1585 = arith.select %gt3A_1581, %add3A_1578, %mul3A_1584 : vector<16xi1>, vector<16xf32>
      %sub3A_1586 = arith.subf %select_n3A_1585, %get3A_5 : vector<16xf32>
      %exp3A_1587 = math.exp %sub3A_1586 : vector<16xf32>
      tpu.vector_store_idx %arg17[%add3A_1516, %broadcast_in_dim3A_52], %exp3A_1587 : memref<128x32xf32, #tpu.memory_space<vmem>>[vector<16xi32>, vector<16xi32>], vector<16xf32>,
      %mul3A_1588 = arith.mulf %exp3A_1587, %unpack3A_1572 : vector<16xf32>
      tpu.vector_store_idx %arg17[%add3A_1516, %broadcast_in_dim3A_12], %mul3A_1588 : memref<128x32xf32, #tpu.memory_space<vmem>>[vector<16xi32>, vector<16xi32>], vector<16xf32>,
      %mul3A_1589 = arith.mulf %exp3A_1587, %unpack3A_1573 : vector<16xf32>
      tpu.vector_store_idx %arg17[%add3A_1516, %broadcast_in_dim3A_14], %mul3A_1589 : memref<128x32xf32, #tpu.memory_space<vmem>>[vector<16xi32>, vector<16xi32>], vector<16xf32>,
      %mul3A_1590 = arith.mulf %exp3A_1587, %unpack3A_1575 : vector<16xf32>
      tpu.vector_store_idx %arg17[%add3A_1516, %broadcast_in_dim3A_16], %mul3A_1590 : memref<128x32xf32, #tpu.memory_space<vmem>>[vector<16xi32>, vector<16xi32>], vector<16xf32>,
      %mul3A_1591 = arith.mulf %exp3A_1587, %unpack3A_1576 : vector<16xf32>
      tpu.vector_store_idx %arg17[%add3A_1516, %broadcast_in_dim3A_18], %mul3A_1591 : memref<128x32xf32, #tpu.memory_space<vmem>>[vector<16xi32>, vector<16xi32>], vector<16xf32>,
      %mul3A_1592 = arith.mulf %exp3A_1587, %bitcast3A_1577 : vector<16xf32>
      tpu.vector_store_idx %arg17[%add3A_1516, %broadcast_in_dim3A_20], %mul3A_1592 : memref<128x32xf32, #tpu.memory_space<vmem>>[vector<16xi32>, vector<16xi32>], vector<16xf32>,
      %add3A_1593 = arith.addf %gather3A_1552, %unpack3A_1562 : vector<16xf32>
      %gt3A_1594 = arith.constant 0.000000e+00 : f32
      %gt3A_1595 = vector.broadcast %gt3A_1594 : f32 to vector<16xf32>
      %gt3A_1596 = arith.cmpf ogt, %add3A_1593, %gt3A_1595 : vector<16xf32>
      %mul3A_1597 = arith.constant 2.000000e-01 : f32
      %mul3A_1598 = vector.broadcast %mul3A_1597 : f32 to vector<16xf32>
      %mul3A_1599 = arith.mulf %mul3A_1598, %add3A_1593 : vector<16xf32>
      %select_n3A_1600 = arith.select %gt3A_1596, %add3A_1593, %mul3A_1599 : vector<16xi1>, vector<16xf32>
      %sub3A_1601 = arith.subf %select_n3A_1600, %get3A_7 : vector<16xf32>
      %exp3A_1602 = math.exp %sub3A_1601 : vector<16xf32>
      tpu.vector_store_idx %arg17[%add3A_1516, %broadcast_in_dim3A_54], %exp3A_1602 : memref<128x32xf32, #tpu.memory_space<vmem>>[vector<16xi32>, vector<16xi32>], vector<16xf32>,
      %mul3A_1603 = arith.mulf %exp3A_1602, %unpack3A_1572 : vector<16xf32>
      tpu.vector_store_idx %arg17[%add3A_1516, %broadcast_in_dim3A_22], %mul3A_1603 : memref<128x32xf32, #tpu.memory_space<vmem>>[vector<16xi32>, vector<16xi32>], vector<16xf32>,
      %mul3A_1604 = arith.mulf %exp3A_1602, %unpack3A_1573 : vector<16xf32>
      tpu.vector_store_idx %arg17[%add3A_1516, %broadcast_in_dim3A_24], %mul3A_1604 : memref<128x32xf32, #tpu.memory_space<vmem>>[vector<16xi32>, vector<16xi32>], vector<16xf32>,
      %mul3A_1605 = arith.mulf %exp3A_1602, %unpack3A_1575 : vector<16xf32>
      tpu.vector_store_idx %arg17[%add3A_1516, %broadcast_in_dim3A_26], %mul3A_1605 : memref<128x32xf32, #tpu.memory_space<vmem>>[vector<16xi32>, vector<16xi32>], vector<16xf32>,
      %mul3A_1606 = arith.mulf %exp3A_1602, %unpack3A_1576 : vector<16xf32>
      tpu.vector_store_idx %arg17[%add3A_1516, %broadcast_in_dim3A_28], %mul3A_1606 : memref<128x32xf32, #tpu.memory_space<vmem>>[vector<16xi32>, vector<16xi32>], vector<16xf32>,
      %mul3A_1607 = arith.mulf %exp3A_1602, %bitcast3A_1577 : vector<16xf32>
      tpu.vector_store_idx %arg17[%add3A_1516, %broadcast_in_dim3A_30], %mul3A_1607 : memref<128x32xf32, #tpu.memory_space<vmem>>[vector<16xi32>, vector<16xi32>], vector<16xf32>,
      %add3A_1608 = arith.addf %gather3A_1554, %unpack3A_1564 : vector<16xf32>
      %gt3A_1609 = arith.constant 0.000000e+00 : f32
      %gt3A_1610 = vector.broadcast %gt3A_1609 : f32 to vector<16xf32>
      %gt3A_1611 = arith.cmpf ogt, %add3A_1608, %gt3A_1610 : vector<16xf32>
      %mul3A_1612 = arith.constant 2.000000e-01 : f32
      %mul3A_1613 = vector.broadcast %mul3A_1612 : f32 to vector<16xf32>
      %mul3A_1614 = arith.mulf %mul3A_1613, %add3A_1608 : vector<16xf32>
      %select_n3A_1615 = arith.select %gt3A_1611, %add3A_1608, %mul3A_1614 : vector<16xi1>, vector<16xf32>
      %sub3A_1616 = arith.subf %select_n3A_1615, %get3A_9 : vector<16xf32>
      %exp3A_1617 = math.exp %sub3A_1616 : vector<16xf32>
      tpu.vector_store_idx %arg17[%add3A_1516, %broadcast_in_dim3A_56], %exp3A_1617 : memref<128x32xf32, #tpu.memory_space<vmem>>[vector<16xi32>, vector<16xi32>], vector<16xf32>,
      %mul3A_1618 = arith.mulf %exp3A_1617, %unpack3A_1572 : vector<16xf32>
      tpu.vector_store_idx %arg17[%add3A_1516, %broadcast_in_dim3A_32], %mul3A_1618 : memref<128x32xf32, #tpu.memory_space<vmem>>[vector<16xi32>, vector<16xi32>], vector<16xf32>,
      %mul3A_1619 = arith.mulf %exp3A_1617, %unpack3A_1573 : vector<16xf32>
      tpu.vector_store_idx %arg17[%add3A_1516, %broadcast_in_dim3A_34], %mul3A_1619 : memref<128x32xf32, #tpu.memory_space<vmem>>[vector<16xi32>, vector<16xi32>], vector<16xf32>,
      %mul3A_1620 = arith.mulf %exp3A_1617, %unpack3A_1575 : vector<16xf32>
      tpu.vector_store_idx %arg17[%add3A_1516, %broadcast_in_dim3A_36], %mul3A_1620 : memref<128x32xf32, #tpu.memory_space<vmem>>[vector<16xi32>, vector<16xi32>], vector<16xf32>,
      %mul3A_1621 = arith.mulf %exp3A_1617, %unpack3A_1576 : vector<16xf32>
      tpu.vector_store_idx %arg17[%add3A_1516, %broadcast_in_dim3A_38], %mul3A_1621 : memref<128x32xf32, #tpu.memory_space<vmem>>[vector<16xi32>, vector<16xi32>], vector<16xf32>,
      %mul3A_1622 = arith.mulf %exp3A_1617, %bitcast3A_1577 : vector<16xf32>
      tpu.vector_store_idx %arg17[%add3A_1516, %broadcast_in_dim3A_40], %mul3A_1622 : memref<128x32xf32, #tpu.memory_space<vmem>>[vector<16xi32>, vector<16xi32>], vector<16xf32>,
      %add3A_1623 = arith.addf %gather3A_1556, %unpack3A_1565 : vector<16xf32>
      %gt3A_1624 = arith.constant 0.000000e+00 : f32
      %gt3A_1625 = vector.broadcast %gt3A_1624 : f32 to vector<16xf32>
      %gt3A_1626 = arith.cmpf ogt, %add3A_1623, %gt3A_1625 : vector<16xf32>
      %mul3A_1627 = arith.constant 2.000000e-01 : f32
      %mul3A_1628 = vector.broadcast %mul3A_1627 : f32 to vector<16xf32>
      %mul3A_1629 = arith.mulf %mul3A_1628, %add3A_1623 : vector<16xf32>
      %select_n3A_1630 = arith.select %gt3A_1626, %add3A_1623, %mul3A_1629 : vector<16xi1>, vector<16xf32>
      %sub3A_1631 = arith.subf %select_n3A_1630, %get3A_11 : vector<16xf32>
      %exp3A_1632 = math.exp %sub3A_1631 : vector<16xf32>
      tpu.vector_store_idx %arg17[%add3A_1516, %broadcast_in_dim3A_58], %exp3A_1632 : memref<128x32xf32, #tpu.memory_space<vmem>>[vector<16xi32>, vector<16xi32>], vector<16xf32>,
      %mul3A_1633 = arith.mulf %exp3A_1632, %unpack3A_1572 : vector<16xf32>
      tpu.vector_store_idx %arg17[%add3A_1516, %broadcast_in_dim3A_42], %mul3A_1633 : memref<128x32xf32, #tpu.memory_space<vmem>>[vector<16xi32>, vector<16xi32>], vector<16xf32>,
      %mul3A_1634 = arith.mulf %exp3A_1632, %unpack3A_1573 : vector<16xf32>
      tpu.vector_store_idx %arg17[%add3A_1516, %broadcast_in_dim3A_44], %mul3A_1634 : memref<128x32xf32, #tpu.memory_space<vmem>>[vector<16xi32>, vector<16xi32>], vector<16xf32>,
      %mul3A_1635 = arith.mulf %exp3A_1632, %unpack3A_1575 : vector<16xf32>
      tpu.vector_store_idx %arg17[%add3A_1516, %broadcast_in_dim3A_46], %mul3A_1635 : memref<128x32xf32, #tpu.memory_space<vmem>>[vector<16xi32>, vector<16xi32>], vector<16xf32>,
      %mul3A_1636 = arith.mulf %exp3A_1632, %unpack3A_1576 : vector<16xf32>
      tpu.vector_store_idx %arg17[%add3A_1516, %broadcast_in_dim3A_48], %mul3A_1636 : memref<128x32xf32, #tpu.memory_space<vmem>>[vector<16xi32>, vector<16xi32>], vector<16xf32>,
      %mul3A_1637 = arith.mulf %exp3A_1632, %bitcast3A_1577 : vector<16xf32>
      tpu.vector_store_idx %arg17[%add3A_1516, %broadcast_in_dim3A_50], %mul3A_1637 : memref<128x32xf32, #tpu.memory_space<vmem>>[vector<16xi32>, vector<16xi32>], vector<16xf32>,
      %add3A_1638 = arith.constant 32 : i32
      %add3A_1639 = vector.broadcast %add3A_1638 : i32 to vector<16xi32>
      %add3A_1640 = arith.addi %iota3A, %add3A_1639 : vector<16xi32>
      %get3A_1641 = arith.constant 0 : i32
      %get3A_1642 = arith.index_cast %get3A_1641 : i32 to index
      %get3A_1643 = arith.constant 32 : index
      %get3A_1644 = tpu.vector_load %arg13[%get3A_1642, %get3A_1643] {strides = array<i32>} : memref<2x128xi32, #tpu.memory_space<vmem>>, vector<16xi32>,
      %get3A_1645 = arith.constant 1 : i32
      %get3A_1646 = arith.index_cast %get3A_1645 : i32 to index
      %get3A_1647 = arith.constant 32 : index
      %get3A_1648 = tpu.vector_load %arg13[%get3A_1646, %get3A_1647] {strides = array<i32>} : memref<2x128xi32, #tpu.memory_space<vmem>>, vector<16xi32>,
      %mul3A_1649 = arith.constant 52429 : i32
      %mul3A_1650 = vector.broadcast %mul3A_1649 : i32 to vector<16xi32>
      %mul3A_1651 = arith.muli %get3A_1648, %mul3A_1650 : vector<16xi32>
      %shift_right_logical3A_1652 = arith.constant 19 : i32
      %shift_right_logical3A_1653 = vector.broadcast %shift_right_logical3A_1652 : i32 to vector<16xi32>
      %shift_right_logical3A_1654 = arith.shrui %mul3A_1651, %shift_right_logical3A_1653 : vector<16xi32>
      %mul3A_1655 = arith.constant 10 : i32
      %mul3A_1656 = vector.broadcast %mul3A_1655 : i32 to vector<16xi32>
      %mul3A_1657 = arith.muli %shift_right_logical3A_1654, %mul3A_1656 : vector<16xi32>
      %sub3A_1658 = arith.subi %get3A_1648, %mul3A_1657 : vector<16xi32>
      %lt3A_1659 = arith.constant 5 : i32
      %lt3A_1660 = vector.broadcast %lt3A_1659 : i32 to vector<16xi32>
      %lt3A_1661 = arith.cmpi slt, %sub3A_1658, %lt3A_1660 : vector<16xi32>
      %mul3A_1662 = arith.constant 5 : i32
      %mul3A_1663 = vector.broadcast %mul3A_1662 : i32 to vector<16xi32>
      %mul3A_1664 = arith.muli %shift_right_logical3A_1654, %mul3A_1663 : vector<16xi32>
      %add3A_1665 = arith.addi %mul3A_1664, %sub3A_1658 : vector<16xi32>
      %broadcast_in_dim3A_1666 = arith.constant 5000 : i32
      %broadcast_in_dim3A_1667 = vector.broadcast %broadcast_in_dim3A_1666 : i32 to vector<16xi32>
      %select_n3A_1668 = arith.select %lt3A_1661, %add3A_1665, %broadcast_in_dim3A_1667 : vector<16xi1>, vector<16xi32>
      %swap3A_1669 = arith.constant 0 : i32
      %swap3A_1670 = arith.index_cast %swap3A_1669 : i32 to index
      %swap3A_1671 = arith.constant 32 : index
      %swap3A_1672 = tpu.vector_load %arg15[%swap3A_1670, %swap3A_1671] {strides = array<i32>} : memref<1x128xi32, #tpu.memory_space<vmem>>, vector<16xi32>,
      tpu.vector_store %arg15[%swap3A_1670, %swap3A_1671], %select_n3A_1668 {strides = array<i32>} : memref<1x128xi32, #tpu.memory_space<vmem>>, vector<16xi32>,
      %add3A_1673 = arith.addi %get3A_1644, %broadcast_in_dim3A_76 : vector<16xi32>
      %gather3A_1674 = tpu.vector_load_idx %arg9[%add3A_1673] : memref<40032xf32, #tpu.memory_space<vmem>>[vector<16xi32>], vector<16xf32>,
      %add3A_1675 = arith.addi %get3A_1644, %broadcast_in_dim3A_78 : vector<16xi32>
      %gather3A_1676 = tpu.vector_load_idx %arg9[%add3A_1675] : memref<40032xf32, #tpu.memory_space<vmem>>[vector<16xi32>], vector<16xf32>,
      %add3A_1677 = arith.addi %get3A_1644, %broadcast_in_dim3A_80 : vector<16xi32>
      %gather3A_1678 = tpu.vector_load_idx %arg9[%add3A_1677] : memref<40032xf32, #tpu.memory_space<vmem>>[vector<16xi32>], vector<16xf32>,
      %add3A_1679 = arith.addi %get3A_1644, %broadcast_in_dim3A_82 : vector<16xi32>
      %gather3A_1680 = tpu.vector_load_idx %arg9[%add3A_1679] : memref<40032xf32, #tpu.memory_space<vmem>>[vector<16xi32>], vector<16xf32>,
      %gather3A_1681 = tpu.vector_load_idx %arg10[%get3A_1648] : memref<20016xi32, #tpu.memory_space<vmem>>[vector<16xi32>], vector<16xi32>,
      %add3A_1682 = arith.addi %get3A_1648, %broadcast_in_dim3A_78 : vector<16xi32>
      %gather3A_1683 = tpu.vector_load_idx %arg10[%add3A_1682] : memref<20016xi32, #tpu.memory_space<vmem>>[vector<16xi32>], vector<16xi32>,
      %bitcast3A_1684 = vector.bitcast %gather3A_1681 : vector<16xi32> to vector<32xbf16>
      %unpack3A_1685 = tpu.unpack_subelements %bitcast3A_1684, 0 {pack_format = #tpu.pack_format<interleaved>} : vector<32xbf16> -> vector<16xf32>
      %unpack3A_1686 = tpu.unpack_subelements %bitcast3A_1684, 1 {pack_format = #tpu.pack_format<interleaved>} : vector<32xbf16> -> vector<16xf32>
      %bitcast3A_1687 = vector.bitcast %gather3A_1683 : vector<16xi32> to vector<32xbf16>
      %unpack3A_1688 = tpu.unpack_subelements %bitcast3A_1687, 0 {pack_format = #tpu.pack_format<interleaved>} : vector<32xbf16> -> vector<16xf32>
      %unpack3A_1689 = tpu.unpack_subelements %bitcast3A_1687, 1 {pack_format = #tpu.pack_format<interleaved>} : vector<32xbf16> -> vector<16xf32>
      %gather3A_1690 = tpu.vector_load_idx %arg11[%get3A_1644] : memref<30024xi32, #tpu.memory_space<vmem>>[vector<16xi32>], vector<16xi32>,
      %add3A_1691 = arith.addi %get3A_1644, %broadcast_in_dim3A_78 : vector<16xi32>
      %gather3A_1692 = tpu.vector_load_idx %arg11[%add3A_1691] : memref<30024xi32, #tpu.memory_space<vmem>>[vector<16xi32>], vector<16xi32>,
      %add3A_1693 = arith.addi %get3A_1644, %broadcast_in_dim3A_80 : vector<16xi32>
      %gather3A_1694 = tpu.vector_load_idx %arg11[%add3A_1693] : memref<30024xi32, #tpu.memory_space<vmem>>[vector<16xi32>], vector<16xi32>,
      %bitcast3A_1695 = vector.bitcast %gather3A_1690 : vector<16xi32> to vector<32xbf16>
      %unpack3A_1696 = tpu.unpack_subelements %bitcast3A_1695, 0 {pack_format = #tpu.pack_format<interleaved>} : vector<32xbf16> -> vector<16xf32>
      %unpack3A_1697 = tpu.unpack_subelements %bitcast3A_1695, 1 {pack_format = #tpu.pack_format<interleaved>} : vector<32xbf16> -> vector<16xf32>
      %bitcast3A_1698 = vector.bitcast %gather3A_1692 : vector<16xi32> to vector<32xbf16>
      %unpack3A_1699 = tpu.unpack_subelements %bitcast3A_1698, 0 {pack_format = #tpu.pack_format<interleaved>} : vector<32xbf16> -> vector<16xf32>
      %unpack3A_1700 = tpu.unpack_subelements %bitcast3A_1698, 1 {pack_format = #tpu.pack_format<interleaved>} : vector<32xbf16> -> vector<16xf32>
      %bitcast3A_1701 = vector.bitcast %gather3A_1694 : vector<16xi32> to vector<16xf32>
      %add3A_1702 = arith.addf %gather3A_1674, %unpack3A_1685 : vector<16xf32>
      %gt3A_1703 = arith.constant 0.000000e+00 : f32
      %gt3A_1704 = vector.broadcast %gt3A_1703 : f32 to vector<16xf32>
      %gt3A_1705 = arith.cmpf ogt, %add3A_1702, %gt3A_1704 : vector<16xf32>
      %mul3A_1706 = arith.constant 2.000000e-01 : f32
      %mul3A_1707 = vector.broadcast %mul3A_1706 : f32 to vector<16xf32>
      %mul3A_1708 = arith.mulf %mul3A_1707, %add3A_1702 : vector<16xf32>
      %select_n3A_1709 = arith.select %gt3A_1705, %add3A_1702, %mul3A_1708 : vector<16xi1>, vector<16xf32>
      %sub3A_1710 = arith.subf %select_n3A_1709, %get3A_5 : vector<16xf32>
      %exp3A_1711 = math.exp %sub3A_1710 : vector<16xf32>
      tpu.vector_store_idx %arg17[%add3A_1640, %broadcast_in_dim3A_52], %exp3A_1711 : memref<128x32xf32, #tpu.memory_space<vmem>>[vector<16xi32>, vector<16xi32>], vector<16xf32>,
      %mul3A_1712 = arith.mulf %exp3A_1711, %unpack3A_1696 : vector<16xf32>
      tpu.vector_store_idx %arg17[%add3A_1640, %broadcast_in_dim3A_12], %mul3A_1712 : memref<128x32xf32, #tpu.memory_space<vmem>>[vector<16xi32>, vector<16xi32>], vector<16xf32>,
      %mul3A_1713 = arith.mulf %exp3A_1711, %unpack3A_1697 : vector<16xf32>
      tpu.vector_store_idx %arg17[%add3A_1640, %broadcast_in_dim3A_14], %mul3A_1713 : memref<128x32xf32, #tpu.memory_space<vmem>>[vector<16xi32>, vector<16xi32>], vector<16xf32>,
      %mul3A_1714 = arith.mulf %exp3A_1711, %unpack3A_1699 : vector<16xf32>
      tpu.vector_store_idx %arg17[%add3A_1640, %broadcast_in_dim3A_16], %mul3A_1714 : memref<128x32xf32, #tpu.memory_space<vmem>>[vector<16xi32>, vector<16xi32>], vector<16xf32>,
      %mul3A_1715 = arith.mulf %exp3A_1711, %unpack3A_1700 : vector<16xf32>
      tpu.vector_store_idx %arg17[%add3A_1640, %broadcast_in_dim3A_18], %mul3A_1715 : memref<128x32xf32, #tpu.memory_space<vmem>>[vector<16xi32>, vector<16xi32>], vector<16xf32>,
      %mul3A_1716 = arith.mulf %exp3A_1711, %bitcast3A_1701 : vector<16xf32>
      tpu.vector_store_idx %arg17[%add3A_1640, %broadcast_in_dim3A_20], %mul3A_1716 : memref<128x32xf32, #tpu.memory_space<vmem>>[vector<16xi32>, vector<16xi32>], vector<16xf32>,
      %add3A_1717 = arith.addf %gather3A_1676, %unpack3A_1686 : vector<16xf32>
      %gt3A_1718 = arith.constant 0.000000e+00 : f32
      %gt3A_1719 = vector.broadcast %gt3A_1718 : f32 to vector<16xf32>
      %gt3A_1720 = arith.cmpf ogt, %add3A_1717, %gt3A_1719 : vector<16xf32>
      %mul3A_1721 = arith.constant 2.000000e-01 : f32
      %mul3A_1722 = vector.broadcast %mul3A_1721 : f32 to vector<16xf32>
      %mul3A_1723 = arith.mulf %mul3A_1722, %add3A_1717 : vector<16xf32>
      %select_n3A_1724 = arith.select %gt3A_1720, %add3A_1717, %mul3A_1723 : vector<16xi1>, vector<16xf32>
      %sub3A_1725 = arith.subf %select_n3A_1724, %get3A_7 : vector<16xf32>
      %exp3A_1726 = math.exp %sub3A_1725 : vector<16xf32>
      tpu.vector_store_idx %arg17[%add3A_1640, %broadcast_in_dim3A_54], %exp3A_1726 : memref<128x32xf32, #tpu.memory_space<vmem>>[vector<16xi32>, vector<16xi32>], vector<16xf32>,
      %mul3A_1727 = arith.mulf %exp3A_1726, %unpack3A_1696 : vector<16xf32>
      tpu.vector_store_idx %arg17[%add3A_1640, %broadcast_in_dim3A_22], %mul3A_1727 : memref<128x32xf32, #tpu.memory_space<vmem>>[vector<16xi32>, vector<16xi32>], vector<16xf32>,
      %mul3A_1728 = arith.mulf %exp3A_1726, %unpack3A_1697 : vector<16xf32>
      tpu.vector_store_idx %arg17[%add3A_1640, %broadcast_in_dim3A_24], %mul3A_1728 : memref<128x32xf32, #tpu.memory_space<vmem>>[vector<16xi32>, vector<16xi32>], vector<16xf32>,
      %mul3A_1729 = arith.mulf %exp3A_1726, %unpack3A_1699 : vector<16xf32>
      tpu.vector_store_idx %arg17[%add3A_1640, %broadcast_in_dim3A_26], %mul3A_1729 : memref<128x32xf32, #tpu.memory_space<vmem>>[vector<16xi32>, vector<16xi32>], vector<16xf32>,
      %mul3A_1730 = arith.mulf %exp3A_1726, %unpack3A_1700 : vector<16xf32>
      tpu.vector_store_idx %arg17[%add3A_1640, %broadcast_in_dim3A_28], %mul3A_1730 : memref<128x32xf32, #tpu.memory_space<vmem>>[vector<16xi32>, vector<16xi32>], vector<16xf32>,
      %mul3A_1731 = arith.mulf %exp3A_1726, %bitcast3A_1701 : vector<16xf32>
      tpu.vector_store_idx %arg17[%add3A_1640, %broadcast_in_dim3A_30], %mul3A_1731 : memref<128x32xf32, #tpu.memory_space<vmem>>[vector<16xi32>, vector<16xi32>], vector<16xf32>,
      %add3A_1732 = arith.addf %gather3A_1678, %unpack3A_1688 : vector<16xf32>
      %gt3A_1733 = arith.constant 0.000000e+00 : f32
      %gt3A_1734 = vector.broadcast %gt3A_1733 : f32 to vector<16xf32>
      %gt3A_1735 = arith.cmpf ogt, %add3A_1732, %gt3A_1734 : vector<16xf32>
      %mul3A_1736 = arith.constant 2.000000e-01 : f32
      %mul3A_1737 = vector.broadcast %mul3A_1736 : f32 to vector<16xf32>
      %mul3A_1738 = arith.mulf %mul3A_1737, %add3A_1732 : vector<16xf32>
      %select_n3A_1739 = arith.select %gt3A_1735, %add3A_1732, %mul3A_1738 : vector<16xi1>, vector<16xf32>
      %sub3A_1740 = arith.subf %select_n3A_1739, %get3A_9 : vector<16xf32>
      %exp3A_1741 = math.exp %sub3A_1740 : vector<16xf32>
      tpu.vector_store_idx %arg17[%add3A_1640, %broadcast_in_dim3A_56], %exp3A_1741 : memref<128x32xf32, #tpu.memory_space<vmem>>[vector<16xi32>, vector<16xi32>], vector<16xf32>,
      %mul3A_1742 = arith.mulf %exp3A_1741, %unpack3A_1696 : vector<16xf32>
      tpu.vector_store_idx %arg17[%add3A_1640, %broadcast_in_dim3A_32], %mul3A_1742 : memref<128x32xf32, #tpu.memory_space<vmem>>[vector<16xi32>, vector<16xi32>], vector<16xf32>,
      %mul3A_1743 = arith.mulf %exp3A_1741, %unpack3A_1697 : vector<16xf32>
      tpu.vector_store_idx %arg17[%add3A_1640, %broadcast_in_dim3A_34], %mul3A_1743 : memref<128x32xf32, #tpu.memory_space<vmem>>[vector<16xi32>, vector<16xi32>], vector<16xf32>,
      %mul3A_1744 = arith.mulf %exp3A_1741, %unpack3A_1699 : vector<16xf32>
      tpu.vector_store_idx %arg17[%add3A_1640, %broadcast_in_dim3A_36], %mul3A_1744 : memref<128x32xf32, #tpu.memory_space<vmem>>[vector<16xi32>, vector<16xi32>], vector<16xf32>,
      %mul3A_1745 = arith.mulf %exp3A_1741, %unpack3A_1700 : vector<16xf32>
      tpu.vector_store_idx %arg17[%add3A_1640, %broadcast_in_dim3A_38], %mul3A_1745 : memref<128x32xf32, #tpu.memory_space<vmem>>[vector<16xi32>, vector<16xi32>], vector<16xf32>,
      %mul3A_1746 = arith.mulf %exp3A_1741, %bitcast3A_1701 : vector<16xf32>
      tpu.vector_store_idx %arg17[%add3A_1640, %broadcast_in_dim3A_40], %mul3A_1746 : memref<128x32xf32, #tpu.memory_space<vmem>>[vector<16xi32>, vector<16xi32>], vector<16xf32>,
      %add3A_1747 = arith.addf %gather3A_1680, %unpack3A_1689 : vector<16xf32>
      %gt3A_1748 = arith.constant 0.000000e+00 : f32
      %gt3A_1749 = vector.broadcast %gt3A_1748 : f32 to vector<16xf32>
      %gt3A_1750 = arith.cmpf ogt, %add3A_1747, %gt3A_1749 : vector<16xf32>
      %mul3A_1751 = arith.constant 2.000000e-01 : f32
      %mul3A_1752 = vector.broadcast %mul3A_1751 : f32 to vector<16xf32>
      %mul3A_1753 = arith.mulf %mul3A_1752, %add3A_1747 : vector<16xf32>
      %select_n3A_1754 = arith.select %gt3A_1750, %add3A_1747, %mul3A_1753 : vector<16xi1>, vector<16xf32>
      %sub3A_1755 = arith.subf %select_n3A_1754, %get3A_11 : vector<16xf32>
      %exp3A_1756 = math.exp %sub3A_1755 : vector<16xf32>
      tpu.vector_store_idx %arg17[%add3A_1640, %broadcast_in_dim3A_58], %exp3A_1756 : memref<128x32xf32, #tpu.memory_space<vmem>>[vector<16xi32>, vector<16xi32>], vector<16xf32>,
      %mul3A_1757 = arith.mulf %exp3A_1756, %unpack3A_1696 : vector<16xf32>
      tpu.vector_store_idx %arg17[%add3A_1640, %broadcast_in_dim3A_42], %mul3A_1757 : memref<128x32xf32, #tpu.memory_space<vmem>>[vector<16xi32>, vector<16xi32>], vector<16xf32>,
      %mul3A_1758 = arith.mulf %exp3A_1756, %unpack3A_1697 : vector<16xf32>
      tpu.vector_store_idx %arg17[%add3A_1640, %broadcast_in_dim3A_44], %mul3A_1758 : memref<128x32xf32, #tpu.memory_space<vmem>>[vector<16xi32>, vector<16xi32>], vector<16xf32>,
      %mul3A_1759 = arith.mulf %exp3A_1756, %unpack3A_1699 : vector<16xf32>
      tpu.vector_store_idx %arg17[%add3A_1640, %broadcast_in_dim3A_46], %mul3A_1759 : memref<128x32xf32, #tpu.memory_space<vmem>>[vector<16xi32>, vector<16xi32>], vector<16xf32>,
      %mul3A_1760 = arith.mulf %exp3A_1756, %unpack3A_1700 : vector<16xf32>
      tpu.vector_store_idx %arg17[%add3A_1640, %broadcast_in_dim3A_48], %mul3A_1760 : memref<128x32xf32, #tpu.memory_space<vmem>>[vector<16xi32>, vector<16xi32>], vector<16xf32>,
      %mul3A_1761 = arith.mulf %exp3A_1756, %bitcast3A_1701 : vector<16xf32>
      tpu.vector_store_idx %arg17[%add3A_1640, %broadcast_in_dim3A_50], %mul3A_1761 : memref<128x32xf32, #tpu.memory_space<vmem>>[vector<16xi32>, vector<16xi32>], vector<16xf32>,
      %add3A_1762 = arith.constant 48 : i32
      %add3A_1763 = vector.broadcast %add3A_1762 : i32 to vector<16xi32>
      %add3A_1764 = arith.addi %iota3A, %add3A_1763 : vector<16xi32>
      %get3A_1765 = arith.constant 0 : i32
      %get3A_1766 = arith.index_cast %get3A_1765 : i32 to index
      %get3A_1767 = arith.constant 48 : index
      %get3A_1768 = tpu.vector_load %arg13[%get3A_1766, %get3A_1767] {strides = array<i32>} : memref<2x128xi32, #tpu.memory_space<vmem>>, vector<16xi32>,
      %get3A_1769 = arith.constant 1 : i32
      %get3A_1770 = arith.index_cast %get3A_1769 : i32 to index
      %get3A_1771 = arith.constant 48 : index
      %get3A_1772 = tpu.vector_load %arg13[%get3A_1770, %get3A_1771] {strides = array<i32>} : memref<2x128xi32, #tpu.memory_space<vmem>>, vector<16xi32>,
      %mul3A_1773 = arith.constant 52429 : i32
      %mul3A_1774 = vector.broadcast %mul3A_1773 : i32 to vector<16xi32>
      %mul3A_1775 = arith.muli %get3A_1772, %mul3A_1774 : vector<16xi32>
      %shift_right_logical3A_1776 = arith.constant 19 : i32
      %shift_right_logical3A_1777 = vector.broadcast %shift_right_logical3A_1776 : i32 to vector<16xi32>
      %shift_right_logical3A_1778 = arith.shrui %mul3A_1775, %shift_right_logical3A_1777 : vector<16xi32>
      %mul3A_1779 = arith.constant 10 : i32
      %mul3A_1780 = vector.broadcast %mul3A_1779 : i32 to vector<16xi32>
      %mul3A_1781 = arith.muli %shift_right_logical3A_1778, %mul3A_1780 : vector<16xi32>
      %sub3A_1782 = arith.subi %get3A_1772, %mul3A_1781 : vector<16xi32>
      %lt3A_1783 = arith.constant 5 : i32
      %lt3A_1784 = vector.broadcast %lt3A_1783 : i32 to vector<16xi32>
      %lt3A_1785 = arith.cmpi slt, %sub3A_1782, %lt3A_1784 : vector<16xi32>
      %mul3A_1786 = arith.constant 5 : i32
      %mul3A_1787 = vector.broadcast %mul3A_1786 : i32 to vector<16xi32>
      %mul3A_1788 = arith.muli %shift_right_logical3A_1778, %mul3A_1787 : vector<16xi32>
      %add3A_1789 = arith.addi %mul3A_1788, %sub3A_1782 : vector<16xi32>
      %broadcast_in_dim3A_1790 = arith.constant 5000 : i32
      %broadcast_in_dim3A_1791 = vector.broadcast %broadcast_in_dim3A_1790 : i32 to vector<16xi32>
      %select_n3A_1792 = arith.select %lt3A_1785, %add3A_1789, %broadcast_in_dim3A_1791 : vector<16xi1>, vector<16xi32>
      %swap3A_1793 = arith.constant 0 : i32
      %swap3A_1794 = arith.index_cast %swap3A_1793 : i32 to index
      %swap3A_1795 = arith.constant 48 : index
      %swap3A_1796 = tpu.vector_load %arg15[%swap3A_1794, %swap3A_1795] {strides = array<i32>} : memref<1x128xi32, #tpu.memory_space<vmem>>, vector<16xi32>,
      tpu.vector_store %arg15[%swap3A_1794, %swap3A_1795], %select_n3A_1792 {strides = array<i32>} : memref<1x128xi32, #tpu.memory_space<vmem>>, vector<16xi32>,
      %add3A_1797 = arith.addi %get3A_1768, %broadcast_in_dim3A_76 : vector<16xi32>
      %gather3A_1798 = tpu.vector_load_idx %arg9[%add3A_1797] : memref<40032xf32, #tpu.memory_space<vmem>>[vector<16xi32>], vector<16xf32>,
      %add3A_1799 = arith.addi %get3A_1768, %broadcast_in_dim3A_78 : vector<16xi32>
      %gather3A_1800 = tpu.vector_load_idx %arg9[%add3A_1799] : memref<40032xf32, #tpu.memory_space<vmem>>[vector<16xi32>], vector<16xf32>,
      %add3A_1801 = arith.addi %get3A_1768, %broadcast_in_dim3A_80 : vector<16xi32>
      %gather3A_1802 = tpu.vector_load_idx %arg9[%add3A_1801] : memref<40032xf32, #tpu.memory_space<vmem>>[vector<16xi32>], vector<16xf32>,
      %add3A_1803 = arith.addi %get3A_1768, %broadcast_in_dim3A_82 : vector<16xi32>
      %gather3A_1804 = tpu.vector_load_idx %arg9[%add3A_1803] : memref<40032xf32, #tpu.memory_space<vmem>>[vector<16xi32>], vector<16xf32>,
      %gather3A_1805 = tpu.vector_load_idx %arg10[%get3A_1772] : memref<20016xi32, #tpu.memory_space<vmem>>[vector<16xi32>], vector<16xi32>,
      %add3A_1806 = arith.addi %get3A_1772, %broadcast_in_dim3A_78 : vector<16xi32>
      %gather3A_1807 = tpu.vector_load_idx %arg10[%add3A_1806] : memref<20016xi32, #tpu.memory_space<vmem>>[vector<16xi32>], vector<16xi32>,
      %bitcast3A_1808 = vector.bitcast %gather3A_1805 : vector<16xi32> to vector<32xbf16>
      %unpack3A_1809 = tpu.unpack_subelements %bitcast3A_1808, 0 {pack_format = #tpu.pack_format<interleaved>} : vector<32xbf16> -> vector<16xf32>
      %unpack3A_1810 = tpu.unpack_subelements %bitcast3A_1808, 1 {pack_format = #tpu.pack_format<interleaved>} : vector<32xbf16> -> vector<16xf32>
      %bitcast3A_1811 = vector.bitcast %gather3A_1807 : vector<16xi32> to vector<32xbf16>
      %unpack3A_1812 = tpu.unpack_subelements %bitcast3A_1811, 0 {pack_format = #tpu.pack_format<interleaved>} : vector<32xbf16> -> vector<16xf32>
      %unpack3A_1813 = tpu.unpack_subelements %bitcast3A_1811, 1 {pack_format = #tpu.pack_format<interleaved>} : vector<32xbf16> -> vector<16xf32>
      %gather3A_1814 = tpu.vector_load_idx %arg11[%get3A_1768] : memref<30024xi32, #tpu.memory_space<vmem>>[vector<16xi32>], vector<16xi32>,
      %add3A_1815 = arith.addi %get3A_1768, %broadcast_in_dim3A_78 : vector<16xi32>
      %gather3A_1816 = tpu.vector_load_idx %arg11[%add3A_1815] : memref<30024xi32, #tpu.memory_space<vmem>>[vector<16xi32>], vector<16xi32>,
      %add3A_1817 = arith.addi %get3A_1768, %broadcast_in_dim3A_80 : vector<16xi32>
      %gather3A_1818 = tpu.vector_load_idx %arg11[%add3A_1817] : memref<30024xi32, #tpu.memory_space<vmem>>[vector<16xi32>], vector<16xi32>,
      %bitcast3A_1819 = vector.bitcast %gather3A_1814 : vector<16xi32> to vector<32xbf16>
      %unpack3A_1820 = tpu.unpack_subelements %bitcast3A_1819, 0 {pack_format = #tpu.pack_format<interleaved>} : vector<32xbf16> -> vector<16xf32>
      %unpack3A_1821 = tpu.unpack_subelements %bitcast3A_1819, 1 {pack_format = #tpu.pack_format<interleaved>} : vector<32xbf16> -> vector<16xf32>
      %bitcast3A_1822 = vector.bitcast %gather3A_1816 : vector<16xi32> to vector<32xbf16>
      %unpack3A_1823 = tpu.unpack_subelements %bitcast3A_1822, 0 {pack_format = #tpu.pack_format<interleaved>} : vector<32xbf16> -> vector<16xf32>
      %unpack3A_1824 = tpu.unpack_subelements %bitcast3A_1822, 1 {pack_format = #tpu.pack_format<interleaved>} : vector<32xbf16> -> vector<16xf32>
      %bitcast3A_1825 = vector.bitcast %gather3A_1818 : vector<16xi32> to vector<16xf32>
      %add3A_1826 = arith.addf %gather3A_1798, %unpack3A_1809 : vector<16xf32>
      %gt3A_1827 = arith.constant 0.000000e+00 : f32
      %gt3A_1828 = vector.broadcast %gt3A_1827 : f32 to vector<16xf32>
      %gt3A_1829 = arith.cmpf ogt, %add3A_1826, %gt3A_1828 : vector<16xf32>
      %mul3A_1830 = arith.constant 2.000000e-01 : f32
      %mul3A_1831 = vector.broadcast %mul3A_1830 : f32 to vector<16xf32>
      %mul3A_1832 = arith.mulf %mul3A_1831, %add3A_1826 : vector<16xf32>
      %select_n3A_1833 = arith.select %gt3A_1829, %add3A_1826, %mul3A_1832 : vector<16xi1>, vector<16xf32>
      %sub3A_1834 = arith.subf %select_n3A_1833, %get3A_5 : vector<16xf32>
      %exp3A_1835 = math.exp %sub3A_1834 : vector<16xf32>
      tpu.vector_store_idx %arg17[%add3A_1764, %broadcast_in_dim3A_52], %exp3A_1835 : memref<128x32xf32, #tpu.memory_space<vmem>>[vector<16xi32>, vector<16xi32>], vector<16xf32>,
      %mul3A_1836 = arith.mulf %exp3A_1835, %unpack3A_1820 : vector<16xf32>
      tpu.vector_store_idx %arg17[%add3A_1764, %broadcast_in_dim3A_12], %mul3A_1836 : memref<128x32xf32, #tpu.memory_space<vmem>>[vector<16xi32>, vector<16xi32>], vector<16xf32>,
      %mul3A_1837 = arith.mulf %exp3A_1835, %unpack3A_1821 : vector<16xf32>
      tpu.vector_store_idx %arg17[%add3A_1764, %broadcast_in_dim3A_14], %mul3A_1837 : memref<128x32xf32, #tpu.memory_space<vmem>>[vector<16xi32>, vector<16xi32>], vector<16xf32>,
      %mul3A_1838 = arith.mulf %exp3A_1835, %unpack3A_1823 : vector<16xf32>
      tpu.vector_store_idx %arg17[%add3A_1764, %broadcast_in_dim3A_16], %mul3A_1838 : memref<128x32xf32, #tpu.memory_space<vmem>>[vector<16xi32>, vector<16xi32>], vector<16xf32>,
      %mul3A_1839 = arith.mulf %exp3A_1835, %unpack3A_1824 : vector<16xf32>
      tpu.vector_store_idx %arg17[%add3A_1764, %broadcast_in_dim3A_18], %mul3A_1839 : memref<128x32xf32, #tpu.memory_space<vmem>>[vector<16xi32>, vector<16xi32>], vector<16xf32>,
      %mul3A_1840 = arith.mulf %exp3A_1835, %bitcast3A_1825 : vector<16xf32>
      tpu.vector_store_idx %arg17[%add3A_1764, %broadcast_in_dim3A_20], %mul3A_1840 : memref<128x32xf32, #tpu.memory_space<vmem>>[vector<16xi32>, vector<16xi32>], vector<16xf32>,
      %add3A_1841 = arith.addf %gather3A_1800, %unpack3A_1810 : vector<16xf32>
      %gt3A_1842 = arith.constant 0.000000e+00 : f32
      %gt3A_1843 = vector.broadcast %gt3A_1842 : f32 to vector<16xf32>
      %gt3A_1844 = arith.cmpf ogt, %add3A_1841, %gt3A_1843 : vector<16xf32>
      %mul3A_1845 = arith.constant 2.000000e-01 : f32
      %mul3A_1846 = vector.broadcast %mul3A_1845 : f32 to vector<16xf32>
      %mul3A_1847 = arith.mulf %mul3A_1846, %add3A_1841 : vector<16xf32>
      %select_n3A_1848 = arith.select %gt3A_1844, %add3A_1841, %mul3A_1847 : vector<16xi1>, vector<16xf32>
      %sub3A_1849 = arith.subf %select_n3A_1848, %get3A_7 : vector<16xf32>
      %exp3A_1850 = math.exp %sub3A_1849 : vector<16xf32>
      tpu.vector_store_idx %arg17[%add3A_1764, %broadcast_in_dim3A_54], %exp3A_1850 : memref<128x32xf32, #tpu.memory_space<vmem>>[vector<16xi32>, vector<16xi32>], vector<16xf32>,
      %mul3A_1851 = arith.mulf %exp3A_1850, %unpack3A_1820 : vector<16xf32>
      tpu.vector_store_idx %arg17[%add3A_1764, %broadcast_in_dim3A_22], %mul3A_1851 : memref<128x32xf32, #tpu.memory_space<vmem>>[vector<16xi32>, vector<16xi32>], vector<16xf32>,
      %mul3A_1852 = arith.mulf %exp3A_1850, %unpack3A_1821 : vector<16xf32>
      tpu.vector_store_idx %arg17[%add3A_1764, %broadcast_in_dim3A_24], %mul3A_1852 : memref<128x32xf32, #tpu.memory_space<vmem>>[vector<16xi32>, vector<16xi32>], vector<16xf32>,
      %mul3A_1853 = arith.mulf %exp3A_1850, %unpack3A_1823 : vector<16xf32>
      tpu.vector_store_idx %arg17[%add3A_1764, %broadcast_in_dim3A_26], %mul3A_1853 : memref<128x32xf32, #tpu.memory_space<vmem>>[vector<16xi32>, vector<16xi32>], vector<16xf32>,
      %mul3A_1854 = arith.mulf %exp3A_1850, %unpack3A_1824 : vector<16xf32>
      tpu.vector_store_idx %arg17[%add3A_1764, %broadcast_in_dim3A_28], %mul3A_1854 : memref<128x32xf32, #tpu.memory_space<vmem>>[vector<16xi32>, vector<16xi32>], vector<16xf32>,
      %mul3A_1855 = arith.mulf %exp3A_1850, %bitcast3A_1825 : vector<16xf32>
      tpu.vector_store_idx %arg17[%add3A_1764, %broadcast_in_dim3A_30], %mul3A_1855 : memref<128x32xf32, #tpu.memory_space<vmem>>[vector<16xi32>, vector<16xi32>], vector<16xf32>,
      %add3A_1856 = arith.addf %gather3A_1802, %unpack3A_1812 : vector<16xf32>
      %gt3A_1857 = arith.constant 0.000000e+00 : f32
      %gt3A_1858 = vector.broadcast %gt3A_1857 : f32 to vector<16xf32>
      %gt3A_1859 = arith.cmpf ogt, %add3A_1856, %gt3A_1858 : vector<16xf32>
      %mul3A_1860 = arith.constant 2.000000e-01 : f32
      %mul3A_1861 = vector.broadcast %mul3A_1860 : f32 to vector<16xf32>
      %mul3A_1862 = arith.mulf %mul3A_1861, %add3A_1856 : vector<16xf32>
      %select_n3A_1863 = arith.select %gt3A_1859, %add3A_1856, %mul3A_1862 : vector<16xi1>, vector<16xf32>
      %sub3A_1864 = arith.subf %select_n3A_1863, %get3A_9 : vector<16xf32>
      %exp3A_1865 = math.exp %sub3A_1864 : vector<16xf32>
      tpu.vector_store_idx %arg17[%add3A_1764, %broadcast_in_dim3A_56], %exp3A_1865 : memref<128x32xf32, #tpu.memory_space<vmem>>[vector<16xi32>, vector<16xi32>], vector<16xf32>,
      %mul3A_1866 = arith.mulf %exp3A_1865, %unpack3A_1820 : vector<16xf32>
      tpu.vector_store_idx %arg17[%add3A_1764, %broadcast_in_dim3A_32], %mul3A_1866 : memref<128x32xf32, #tpu.memory_space<vmem>>[vector<16xi32>, vector<16xi32>], vector<16xf32>,
      %mul3A_1867 = arith.mulf %exp3A_1865, %unpack3A_1821 : vector<16xf32>
      tpu.vector_store_idx %arg17[%add3A_1764, %broadcast_in_dim3A_34], %mul3A_1867 : memref<128x32xf32, #tpu.memory_space<vmem>>[vector<16xi32>, vector<16xi32>], vector<16xf32>,
      %mul3A_1868 = arith.mulf %exp3A_1865, %unpack3A_1823 : vector<16xf32>
      tpu.vector_store_idx %arg17[%add3A_1764, %broadcast_in_dim3A_36], %mul3A_1868 : memref<128x32xf32, #tpu.memory_space<vmem>>[vector<16xi32>, vector<16xi32>], vector<16xf32>,
      %mul3A_1869 = arith.mulf %exp3A_1865, %unpack3A_1824 : vector<16xf32>
      tpu.vector_store_idx %arg17[%add3A_1764, %broadcast_in_dim3A_38], %mul3A_1869 : memref<128x32xf32, #tpu.memory_space<vmem>>[vector<16xi32>, vector<16xi32>], vector<16xf32>,
      %mul3A_1870 = arith.mulf %exp3A_1865, %bitcast3A_1825 : vector<16xf32>
      tpu.vector_store_idx %arg17[%add3A_1764, %broadcast_in_dim3A_40], %mul3A_1870 : memref<128x32xf32, #tpu.memory_space<vmem>>[vector<16xi32>, vector<16xi32>], vector<16xf32>,
      %add3A_1871 = arith.addf %gather3A_1804, %unpack3A_1813 : vector<16xf32>
      %gt3A_1872 = arith.constant 0.000000e+00 : f32
      %gt3A_1873 = vector.broadcast %gt3A_1872 : f32 to vector<16xf32>
      %gt3A_1874 = arith.cmpf ogt, %add3A_1871, %gt3A_1873 : vector<16xf32>
      %mul3A_1875 = arith.constant 2.000000e-01 : f32
      %mul3A_1876 = vector.broadcast %mul3A_1875 : f32 to vector<16xf32>
      %mul3A_1877 = arith.mulf %mul3A_1876, %add3A_1871 : vector<16xf32>
      %select_n3A_1878 = arith.select %gt3A_1874, %add3A_1871, %mul3A_1877 : vector<16xi1>, vector<16xf32>
      %sub3A_1879 = arith.subf %select_n3A_1878, %get3A_11 : vector<16xf32>
      %exp3A_1880 = math.exp %sub3A_1879 : vector<16xf32>
      tpu.vector_store_idx %arg17[%add3A_1764, %broadcast_in_dim3A_58], %exp3A_1880 : memref<128x32xf32, #tpu.memory_space<vmem>>[vector<16xi32>, vector<16xi32>], vector<16xf32>,
      %mul3A_1881 = arith.mulf %exp3A_1880, %unpack3A_1820 : vector<16xf32>
      tpu.vector_store_idx %arg17[%add3A_1764, %broadcast_in_dim3A_42], %mul3A_1881 : memref<128x32xf32, #tpu.memory_space<vmem>>[vector<16xi32>, vector<16xi32>], vector<16xf32>,
      %mul3A_1882 = arith.mulf %exp3A_1880, %unpack3A_1821 : vector<16xf32>
      tpu.vector_store_idx %arg17[%add3A_1764, %broadcast_in_dim3A_44], %mul3A_1882 : memref<128x32xf32, #tpu.memory_space<vmem>>[vector<16xi32>, vector<16xi32>], vector<16xf32>,
      %mul3A_1883 = arith.mulf %exp3A_1880, %unpack3A_1823 : vector<16xf32>
      tpu.vector_store_idx %arg17[%add3A_1764, %broadcast_in_dim3A_46], %mul3A_1883 : memref<128x32xf32, #tpu.memory_space<vmem>>[vector<16xi32>, vector<16xi32>], vector<16xf32>,
      %mul3A_1884 = arith.mulf %exp3A_1880, %unpack3A_1824 : vector<16xf32>
      tpu.vector_store_idx %arg17[%add3A_1764, %broadcast_in_dim3A_48], %mul3A_1884 : memref<128x32xf32, #tpu.memory_space<vmem>>[vector<16xi32>, vector<16xi32>], vector<16xf32>,
      %mul3A_1885 = arith.mulf %exp3A_1880, %bitcast3A_1825 : vector<16xf32>
      tpu.vector_store_idx %arg17[%add3A_1764, %broadcast_in_dim3A_50], %mul3A_1885 : memref<128x32xf32, #tpu.memory_space<vmem>>[vector<16xi32>, vector<16xi32>], vector<16xf32>,
      %add3A_1886 = arith.constant 64 : i32
      %add3A_1887 = vector.broadcast %add3A_1886 : i32 to vector<16xi32>
      %add3A_1888 = arith.addi %iota3A, %add3A_1887 : vector<16xi32>
      %get3A_1889 = arith.constant 0 : i32
      %get3A_1890 = arith.index_cast %get3A_1889 : i32 to index
      %get3A_1891 = arith.constant 64 : index
      %get3A_1892 = tpu.vector_load %arg13[%get3A_1890, %get3A_1891] {strides = array<i32>} : memref<2x128xi32, #tpu.memory_space<vmem>>, vector<16xi32>,
      %get3A_1893 = arith.constant 1 : i32
      %get3A_1894 = arith.index_cast %get3A_1893 : i32 to index
      %get3A_1895 = arith.constant 64 : index
      %get3A_1896 = tpu.vector_load %arg13[%get3A_1894, %get3A_1895] {strides = array<i32>} : memref<2x128xi32, #tpu.memory_space<vmem>>, vector<16xi32>,
      %mul3A_1897 = arith.constant 52429 : i32
      %mul3A_1898 = vector.broadcast %mul3A_1897 : i32 to vector<16xi32>
      %mul3A_1899 = arith.muli %get3A_1896, %mul3A_1898 : vector<16xi32>
      %shift_right_logical3A_1900 = arith.constant 19 : i32
      %shift_right_logical3A_1901 = vector.broadcast %shift_right_logical3A_1900 : i32 to vector<16xi32>
      %shift_right_logical3A_1902 = arith.shrui %mul3A_1899, %shift_right_logical3A_1901 : vector<16xi32>
      %mul3A_1903 = arith.constant 10 : i32
      %mul3A_1904 = vector.broadcast %mul3A_1903 : i32 to vector<16xi32>
      %mul3A_1905 = arith.muli %shift_right_logical3A_1902, %mul3A_1904 : vector<16xi32>
      %sub3A_1906 = arith.subi %get3A_1896, %mul3A_1905 : vector<16xi32>
      %lt3A_1907 = arith.constant 5 : i32
      %lt3A_1908 = vector.broadcast %lt3A_1907 : i32 to vector<16xi32>
      %lt3A_1909 = arith.cmpi slt, %sub3A_1906, %lt3A_1908 : vector<16xi32>
      %mul3A_1910 = arith.constant 5 : i32
      %mul3A_1911 = vector.broadcast %mul3A_1910 : i32 to vector<16xi32>
      %mul3A_1912 = arith.muli %shift_right_logical3A_1902, %mul3A_1911 : vector<16xi32>
      %add3A_1913 = arith.addi %mul3A_1912, %sub3A_1906 : vector<16xi32>
      %broadcast_in_dim3A_1914 = arith.constant 5000 : i32
      %broadcast_in_dim3A_1915 = vector.broadcast %broadcast_in_dim3A_1914 : i32 to vector<16xi32>
      %select_n3A_1916 = arith.select %lt3A_1909, %add3A_1913, %broadcast_in_dim3A_1915 : vector<16xi1>, vector<16xi32>
      %swap3A_1917 = arith.constant 0 : i32
      %swap3A_1918 = arith.index_cast %swap3A_1917 : i32 to index
      %swap3A_1919 = arith.constant 64 : index
      %swap3A_1920 = tpu.vector_load %arg15[%swap3A_1918, %swap3A_1919] {strides = array<i32>} : memref<1x128xi32, #tpu.memory_space<vmem>>, vector<16xi32>,
      tpu.vector_store %arg15[%swap3A_1918, %swap3A_1919], %select_n3A_1916 {strides = array<i32>} : memref<1x128xi32, #tpu.memory_space<vmem>>, vector<16xi32>,
      %add3A_1921 = arith.addi %get3A_1892, %broadcast_in_dim3A_76 : vector<16xi32>
      %gather3A_1922 = tpu.vector_load_idx %arg9[%add3A_1921] : memref<40032xf32, #tpu.memory_space<vmem>>[vector<16xi32>], vector<16xf32>,
      %add3A_1923 = arith.addi %get3A_1892, %broadcast_in_dim3A_78 : vector<16xi32>
      %gather3A_1924 = tpu.vector_load_idx %arg9[%add3A_1923] : memref<40032xf32, #tpu.memory_space<vmem>>[vector<16xi32>], vector<16xf32>,
      %add3A_1925 = arith.addi %get3A_1892, %broadcast_in_dim3A_80 : vector<16xi32>
      %gather3A_1926 = tpu.vector_load_idx %arg9[%add3A_1925] : memref<40032xf32, #tpu.memory_space<vmem>>[vector<16xi32>], vector<16xf32>,
      %add3A_1927 = arith.addi %get3A_1892, %broadcast_in_dim3A_82 : vector<16xi32>
      %gather3A_1928 = tpu.vector_load_idx %arg9[%add3A_1927] : memref<40032xf32, #tpu.memory_space<vmem>>[vector<16xi32>], vector<16xf32>,
      %gather3A_1929 = tpu.vector_load_idx %arg10[%get3A_1896] : memref<20016xi32, #tpu.memory_space<vmem>>[vector<16xi32>], vector<16xi32>,
      %add3A_1930 = arith.addi %get3A_1896, %broadcast_in_dim3A_78 : vector<16xi32>
      %gather3A_1931 = tpu.vector_load_idx %arg10[%add3A_1930] : memref<20016xi32, #tpu.memory_space<vmem>>[vector<16xi32>], vector<16xi32>,
      %bitcast3A_1932 = vector.bitcast %gather3A_1929 : vector<16xi32> to vector<32xbf16>
      %unpack3A_1933 = tpu.unpack_subelements %bitcast3A_1932, 0 {pack_format = #tpu.pack_format<interleaved>} : vector<32xbf16> -> vector<16xf32>
      %unpack3A_1934 = tpu.unpack_subelements %bitcast3A_1932, 1 {pack_format = #tpu.pack_format<interleaved>} : vector<32xbf16> -> vector<16xf32>
      %bitcast3A_1935 = vector.bitcast %gather3A_1931 : vector<16xi32> to vector<32xbf16>
      %unpack3A_1936 = tpu.unpack_subelements %bitcast3A_1935, 0 {pack_format = #tpu.pack_format<interleaved>} : vector<32xbf16> -> vector<16xf32>
      %unpack3A_1937 = tpu.unpack_subelements %bitcast3A_1935, 1 {pack_format = #tpu.pack_format<interleaved>} : vector<32xbf16> -> vector<16xf32>
      %gather3A_1938 = tpu.vector_load_idx %arg11[%get3A_1892] : memref<30024xi32, #tpu.memory_space<vmem>>[vector<16xi32>], vector<16xi32>,
      %add3A_1939 = arith.addi %get3A_1892, %broadcast_in_dim3A_78 : vector<16xi32>
      %gather3A_1940 = tpu.vector_load_idx %arg11[%add3A_1939] : memref<30024xi32, #tpu.memory_space<vmem>>[vector<16xi32>], vector<16xi32>,
      %add3A_1941 = arith.addi %get3A_1892, %broadcast_in_dim3A_80 : vector<16xi32>
      %gather3A_1942 = tpu.vector_load_idx %arg11[%add3A_1941] : memref<30024xi32, #tpu.memory_space<vmem>>[vector<16xi32>], vector<16xi32>,
      %bitcast3A_1943 = vector.bitcast %gather3A_1938 : vector<16xi32> to vector<32xbf16>
      %unpack3A_1944 = tpu.unpack_subelements %bitcast3A_1943, 0 {pack_format = #tpu.pack_format<interleaved>} : vector<32xbf16> -> vector<16xf32>
      %unpack3A_1945 = tpu.unpack_subelements %bitcast3A_1943, 1 {pack_format = #tpu.pack_format<interleaved>} : vector<32xbf16> -> vector<16xf32>
      %bitcast3A_1946 = vector.bitcast %gather3A_1940 : vector<16xi32> to vector<32xbf16>
      %unpack3A_1947 = tpu.unpack_subelements %bitcast3A_1946, 0 {pack_format = #tpu.pack_format<interleaved>} : vector<32xbf16> -> vector<16xf32>
      %unpack3A_1948 = tpu.unpack_subelements %bitcast3A_1946, 1 {pack_format = #tpu.pack_format<interleaved>} : vector<32xbf16> -> vector<16xf32>
      %bitcast3A_1949 = vector.bitcast %gather3A_1942 : vector<16xi32> to vector<16xf32>
      %add3A_1950 = arith.addf %gather3A_1922, %unpack3A_1933 : vector<16xf32>
      %gt3A_1951 = arith.constant 0.000000e+00 : f32
      %gt3A_1952 = vector.broadcast %gt3A_1951 : f32 to vector<16xf32>
      %gt3A_1953 = arith.cmpf ogt, %add3A_1950, %gt3A_1952 : vector<16xf32>
      %mul3A_1954 = arith.constant 2.000000e-01 : f32
      %mul3A_1955 = vector.broadcast %mul3A_1954 : f32 to vector<16xf32>
      %mul3A_1956 = arith.mulf %mul3A_1955, %add3A_1950 : vector<16xf32>
      %select_n3A_1957 = arith.select %gt3A_1953, %add3A_1950, %mul3A_1956 : vector<16xi1>, vector<16xf32>
      %sub3A_1958 = arith.subf %select_n3A_1957, %get3A_5 : vector<16xf32>
      %exp3A_1959 = math.exp %sub3A_1958 : vector<16xf32>
      tpu.vector_store_idx %arg17[%add3A_1888, %broadcast_in_dim3A_52], %exp3A_1959 : memref<128x32xf32, #tpu.memory_space<vmem>>[vector<16xi32>, vector<16xi32>], vector<16xf32>,
      %mul3A_1960 = arith.mulf %exp3A_1959, %unpack3A_1944 : vector<16xf32>
      tpu.vector_store_idx %arg17[%add3A_1888, %broadcast_in_dim3A_12], %mul3A_1960 : memref<128x32xf32, #tpu.memory_space<vmem>>[vector<16xi32>, vector<16xi32>], vector<16xf32>,
      %mul3A_1961 = arith.mulf %exp3A_1959, %unpack3A_1945 : vector<16xf32>
      tpu.vector_store_idx %arg17[%add3A_1888, %broadcast_in_dim3A_14], %mul3A_1961 : memref<128x32xf32, #tpu.memory_space<vmem>>[vector<16xi32>, vector<16xi32>], vector<16xf32>,
      %mul3A_1962 = arith.mulf %exp3A_1959, %unpack3A_1947 : vector<16xf32>
      tpu.vector_store_idx %arg17[%add3A_1888, %broadcast_in_dim3A_16], %mul3A_1962 : memref<128x32xf32, #tpu.memory_space<vmem>>[vector<16xi32>, vector<16xi32>], vector<16xf32>,
      %mul3A_1963 = arith.mulf %exp3A_1959, %unpack3A_1948 : vector<16xf32>
      tpu.vector_store_idx %arg17[%add3A_1888, %broadcast_in_dim3A_18], %mul3A_1963 : memref<128x32xf32, #tpu.memory_space<vmem>>[vector<16xi32>, vector<16xi32>], vector<16xf32>,
      %mul3A_1964 = arith.mulf %exp3A_1959, %bitcast3A_1949 : vector<16xf32>
      tpu.vector_store_idx %arg17[%add3A_1888, %broadcast_in_dim3A_20], %mul3A_1964 : memref<128x32xf32, #tpu.memory_space<vmem>>[vector<16xi32>, vector<16xi32>], vector<16xf32>,
      %add3A_1965 = arith.addf %gather3A_1924, %unpack3A_1934 : vector<16xf32>
      %gt3A_1966 = arith.constant 0.000000e+00 : f32
      %gt3A_1967 = vector.broadcast %gt3A_1966 : f32 to vector<16xf32>
      %gt3A_1968 = arith.cmpf ogt, %add3A_1965, %gt3A_1967 : vector<16xf32>
      %mul3A_1969 = arith.constant 2.000000e-01 : f32
      %mul3A_1970 = vector.broadcast %mul3A_1969 : f32 to vector<16xf32>
      %mul3A_1971 = arith.mulf %mul3A_1970, %add3A_1965 : vector<16xf32>
      %select_n3A_1972 = arith.select %gt3A_1968, %add3A_1965, %mul3A_1971 : vector<16xi1>, vector<16xf32>
      %sub3A_1973 = arith.subf %select_n3A_1972, %get3A_7 : vector<16xf32>
      %exp3A_1974 = math.exp %sub3A_1973 : vector<16xf32>
      tpu.vector_store_idx %arg17[%add3A_1888, %broadcast_in_dim3A_54], %exp3A_1974 : memref<128x32xf32, #tpu.memory_space<vmem>>[vector<16xi32>, vector<16xi32>], vector<16xf32>,
      %mul3A_1975 = arith.mulf %exp3A_1974, %unpack3A_1944 : vector<16xf32>
      tpu.vector_store_idx %arg17[%add3A_1888, %broadcast_in_dim3A_22], %mul3A_1975 : memref<128x32xf32, #tpu.memory_space<vmem>>[vector<16xi32>, vector<16xi32>], vector<16xf32>,
      %mul3A_1976 = arith.mulf %exp3A_1974, %unpack3A_1945 : vector<16xf32>
      tpu.vector_store_idx %arg17[%add3A_1888, %broadcast_in_dim3A_24], %mul3A_1976 : memref<128x32xf32, #tpu.memory_space<vmem>>[vector<16xi32>, vector<16xi32>], vector<16xf32>,
      %mul3A_1977 = arith.mulf %exp3A_1974, %unpack3A_1947 : vector<16xf32>
      tpu.vector_store_idx %arg17[%add3A_1888, %broadcast_in_dim3A_26], %mul3A_1977 : memref<128x32xf32, #tpu.memory_space<vmem>>[vector<16xi32>, vector<16xi32>], vector<16xf32>,
      %mul3A_1978 = arith.mulf %exp3A_1974, %unpack3A_1948 : vector<16xf32>
      tpu.vector_store_idx %arg17[%add3A_1888, %broadcast_in_dim3A_28], %mul3A_1978 : memref<128x32xf32, #tpu.memory_space<vmem>>[vector<16xi32>, vector<16xi32>], vector<16xf32>,
      %mul3A_1979 = arith.mulf %exp3A_1974, %bitcast3A_1949 : vector<16xf32>
      tpu.vector_store_idx %arg17[%add3A_1888, %broadcast_in_dim3A_30], %mul3A_1979 : memref<128x32xf32, #tpu.memory_space<vmem>>[vector<16xi32>, vector<16xi32>], vector<16xf32>,
      %add3A_1980 = arith.addf %gather3A_1926, %unpack3A_1936 : vector<16xf32>
      %gt3A_1981 = arith.constant 0.000000e+00 : f32
      %gt3A_1982 = vector.broadcast %gt3A_1981 : f32 to vector<16xf32>
      %gt3A_1983 = arith.cmpf ogt, %add3A_1980, %gt3A_1982 : vector<16xf32>
      %mul3A_1984 = arith.constant 2.000000e-01 : f32
      %mul3A_1985 = vector.broadcast %mul3A_1984 : f32 to vector<16xf32>
      %mul3A_1986 = arith.mulf %mul3A_1985, %add3A_1980 : vector<16xf32>
      %select_n3A_1987 = arith.select %gt3A_1983, %add3A_1980, %mul3A_1986 : vector<16xi1>, vector<16xf32>
      %sub3A_1988 = arith.subf %select_n3A_1987, %get3A_9 : vector<16xf32>
      %exp3A_1989 = math.exp %sub3A_1988 : vector<16xf32>
      tpu.vector_store_idx %arg17[%add3A_1888, %broadcast_in_dim3A_56], %exp3A_1989 : memref<128x32xf32, #tpu.memory_space<vmem>>[vector<16xi32>, vector<16xi32>], vector<16xf32>,
      %mul3A_1990 = arith.mulf %exp3A_1989, %unpack3A_1944 : vector<16xf32>
      tpu.vector_store_idx %arg17[%add3A_1888, %broadcast_in_dim3A_32], %mul3A_1990 : memref<128x32xf32, #tpu.memory_space<vmem>>[vector<16xi32>, vector<16xi32>], vector<16xf32>,
      %mul3A_1991 = arith.mulf %exp3A_1989, %unpack3A_1945 : vector<16xf32>
      tpu.vector_store_idx %arg17[%add3A_1888, %broadcast_in_dim3A_34], %mul3A_1991 : memref<128x32xf32, #tpu.memory_space<vmem>>[vector<16xi32>, vector<16xi32>], vector<16xf32>,
      %mul3A_1992 = arith.mulf %exp3A_1989, %unpack3A_1947 : vector<16xf32>
      tpu.vector_store_idx %arg17[%add3A_1888, %broadcast_in_dim3A_36], %mul3A_1992 : memref<128x32xf32, #tpu.memory_space<vmem>>[vector<16xi32>, vector<16xi32>], vector<16xf32>,
      %mul3A_1993 = arith.mulf %exp3A_1989, %unpack3A_1948 : vector<16xf32>
      tpu.vector_store_idx %arg17[%add3A_1888, %broadcast_in_dim3A_38], %mul3A_1993 : memref<128x32xf32, #tpu.memory_space<vmem>>[vector<16xi32>, vector<16xi32>], vector<16xf32>,
      %mul3A_1994 = arith.mulf %exp3A_1989, %bitcast3A_1949 : vector<16xf32>
      tpu.vector_store_idx %arg17[%add3A_1888, %broadcast_in_dim3A_40], %mul3A_1994 : memref<128x32xf32, #tpu.memory_space<vmem>>[vector<16xi32>, vector<16xi32>], vector<16xf32>,
      %add3A_1995 = arith.addf %gather3A_1928, %unpack3A_1937 : vector<16xf32>
      %gt3A_1996 = arith.constant 0.000000e+00 : f32
      %gt3A_1997 = vector.broadcast %gt3A_1996 : f32 to vector<16xf32>
      %gt3A_1998 = arith.cmpf ogt, %add3A_1995, %gt3A_1997 : vector<16xf32>
      %mul3A_1999 = arith.constant 2.000000e-01 : f32
      %mul3A_2000 = vector.broadcast %mul3A_1999 : f32 to vector<16xf32>
      %mul3A_2001 = arith.mulf %mul3A_2000, %add3A_1995 : vector<16xf32>
      %select_n3A_2002 = arith.select %gt3A_1998, %add3A_1995, %mul3A_2001 : vector<16xi1>, vector<16xf32>
      %sub3A_2003 = arith.subf %select_n3A_2002, %get3A_11 : vector<16xf32>
      %exp3A_2004 = math.exp %sub3A_2003 : vector<16xf32>
      tpu.vector_store_idx %arg17[%add3A_1888, %broadcast_in_dim3A_58], %exp3A_2004 : memref<128x32xf32, #tpu.memory_space<vmem>>[vector<16xi32>, vector<16xi32>], vector<16xf32>,
      %mul3A_2005 = arith.mulf %exp3A_2004, %unpack3A_1944 : vector<16xf32>
      tpu.vector_store_idx %arg17[%add3A_1888, %broadcast_in_dim3A_42], %mul3A_2005 : memref<128x32xf32, #tpu.memory_space<vmem>>[vector<16xi32>, vector<16xi32>], vector<16xf32>,
      %mul3A_2006 = arith.mulf %exp3A_2004, %unpack3A_1945 : vector<16xf32>
      tpu.vector_store_idx %arg17[%add3A_1888, %broadcast_in_dim3A_44], %mul3A_2006 : memref<128x32xf32, #tpu.memory_space<vmem>>[vector<16xi32>, vector<16xi32>], vector<16xf32>,
      %mul3A_2007 = arith.mulf %exp3A_2004, %unpack3A_1947 : vector<16xf32>
      tpu.vector_store_idx %arg17[%add3A_1888, %broadcast_in_dim3A_46], %mul3A_2007 : memref<128x32xf32, #tpu.memory_space<vmem>>[vector<16xi32>, vector<16xi32>], vector<16xf32>,
      %mul3A_2008 = arith.mulf %exp3A_2004, %unpack3A_1948 : vector<16xf32>
      tpu.vector_store_idx %arg17[%add3A_1888, %broadcast_in_dim3A_48], %mul3A_2008 : memref<128x32xf32, #tpu.memory_space<vmem>>[vector<16xi32>, vector<16xi32>], vector<16xf32>,
      %mul3A_2009 = arith.mulf %exp3A_2004, %bitcast3A_1949 : vector<16xf32>
      tpu.vector_store_idx %arg17[%add3A_1888, %broadcast_in_dim3A_50], %mul3A_2009 : memref<128x32xf32, #tpu.memory_space<vmem>>[vector<16xi32>, vector<16xi32>], vector<16xf32>,
      %add3A_2010 = arith.constant 80 : i32
      %add3A_2011 = vector.broadcast %add3A_2010 : i32 to vector<16xi32>
      %add3A_2012 = arith.addi %iota3A, %add3A_2011 : vector<16xi32>
      %get3A_2013 = arith.constant 0 : i32
      %get3A_2014 = arith.index_cast %get3A_2013 : i32 to index
      %get3A_2015 = arith.constant 80 : index
      %get3A_2016 = tpu.vector_load %arg13[%get3A_2014, %get3A_2015] {strides = array<i32>} : memref<2x128xi32, #tpu.memory_space<vmem>>, vector<16xi32>,
      %get3A_2017 = arith.constant 1 : i32
      %get3A_2018 = arith.index_cast %get3A_2017 : i32 to index
      %get3A_2019 = arith.constant 80 : index
      %get3A_2020 = tpu.vector_load %arg13[%get3A_2018, %get3A_2019] {strides = array<i32>} : memref<2x128xi32, #tpu.memory_space<vmem>>, vector<16xi32>,
      %mul3A_2021 = arith.constant 52429 : i32
      %mul3A_2022 = vector.broadcast %mul3A_2021 : i32 to vector<16xi32>
      %mul3A_2023 = arith.muli %get3A_2020, %mul3A_2022 : vector<16xi32>
      %shift_right_logical3A_2024 = arith.constant 19 : i32
      %shift_right_logical3A_2025 = vector.broadcast %shift_right_logical3A_2024 : i32 to vector<16xi32>
      %shift_right_logical3A_2026 = arith.shrui %mul3A_2023, %shift_right_logical3A_2025 : vector<16xi32>
      %mul3A_2027 = arith.constant 10 : i32
      %mul3A_2028 = vector.broadcast %mul3A_2027 : i32 to vector<16xi32>
      %mul3A_2029 = arith.muli %shift_right_logical3A_2026, %mul3A_2028 : vector<16xi32>
      %sub3A_2030 = arith.subi %get3A_2020, %mul3A_2029 : vector<16xi32>
      %lt3A_2031 = arith.constant 5 : i32
      %lt3A_2032 = vector.broadcast %lt3A_2031 : i32 to vector<16xi32>
      %lt3A_2033 = arith.cmpi slt, %sub3A_2030, %lt3A_2032 : vector<16xi32>
      %mul3A_2034 = arith.constant 5 : i32
      %mul3A_2035 = vector.broadcast %mul3A_2034 : i32 to vector<16xi32>
      %mul3A_2036 = arith.muli %shift_right_logical3A_2026, %mul3A_2035 : vector<16xi32>
      %add3A_2037 = arith.addi %mul3A_2036, %sub3A_2030 : vector<16xi32>
      %broadcast_in_dim3A_2038 = arith.constant 5000 : i32
      %broadcast_in_dim3A_2039 = vector.broadcast %broadcast_in_dim3A_2038 : i32 to vector<16xi32>
      %select_n3A_2040 = arith.select %lt3A_2033, %add3A_2037, %broadcast_in_dim3A_2039 : vector<16xi1>, vector<16xi32>
      %swap3A_2041 = arith.constant 0 : i32
      %swap3A_2042 = arith.index_cast %swap3A_2041 : i32 to index
      %swap3A_2043 = arith.constant 80 : index
      %swap3A_2044 = tpu.vector_load %arg15[%swap3A_2042, %swap3A_2043] {strides = array<i32>} : memref<1x128xi32, #tpu.memory_space<vmem>>, vector<16xi32>,
      tpu.vector_store %arg15[%swap3A_2042, %swap3A_2043], %select_n3A_2040 {strides = array<i32>} : memref<1x128xi32, #tpu.memory_space<vmem>>, vector<16xi32>,
      %add3A_2045 = arith.addi %get3A_2016, %broadcast_in_dim3A_76 : vector<16xi32>
      %gather3A_2046 = tpu.vector_load_idx %arg9[%add3A_2045] : memref<40032xf32, #tpu.memory_space<vmem>>[vector<16xi32>], vector<16xf32>,
      %add3A_2047 = arith.addi %get3A_2016, %broadcast_in_dim3A_78 : vector<16xi32>
      %gather3A_2048 = tpu.vector_load_idx %arg9[%add3A_2047] : memref<40032xf32, #tpu.memory_space<vmem>>[vector<16xi32>], vector<16xf32>,
      %add3A_2049 = arith.addi %get3A_2016, %broadcast_in_dim3A_80 : vector<16xi32>
      %gather3A_2050 = tpu.vector_load_idx %arg9[%add3A_2049] : memref<40032xf32, #tpu.memory_space<vmem>>[vector<16xi32>], vector<16xf32>,
      %add3A_2051 = arith.addi %get3A_2016, %broadcast_in_dim3A_82 : vector<16xi32>
      %gather3A_2052 = tpu.vector_load_idx %arg9[%add3A_2051] : memref<40032xf32, #tpu.memory_space<vmem>>[vector<16xi32>], vector<16xf32>,
      %gather3A_2053 = tpu.vector_load_idx %arg10[%get3A_2020] : memref<20016xi32, #tpu.memory_space<vmem>>[vector<16xi32>], vector<16xi32>,
      %add3A_2054 = arith.addi %get3A_2020, %broadcast_in_dim3A_78 : vector<16xi32>
      %gather3A_2055 = tpu.vector_load_idx %arg10[%add3A_2054] : memref<20016xi32, #tpu.memory_space<vmem>>[vector<16xi32>], vector<16xi32>,
      %bitcast3A_2056 = vector.bitcast %gather3A_2053 : vector<16xi32> to vector<32xbf16>
      %unpack3A_2057 = tpu.unpack_subelements %bitcast3A_2056, 0 {pack_format = #tpu.pack_format<interleaved>} : vector<32xbf16> -> vector<16xf32>
      %unpack3A_2058 = tpu.unpack_subelements %bitcast3A_2056, 1 {pack_format = #tpu.pack_format<interleaved>} : vector<32xbf16> -> vector<16xf32>
      %bitcast3A_2059 = vector.bitcast %gather3A_2055 : vector<16xi32> to vector<32xbf16>
      %unpack3A_2060 = tpu.unpack_subelements %bitcast3A_2059, 0 {pack_format = #tpu.pack_format<interleaved>} : vector<32xbf16> -> vector<16xf32>
      %unpack3A_2061 = tpu.unpack_subelements %bitcast3A_2059, 1 {pack_format = #tpu.pack_format<interleaved>} : vector<32xbf16> -> vector<16xf32>
      %gather3A_2062 = tpu.vector_load_idx %arg11[%get3A_2016] : memref<30024xi32, #tpu.memory_space<vmem>>[vector<16xi32>], vector<16xi32>,
      %add3A_2063 = arith.addi %get3A_2016, %broadcast_in_dim3A_78 : vector<16xi32>
      %gather3A_2064 = tpu.vector_load_idx %arg11[%add3A_2063] : memref<30024xi32, #tpu.memory_space<vmem>>[vector<16xi32>], vector<16xi32>,
      %add3A_2065 = arith.addi %get3A_2016, %broadcast_in_dim3A_80 : vector<16xi32>
      %gather3A_2066 = tpu.vector_load_idx %arg11[%add3A_2065] : memref<30024xi32, #tpu.memory_space<vmem>>[vector<16xi32>], vector<16xi32>,
      %bitcast3A_2067 = vector.bitcast %gather3A_2062 : vector<16xi32> to vector<32xbf16>
      %unpack3A_2068 = tpu.unpack_subelements %bitcast3A_2067, 0 {pack_format = #tpu.pack_format<interleaved>} : vector<32xbf16> -> vector<16xf32>
      %unpack3A_2069 = tpu.unpack_subelements %bitcast3A_2067, 1 {pack_format = #tpu.pack_format<interleaved>} : vector<32xbf16> -> vector<16xf32>
      %bitcast3A_2070 = vector.bitcast %gather3A_2064 : vector<16xi32> to vector<32xbf16>
      %unpack3A_2071 = tpu.unpack_subelements %bitcast3A_2070, 0 {pack_format = #tpu.pack_format<interleaved>} : vector<32xbf16> -> vector<16xf32>
      %unpack3A_2072 = tpu.unpack_subelements %bitcast3A_2070, 1 {pack_format = #tpu.pack_format<interleaved>} : vector<32xbf16> -> vector<16xf32>
      %bitcast3A_2073 = vector.bitcast %gather3A_2066 : vector<16xi32> to vector<16xf32>
      %add3A_2074 = arith.addf %gather3A_2046, %unpack3A_2057 : vector<16xf32>
      %gt3A_2075 = arith.constant 0.000000e+00 : f32
      %gt3A_2076 = vector.broadcast %gt3A_2075 : f32 to vector<16xf32>
      %gt3A_2077 = arith.cmpf ogt, %add3A_2074, %gt3A_2076 : vector<16xf32>
      %mul3A_2078 = arith.constant 2.000000e-01 : f32
      %mul3A_2079 = vector.broadcast %mul3A_2078 : f32 to vector<16xf32>
      %mul3A_2080 = arith.mulf %mul3A_2079, %add3A_2074 : vector<16xf32>
      %select_n3A_2081 = arith.select %gt3A_2077, %add3A_2074, %mul3A_2080 : vector<16xi1>, vector<16xf32>
      %sub3A_2082 = arith.subf %select_n3A_2081, %get3A_5 : vector<16xf32>
      %exp3A_2083 = math.exp %sub3A_2082 : vector<16xf32>
      tpu.vector_store_idx %arg17[%add3A_2012, %broadcast_in_dim3A_52], %exp3A_2083 : memref<128x32xf32, #tpu.memory_space<vmem>>[vector<16xi32>, vector<16xi32>], vector<16xf32>,
      %mul3A_2084 = arith.mulf %exp3A_2083, %unpack3A_2068 : vector<16xf32>
      tpu.vector_store_idx %arg17[%add3A_2012, %broadcast_in_dim3A_12], %mul3A_2084 : memref<128x32xf32, #tpu.memory_space<vmem>>[vector<16xi32>, vector<16xi32>], vector<16xf32>,
      %mul3A_2085 = arith.mulf %exp3A_2083, %unpack3A_2069 : vector<16xf32>
      tpu.vector_store_idx %arg17[%add3A_2012, %broadcast_in_dim3A_14], %mul3A_2085 : memref<128x32xf32, #tpu.memory_space<vmem>>[vector<16xi32>, vector<16xi32>], vector<16xf32>,
      %mul3A_2086 = arith.mulf %exp3A_2083, %unpack3A_2071 : vector<16xf32>
      tpu.vector_store_idx %arg17[%add3A_2012, %broadcast_in_dim3A_16], %mul3A_2086 : memref<128x32xf32, #tpu.memory_space<vmem>>[vector<16xi32>, vector<16xi32>], vector<16xf32>,
      %mul3A_2087 = arith.mulf %exp3A_2083, %unpack3A_2072 : vector<16xf32>
      tpu.vector_store_idx %arg17[%add3A_2012, %broadcast_in_dim3A_18], %mul3A_2087 : memref<128x32xf32, #tpu.memory_space<vmem>>[vector<16xi32>, vector<16xi32>], vector<16xf32>,
      %mul3A_2088 = arith.mulf %exp3A_2083, %bitcast3A_2073 : vector<16xf32>
      tpu.vector_store_idx %arg17[%add3A_2012, %broadcast_in_dim3A_20], %mul3A_2088 : memref<128x32xf32, #tpu.memory_space<vmem>>[vector<16xi32>, vector<16xi32>], vector<16xf32>,
      %add3A_2089 = arith.addf %gather3A_2048, %unpack3A_2058 : vector<16xf32>
      %gt3A_2090 = arith.constant 0.000000e+00 : f32
      %gt3A_2091 = vector.broadcast %gt3A_2090 : f32 to vector<16xf32>
      %gt3A_2092 = arith.cmpf ogt, %add3A_2089, %gt3A_2091 : vector<16xf32>
      %mul3A_2093 = arith.constant 2.000000e-01 : f32
      %mul3A_2094 = vector.broadcast %mul3A_2093 : f32 to vector<16xf32>
      %mul3A_2095 = arith.mulf %mul3A_2094, %add3A_2089 : vector<16xf32>
      %select_n3A_2096 = arith.select %gt3A_2092, %add3A_2089, %mul3A_2095 : vector<16xi1>, vector<16xf32>
      %sub3A_2097 = arith.subf %select_n3A_2096, %get3A_7 : vector<16xf32>
      %exp3A_2098 = math.exp %sub3A_2097 : vector<16xf32>
      tpu.vector_store_idx %arg17[%add3A_2012, %broadcast_in_dim3A_54], %exp3A_2098 : memref<128x32xf32, #tpu.memory_space<vmem>>[vector<16xi32>, vector<16xi32>], vector<16xf32>,
      %mul3A_2099 = arith.mulf %exp3A_2098, %unpack3A_2068 : vector<16xf32>
      tpu.vector_store_idx %arg17[%add3A_2012, %broadcast_in_dim3A_22], %mul3A_2099 : memref<128x32xf32, #tpu.memory_space<vmem>>[vector<16xi32>, vector<16xi32>], vector<16xf32>,
      %mul3A_2100 = arith.mulf %exp3A_2098, %unpack3A_2069 : vector<16xf32>
      tpu.vector_store_idx %arg17[%add3A_2012, %broadcast_in_dim3A_24], %mul3A_2100 : memref<128x32xf32, #tpu.memory_space<vmem>>[vector<16xi32>, vector<16xi32>], vector<16xf32>,
      %mul3A_2101 = arith.mulf %exp3A_2098, %unpack3A_2071 : vector<16xf32>
      tpu.vector_store_idx %arg17[%add3A_2012, %broadcast_in_dim3A_26], %mul3A_2101 : memref<128x32xf32, #tpu.memory_space<vmem>>[vector<16xi32>, vector<16xi32>], vector<16xf32>,
      %mul3A_2102 = arith.mulf %exp3A_2098, %unpack3A_2072 : vector<16xf32>
      tpu.vector_store_idx %arg17[%add3A_2012, %broadcast_in_dim3A_28], %mul3A_2102 : memref<128x32xf32, #tpu.memory_space<vmem>>[vector<16xi32>, vector<16xi32>], vector<16xf32>,
      %mul3A_2103 = arith.mulf %exp3A_2098, %bitcast3A_2073 : vector<16xf32>
      tpu.vector_store_idx %arg17[%add3A_2012, %broadcast_in_dim3A_30], %mul3A_2103 : memref<128x32xf32, #tpu.memory_space<vmem>>[vector<16xi32>, vector<16xi32>], vector<16xf32>,
      %add3A_2104 = arith.addf %gather3A_2050, %unpack3A_2060 : vector<16xf32>
      %gt3A_2105 = arith.constant 0.000000e+00 : f32
      %gt3A_2106 = vector.broadcast %gt3A_2105 : f32 to vector<16xf32>
      %gt3A_2107 = arith.cmpf ogt, %add3A_2104, %gt3A_2106 : vector<16xf32>
      %mul3A_2108 = arith.constant 2.000000e-01 : f32
      %mul3A_2109 = vector.broadcast %mul3A_2108 : f32 to vector<16xf32>
      %mul3A_2110 = arith.mulf %mul3A_2109, %add3A_2104 : vector<16xf32>
      %select_n3A_2111 = arith.select %gt3A_2107, %add3A_2104, %mul3A_2110 : vector<16xi1>, vector<16xf32>
      %sub3A_2112 = arith.subf %select_n3A_2111, %get3A_9 : vector<16xf32>
      %exp3A_2113 = math.exp %sub3A_2112 : vector<16xf32>
      tpu.vector_store_idx %arg17[%add3A_2012, %broadcast_in_dim3A_56], %exp3A_2113 : memref<128x32xf32, #tpu.memory_space<vmem>>[vector<16xi32>, vector<16xi32>], vector<16xf32>,
      %mul3A_2114 = arith.mulf %exp3A_2113, %unpack3A_2068 : vector<16xf32>
      tpu.vector_store_idx %arg17[%add3A_2012, %broadcast_in_dim3A_32], %mul3A_2114 : memref<128x32xf32, #tpu.memory_space<vmem>>[vector<16xi32>, vector<16xi32>], vector<16xf32>,
      %mul3A_2115 = arith.mulf %exp3A_2113, %unpack3A_2069 : vector<16xf32>
      tpu.vector_store_idx %arg17[%add3A_2012, %broadcast_in_dim3A_34], %mul3A_2115 : memref<128x32xf32, #tpu.memory_space<vmem>>[vector<16xi32>, vector<16xi32>], vector<16xf32>,
      %mul3A_2116 = arith.mulf %exp3A_2113, %unpack3A_2071 : vector<16xf32>
      tpu.vector_store_idx %arg17[%add3A_2012, %broadcast_in_dim3A_36], %mul3A_2116 : memref<128x32xf32, #tpu.memory_space<vmem>>[vector<16xi32>, vector<16xi32>], vector<16xf32>,
      %mul3A_2117 = arith.mulf %exp3A_2113, %unpack3A_2072 : vector<16xf32>
      tpu.vector_store_idx %arg17[%add3A_2012, %broadcast_in_dim3A_38], %mul3A_2117 : memref<128x32xf32, #tpu.memory_space<vmem>>[vector<16xi32>, vector<16xi32>], vector<16xf32>,
      %mul3A_2118 = arith.mulf %exp3A_2113, %bitcast3A_2073 : vector<16xf32>
      tpu.vector_store_idx %arg17[%add3A_2012, %broadcast_in_dim3A_40], %mul3A_2118 : memref<128x32xf32, #tpu.memory_space<vmem>>[vector<16xi32>, vector<16xi32>], vector<16xf32>,
      %add3A_2119 = arith.addf %gather3A_2052, %unpack3A_2061 : vector<16xf32>
      %gt3A_2120 = arith.constant 0.000000e+00 : f32
      %gt3A_2121 = vector.broadcast %gt3A_2120 : f32 to vector<16xf32>
      %gt3A_2122 = arith.cmpf ogt, %add3A_2119, %gt3A_2121 : vector<16xf32>
      %mul3A_2123 = arith.constant 2.000000e-01 : f32
      %mul3A_2124 = vector.broadcast %mul3A_2123 : f32 to vector<16xf32>
      %mul3A_2125 = arith.mulf %mul3A_2124, %add3A_2119 : vector<16xf32>
      %select_n3A_2126 = arith.select %gt3A_2122, %add3A_2119, %mul3A_2125 : vector<16xi1>, vector<16xf32>
      %sub3A_2127 = arith.subf %select_n3A_2126, %get3A_11 : vector<16xf32>
      %exp3A_2128 = math.exp %sub3A_2127 : vector<16xf32>
      tpu.vector_store_idx %arg17[%add3A_2012, %broadcast_in_dim3A_58], %exp3A_2128 : memref<128x32xf32, #tpu.memory_space<vmem>>[vector<16xi32>, vector<16xi32>], vector<16xf32>,
      %mul3A_2129 = arith.mulf %exp3A_2128, %unpack3A_2068 : vector<16xf32>
      tpu.vector_store_idx %arg17[%add3A_2012, %broadcast_in_dim3A_42], %mul3A_2129 : memref<128x32xf32, #tpu.memory_space<vmem>>[vector<16xi32>, vector<16xi32>], vector<16xf32>,
      %mul3A_2130 = arith.mulf %exp3A_2128, %unpack3A_2069 : vector<16xf32>
      tpu.vector_store_idx %arg17[%add3A_2012, %broadcast_in_dim3A_44], %mul3A_2130 : memref<128x32xf32, #tpu.memory_space<vmem>>[vector<16xi32>, vector<16xi32>], vector<16xf32>,
      %mul3A_2131 = arith.mulf %exp3A_2128, %unpack3A_2071 : vector<16xf32>
      tpu.vector_store_idx %arg17[%add3A_2012, %broadcast_in_dim3A_46], %mul3A_2131 : memref<128x32xf32, #tpu.memory_space<vmem>>[vector<16xi32>, vector<16xi32>], vector<16xf32>,
      %mul3A_2132 = arith.mulf %exp3A_2128, %unpack3A_2072 : vector<16xf32>
      tpu.vector_store_idx %arg17[%add3A_2012, %broadcast_in_dim3A_48], %mul3A_2132 : memref<128x32xf32, #tpu.memory_space<vmem>>[vector<16xi32>, vector<16xi32>], vector<16xf32>,
      %mul3A_2133 = arith.mulf %exp3A_2128, %bitcast3A_2073 : vector<16xf32>
      tpu.vector_store_idx %arg17[%add3A_2012, %broadcast_in_dim3A_50], %mul3A_2133 : memref<128x32xf32, #tpu.memory_space<vmem>>[vector<16xi32>, vector<16xi32>], vector<16xf32>,
      %add3A_2134 = arith.constant 96 : i32
      %add3A_2135 = vector.broadcast %add3A_2134 : i32 to vector<16xi32>
      %add3A_2136 = arith.addi %iota3A, %add3A_2135 : vector<16xi32>
      %get3A_2137 = arith.constant 0 : i32
      %get3A_2138 = arith.index_cast %get3A_2137 : i32 to index
      %get3A_2139 = arith.constant 96 : index
      %get3A_2140 = tpu.vector_load %arg13[%get3A_2138, %get3A_2139] {strides = array<i32>} : memref<2x128xi32, #tpu.memory_space<vmem>>, vector<16xi32>,
      %get3A_2141 = arith.constant 1 : i32
      %get3A_2142 = arith.index_cast %get3A_2141 : i32 to index
      %get3A_2143 = arith.constant 96 : index
      %get3A_2144 = tpu.vector_load %arg13[%get3A_2142, %get3A_2143] {strides = array<i32>} : memref<2x128xi32, #tpu.memory_space<vmem>>, vector<16xi32>,
      %mul3A_2145 = arith.constant 52429 : i32
      %mul3A_2146 = vector.broadcast %mul3A_2145 : i32 to vector<16xi32>
      %mul3A_2147 = arith.muli %get3A_2144, %mul3A_2146 : vector<16xi32>
      %shift_right_logical3A_2148 = arith.constant 19 : i32
      %shift_right_logical3A_2149 = vector.broadcast %shift_right_logical3A_2148 : i32 to vector<16xi32>
      %shift_right_logical3A_2150 = arith.shrui %mul3A_2147, %shift_right_logical3A_2149 : vector<16xi32>
      %mul3A_2151 = arith.constant 10 : i32
      %mul3A_2152 = vector.broadcast %mul3A_2151 : i32 to vector<16xi32>
      %mul3A_2153 = arith.muli %shift_right_logical3A_2150, %mul3A_2152 : vector<16xi32>
      %sub3A_2154 = arith.subi %get3A_2144, %mul3A_2153 : vector<16xi32>
      %lt3A_2155 = arith.constant 5 : i32
      %lt3A_2156 = vector.broadcast %lt3A_2155 : i32 to vector<16xi32>
      %lt3A_2157 = arith.cmpi slt, %sub3A_2154, %lt3A_2156 : vector<16xi32>
      %mul3A_2158 = arith.constant 5 : i32
      %mul3A_2159 = vector.broadcast %mul3A_2158 : i32 to vector<16xi32>
      %mul3A_2160 = arith.muli %shift_right_logical3A_2150, %mul3A_2159 : vector<16xi32>
      %add3A_2161 = arith.addi %mul3A_2160, %sub3A_2154 : vector<16xi32>
      %broadcast_in_dim3A_2162 = arith.constant 5000 : i32
      %broadcast_in_dim3A_2163 = vector.broadcast %broadcast_in_dim3A_2162 : i32 to vector<16xi32>
      %select_n3A_2164 = arith.select %lt3A_2157, %add3A_2161, %broadcast_in_dim3A_2163 : vector<16xi1>, vector<16xi32>
      %swap3A_2165 = arith.constant 0 : i32
      %swap3A_2166 = arith.index_cast %swap3A_2165 : i32 to index
      %swap3A_2167 = arith.constant 96 : index
      %swap3A_2168 = tpu.vector_load %arg15[%swap3A_2166, %swap3A_2167] {strides = array<i32>} : memref<1x128xi32, #tpu.memory_space<vmem>>, vector<16xi32>,
      tpu.vector_store %arg15[%swap3A_2166, %swap3A_2167], %select_n3A_2164 {strides = array<i32>} : memref<1x128xi32, #tpu.memory_space<vmem>>, vector<16xi32>,
      %add3A_2169 = arith.addi %get3A_2140, %broadcast_in_dim3A_76 : vector<16xi32>
      %gather3A_2170 = tpu.vector_load_idx %arg9[%add3A_2169] : memref<40032xf32, #tpu.memory_space<vmem>>[vector<16xi32>], vector<16xf32>,
      %add3A_2171 = arith.addi %get3A_2140, %broadcast_in_dim3A_78 : vector<16xi32>
      %gather3A_2172 = tpu.vector_load_idx %arg9[%add3A_2171] : memref<40032xf32, #tpu.memory_space<vmem>>[vector<16xi32>], vector<16xf32>,
      %add3A_2173 = arith.addi %get3A_2140, %broadcast_in_dim3A_80 : vector<16xi32>
      %gather3A_2174 = tpu.vector_load_idx %arg9[%add3A_2173] : memref<40032xf32, #tpu.memory_space<vmem>>[vector<16xi32>], vector<16xf32>,
      %add3A_2175 = arith.addi %get3A_2140, %broadcast_in_dim3A_82 : vector<16xi32>
      %gather3A_2176 = tpu.vector_load_idx %arg9[%add3A_2175] : memref<40032xf32, #tpu.memory_space<vmem>>[vector<16xi32>], vector<16xf32>,
      %gather3A_2177 = tpu.vector_load_idx %arg10[%get3A_2144] : memref<20016xi32, #tpu.memory_space<vmem>>[vector<16xi32>], vector<16xi32>,
      %add3A_2178 = arith.addi %get3A_2144, %broadcast_in_dim3A_78 : vector<16xi32>
      %gather3A_2179 = tpu.vector_load_idx %arg10[%add3A_2178] : memref<20016xi32, #tpu.memory_space<vmem>>[vector<16xi32>], vector<16xi32>,
      %bitcast3A_2180 = vector.bitcast %gather3A_2177 : vector<16xi32> to vector<32xbf16>
      %unpack3A_2181 = tpu.unpack_subelements %bitcast3A_2180, 0 {pack_format = #tpu.pack_format<interleaved>} : vector<32xbf16> -> vector<16xf32>
      %unpack3A_2182 = tpu.unpack_subelements %bitcast3A_2180, 1 {pack_format = #tpu.pack_format<interleaved>} : vector<32xbf16> -> vector<16xf32>
      %bitcast3A_2183 = vector.bitcast %gather3A_2179 : vector<16xi32> to vector<32xbf16>
      %unpack3A_2184 = tpu.unpack_subelements %bitcast3A_2183, 0 {pack_format = #tpu.pack_format<interleaved>} : vector<32xbf16> -> vector<16xf32>
      %unpack3A_2185 = tpu.unpack_subelements %bitcast3A_2183, 1 {pack_format = #tpu.pack_format<interleaved>} : vector<32xbf16> -> vector<16xf32>
      %gather3A_2186 = tpu.vector_load_idx %arg11[%get3A_2140] : memref<30024xi32, #tpu.memory_space<vmem>>[vector<16xi32>], vector<16xi32>,
      %add3A_2187 = arith.addi %get3A_2140, %broadcast_in_dim3A_78 : vector<16xi32>
      %gather3A_2188 = tpu.vector_load_idx %arg11[%add3A_2187] : memref<30024xi32, #tpu.memory_space<vmem>>[vector<16xi32>], vector<16xi32>,
      %add3A_2189 = arith.addi %get3A_2140, %broadcast_in_dim3A_80 : vector<16xi32>
      %gather3A_2190 = tpu.vector_load_idx %arg11[%add3A_2189] : memref<30024xi32, #tpu.memory_space<vmem>>[vector<16xi32>], vector<16xi32>,
      %bitcast3A_2191 = vector.bitcast %gather3A_2186 : vector<16xi32> to vector<32xbf16>
      %unpack3A_2192 = tpu.unpack_subelements %bitcast3A_2191, 0 {pack_format = #tpu.pack_format<interleaved>} : vector<32xbf16> -> vector<16xf32>
      %unpack3A_2193 = tpu.unpack_subelements %bitcast3A_2191, 1 {pack_format = #tpu.pack_format<interleaved>} : vector<32xbf16> -> vector<16xf32>
      %bitcast3A_2194 = vector.bitcast %gather3A_2188 : vector<16xi32> to vector<32xbf16>
      %unpack3A_2195 = tpu.unpack_subelements %bitcast3A_2194, 0 {pack_format = #tpu.pack_format<interleaved>} : vector<32xbf16> -> vector<16xf32>
      %unpack3A_2196 = tpu.unpack_subelements %bitcast3A_2194, 1 {pack_format = #tpu.pack_format<interleaved>} : vector<32xbf16> -> vector<16xf32>
      %bitcast3A_2197 = vector.bitcast %gather3A_2190 : vector<16xi32> to vector<16xf32>
      %add3A_2198 = arith.addf %gather3A_2170, %unpack3A_2181 : vector<16xf32>
      %gt3A_2199 = arith.constant 0.000000e+00 : f32
      %gt3A_2200 = vector.broadcast %gt3A_2199 : f32 to vector<16xf32>
      %gt3A_2201 = arith.cmpf ogt, %add3A_2198, %gt3A_2200 : vector<16xf32>
      %mul3A_2202 = arith.constant 2.000000e-01 : f32
      %mul3A_2203 = vector.broadcast %mul3A_2202 : f32 to vector<16xf32>
      %mul3A_2204 = arith.mulf %mul3A_2203, %add3A_2198 : vector<16xf32>
      %select_n3A_2205 = arith.select %gt3A_2201, %add3A_2198, %mul3A_2204 : vector<16xi1>, vector<16xf32>
      %sub3A_2206 = arith.subf %select_n3A_2205, %get3A_5 : vector<16xf32>
      %exp3A_2207 = math.exp %sub3A_2206 : vector<16xf32>
      tpu.vector_store_idx %arg17[%add3A_2136, %broadcast_in_dim3A_52], %exp3A_2207 : memref<128x32xf32, #tpu.memory_space<vmem>>[vector<16xi32>, vector<16xi32>], vector<16xf32>,
      %mul3A_2208 = arith.mulf %exp3A_2207, %unpack3A_2192 : vector<16xf32>
      tpu.vector_store_idx %arg17[%add3A_2136, %broadcast_in_dim3A_12], %mul3A_2208 : memref<128x32xf32, #tpu.memory_space<vmem>>[vector<16xi32>, vector<16xi32>], vector<16xf32>,
      %mul3A_2209 = arith.mulf %exp3A_2207, %unpack3A_2193 : vector<16xf32>
      tpu.vector_store_idx %arg17[%add3A_2136, %broadcast_in_dim3A_14], %mul3A_2209 : memref<128x32xf32, #tpu.memory_space<vmem>>[vector<16xi32>, vector<16xi32>], vector<16xf32>,
      %mul3A_2210 = arith.mulf %exp3A_2207, %unpack3A_2195 : vector<16xf32>
      tpu.vector_store_idx %arg17[%add3A_2136, %broadcast_in_dim3A_16], %mul3A_2210 : memref<128x32xf32, #tpu.memory_space<vmem>>[vector<16xi32>, vector<16xi32>], vector<16xf32>,
      %mul3A_2211 = arith.mulf %exp3A_2207, %unpack3A_2196 : vector<16xf32>
      tpu.vector_store_idx %arg17[%add3A_2136, %broadcast_in_dim3A_18], %mul3A_2211 : memref<128x32xf32, #tpu.memory_space<vmem>>[vector<16xi32>, vector<16xi32>], vector<16xf32>,
      %mul3A_2212 = arith.mulf %exp3A_2207, %bitcast3A_2197 : vector<16xf32>
      tpu.vector_store_idx %arg17[%add3A_2136, %broadcast_in_dim3A_20], %mul3A_2212 : memref<128x32xf32, #tpu.memory_space<vmem>>[vector<16xi32>, vector<16xi32>], vector<16xf32>,
      %add3A_2213 = arith.addf %gather3A_2172, %unpack3A_2182 : vector<16xf32>
      %gt3A_2214 = arith.constant 0.000000e+00 : f32
      %gt3A_2215 = vector.broadcast %gt3A_2214 : f32 to vector<16xf32>
      %gt3A_2216 = arith.cmpf ogt, %add3A_2213, %gt3A_2215 : vector<16xf32>
      %mul3A_2217 = arith.constant 2.000000e-01 : f32
      %mul3A_2218 = vector.broadcast %mul3A_2217 : f32 to vector<16xf32>
      %mul3A_2219 = arith.mulf %mul3A_2218, %add3A_2213 : vector<16xf32>
      %select_n3A_2220 = arith.select %gt3A_2216, %add3A_2213, %mul3A_2219 : vector<16xi1>, vector<16xf32>
      %sub3A_2221 = arith.subf %select_n3A_2220, %get3A_7 : vector<16xf32>
      %exp3A_2222 = math.exp %sub3A_2221 : vector<16xf32>
      tpu.vector_store_idx %arg17[%add3A_2136, %broadcast_in_dim3A_54], %exp3A_2222 : memref<128x32xf32, #tpu.memory_space<vmem>>[vector<16xi32>, vector<16xi32>], vector<16xf32>,
      %mul3A_2223 = arith.mulf %exp3A_2222, %unpack3A_2192 : vector<16xf32>
      tpu.vector_store_idx %arg17[%add3A_2136, %broadcast_in_dim3A_22], %mul3A_2223 : memref<128x32xf32, #tpu.memory_space<vmem>>[vector<16xi32>, vector<16xi32>], vector<16xf32>,
      %mul3A_2224 = arith.mulf %exp3A_2222, %unpack3A_2193 : vector<16xf32>
      tpu.vector_store_idx %arg17[%add3A_2136, %broadcast_in_dim3A_24], %mul3A_2224 : memref<128x32xf32, #tpu.memory_space<vmem>>[vector<16xi32>, vector<16xi32>], vector<16xf32>,
      %mul3A_2225 = arith.mulf %exp3A_2222, %unpack3A_2195 : vector<16xf32>
      tpu.vector_store_idx %arg17[%add3A_2136, %broadcast_in_dim3A_26], %mul3A_2225 : memref<128x32xf32, #tpu.memory_space<vmem>>[vector<16xi32>, vector<16xi32>], vector<16xf32>,
      %mul3A_2226 = arith.mulf %exp3A_2222, %unpack3A_2196 : vector<16xf32>
      tpu.vector_store_idx %arg17[%add3A_2136, %broadcast_in_dim3A_28], %mul3A_2226 : memref<128x32xf32, #tpu.memory_space<vmem>>[vector<16xi32>, vector<16xi32>], vector<16xf32>,
      %mul3A_2227 = arith.mulf %exp3A_2222, %bitcast3A_2197 : vector<16xf32>
      tpu.vector_store_idx %arg17[%add3A_2136, %broadcast_in_dim3A_30], %mul3A_2227 : memref<128x32xf32, #tpu.memory_space<vmem>>[vector<16xi32>, vector<16xi32>], vector<16xf32>,
      %add3A_2228 = arith.addf %gather3A_2174, %unpack3A_2184 : vector<16xf32>
      %gt3A_2229 = arith.constant 0.000000e+00 : f32
      %gt3A_2230 = vector.broadcast %gt3A_2229 : f32 to vector<16xf32>
      %gt3A_2231 = arith.cmpf ogt, %add3A_2228, %gt3A_2230 : vector<16xf32>
      %mul3A_2232 = arith.constant 2.000000e-01 : f32
      %mul3A_2233 = vector.broadcast %mul3A_2232 : f32 to vector<16xf32>
      %mul3A_2234 = arith.mulf %mul3A_2233, %add3A_2228 : vector<16xf32>
      %select_n3A_2235 = arith.select %gt3A_2231, %add3A_2228, %mul3A_2234 : vector<16xi1>, vector<16xf32>
      %sub3A_2236 = arith.subf %select_n3A_2235, %get3A_9 : vector<16xf32>
      %exp3A_2237 = math.exp %sub3A_2236 : vector<16xf32>
      tpu.vector_store_idx %arg17[%add3A_2136, %broadcast_in_dim3A_56], %exp3A_2237 : memref<128x32xf32, #tpu.memory_space<vmem>>[vector<16xi32>, vector<16xi32>], vector<16xf32>,
      %mul3A_2238 = arith.mulf %exp3A_2237, %unpack3A_2192 : vector<16xf32>
      tpu.vector_store_idx %arg17[%add3A_2136, %broadcast_in_dim3A_32], %mul3A_2238 : memref<128x32xf32, #tpu.memory_space<vmem>>[vector<16xi32>, vector<16xi32>], vector<16xf32>,
      %mul3A_2239 = arith.mulf %exp3A_2237, %unpack3A_2193 : vector<16xf32>
      tpu.vector_store_idx %arg17[%add3A_2136, %broadcast_in_dim3A_34], %mul3A_2239 : memref<128x32xf32, #tpu.memory_space<vmem>>[vector<16xi32>, vector<16xi32>], vector<16xf32>,
      %mul3A_2240 = arith.mulf %exp3A_2237, %unpack3A_2195 : vector<16xf32>
      tpu.vector_store_idx %arg17[%add3A_2136, %broadcast_in_dim3A_36], %mul3A_2240 : memref<128x32xf32, #tpu.memory_space<vmem>>[vector<16xi32>, vector<16xi32>], vector<16xf32>,
      %mul3A_2241 = arith.mulf %exp3A_2237, %unpack3A_2196 : vector<16xf32>
      tpu.vector_store_idx %arg17[%add3A_2136, %broadcast_in_dim3A_38], %mul3A_2241 : memref<128x32xf32, #tpu.memory_space<vmem>>[vector<16xi32>, vector<16xi32>], vector<16xf32>,
      %mul3A_2242 = arith.mulf %exp3A_2237, %bitcast3A_2197 : vector<16xf32>
      tpu.vector_store_idx %arg17[%add3A_2136, %broadcast_in_dim3A_40], %mul3A_2242 : memref<128x32xf32, #tpu.memory_space<vmem>>[vector<16xi32>, vector<16xi32>], vector<16xf32>,
      %add3A_2243 = arith.addf %gather3A_2176, %unpack3A_2185 : vector<16xf32>
      %gt3A_2244 = arith.constant 0.000000e+00 : f32
      %gt3A_2245 = vector.broadcast %gt3A_2244 : f32 to vector<16xf32>
      %gt3A_2246 = arith.cmpf ogt, %add3A_2243, %gt3A_2245 : vector<16xf32>
      %mul3A_2247 = arith.constant 2.000000e-01 : f32
      %mul3A_2248 = vector.broadcast %mul3A_2247 : f32 to vector<16xf32>
      %mul3A_2249 = arith.mulf %mul3A_2248, %add3A_2243 : vector<16xf32>
      %select_n3A_2250 = arith.select %gt3A_2246, %add3A_2243, %mul3A_2249 : vector<16xi1>, vector<16xf32>
      %sub3A_2251 = arith.subf %select_n3A_2250, %get3A_11 : vector<16xf32>
      %exp3A_2252 = math.exp %sub3A_2251 : vector<16xf32>
      tpu.vector_store_idx %arg17[%add3A_2136, %broadcast_in_dim3A_58], %exp3A_2252 : memref<128x32xf32, #tpu.memory_space<vmem>>[vector<16xi32>, vector<16xi32>], vector<16xf32>,
      %mul3A_2253 = arith.mulf %exp3A_2252, %unpack3A_2192 : vector<16xf32>
      tpu.vector_store_idx %arg17[%add3A_2136, %broadcast_in_dim3A_42], %mul3A_2253 : memref<128x32xf32, #tpu.memory_space<vmem>>[vector<16xi32>, vector<16xi32>], vector<16xf32>,
      %mul3A_2254 = arith.mulf %exp3A_2252, %unpack3A_2193 : vector<16xf32>
      tpu.vector_store_idx %arg17[%add3A_2136, %broadcast_in_dim3A_44], %mul3A_2254 : memref<128x32xf32, #tpu.memory_space<vmem>>[vector<16xi32>, vector<16xi32>], vector<16xf32>,
      %mul3A_2255 = arith.mulf %exp3A_2252, %unpack3A_2195 : vector<16xf32>
      tpu.vector_store_idx %arg17[%add3A_2136, %broadcast_in_dim3A_46], %mul3A_2255 : memref<128x32xf32, #tpu.memory_space<vmem>>[vector<16xi32>, vector<16xi32>], vector<16xf32>,
      %mul3A_2256 = arith.mulf %exp3A_2252, %unpack3A_2196 : vector<16xf32>
      tpu.vector_store_idx %arg17[%add3A_2136, %broadcast_in_dim3A_48], %mul3A_2256 : memref<128x32xf32, #tpu.memory_space<vmem>>[vector<16xi32>, vector<16xi32>], vector<16xf32>,
      %mul3A_2257 = arith.mulf %exp3A_2252, %bitcast3A_2197 : vector<16xf32>
      tpu.vector_store_idx %arg17[%add3A_2136, %broadcast_in_dim3A_50], %mul3A_2257 : memref<128x32xf32, #tpu.memory_space<vmem>>[vector<16xi32>, vector<16xi32>], vector<16xf32>,
      %add3A_2258 = arith.constant 112 : i32
      %add3A_2259 = vector.broadcast %add3A_2258 : i32 to vector<16xi32>
      %add3A_2260 = arith.addi %iota3A, %add3A_2259 : vector<16xi32>
      %get3A_2261 = arith.constant 0 : i32
      %get3A_2262 = arith.index_cast %get3A_2261 : i32 to index
      %get3A_2263 = arith.constant 112 : index
      %get3A_2264 = tpu.vector_load %arg13[%get3A_2262, %get3A_2263] {strides = array<i32>} : memref<2x128xi32, #tpu.memory_space<vmem>>, vector<16xi32>,
      %get3A_2265 = arith.constant 1 : i32
      %get3A_2266 = arith.index_cast %get3A_2265 : i32 to index
      %get3A_2267 = arith.constant 112 : index
      %get3A_2268 = tpu.vector_load %arg13[%get3A_2266, %get3A_2267] {strides = array<i32>} : memref<2x128xi32, #tpu.memory_space<vmem>>, vector<16xi32>,
      %mul3A_2269 = arith.constant 52429 : i32
      %mul3A_2270 = vector.broadcast %mul3A_2269 : i32 to vector<16xi32>
      %mul3A_2271 = arith.muli %get3A_2268, %mul3A_2270 : vector<16xi32>
      %shift_right_logical3A_2272 = arith.constant 19 : i32
      %shift_right_logical3A_2273 = vector.broadcast %shift_right_logical3A_2272 : i32 to vector<16xi32>
      %shift_right_logical3A_2274 = arith.shrui %mul3A_2271, %shift_right_logical3A_2273 : vector<16xi32>
      %mul3A_2275 = arith.constant 10 : i32
      %mul3A_2276 = vector.broadcast %mul3A_2275 : i32 to vector<16xi32>
      %mul3A_2277 = arith.muli %shift_right_logical3A_2274, %mul3A_2276 : vector<16xi32>
      %sub3A_2278 = arith.subi %get3A_2268, %mul3A_2277 : vector<16xi32>
      %lt3A_2279 = arith.constant 5 : i32
      %lt3A_2280 = vector.broadcast %lt3A_2279 : i32 to vector<16xi32>
      %lt3A_2281 = arith.cmpi slt, %sub3A_2278, %lt3A_2280 : vector<16xi32>
      %mul3A_2282 = arith.constant 5 : i32
      %mul3A_2283 = vector.broadcast %mul3A_2282 : i32 to vector<16xi32>
      %mul3A_2284 = arith.muli %shift_right_logical3A_2274, %mul3A_2283 : vector<16xi32>
      %add3A_2285 = arith.addi %mul3A_2284, %sub3A_2278 : vector<16xi32>
      %broadcast_in_dim3A_2286 = arith.constant 5000 : i32
      %broadcast_in_dim3A_2287 = vector.broadcast %broadcast_in_dim3A_2286 : i32 to vector<16xi32>
      %select_n3A_2288 = arith.select %lt3A_2281, %add3A_2285, %broadcast_in_dim3A_2287 : vector<16xi1>, vector<16xi32>
      %swap3A_2289 = arith.constant 0 : i32
      %swap3A_2290 = arith.index_cast %swap3A_2289 : i32 to index
      %swap3A_2291 = arith.constant 112 : index
      %swap3A_2292 = tpu.vector_load %arg15[%swap3A_2290, %swap3A_2291] {strides = array<i32>} : memref<1x128xi32, #tpu.memory_space<vmem>>, vector<16xi32>,
      tpu.vector_store %arg15[%swap3A_2290, %swap3A_2291], %select_n3A_2288 {strides = array<i32>} : memref<1x128xi32, #tpu.memory_space<vmem>>, vector<16xi32>,
      %add3A_2293 = arith.addi %get3A_2264, %broadcast_in_dim3A_76 : vector<16xi32>
      %gather3A_2294 = tpu.vector_load_idx %arg9[%add3A_2293] : memref<40032xf32, #tpu.memory_space<vmem>>[vector<16xi32>], vector<16xf32>,
      %add3A_2295 = arith.addi %get3A_2264, %broadcast_in_dim3A_78 : vector<16xi32>
      %gather3A_2296 = tpu.vector_load_idx %arg9[%add3A_2295] : memref<40032xf32, #tpu.memory_space<vmem>>[vector<16xi32>], vector<16xf32>,
      %add3A_2297 = arith.addi %get3A_2264, %broadcast_in_dim3A_80 : vector<16xi32>
      %gather3A_2298 = tpu.vector_load_idx %arg9[%add3A_2297] : memref<40032xf32, #tpu.memory_space<vmem>>[vector<16xi32>], vector<16xf32>,
      %add3A_2299 = arith.addi %get3A_2264, %broadcast_in_dim3A_82 : vector<16xi32>
      %gather3A_2300 = tpu.vector_load_idx %arg9[%add3A_2299] : memref<40032xf32, #tpu.memory_space<vmem>>[vector<16xi32>], vector<16xf32>,
      %gather3A_2301 = tpu.vector_load_idx %arg10[%get3A_2268] : memref<20016xi32, #tpu.memory_space<vmem>>[vector<16xi32>], vector<16xi32>,
      %add3A_2302 = arith.addi %get3A_2268, %broadcast_in_dim3A_78 : vector<16xi32>
      %gather3A_2303 = tpu.vector_load_idx %arg10[%add3A_2302] : memref<20016xi32, #tpu.memory_space<vmem>>[vector<16xi32>], vector<16xi32>,
      %bitcast3A_2304 = vector.bitcast %gather3A_2301 : vector<16xi32> to vector<32xbf16>
      %unpack3A_2305 = tpu.unpack_subelements %bitcast3A_2304, 0 {pack_format = #tpu.pack_format<interleaved>} : vector<32xbf16> -> vector<16xf32>
      %unpack3A_2306 = tpu.unpack_subelements %bitcast3A_2304, 1 {pack_format = #tpu.pack_format<interleaved>} : vector<32xbf16> -> vector<16xf32>
      %bitcast3A_2307 = vector.bitcast %gather3A_2303 : vector<16xi32> to vector<32xbf16>
      %unpack3A_2308 = tpu.unpack_subelements %bitcast3A_2307, 0 {pack_format = #tpu.pack_format<interleaved>} : vector<32xbf16> -> vector<16xf32>
      %unpack3A_2309 = tpu.unpack_subelements %bitcast3A_2307, 1 {pack_format = #tpu.pack_format<interleaved>} : vector<32xbf16> -> vector<16xf32>
      %gather3A_2310 = tpu.vector_load_idx %arg11[%get3A_2264] : memref<30024xi32, #tpu.memory_space<vmem>>[vector<16xi32>], vector<16xi32>,
      %add3A_2311 = arith.addi %get3A_2264, %broadcast_in_dim3A_78 : vector<16xi32>
      %gather3A_2312 = tpu.vector_load_idx %arg11[%add3A_2311] : memref<30024xi32, #tpu.memory_space<vmem>>[vector<16xi32>], vector<16xi32>,
      %add3A_2313 = arith.addi %get3A_2264, %broadcast_in_dim3A_80 : vector<16xi32>
      %gather3A_2314 = tpu.vector_load_idx %arg11[%add3A_2313] : memref<30024xi32, #tpu.memory_space<vmem>>[vector<16xi32>], vector<16xi32>,
      %bitcast3A_2315 = vector.bitcast %gather3A_2310 : vector<16xi32> to vector<32xbf16>
      %unpack3A_2316 = tpu.unpack_subelements %bitcast3A_2315, 0 {pack_format = #tpu.pack_format<interleaved>} : vector<32xbf16> -> vector<16xf32>
      %unpack3A_2317 = tpu.unpack_subelements %bitcast3A_2315, 1 {pack_format = #tpu.pack_format<interleaved>} : vector<32xbf16> -> vector<16xf32>
      %bitcast3A_2318 = vector.bitcast %gather3A_2312 : vector<16xi32> to vector<32xbf16>
      %unpack3A_2319 = tpu.unpack_subelements %bitcast3A_2318, 0 {pack_format = #tpu.pack_format<interleaved>} : vector<32xbf16> -> vector<16xf32>
      %unpack3A_2320 = tpu.unpack_subelements %bitcast3A_2318, 1 {pack_format = #tpu.pack_format<interleaved>} : vector<32xbf16> -> vector<16xf32>
      %bitcast3A_2321 = vector.bitcast %gather3A_2314 : vector<16xi32> to vector<16xf32>
      %add3A_2322 = arith.addf %gather3A_2294, %unpack3A_2305 : vector<16xf32>
      %gt3A_2323 = arith.constant 0.000000e+00 : f32
      %gt3A_2324 = vector.broadcast %gt3A_2323 : f32 to vector<16xf32>
      %gt3A_2325 = arith.cmpf ogt, %add3A_2322, %gt3A_2324 : vector<16xf32>
      %mul3A_2326 = arith.constant 2.000000e-01 : f32
      %mul3A_2327 = vector.broadcast %mul3A_2326 : f32 to vector<16xf32>
      %mul3A_2328 = arith.mulf %mul3A_2327, %add3A_2322 : vector<16xf32>
      %select_n3A_2329 = arith.select %gt3A_2325, %add3A_2322, %mul3A_2328 : vector<16xi1>, vector<16xf32>
      %sub3A_2330 = arith.subf %select_n3A_2329, %get3A_5 : vector<16xf32>
      %exp3A_2331 = math.exp %sub3A_2330 : vector<16xf32>
      tpu.vector_store_idx %arg17[%add3A_2260, %broadcast_in_dim3A_52], %exp3A_2331 : memref<128x32xf32, #tpu.memory_space<vmem>>[vector<16xi32>, vector<16xi32>], vector<16xf32>,
      %mul3A_2332 = arith.mulf %exp3A_2331, %unpack3A_2316 : vector<16xf32>
      tpu.vector_store_idx %arg17[%add3A_2260, %broadcast_in_dim3A_12], %mul3A_2332 : memref<128x32xf32, #tpu.memory_space<vmem>>[vector<16xi32>, vector<16xi32>], vector<16xf32>,
      %mul3A_2333 = arith.mulf %exp3A_2331, %unpack3A_2317 : vector<16xf32>
      tpu.vector_store_idx %arg17[%add3A_2260, %broadcast_in_dim3A_14], %mul3A_2333 : memref<128x32xf32, #tpu.memory_space<vmem>>[vector<16xi32>, vector<16xi32>], vector<16xf32>,
      %mul3A_2334 = arith.mulf %exp3A_2331, %unpack3A_2319 : vector<16xf32>
      tpu.vector_store_idx %arg17[%add3A_2260, %broadcast_in_dim3A_16], %mul3A_2334 : memref<128x32xf32, #tpu.memory_space<vmem>>[vector<16xi32>, vector<16xi32>], vector<16xf32>,
      %mul3A_2335 = arith.mulf %exp3A_2331, %unpack3A_2320 : vector<16xf32>
      tpu.vector_store_idx %arg17[%add3A_2260, %broadcast_in_dim3A_18], %mul3A_2335 : memref<128x32xf32, #tpu.memory_space<vmem>>[vector<16xi32>, vector<16xi32>], vector<16xf32>,
      %mul3A_2336 = arith.mulf %exp3A_2331, %bitcast3A_2321 : vector<16xf32>
      tpu.vector_store_idx %arg17[%add3A_2260, %broadcast_in_dim3A_20], %mul3A_2336 : memref<128x32xf32, #tpu.memory_space<vmem>>[vector<16xi32>, vector<16xi32>], vector<16xf32>,
      %add3A_2337 = arith.addf %gather3A_2296, %unpack3A_2306 : vector<16xf32>
      %gt3A_2338 = arith.constant 0.000000e+00 : f32
      %gt3A_2339 = vector.broadcast %gt3A_2338 : f32 to vector<16xf32>
      %gt3A_2340 = arith.cmpf ogt, %add3A_2337, %gt3A_2339 : vector<16xf32>
      %mul3A_2341 = arith.constant 2.000000e-01 : f32
      %mul3A_2342 = vector.broadcast %mul3A_2341 : f32 to vector<16xf32>
      %mul3A_2343 = arith.mulf %mul3A_2342, %add3A_2337 : vector<16xf32>
      %select_n3A_2344 = arith.select %gt3A_2340, %add3A_2337, %mul3A_2343 : vector<16xi1>, vector<16xf32>
      %sub3A_2345 = arith.subf %select_n3A_2344, %get3A_7 : vector<16xf32>
      %exp3A_2346 = math.exp %sub3A_2345 : vector<16xf32>
      tpu.vector_store_idx %arg17[%add3A_2260, %broadcast_in_dim3A_54], %exp3A_2346 : memref<128x32xf32, #tpu.memory_space<vmem>>[vector<16xi32>, vector<16xi32>], vector<16xf32>,
      %mul3A_2347 = arith.mulf %exp3A_2346, %unpack3A_2316 : vector<16xf32>
      tpu.vector_store_idx %arg17[%add3A_2260, %broadcast_in_dim3A_22], %mul3A_2347 : memref<128x32xf32, #tpu.memory_space<vmem>>[vector<16xi32>, vector<16xi32>], vector<16xf32>,
      %mul3A_2348 = arith.mulf %exp3A_2346, %unpack3A_2317 : vector<16xf32>
      tpu.vector_store_idx %arg17[%add3A_2260, %broadcast_in_dim3A_24], %mul3A_2348 : memref<128x32xf32, #tpu.memory_space<vmem>>[vector<16xi32>, vector<16xi32>], vector<16xf32>,
      %mul3A_2349 = arith.mulf %exp3A_2346, %unpack3A_2319 : vector<16xf32>
      tpu.vector_store_idx %arg17[%add3A_2260, %broadcast_in_dim3A_26], %mul3A_2349 : memref<128x32xf32, #tpu.memory_space<vmem>>[vector<16xi32>, vector<16xi32>], vector<16xf32>,
      %mul3A_2350 = arith.mulf %exp3A_2346, %unpack3A_2320 : vector<16xf32>
      tpu.vector_store_idx %arg17[%add3A_2260, %broadcast_in_dim3A_28], %mul3A_2350 : memref<128x32xf32, #tpu.memory_space<vmem>>[vector<16xi32>, vector<16xi32>], vector<16xf32>,
      %mul3A_2351 = arith.mulf %exp3A_2346, %bitcast3A_2321 : vector<16xf32>
      tpu.vector_store_idx %arg17[%add3A_2260, %broadcast_in_dim3A_30], %mul3A_2351 : memref<128x32xf32, #tpu.memory_space<vmem>>[vector<16xi32>, vector<16xi32>], vector<16xf32>,
      %add3A_2352 = arith.addf %gather3A_2298, %unpack3A_2308 : vector<16xf32>
      %gt3A_2353 = arith.constant 0.000000e+00 : f32
      %gt3A_2354 = vector.broadcast %gt3A_2353 : f32 to vector<16xf32>
      %gt3A_2355 = arith.cmpf ogt, %add3A_2352, %gt3A_2354 : vector<16xf32>
      %mul3A_2356 = arith.constant 2.000000e-01 : f32
      %mul3A_2357 = vector.broadcast %mul3A_2356 : f32 to vector<16xf32>
      %mul3A_2358 = arith.mulf %mul3A_2357, %add3A_2352 : vector<16xf32>
      %select_n3A_2359 = arith.select %gt3A_2355, %add3A_2352, %mul3A_2358 : vector<16xi1>, vector<16xf32>
      %sub3A_2360 = arith.subf %select_n3A_2359, %get3A_9 : vector<16xf32>
      %exp3A_2361 = math.exp %sub3A_2360 : vector<16xf32>
      tpu.vector_store_idx %arg17[%add3A_2260, %broadcast_in_dim3A_56], %exp3A_2361 : memref<128x32xf32, #tpu.memory_space<vmem>>[vector<16xi32>, vector<16xi32>], vector<16xf32>,
      %mul3A_2362 = arith.mulf %exp3A_2361, %unpack3A_2316 : vector<16xf32>
      tpu.vector_store_idx %arg17[%add3A_2260, %broadcast_in_dim3A_32], %mul3A_2362 : memref<128x32xf32, #tpu.memory_space<vmem>>[vector<16xi32>, vector<16xi32>], vector<16xf32>,
      %mul3A_2363 = arith.mulf %exp3A_2361, %unpack3A_2317 : vector<16xf32>
      tpu.vector_store_idx %arg17[%add3A_2260, %broadcast_in_dim3A_34], %mul3A_2363 : memref<128x32xf32, #tpu.memory_space<vmem>>[vector<16xi32>, vector<16xi32>], vector<16xf32>,
      %mul3A_2364 = arith.mulf %exp3A_2361, %unpack3A_2319 : vector<16xf32>
      tpu.vector_store_idx %arg17[%add3A_2260, %broadcast_in_dim3A_36], %mul3A_2364 : memref<128x32xf32, #tpu.memory_space<vmem>>[vector<16xi32>, vector<16xi32>], vector<16xf32>,
      %mul3A_2365 = arith.mulf %exp3A_2361, %unpack3A_2320 : vector<16xf32>
      tpu.vector_store_idx %arg17[%add3A_2260, %broadcast_in_dim3A_38], %mul3A_2365 : memref<128x32xf32, #tpu.memory_space<vmem>>[vector<16xi32>, vector<16xi32>], vector<16xf32>,
      %mul3A_2366 = arith.mulf %exp3A_2361, %bitcast3A_2321 : vector<16xf32>
      tpu.vector_store_idx %arg17[%add3A_2260, %broadcast_in_dim3A_40], %mul3A_2366 : memref<128x32xf32, #tpu.memory_space<vmem>>[vector<16xi32>, vector<16xi32>], vector<16xf32>,
      %add3A_2367 = arith.addf %gather3A_2300, %unpack3A_2309 : vector<16xf32>
      %gt3A_2368 = arith.constant 0.000000e+00 : f32
      %gt3A_2369 = vector.broadcast %gt3A_2368 : f32 to vector<16xf32>
      %gt3A_2370 = arith.cmpf ogt, %add3A_2367, %gt3A_2369 : vector<16xf32>
      %mul3A_2371 = arith.constant 2.000000e-01 : f32
      %mul3A_2372 = vector.broadcast %mul3A_2371 : f32 to vector<16xf32>
      %mul3A_2373 = arith.mulf %mul3A_2372, %add3A_2367 : vector<16xf32>
      %select_n3A_2374 = arith.select %gt3A_2370, %add3A_2367, %mul3A_2373 : vector<16xi1>, vector<16xf32>
      %sub3A_2375 = arith.subf %select_n3A_2374, %get3A_11 : vector<16xf32>
      %exp3A_2376 = math.exp %sub3A_2375 : vector<16xf32>
      tpu.vector_store_idx %arg17[%add3A_2260, %broadcast_in_dim3A_58], %exp3A_2376 : memref<128x32xf32, #tpu.memory_space<vmem>>[vector<16xi32>, vector<16xi32>], vector<16xf32>,
      %mul3A_2377 = arith.mulf %exp3A_2376, %unpack3A_2316 : vector<16xf32>
      tpu.vector_store_idx %arg17[%add3A_2260, %broadcast_in_dim3A_42], %mul3A_2377 : memref<128x32xf32, #tpu.memory_space<vmem>>[vector<16xi32>, vector<16xi32>], vector<16xf32>,
      %mul3A_2378 = arith.mulf %exp3A_2376, %unpack3A_2317 : vector<16xf32>
      tpu.vector_store_idx %arg17[%add3A_2260, %broadcast_in_dim3A_44], %mul3A_2378 : memref<128x32xf32, #tpu.memory_space<vmem>>[vector<16xi32>, vector<16xi32>], vector<16xf32>,
      %mul3A_2379 = arith.mulf %exp3A_2376, %unpack3A_2319 : vector<16xf32>
      tpu.vector_store_idx %arg17[%add3A_2260, %broadcast_in_dim3A_46], %mul3A_2379 : memref<128x32xf32, #tpu.memory_space<vmem>>[vector<16xi32>, vector<16xi32>], vector<16xf32>,
      %mul3A_2380 = arith.mulf %exp3A_2376, %unpack3A_2320 : vector<16xf32>
      tpu.vector_store_idx %arg17[%add3A_2260, %broadcast_in_dim3A_48], %mul3A_2380 : memref<128x32xf32, #tpu.memory_space<vmem>>[vector<16xi32>, vector<16xi32>], vector<16xf32>,
      %mul3A_2381 = arith.mulf %exp3A_2376, %bitcast3A_2321 : vector<16xf32>
      tpu.vector_store_idx %arg17[%add3A_2260, %broadcast_in_dim3A_50], %mul3A_2381 : memref<128x32xf32, #tpu.memory_space<vmem>>[vector<16xi32>, vector<16xi32>], vector<16xf32>,
      %add3A_2382 = arith.constant 2 : i32
      %add3A_2383 = arith.addi %add3A_1356, %add3A_2382 : i32
      %lt3A_2384 = arith.constant 78 : i32
      %lt3A_2385 = arith.cmpi slt, %add3A_2383, %lt3A_2384 : i32
      %convert_element_type3A_2386 = arith.extui %lt3A_2385 : i1 to i32
      %cond3A_2387 = arith.constant 0 : i32
      %cond3A_2388 = arith.cmpi ne, %convert_element_type3A_2386, %cond3A_2387 : i32
      scf.if %cond3A_2388 {
        %add3A_2396 = arith.constant 2 : i32
        %add3A_2397 = arith.addi %add3A_1356, %add3A_2396 : i32
        %mul3A_2398 = arith.constant 128 : i32
        %mul3A_2399 = arith.muli %add3A_2397, %mul3A_2398 : i32
        %add3A_2400 = arith.addi %mul3A_2, %mul3A_2399 : i32
        %dma_start3A_2401 = arith.constant 0 : i32
        %dma_start3A_2402 = arith.constant 0 : i32
        %dma_start3A_2403 = arith.constant 0 : i32
        %dma_start3A_2404 = tpu.memref_slice %arg13[%dma_start3A_2402, %dma_start3A_2403] : memref<2x128xi32, #tpu.memory_space<vmem>> -> memref<1x128xi32, #tpu.memory_space<vmem>>
        %dma_start3A_2405 = tpu.memref_squeeze %dma_start3A_2404 : memref<1x128xi32, #tpu.memory_space<vmem>> -> memref<128xi32, #tpu.memory_space<vmem>>
        %dma_start3A_2406 = tpu.memref_slice %arg2[%dma_start3A_2401, %add3A_2400] : memref<2x320000xi32, #tpu.memory_space<hbm>> -> memref<1x128xi32, #tpu.memory_space<hbm>>
        %dma_start3A_2407 = tpu.memref_squeeze %dma_start3A_2406 : memref<1x128xi32, #tpu.memory_space<hbm>> -> memref<128xi32, #tpu.memory_space<hbm>>
        %dma_start3A_2408 = arith.constant 0 : i32
        %dma_start3A_2409 = tpu.memref_slice %arg13[%dma_start3A_2402, %dma_start3A_2408] : memref<2x128xi32, #tpu.memory_space<vmem>> -> memref<1x128xi32, #tpu.memory_space<vmem>>
        %dma_start3A_2410 = tpu.memref_squeeze %dma_start3A_2409 : memref<1x128xi32, #tpu.memory_space<vmem>> -> memref<128xi32, #tpu.memory_space<vmem>>
        %dma_start3A_2411 = tpu.memref_slice %arg2[%dma_start3A_2401, %add3A_2400] : memref<2x320000xi32, #tpu.memory_space<hbm>> -> memref<1x128xi32, #tpu.memory_space<hbm>>
        %dma_start3A_2412 = tpu.memref_squeeze %dma_start3A_2411 : memref<1x128xi32, #tpu.memory_space<hbm>> -> memref<128xi32, #tpu.memory_space<hbm>>
        tpu.enqueue_dma source(%dma_start3A_2412 : memref<128xi32, #tpu.memory_space<hbm>>) target(%dma_start3A_2410 : memref<128xi32, #tpu.memory_space<vmem>>) target_semaphore(%arg21 : memref<!tpu.dma_semaphore, #tpu.memory_space<semaphore_mem>>)
        %dma_start3A_2413 = arith.constant 1 : i32
        %dma_start3A_2414 = arith.constant 1 : i32
        %dma_start3A_2415 = arith.constant 0 : i32
        %dma_start3A_2416 = tpu.memref_slice %arg13[%dma_start3A_2414, %dma_start3A_2415] : memref<2x128xi32, #tpu.memory_space<vmem>> -> memref<1x128xi32, #tpu.memory_space<vmem>>
        %dma_start3A_2417 = tpu.memref_squeeze %dma_start3A_2416 : memref<1x128xi32, #tpu.memory_space<vmem>> -> memref<128xi32, #tpu.memory_space<vmem>>
        %dma_start3A_2418 = tpu.memref_slice %arg2[%dma_start3A_2413, %add3A_2400] : memref<2x320000xi32, #tpu.memory_space<hbm>> -> memref<1x128xi32, #tpu.memory_space<hbm>>
        %dma_start3A_2419 = tpu.memref_squeeze %dma_start3A_2418 : memref<1x128xi32, #tpu.memory_space<hbm>> -> memref<128xi32, #tpu.memory_space<hbm>>
        %dma_start3A_2420 = arith.constant 0 : i32
        %dma_start3A_2421 = tpu.memref_slice %arg13[%dma_start3A_2414, %dma_start3A_2420] : memref<2x128xi32, #tpu.memory_space<vmem>> -> memref<1x128xi32, #tpu.memory_space<vmem>>
        %dma_start3A_2422 = tpu.memref_squeeze %dma_start3A_2421 : memref<1x128xi32, #tpu.memory_space<vmem>> -> memref<128xi32, #tpu.memory_space<vmem>>
        %dma_start3A_2423 = tpu.memref_slice %arg2[%dma_start3A_2413, %add3A_2400] : memref<2x320000xi32, #tpu.memory_space<hbm>> -> memref<1x128xi32, #tpu.memory_space<hbm>>
        %dma_start3A_2424 = tpu.memref_squeeze %dma_start3A_2423 : memref<1x128xi32, #tpu.memory_space<hbm>> -> memref<128xi32, #tpu.memory_space<hbm>>
        tpu.enqueue_dma source(%dma_start3A_2424 : memref<128xi32, #tpu.memory_space<hbm>>) target(%dma_start3A_2422 : memref<128xi32, #tpu.memory_space<vmem>>) target_semaphore(%arg21 : memref<!tpu.dma_semaphore, #tpu.memory_space<semaphore_mem>>)
      } else {
      }
      %dma_start3A_2389 = arith.constant 0 : i32
      %dma_start3A_2390 = arith.constant 0 : i32
      %dma_start3A_2391 = tpu.memref_slice %arg15[%dma_start3A_2389, %dma_start3A_2390] : memref<1x128xi32, #tpu.memory_space<vmem>> -> memref<1x128xi32, #tpu.memory_space<vmem>>
      %dma_start3A_2392 = tpu.memref_squeeze %dma_start3A_2391 : memref<1x128xi32, #tpu.memory_space<vmem>> -> memref<128xi32, #tpu.memory_space<vmem>>
      %dma_start3A_2393 = arith.constant 0 : i32
      %dma_start3A_2394 = arith.constant 0 : i32
      %dma_start3A_2395 = tpu.memref_slice %arg19[%dma_start3A_2393, %dma_start3A_2394] : memref<5120x32xf32, #tpu.memory_space<vmem_shared>> -> memref<5120x32xf32, #tpu.memory_space<vmem_shared>>
      tpu.enqueue_indirect_dma source(%arg17 : memref<128x32xf32, #tpu.memory_space<vmem>>) target(%dma_start3A_2395 : memref<5120x32xf32, #tpu.memory_space<vmem_shared>>) offsets(%dma_start3A_2392 : memref<128xi32, #tpu.memory_space<vmem>>) semaphore(%arg23 : memref<!tpu.dma_semaphore, #tpu.memory_space<semaphore_mem>>) {add = true}
    }
    %scan3A_138 = arith.constant 39 : i32
    %dma_wait3A = arith.constant 0 : i32
    %dma_wait3A_139 = arith.constant 0 : i32
    %dma_wait3A_140 = arith.constant 0 : i32
    %dma_wait3A_141 = tpu.memref_slice %arg8[%dma_wait3A, %dma_wait3A_139, %dma_wait3A_140] : memref<2x5120x32xf32, #tpu.memory_space<hbm>> -> memref<1x128x32xf32, #tpu.memory_space<hbm>>
    %dma_wait3A_142 = tpu.memref_squeeze %dma_wait3A_141 : memref<1x128x32xf32, #tpu.memory_space<hbm>> -> memref<128x32xf32, #tpu.memory_space<hbm>>
    %dma_wait3A_143 = arith.constant 0 : i32
    %dma_wait3A_144 = arith.constant 0 : i32
    %dma_wait3A_145 = tpu.memref_slice %arg8[%dma_wait3A, %dma_wait3A_143, %dma_wait3A_144] : memref<2x5120x32xf32, #tpu.memory_space<hbm>> -> memref<1x128x32xf32, #tpu.memory_space<hbm>>
    %dma_wait3A_146 = tpu.memref_squeeze %dma_wait3A_145 : memref<1x128x32xf32, #tpu.memory_space<hbm>> -> memref<128x32xf32, #tpu.memory_space<hbm>>
    tpu.wait_dma2 semaphore(%arg22 : memref<!tpu.dma_semaphore, #tpu.memory_space<semaphore_mem>>) src(%dma_wait3A_146 : memref<128x32xf32, #tpu.memory_space<hbm>>) dst(%arg16 : memref<128x32xf32, #tpu.memory_space<vmem>>)
    %dma_wait3A_147 = arith.constant 0 : i32
    %dma_wait3A_148 = arith.constant 0 : i32
    %dma_wait3A_149 = arith.constant 0 : i32
    %dma_wait3A_150 = tpu.memref_slice %arg8[%dma_wait3A_147, %dma_wait3A_148, %dma_wait3A_149] : memref<2x5120x32xf32, #tpu.memory_space<hbm>> -> memref<1x128x32xf32, #tpu.memory_space<hbm>>
    %dma_wait3A_151 = tpu.memref_squeeze %dma_wait3A_150 : memref<1x128x32xf32, #tpu.memory_space<hbm>> -> memref<128x32xf32, #tpu.memory_space<hbm>>
    %dma_wait3A_152 = arith.constant 0 : i32
    %dma_wait3A_153 = arith.constant 0 : i32
    %dma_wait3A_154 = tpu.memref_slice %arg8[%dma_wait3A_147, %dma_wait3A_152, %dma_wait3A_153] : memref<2x5120x32xf32, #tpu.memory_space<hbm>> -> memref<1x128x32xf32, #tpu.memory_space<hbm>>
    %dma_wait3A_155 = tpu.memref_squeeze %dma_wait3A_154 : memref<1x128x32xf32, #tpu.memory_space<hbm>> -> memref<128x32xf32, #tpu.memory_space<hbm>>
    tpu.wait_dma2 semaphore(%arg23 : memref<!tpu.dma_semaphore, #tpu.memory_space<semaphore_mem>>) src(%dma_wait3A_155 : memref<128x32xf32, #tpu.memory_space<hbm>>) dst(%arg17 : memref<128x32xf32, #tpu.memory_space<vmem>>)
    %add3A_156 = arith.constant 9984 : i32
    %add3A_157 = arith.addi %mul3A_2, %add3A_156 : i32
    %run_scoped3A = arith.constant 0 : i32
    %run_scoped3A_158 = arith.constant 0 : i32
    "tpu.region"() ({
      %run_scoped3A_311 = tpu.sem_alloc : memref<!tpu.dma_semaphore, #tpu.memory_space<semaphore_mem>>
      %dma_start3A_312 = arith.constant 0 : i32
      %dma_start3A_313 = tpu.memref_slice %arg12[%run_scoped3A_158, %dma_start3A_312] : memref<2x128xi32, #tpu.memory_space<vmem>> -> memref<1x16xi32, #tpu.memory_space<vmem>>
      %dma_start3A_314 = tpu.memref_squeeze %dma_start3A_313 : memref<1x16xi32, #tpu.memory_space<vmem>> -> memref<16xi32, #tpu.memory_space<vmem>>
      %dma_start3A_315 = tpu.memref_slice %arg2[%run_scoped3A, %add3A_157] : memref<2x320000xi32, #tpu.memory_space<hbm>> -> memref<1x16xi32, #tpu.memory_space<hbm>>
      %dma_start3A_316 = tpu.memref_squeeze %dma_start3A_315 : memref<1x16xi32, #tpu.memory_space<hbm>> -> memref<16xi32, #tpu.memory_space<hbm>>
      %dma_start3A_317 = arith.constant 0 : i32
      %dma_start3A_318 = tpu.memref_slice %arg12[%run_scoped3A_158, %dma_start3A_317] : memref<2x128xi32, #tpu.memory_space<vmem>> -> memref<1x16xi32, #tpu.memory_space<vmem>>
      %dma_start3A_319 = tpu.memref_squeeze %dma_start3A_318 : memref<1x16xi32, #tpu.memory_space<vmem>> -> memref<16xi32, #tpu.memory_space<vmem>>
      %dma_start3A_320 = tpu.memref_slice %arg2[%run_scoped3A, %add3A_157] : memref<2x320000xi32, #tpu.memory_space<hbm>> -> memref<1x16xi32, #tpu.memory_space<hbm>>
      %dma_start3A_321 = tpu.memref_squeeze %dma_start3A_320 : memref<1x16xi32, #tpu.memory_space<hbm>> -> memref<16xi32, #tpu.memory_space<hbm>>
      tpu.enqueue_dma source(%dma_start3A_321 : memref<16xi32, #tpu.memory_space<hbm>>) target(%dma_start3A_319 : memref<16xi32, #tpu.memory_space<vmem>>) target_semaphore(%run_scoped3A_311 : memref<!tpu.dma_semaphore, #tpu.memory_space<semaphore_mem>>)
      %dma_wait3A_322 = arith.constant 0 : i32
      %dma_wait3A_323 = tpu.memref_slice %arg12[%run_scoped3A_158, %dma_wait3A_322] : memref<2x128xi32, #tpu.memory_space<vmem>> -> memref<1x16xi32, #tpu.memory_space<vmem>>
      %dma_wait3A_324 = tpu.memref_squeeze %dma_wait3A_323 : memref<1x16xi32, #tpu.memory_space<vmem>> -> memref<16xi32, #tpu.memory_space<vmem>>
      %dma_wait3A_325 = tpu.memref_slice %arg2[%run_scoped3A, %add3A_157] : memref<2x320000xi32, #tpu.memory_space<hbm>> -> memref<1x16xi32, #tpu.memory_space<hbm>>
      %dma_wait3A_326 = tpu.memref_squeeze %dma_wait3A_325 : memref<1x16xi32, #tpu.memory_space<hbm>> -> memref<16xi32, #tpu.memory_space<hbm>>
      %dma_wait3A_327 = arith.constant 0 : i32
      %dma_wait3A_328 = tpu.memref_slice %arg12[%run_scoped3A_158, %dma_wait3A_327] : memref<2x128xi32, #tpu.memory_space<vmem>> -> memref<1x16xi32, #tpu.memory_space<vmem>>
      %dma_wait3A_329 = tpu.memref_squeeze %dma_wait3A_328 : memref<1x16xi32, #tpu.memory_space<vmem>> -> memref<16xi32, #tpu.memory_space<vmem>>
      %dma_wait3A_330 = tpu.memref_slice %arg2[%run_scoped3A, %add3A_157] : memref<2x320000xi32, #tpu.memory_space<hbm>> -> memref<1x16xi32, #tpu.memory_space<hbm>>
      %dma_wait3A_331 = tpu.memref_squeeze %dma_wait3A_330 : memref<1x16xi32, #tpu.memory_space<hbm>> -> memref<16xi32, #tpu.memory_space<hbm>>
      tpu.wait_dma2 semaphore(%run_scoped3A_311 : memref<!tpu.dma_semaphore, #tpu.memory_space<semaphore_mem>>) src(%dma_wait3A_331 : memref<16xi32, #tpu.memory_space<hbm>>) dst(%dma_wait3A_329 : memref<16xi32, #tpu.memory_space<vmem>>)
      tpu.yield
    }) : () -> ()
    %run_scoped3A_159 = arith.constant 1 : i32
    %run_scoped3A_160 = arith.constant 1 : i32
    "tpu.region"() ({
      %run_scoped3A_311 = tpu.sem_alloc : memref<!tpu.dma_semaphore, #tpu.memory_space<semaphore_mem>>
      %dma_start3A_312 = arith.constant 0 : i32
      %dma_start3A_313 = tpu.memref_slice %arg12[%run_scoped3A_160, %dma_start3A_312] : memref<2x128xi32, #tpu.memory_space<vmem>> -> memref<1x16xi32, #tpu.memory_space<vmem>>
      %dma_start3A_314 = tpu.memref_squeeze %dma_start3A_313 : memref<1x16xi32, #tpu.memory_space<vmem>> -> memref<16xi32, #tpu.memory_space<vmem>>
      %dma_start3A_315 = tpu.memref_slice %arg2[%run_scoped3A_159, %add3A_157] : memref<2x320000xi32, #tpu.memory_space<hbm>> -> memref<1x16xi32, #tpu.memory_space<hbm>>
      %dma_start3A_316 = tpu.memref_squeeze %dma_start3A_315 : memref<1x16xi32, #tpu.memory_space<hbm>> -> memref<16xi32, #tpu.memory_space<hbm>>
      %dma_start3A_317 = arith.constant 0 : i32
      %dma_start3A_318 = tpu.memref_slice %arg12[%run_scoped3A_160, %dma_start3A_317] : memref<2x128xi32, #tpu.memory_space<vmem>> -> memref<1x16xi32, #tpu.memory_space<vmem>>
      %dma_start3A_319 = tpu.memref_squeeze %dma_start3A_318 : memref<1x16xi32, #tpu.memory_space<vmem>> -> memref<16xi32, #tpu.memory_space<vmem>>
      %dma_start3A_320 = tpu.memref_slice %arg2[%run_scoped3A_159, %add3A_157] : memref<2x320000xi32, #tpu.memory_space<hbm>> -> memref<1x16xi32, #tpu.memory_space<hbm>>
      %dma_start3A_321 = tpu.memref_squeeze %dma_start3A_320 : memref<1x16xi32, #tpu.memory_space<hbm>> -> memref<16xi32, #tpu.memory_space<hbm>>
      tpu.enqueue_dma source(%dma_start3A_321 : memref<16xi32, #tpu.memory_space<hbm>>) target(%dma_start3A_319 : memref<16xi32, #tpu.memory_space<vmem>>) target_semaphore(%run_scoped3A_311 : memref<!tpu.dma_semaphore, #tpu.memory_space<semaphore_mem>>)
      %dma_wait3A_322 = arith.constant 0 : i32
      %dma_wait3A_323 = tpu.memref_slice %arg12[%run_scoped3A_160, %dma_wait3A_322] : memref<2x128xi32, #tpu.memory_space<vmem>> -> memref<1x16xi32, #tpu.memory_space<vmem>>
      %dma_wait3A_324 = tpu.memref_squeeze %dma_wait3A_323 : memref<1x16xi32, #tpu.memory_space<vmem>> -> memref<16xi32, #tpu.memory_space<vmem>>
      %dma_wait3A_325 = tpu.memref_slice %arg2[%run_scoped3A_159, %add3A_157] : memref<2x320000xi32, #tpu.memory_space<hbm>> -> memref<1x16xi32, #tpu.memory_space<hbm>>
      %dma_wait3A_326 = tpu.memref_squeeze %dma_wait3A_325 : memref<1x16xi32, #tpu.memory_space<hbm>> -> memref<16xi32, #tpu.memory_space<hbm>>
      %dma_wait3A_327 = arith.constant 0 : i32
      %dma_wait3A_328 = tpu.memref_slice %arg12[%run_scoped3A_160, %dma_wait3A_327] : memref<2x128xi32, #tpu.memory_space<vmem>> -> memref<1x16xi32, #tpu.memory_space<vmem>>
      %dma_wait3A_329 = tpu.memref_squeeze %dma_wait3A_328 : memref<1x16xi32, #tpu.memory_space<vmem>> -> memref<16xi32, #tpu.memory_space<vmem>>
      %dma_wait3A_330 = tpu.memref_slice %arg2[%run_scoped3A_159, %add3A_157] : memref<2x320000xi32, #tpu.memory_space<hbm>> -> memref<1x16xi32, #tpu.memory_space<hbm>>
      %dma_wait3A_331 = tpu.memref_squeeze %dma_wait3A_330 : memref<1x16xi32, #tpu.memory_space<hbm>> -> memref<16xi32, #tpu.memory_space<hbm>>
      tpu.wait_dma2 semaphore(%run_scoped3A_311 : memref<!tpu.dma_semaphore, #tpu.memory_space<semaphore_mem>>) src(%dma_wait3A_331 : memref<16xi32, #tpu.memory_space<hbm>>) dst(%dma_wait3A_329 : memref<16xi32, #tpu.memory_space<vmem>>)
      tpu.yield
    }) : () -> ()
    %broadcast_in_dim3A_161 = arith.constant 5000 : i32
    %broadcast_in_dim3A_162 = vector.broadcast %broadcast_in_dim3A_161 : i32 to vector<16xi32>
    %swap3A = arith.constant 0 : i32
    %swap3A_163 = arith.index_cast %swap3A : i32 to index
    %swap3A_164 = arith.constant 16 : index
    %swap3A_165 = tpu.vector_load %arg14[%swap3A_163, %swap3A_164] {strides = array<i32>} : memref<1x128xi32, #tpu.memory_space<vmem>>, vector<16xi32>,
    tpu.vector_store %arg14[%swap3A_163, %swap3A_164], %broadcast_in_dim3A_162 {strides = array<i32>} : memref<1x128xi32, #tpu.memory_space<vmem>>, vector<16xi32>,
    %swap3A_166 = arith.constant 0 : i32
    %swap3A_167 = arith.index_cast %swap3A_166 : i32 to index
    %swap3A_168 = arith.constant 32 : index
    %swap3A_169 = tpu.vector_load %arg14[%swap3A_167, %swap3A_168] {strides = array<i32>} : memref<1x128xi32, #tpu.memory_space<vmem>>, vector<16xi32>,
    tpu.vector_store %arg14[%swap3A_167, %swap3A_168], %broadcast_in_dim3A_162 {strides = array<i32>} : memref<1x128xi32, #tpu.memory_space<vmem>>, vector<16xi32>,
    %swap3A_170 = arith.constant 0 : i32
    %swap3A_171 = arith.index_cast %swap3A_170 : i32 to index
    %swap3A_172 = arith.constant 48 : index
    %swap3A_173 = tpu.vector_load %arg14[%swap3A_171, %swap3A_172] {strides = array<i32>} : memref<1x128xi32, #tpu.memory_space<vmem>>, vector<16xi32>,
    tpu.vector_store %arg14[%swap3A_171, %swap3A_172], %broadcast_in_dim3A_162 {strides = array<i32>} : memref<1x128xi32, #tpu.memory_space<vmem>>, vector<16xi32>,
    %swap3A_174 = arith.constant 0 : i32
    %swap3A_175 = arith.index_cast %swap3A_174 : i32 to index
    %swap3A_176 = arith.constant 64 : index
    %swap3A_177 = tpu.vector_load %arg14[%swap3A_175, %swap3A_176] {strides = array<i32>} : memref<1x128xi32, #tpu.memory_space<vmem>>, vector<16xi32>,
    tpu.vector_store %arg14[%swap3A_175, %swap3A_176], %broadcast_in_dim3A_162 {strides = array<i32>} : memref<1x128xi32, #tpu.memory_space<vmem>>, vector<16xi32>,
    %swap3A_178 = arith.constant 0 : i32
    %swap3A_179 = arith.index_cast %swap3A_178 : i32 to index
    %swap3A_180 = arith.constant 80 : index
    %swap3A_181 = tpu.vector_load %arg14[%swap3A_179, %swap3A_180] {strides = array<i32>} : memref<1x128xi32, #tpu.memory_space<vmem>>, vector<16xi32>,
    tpu.vector_store %arg14[%swap3A_179, %swap3A_180], %broadcast_in_dim3A_162 {strides = array<i32>} : memref<1x128xi32, #tpu.memory_space<vmem>>, vector<16xi32>,
    %swap3A_182 = arith.constant 0 : i32
    %swap3A_183 = arith.index_cast %swap3A_182 : i32 to index
    %swap3A_184 = arith.constant 96 : index
    %swap3A_185 = tpu.vector_load %arg14[%swap3A_183, %swap3A_184] {strides = array<i32>} : memref<1x128xi32, #tpu.memory_space<vmem>>, vector<16xi32>,
    tpu.vector_store %arg14[%swap3A_183, %swap3A_184], %broadcast_in_dim3A_162 {strides = array<i32>} : memref<1x128xi32, #tpu.memory_space<vmem>>, vector<16xi32>,
    %swap3A_186 = arith.constant 0 : i32
    %swap3A_187 = arith.index_cast %swap3A_186 : i32 to index
    %swap3A_188 = arith.constant 112 : index
    %swap3A_189 = tpu.vector_load %arg14[%swap3A_187, %swap3A_188] {strides = array<i32>} : memref<1x128xi32, #tpu.memory_space<vmem>>, vector<16xi32>,
    tpu.vector_store %arg14[%swap3A_187, %swap3A_188], %broadcast_in_dim3A_162 {strides = array<i32>} : memref<1x128xi32, #tpu.memory_space<vmem>>, vector<16xi32>,
    %add3A_190 = arith.constant 0 : i32
    %add3A_191 = vector.broadcast %add3A_190 : i32 to vector<16xi32>
    %add3A_192 = arith.addi %iota3A, %add3A_191 : vector<16xi32>
    %get3A_193 = arith.constant 0 : i32
    %get3A_194 = arith.index_cast %get3A_193 : i32 to index
    %get3A_195 = arith.constant 0 : index
    %get3A_196 = tpu.vector_load %arg12[%get3A_194, %get3A_195] {strides = array<i32>} : memref<2x128xi32, #tpu.memory_space<vmem>>, vector<16xi32>,
    %get3A_197 = arith.constant 1 : i32
    %get3A_198 = arith.index_cast %get3A_197 : i32 to index
    %get3A_199 = arith.constant 0 : index
    %get3A_200 = tpu.vector_load %arg12[%get3A_198, %get3A_199] {strides = array<i32>} : memref<2x128xi32, #tpu.memory_space<vmem>>, vector<16xi32>,
    %mul3A_201 = arith.constant 52429 : i32
    %mul3A_202 = vector.broadcast %mul3A_201 : i32 to vector<16xi32>
    %mul3A_203 = arith.muli %get3A_200, %mul3A_202 : vector<16xi32>
    %shift_right_logical3A = arith.constant 19 : i32
    %shift_right_logical3A_204 = vector.broadcast %shift_right_logical3A : i32 to vector<16xi32>
    %shift_right_logical3A_205 = arith.shrui %mul3A_203, %shift_right_logical3A_204 : vector<16xi32>
    %mul3A_206 = arith.constant 10 : i32
    %mul3A_207 = vector.broadcast %mul3A_206 : i32 to vector<16xi32>
    %mul3A_208 = arith.muli %shift_right_logical3A_205, %mul3A_207 : vector<16xi32>
    %sub3A = arith.subi %get3A_200, %mul3A_208 : vector<16xi32>
    %lt3A = arith.constant 5 : i32
    %lt3A_209 = vector.broadcast %lt3A : i32 to vector<16xi32>
    %lt3A_210 = arith.cmpi slt, %sub3A, %lt3A_209 : vector<16xi32>
    %mul3A_211 = arith.constant 5 : i32
    %mul3A_212 = vector.broadcast %mul3A_211 : i32 to vector<16xi32>
    %mul3A_213 = arith.muli %shift_right_logical3A_205, %mul3A_212 : vector<16xi32>
    %add3A_214 = arith.addi %mul3A_213, %sub3A : vector<16xi32>
    %broadcast_in_dim3A_215 = arith.constant 5000 : i32
    %broadcast_in_dim3A_216 = vector.broadcast %broadcast_in_dim3A_215 : i32 to vector<16xi32>
    %select_n3A = arith.select %lt3A_210, %add3A_214, %broadcast_in_dim3A_216 : vector<16xi1>, vector<16xi32>
    %swap3A_217 = arith.constant 0 : i32
    %swap3A_218 = arith.index_cast %swap3A_217 : i32 to index
    %swap3A_219 = arith.constant 0 : index
    %swap3A_220 = tpu.vector_load %arg14[%swap3A_218, %swap3A_219] {strides = array<i32>} : memref<1x128xi32, #tpu.memory_space<vmem>>, vector<16xi32>,
    tpu.vector_store %arg14[%swap3A_218, %swap3A_219], %select_n3A {strides = array<i32>} : memref<1x128xi32, #tpu.memory_space<vmem>>, vector<16xi32>,
    %add3A_221 = arith.addi %get3A_196, %broadcast_in_dim3A_76 : vector<16xi32>
    %gather3A = tpu.vector_load_idx %arg9[%add3A_221] : memref<40032xf32, #tpu.memory_space<vmem>>[vector<16xi32>], vector<16xf32>,
    %add3A_222 = arith.addi %get3A_196, %broadcast_in_dim3A_78 : vector<16xi32>
    %gather3A_223 = tpu.vector_load_idx %arg9[%add3A_222] : memref<40032xf32, #tpu.memory_space<vmem>>[vector<16xi32>], vector<16xf32>,
    %add3A_224 = arith.addi %get3A_196, %broadcast_in_dim3A_80 : vector<16xi32>
    %gather3A_225 = tpu.vector_load_idx %arg9[%add3A_224] : memref<40032xf32, #tpu.memory_space<vmem>>[vector<16xi32>], vector<16xf32>,
    %add3A_226 = arith.addi %get3A_196, %broadcast_in_dim3A_82 : vector<16xi32>
    %gather3A_227 = tpu.vector_load_idx %arg9[%add3A_226] : memref<40032xf32, #tpu.memory_space<vmem>>[vector<16xi32>], vector<16xf32>,
    %gather3A_228 = tpu.vector_load_idx %arg10[%get3A_200] : memref<20016xi32, #tpu.memory_space<vmem>>[vector<16xi32>], vector<16xi32>,
    %add3A_229 = arith.addi %get3A_200, %broadcast_in_dim3A_78 : vector<16xi32>
    %gather3A_230 = tpu.vector_load_idx %arg10[%add3A_229] : memref<20016xi32, #tpu.memory_space<vmem>>[vector<16xi32>], vector<16xi32>,
    %bitcast3A = vector.bitcast %gather3A_228 : vector<16xi32> to vector<32xbf16>
    %unpack3A = tpu.unpack_subelements %bitcast3A, 0 {pack_format = #tpu.pack_format<interleaved>} : vector<32xbf16> -> vector<16xf32>
    %unpack3A_231 = tpu.unpack_subelements %bitcast3A, 1 {pack_format = #tpu.pack_format<interleaved>} : vector<32xbf16> -> vector<16xf32>
    %bitcast3A_232 = vector.bitcast %gather3A_230 : vector<16xi32> to vector<32xbf16>
    %unpack3A_233 = tpu.unpack_subelements %bitcast3A_232, 0 {pack_format = #tpu.pack_format<interleaved>} : vector<32xbf16> -> vector<16xf32>
    %unpack3A_234 = tpu.unpack_subelements %bitcast3A_232, 1 {pack_format = #tpu.pack_format<interleaved>} : vector<32xbf16> -> vector<16xf32>
    %gather3A_235 = tpu.vector_load_idx %arg11[%get3A_196] : memref<30024xi32, #tpu.memory_space<vmem>>[vector<16xi32>], vector<16xi32>,
    %add3A_236 = arith.addi %get3A_196, %broadcast_in_dim3A_78 : vector<16xi32>
    %gather3A_237 = tpu.vector_load_idx %arg11[%add3A_236] : memref<30024xi32, #tpu.memory_space<vmem>>[vector<16xi32>], vector<16xi32>,
    %add3A_238 = arith.addi %get3A_196, %broadcast_in_dim3A_80 : vector<16xi32>
    %gather3A_239 = tpu.vector_load_idx %arg11[%add3A_238] : memref<30024xi32, #tpu.memory_space<vmem>>[vector<16xi32>], vector<16xi32>,
    %bitcast3A_240 = vector.bitcast %gather3A_235 : vector<16xi32> to vector<32xbf16>
    %unpack3A_241 = tpu.unpack_subelements %bitcast3A_240, 0 {pack_format = #tpu.pack_format<interleaved>} : vector<32xbf16> -> vector<16xf32>
    %unpack3A_242 = tpu.unpack_subelements %bitcast3A_240, 1 {pack_format = #tpu.pack_format<interleaved>} : vector<32xbf16> -> vector<16xf32>
    %bitcast3A_243 = vector.bitcast %gather3A_237 : vector<16xi32> to vector<32xbf16>
    %unpack3A_244 = tpu.unpack_subelements %bitcast3A_243, 0 {pack_format = #tpu.pack_format<interleaved>} : vector<32xbf16> -> vector<16xf32>
    %unpack3A_245 = tpu.unpack_subelements %bitcast3A_243, 1 {pack_format = #tpu.pack_format<interleaved>} : vector<32xbf16> -> vector<16xf32>
    %bitcast3A_246 = vector.bitcast %gather3A_239 : vector<16xi32> to vector<16xf32>
    %add3A_247 = arith.addf %gather3A, %unpack3A : vector<16xf32>
    %gt3A = arith.constant 0.000000e+00 : f32
    %gt3A_248 = vector.broadcast %gt3A : f32 to vector<16xf32>
    %gt3A_249 = arith.cmpf ogt, %add3A_247, %gt3A_248 : vector<16xf32>
    %mul3A_250 = arith.constant 2.000000e-01 : f32
    %mul3A_251 = vector.broadcast %mul3A_250 : f32 to vector<16xf32>
    %mul3A_252 = arith.mulf %mul3A_251, %add3A_247 : vector<16xf32>
    %select_n3A_253 = arith.select %gt3A_249, %add3A_247, %mul3A_252 : vector<16xi1>, vector<16xf32>
    %sub3A_254 = arith.subf %select_n3A_253, %get3A_5 : vector<16xf32>
    %exp3A = math.exp %sub3A_254 : vector<16xf32>
    tpu.vector_store_idx %arg16[%add3A_192, %broadcast_in_dim3A_52], %exp3A : memref<128x32xf32, #tpu.memory_space<vmem>>[vector<16xi32>, vector<16xi32>], vector<16xf32>,
    %mul3A_255 = arith.mulf %exp3A, %unpack3A_241 : vector<16xf32>
    tpu.vector_store_idx %arg16[%add3A_192, %broadcast_in_dim3A_12], %mul3A_255 : memref<128x32xf32, #tpu.memory_space<vmem>>[vector<16xi32>, vector<16xi32>], vector<16xf32>,
    %mul3A_256 = arith.mulf %exp3A, %unpack3A_242 : vector<16xf32>
    tpu.vector_store_idx %arg16[%add3A_192, %broadcast_in_dim3A_14], %mul3A_256 : memref<128x32xf32, #tpu.memory_space<vmem>>[vector<16xi32>, vector<16xi32>], vector<16xf32>,
    %mul3A_257 = arith.mulf %exp3A, %unpack3A_244 : vector<16xf32>
    tpu.vector_store_idx %arg16[%add3A_192, %broadcast_in_dim3A_16], %mul3A_257 : memref<128x32xf32, #tpu.memory_space<vmem>>[vector<16xi32>, vector<16xi32>], vector<16xf32>,
    %mul3A_258 = arith.mulf %exp3A, %unpack3A_245 : vector<16xf32>
    tpu.vector_store_idx %arg16[%add3A_192, %broadcast_in_dim3A_18], %mul3A_258 : memref<128x32xf32, #tpu.memory_space<vmem>>[vector<16xi32>, vector<16xi32>], vector<16xf32>,
    %mul3A_259 = arith.mulf %exp3A, %bitcast3A_246 : vector<16xf32>
    tpu.vector_store_idx %arg16[%add3A_192, %broadcast_in_dim3A_20], %mul3A_259 : memref<128x32xf32, #tpu.memory_space<vmem>>[vector<16xi32>, vector<16xi32>], vector<16xf32>,
    %add3A_260 = arith.addf %gather3A_223, %unpack3A_231 : vector<16xf32>
    %gt3A_261 = arith.constant 0.000000e+00 : f32
    %gt3A_262 = vector.broadcast %gt3A_261 : f32 to vector<16xf32>
    %gt3A_263 = arith.cmpf ogt, %add3A_260, %gt3A_262 : vector<16xf32>
    %mul3A_264 = arith.constant 2.000000e-01 : f32
    %mul3A_265 = vector.broadcast %mul3A_264 : f32 to vector<16xf32>
    %mul3A_266 = arith.mulf %mul3A_265, %add3A_260 : vector<16xf32>
    %select_n3A_267 = arith.select %gt3A_263, %add3A_260, %mul3A_266 : vector<16xi1>, vector<16xf32>
    %sub3A_268 = arith.subf %select_n3A_267, %get3A_7 : vector<16xf32>
    %exp3A_269 = math.exp %sub3A_268 : vector<16xf32>
    tpu.vector_store_idx %arg16[%add3A_192, %broadcast_in_dim3A_54], %exp3A_269 : memref<128x32xf32, #tpu.memory_space<vmem>>[vector<16xi32>, vector<16xi32>], vector<16xf32>,
    %mul3A_270 = arith.mulf %exp3A_269, %unpack3A_241 : vector<16xf32>
    tpu.vector_store_idx %arg16[%add3A_192, %broadcast_in_dim3A_22], %mul3A_270 : memref<128x32xf32, #tpu.memory_space<vmem>>[vector<16xi32>, vector<16xi32>], vector<16xf32>,
    %mul3A_271 = arith.mulf %exp3A_269, %unpack3A_242 : vector<16xf32>
    tpu.vector_store_idx %arg16[%add3A_192, %broadcast_in_dim3A_24], %mul3A_271 : memref<128x32xf32, #tpu.memory_space<vmem>>[vector<16xi32>, vector<16xi32>], vector<16xf32>,
    %mul3A_272 = arith.mulf %exp3A_269, %unpack3A_244 : vector<16xf32>
    tpu.vector_store_idx %arg16[%add3A_192, %broadcast_in_dim3A_26], %mul3A_272 : memref<128x32xf32, #tpu.memory_space<vmem>>[vector<16xi32>, vector<16xi32>], vector<16xf32>,
    %mul3A_273 = arith.mulf %exp3A_269, %unpack3A_245 : vector<16xf32>
    tpu.vector_store_idx %arg16[%add3A_192, %broadcast_in_dim3A_28], %mul3A_273 : memref<128x32xf32, #tpu.memory_space<vmem>>[vector<16xi32>, vector<16xi32>], vector<16xf32>,
    %mul3A_274 = arith.mulf %exp3A_269, %bitcast3A_246 : vector<16xf32>
    tpu.vector_store_idx %arg16[%add3A_192, %broadcast_in_dim3A_30], %mul3A_274 : memref<128x32xf32, #tpu.memory_space<vmem>>[vector<16xi32>, vector<16xi32>], vector<16xf32>,
    %add3A_275 = arith.addf %gather3A_225, %unpack3A_233 : vector<16xf32>
    %gt3A_276 = arith.constant 0.000000e+00 : f32
    %gt3A_277 = vector.broadcast %gt3A_276 : f32 to vector<16xf32>
    %gt3A_278 = arith.cmpf ogt, %add3A_275, %gt3A_277 : vector<16xf32>
    %mul3A_279 = arith.constant 2.000000e-01 : f32
    %mul3A_280 = vector.broadcast %mul3A_279 : f32 to vector<16xf32>
    %mul3A_281 = arith.mulf %mul3A_280, %add3A_275 : vector<16xf32>
    %select_n3A_282 = arith.select %gt3A_278, %add3A_275, %mul3A_281 : vector<16xi1>, vector<16xf32>
    %sub3A_283 = arith.subf %select_n3A_282, %get3A_9 : vector<16xf32>
    %exp3A_284 = math.exp %sub3A_283 : vector<16xf32>
    tpu.vector_store_idx %arg16[%add3A_192, %broadcast_in_dim3A_56], %exp3A_284 : memref<128x32xf32, #tpu.memory_space<vmem>>[vector<16xi32>, vector<16xi32>], vector<16xf32>,
    %mul3A_285 = arith.mulf %exp3A_284, %unpack3A_241 : vector<16xf32>
    tpu.vector_store_idx %arg16[%add3A_192, %broadcast_in_dim3A_32], %mul3A_285 : memref<128x32xf32, #tpu.memory_space<vmem>>[vector<16xi32>, vector<16xi32>], vector<16xf32>,
    %mul3A_286 = arith.mulf %exp3A_284, %unpack3A_242 : vector<16xf32>
    tpu.vector_store_idx %arg16[%add3A_192, %broadcast_in_dim3A_34], %mul3A_286 : memref<128x32xf32, #tpu.memory_space<vmem>>[vector<16xi32>, vector<16xi32>], vector<16xf32>,
    %mul3A_287 = arith.mulf %exp3A_284, %unpack3A_244 : vector<16xf32>
    tpu.vector_store_idx %arg16[%add3A_192, %broadcast_in_dim3A_36], %mul3A_287 : memref<128x32xf32, #tpu.memory_space<vmem>>[vector<16xi32>, vector<16xi32>], vector<16xf32>,
    %mul3A_288 = arith.mulf %exp3A_284, %unpack3A_245 : vector<16xf32>
    tpu.vector_store_idx %arg16[%add3A_192, %broadcast_in_dim3A_38], %mul3A_288 : memref<128x32xf32, #tpu.memory_space<vmem>>[vector<16xi32>, vector<16xi32>], vector<16xf32>,
    %mul3A_289 = arith.mulf %exp3A_284, %bitcast3A_246 : vector<16xf32>
    tpu.vector_store_idx %arg16[%add3A_192, %broadcast_in_dim3A_40], %mul3A_289 : memref<128x32xf32, #tpu.memory_space<vmem>>[vector<16xi32>, vector<16xi32>], vector<16xf32>,
    %add3A_290 = arith.addf %gather3A_227, %unpack3A_234 : vector<16xf32>
    %gt3A_291 = arith.constant 0.000000e+00 : f32
    %gt3A_292 = vector.broadcast %gt3A_291 : f32 to vector<16xf32>
    %gt3A_293 = arith.cmpf ogt, %add3A_290, %gt3A_292 : vector<16xf32>
    %mul3A_294 = arith.constant 2.000000e-01 : f32
    %mul3A_295 = vector.broadcast %mul3A_294 : f32 to vector<16xf32>
    %mul3A_296 = arith.mulf %mul3A_295, %add3A_290 : vector<16xf32>
    %select_n3A_297 = arith.select %gt3A_293, %add3A_290, %mul3A_296 : vector<16xi1>, vector<16xf32>
    %sub3A_298 = arith.subf %select_n3A_297, %get3A_11 : vector<16xf32>
    %exp3A_299 = math.exp %sub3A_298 : vector<16xf32>
    tpu.vector_store_idx %arg16[%add3A_192, %broadcast_in_dim3A_58], %exp3A_299 : memref<128x32xf32, #tpu.memory_space<vmem>>[vector<16xi32>, vector<16xi32>], vector<16xf32>,
    %mul3A_300 = arith.mulf %exp3A_299, %unpack3A_241 : vector<16xf32>
    tpu.vector_store_idx %arg16[%add3A_192, %broadcast_in_dim3A_42], %mul3A_300 : memref<128x32xf32, #tpu.memory_space<vmem>>[vector<16xi32>, vector<16xi32>], vector<16xf32>,
    %mul3A_301 = arith.mulf %exp3A_299, %unpack3A_242 : vector<16xf32>
    tpu.vector_store_idx %arg16[%add3A_192, %broadcast_in_dim3A_44], %mul3A_301 : memref<128x32xf32, #tpu.memory_space<vmem>>[vector<16xi32>, vector<16xi32>], vector<16xf32>,
    %mul3A_302 = arith.mulf %exp3A_299, %unpack3A_244 : vector<16xf32>
    tpu.vector_store_idx %arg16[%add3A_192, %broadcast_in_dim3A_46], %mul3A_302 : memref<128x32xf32, #tpu.memory_space<vmem>>[vector<16xi32>, vector<16xi32>], vector<16xf32>,
    %mul3A_303 = arith.mulf %exp3A_299, %unpack3A_245 : vector<16xf32>
    tpu.vector_store_idx %arg16[%add3A_192, %broadcast_in_dim3A_48], %mul3A_303 : memref<128x32xf32, #tpu.memory_space<vmem>>[vector<16xi32>, vector<16xi32>], vector<16xf32>,
    %mul3A_304 = arith.mulf %exp3A_299, %bitcast3A_246 : vector<16xf32>
    tpu.vector_store_idx %arg16[%add3A_192, %broadcast_in_dim3A_50], %mul3A_304 : memref<128x32xf32, #tpu.memory_space<vmem>>[vector<16xi32>, vector<16xi32>], vector<16xf32>,
    %run_scoped3A_305 = arith.constant 0 : i32
    "tpu.region"() ({
      %run_scoped3A_311 = tpu.sem_alloc : memref<!tpu.dma_semaphore, #tpu.memory_space<semaphore_mem>>
      %dma_start3A_312 = arith.constant 0 : i32
      %dma_start3A_313 = tpu.memref_slice %arg14[%run_scoped3A_305, %dma_start3A_312] : memref<1x128xi32, #tpu.memory_space<vmem>> -> memref<1x128xi32, #tpu.memory_space<vmem>>
      %dma_start3A_314 = tpu.memref_squeeze %dma_start3A_313 : memref<1x128xi32, #tpu.memory_space<vmem>> -> memref<128xi32, #tpu.memory_space<vmem>>
      %dma_start3A_315 = arith.constant 0 : i32
      %dma_start3A_316 = arith.constant 0 : i32
      %dma_start3A_317 = tpu.memref_slice %arg19[%dma_start3A_315, %dma_start3A_316] : memref<5120x32xf32, #tpu.memory_space<vmem_shared>> -> memref<5120x32xf32, #tpu.memory_space<vmem_shared>>
      tpu.enqueue_indirect_dma source(%arg16 : memref<128x32xf32, #tpu.memory_space<vmem>>) target(%dma_start3A_317 : memref<5120x32xf32, #tpu.memory_space<vmem_shared>>) offsets(%dma_start3A_314 : memref<128xi32, #tpu.memory_space<vmem>>) semaphore(%run_scoped3A_311 : memref<!tpu.dma_semaphore, #tpu.memory_space<semaphore_mem>>) {add = true}
      %dma_wait3A_318 = arith.constant 0 : i32
      %dma_wait3A_319 = tpu.memref_slice %arg14[%run_scoped3A_305, %dma_wait3A_318] : memref<1x128xi32, #tpu.memory_space<vmem>> -> memref<1x128xi32, #tpu.memory_space<vmem>>
      %dma_wait3A_320 = tpu.memref_squeeze %dma_wait3A_319 : memref<1x128xi32, #tpu.memory_space<vmem>> -> memref<128xi32, #tpu.memory_space<vmem>>
      %dma_wait3A_321 = arith.constant 0 : i32
      %dma_wait3A_322 = arith.constant 0 : i32
      %dma_wait3A_323 = tpu.memref_slice %arg19[%dma_wait3A_321, %dma_wait3A_322] : memref<5120x32xf32, #tpu.memory_space<vmem_shared>> -> memref<5120x32xf32, #tpu.memory_space<vmem_shared>>
      tpu.wait_indirect_dma semaphore(%run_scoped3A_311 : memref<!tpu.dma_semaphore, #tpu.memory_space<semaphore_mem>>) src(%arg16 : memref<128x32xf32, #tpu.memory_space<vmem>>) dst(%dma_wait3A_323 : memref<5120x32xf32, #tpu.memory_space<vmem_shared>>)
      tpu.yield
    }) : () -> ()
    %barrier3A_306 = arith.constant 0 : index
    tpu.barrier barrier_id(%barrier3A_306)
    %mul3A_307 = arith.constant 320 : i32
    %mul3A_308 = arith.muli %arg1, %mul3A_307 : i32
    %mul3A_309 = arith.constant 320 : i32
    %mul3A_310 = arith.muli %arg1, %mul3A_309 : i32
    "tpu.region"() ({
      %run_scoped3A_311 = tpu.sem_alloc : memref<!tpu.dma_semaphore, #tpu.memory_space<semaphore_mem>>
      %dma_start3A_312 = arith.constant 0 : i32
      %dma_start3A_313 = tpu.memref_slice %arg8[%arg0, %mul3A_310, %dma_start3A_312] : memref<2x5120x32xf32, #tpu.memory_space<hbm>> -> memref<1x320x32xf32, #tpu.memory_space<hbm>>
      %dma_start3A_314 = tpu.memref_squeeze %dma_start3A_313 : memref<1x320x32xf32, #tpu.memory_space<hbm>> -> memref<320x32xf32, #tpu.memory_space<hbm>>
      %dma_start3A_315 = arith.constant 0 : i32
      %dma_start3A_316 = tpu.memref_slice %arg19[%mul3A_308, %dma_start3A_315] : memref<5120x32xf32, #tpu.memory_space<vmem_shared>> -> memref<320x32xf32, #tpu.memory_space<vmem_shared>>
      tpu.enqueue_dma source(%dma_start3A_316 : memref<320x32xf32, #tpu.memory_space<vmem_shared>>) target(%dma_start3A_314 : memref<320x32xf32, #tpu.memory_space<hbm>>) target_semaphore(%run_scoped3A_311 : memref<!tpu.dma_semaphore, #tpu.memory_space<semaphore_mem>>)
      %dma_wait3A_317 = arith.constant 0 : i32
      %dma_wait3A_318 = tpu.memref_slice %arg8[%arg0, %mul3A_310, %dma_wait3A_317] : memref<2x5120x32xf32, #tpu.memory_space<hbm>> -> memref<1x320x32xf32, #tpu.memory_space<hbm>>
      %dma_wait3A_319 = tpu.memref_squeeze %dma_wait3A_318 : memref<1x320x32xf32, #tpu.memory_space<hbm>> -> memref<320x32xf32, #tpu.memory_space<hbm>>
      %dma_wait3A_320 = arith.constant 0 : i32
      %dma_wait3A_321 = tpu.memref_slice %arg19[%mul3A_308, %dma_wait3A_320] : memref<5120x32xf32, #tpu.memory_space<vmem_shared>> -> memref<320x32xf32, #tpu.memory_space<vmem_shared>>
      tpu.wait_dma2 semaphore(%run_scoped3A_311 : memref<!tpu.dma_semaphore, #tpu.memory_space<semaphore_mem>>) src(%dma_wait3A_321 : memref<320x32xf32, #tpu.memory_space<vmem_shared>>) dst(%dma_wait3A_319 : memref<320x32xf32, #tpu.memory_space<hbm>>)
      tpu.yield
    }) : () -> ()
    return
  }
}

module attributes {stable_mosaic.version = 14 : i64} {
  func.func @_prologue_body(%arg0: i32, %arg1: memref<2000x5xf32, #tpu.memory_space<vmem>>, %arg2: memref<5x512xf32, #tpu.memory_space<vmem>>, %arg3: memref<4x128xf32, #tpu.memory_space<vmem>>, %arg4: memref<4x128xf32, #tpu.memory_space<vmem>>, %arg5: memref<2000x4xf32, #tpu.memory_space<vmem>>, %arg6: memref<2000x4xf32, #tpu.memory_space<vmem>>, %arg7: memref<1x4xf32, #tpu.memory_space<vmem>>, %arg8: memref<1x4xf32, #tpu.memory_space<vmem>>, %arg9: memref<1x4xf32, #tpu.memory_space<vmem>>) attributes {dimension_semantics = [#tpu.dimension_semantics<arbitrary>], iteration_bounds = array<i64: 5>, scalar_prefetch = 0 : i64, scratch_operands = 2 : i64, tpu.core_type = #tpu.core_type<tc>, window_params = [{transform_indices = @transform_0, window_bounds = array<i64: 2000, 5>}, {pipeline_mode = #tpu.pipeline_mode<synchronous>, transform_indices = @transform_1, window_bounds = array<i64: 5, 512>}, {pipeline_mode = #tpu.pipeline_mode<synchronous>, transform_indices = @transform_2, window_bounds = array<i64: 4, 128>}, {pipeline_mode = #tpu.pipeline_mode<synchronous>, transform_indices = @transform_3, window_bounds = array<i64: 4, 128>}, {transform_indices = @transform_4, window_bounds = array<i64: 2000, 4>}, {transform_indices = @transform_5, window_bounds = array<i64: 2000, 4>}, {pipeline_mode = #tpu.pipeline_mode<synchronous>, transform_indices = @transform_6, window_bounds = array<i64: 1, 4>}]} {
    %get3A = arith.constant 0 : index
    %get3A_0 = arith.constant 0 : index
    %get3A_1 = vector.load %arg1[%get3A, %get3A_0] : memref<2000x5xf32, #tpu.memory_space<vmem>>, vector<2000x5xf32>
    %get3A_2 = arith.constant 0 : index
    %get3A_3 = arith.constant 0 : index
    %get3A_4 = vector.load %arg2[%get3A_2, %get3A_3] : memref<5x512xf32, #tpu.memory_space<vmem>>, vector<5x512xf32>
    %dot_general3A = arith.constant dense<0.000000e+00> : vector<2000x512xf32>
    %dot_general3A_5 = tpu.matmul %get3A_1, %get3A_4, %dot_general3A {dimension_numbers = #tpu.dot_dimension_numbers<[1], [0], [0], [1], [0, 0, 1, 1], [], []>, transpose_lhs_hint = false} : vector<2000x5xf32>, vector<5x512xf32>, vector<2000x512xf32> -> vector<2000x512xf32>
    %reshape3A = vector.shape_cast %dot_general3A_5 : vector<2000x512xf32> to vector<2000x4x128xf32>
    %get3A_6 = arith.constant 0 : index
    %get3A_7 = arith.constant 0 : index
    %get3A_8 = vector.load %arg3[%get3A_6, %get3A_7] : memref<4x128xf32, #tpu.memory_space<vmem>>, vector<4x128xf32>
    %broadcast_in_dim3A = vector.shape_cast %get3A_8 : vector<4x128xf32> to vector<1x4x128xf32>
    %mul3A = vector.broadcast %broadcast_in_dim3A : vector<1x4x128xf32> to vector<2000x4x128xf32>
    %mul3A_9 = arith.mulf %reshape3A, %mul3A : vector<2000x4x128xf32>
    %reduce_sum3A = arith.constant dense<0.000000e+00> : vector<2000x4xf32>
    %reduce_sum3A_10 = vector.multi_reduction <add>, %mul3A_9, %reduce_sum3A [2] : vector<2000x4x128xf32> to vector<2000x4xf32>
    %get3A_11 = arith.constant 0 : index
    %get3A_12 = arith.constant 0 : index
    %get3A_13 = vector.load %arg4[%get3A_11, %get3A_12] : memref<4x128xf32, #tpu.memory_space<vmem>>, vector<4x128xf32>
    %broadcast_in_dim3A_14 = vector.shape_cast %get3A_13 : vector<4x128xf32> to vector<1x4x128xf32>
    %mul3A_15 = vector.broadcast %broadcast_in_dim3A_14 : vector<1x4x128xf32> to vector<2000x4x128xf32>
    %mul3A_16 = arith.mulf %reshape3A, %mul3A_15 : vector<2000x4x128xf32>
    %reduce_sum3A_17 = arith.constant dense<0.000000e+00> : vector<2000x4xf32>
    %reduce_sum3A_18 = vector.multi_reduction <add>, %mul3A_16, %reduce_sum3A_17 [2] : vector<2000x4x128xf32> to vector<2000x4xf32>
    %swap3A = arith.constant 0 : index
    %swap3A_19 = arith.constant 0 : index
    %swap3A_20 = vector.load %arg5[%swap3A, %swap3A_19] : memref<2000x4xf32, #tpu.memory_space<vmem>>, vector<2000x4xf32>
    tpu.vector_store %arg5[%swap3A, %swap3A_19], %reduce_sum3A_10 {strides = array<i32>} : memref<2000x4xf32, #tpu.memory_space<vmem>>, vector<2000x4xf32>,
    %swap3A_21 = arith.constant 0 : index
    %swap3A_22 = arith.constant 0 : index
    %swap3A_23 = vector.load %arg6[%swap3A_21, %swap3A_22] : memref<2000x4xf32, #tpu.memory_space<vmem>>, vector<2000x4xf32>
    tpu.vector_store %arg6[%swap3A_21, %swap3A_22], %reduce_sum3A_18 {strides = array<i32>} : memref<2000x4xf32, #tpu.memory_space<vmem>>, vector<2000x4xf32>,
    %reduce_max3A = arith.constant dense<0xFF800000> : vector<4xf32>
    %reduce_max3A_24 = vector.multi_reduction <maximumf>, %reduce_sum3A_10, %reduce_max3A [0] : vector<2000x4xf32> to vector<4xf32>
    %broadcast_in_dim3A_25 = vector.shape_cast %reduce_max3A_24 : vector<4xf32> to vector<1x4xf32>
    %reduce_max3A_26 = arith.constant dense<0xFF800000> : vector<4xf32>
    %reduce_max3A_27 = vector.multi_reduction <maximumf>, %reduce_sum3A_18, %reduce_max3A_26 [0] : vector<2000x4xf32> to vector<4xf32>
    %broadcast_in_dim3A_28 = vector.shape_cast %reduce_max3A_27 : vector<4xf32> to vector<1x4xf32>
    %eq3A = arith.constant 0 : i32
    %eq3A_29 = arith.cmpi eq, %arg0, %eq3A : i32
    %convert_element_type3A = arith.extui %eq3A_29 : i1 to i32
    %cond3A = arith.constant 0 : i32
    %cond3A_30 = arith.cmpi ne, %convert_element_type3A, %cond3A : i32
    scf.if %cond3A_30 {
      %swap3A_40 = arith.constant 0 : index
      %swap3A_41 = arith.constant 0 : index
      %swap3A_42 = vector.load %arg8[%swap3A_40, %swap3A_41] : memref<1x4xf32, #tpu.memory_space<vmem>>, vector<1x4xf32>
      tpu.vector_store %arg8[%swap3A_40, %swap3A_41], %broadcast_in_dim3A_25 {strides = array<i32>} : memref<1x4xf32, #tpu.memory_space<vmem>>, vector<1x4xf32>,
      %swap3A_43 = arith.constant 0 : index
      %swap3A_44 = arith.constant 0 : index
      %swap3A_45 = vector.load %arg9[%swap3A_43, %swap3A_44] : memref<1x4xf32, #tpu.memory_space<vmem>>, vector<1x4xf32>
      tpu.vector_store %arg9[%swap3A_43, %swap3A_44], %broadcast_in_dim3A_28 {strides = array<i32>} : memref<1x4xf32, #tpu.memory_space<vmem>>, vector<1x4xf32>,
    } else {
    }
    %gt3A = arith.constant 0 : i32
    %gt3A_31 = arith.cmpi sgt, %arg0, %gt3A : i32
    %convert_element_type3A_32 = arith.extui %gt3A_31 : i1 to i32
    %cond3A_33 = arith.constant 0 : i32
    %cond3A_34 = arith.cmpi ne, %convert_element_type3A_32, %cond3A_33 : i32
    scf.if %cond3A_34 {
      %get3A_40 = arith.constant 0 : index
      %get3A_41 = arith.constant 0 : index
      %get3A_42 = vector.load %arg8[%get3A_40, %get3A_41] : memref<1x4xf32, #tpu.memory_space<vmem>>, vector<1x4xf32>
      %max3A = arith.maximumf %get3A_42, %broadcast_in_dim3A_25 : vector<1x4xf32>
      %swap3A_43 = arith.constant 0 : index
      %swap3A_44 = arith.constant 0 : index
      %swap3A_45 = vector.load %arg8[%swap3A_43, %swap3A_44] : memref<1x4xf32, #tpu.memory_space<vmem>>, vector<1x4xf32>
      tpu.vector_store %arg8[%swap3A_43, %swap3A_44], %max3A {strides = array<i32>} : memref<1x4xf32, #tpu.memory_space<vmem>>, vector<1x4xf32>,
      %get3A_46 = arith.constant 0 : index
      %get3A_47 = arith.constant 0 : index
      %get3A_48 = vector.load %arg9[%get3A_46, %get3A_47] : memref<1x4xf32, #tpu.memory_space<vmem>>, vector<1x4xf32>
      %max3A_49 = arith.maximumf %get3A_48, %broadcast_in_dim3A_28 : vector<1x4xf32>
      %swap3A_50 = arith.constant 0 : index
      %swap3A_51 = arith.constant 0 : index
      %swap3A_52 = vector.load %arg9[%swap3A_50, %swap3A_51] : memref<1x4xf32, #tpu.memory_space<vmem>>, vector<1x4xf32>
      tpu.vector_store %arg9[%swap3A_50, %swap3A_51], %max3A_49 {strides = array<i32>} : memref<1x4xf32, #tpu.memory_space<vmem>>, vector<1x4xf32>,
    } else {
    }
    %eq3A_35 = arith.constant 4 : i32
    %eq3A_36 = arith.cmpi eq, %arg0, %eq3A_35 : i32
    %convert_element_type3A_37 = arith.extui %eq3A_36 : i1 to i32
    %cond3A_38 = arith.constant 0 : i32
    %cond3A_39 = arith.cmpi ne, %convert_element_type3A_37, %cond3A_38 : i32
    scf.if %cond3A_39 {
      %get3A_40 = arith.constant 0 : index
      %get3A_41 = arith.constant 0 : index
      %get3A_42 = vector.load %arg8[%get3A_40, %get3A_41] : memref<1x4xf32, #tpu.memory_space<vmem>>, vector<1x4xf32>
      %get3A_43 = arith.constant 0 : index
      %get3A_44 = arith.constant 0 : index
      %get3A_45 = vector.load %arg9[%get3A_43, %get3A_44] : memref<1x4xf32, #tpu.memory_space<vmem>>, vector<1x4xf32>
      %add3A = arith.addf %get3A_42, %get3A_45 : vector<1x4xf32>
      %gt3A_46 = arith.constant 0.000000e+00 : f32
      %gt3A_47 = vector.broadcast %gt3A_46 : f32 to vector<1x4xf32>
      %gt3A_48 = arith.cmpf ogt, %add3A, %gt3A_47 : vector<1x4xf32>
      %mul3A_49 = arith.constant 2.000000e-01 : f32
      %mul3A_50 = vector.broadcast %mul3A_49 : f32 to vector<1x4xf32>
      %mul3A_51 = arith.mulf %mul3A_50, %add3A : vector<1x4xf32>
      %select_n3A = arith.select %gt3A_48, %add3A, %mul3A_51 : vector<1x4xi1>, vector<1x4xf32>
      %swap3A_52 = arith.constant 0 : index
      %swap3A_53 = arith.constant 0 : index
      %swap3A_54 = vector.load %arg7[%swap3A_52, %swap3A_53] : memref<1x4xf32, #tpu.memory_space<vmem>>, vector<1x4xf32>
      tpu.vector_store %arg7[%swap3A_52, %swap3A_53], %select_n3A {strides = array<i32>} : memref<1x4xf32, #tpu.memory_space<vmem>>, vector<1x4xf32>,
    } else {
    }
    return
  }
  func.func @transform_0(%arg0: i32) -> (i32, i32) {
    %c0_i32 = arith.constant 0 : i32
    %c0_i32_0 = arith.constant 0 : i32
    return %arg0, %c0_i32 : i32, i32
  }
  func.func @transform_1(%arg0: i32) -> (i32, i32) {
    %c0_i32 = arith.constant 0 : i32
    %c0_i32_0 = arith.constant 0 : i32
    %c0_i32_1 = arith.constant 0 : i32
    return %c0_i32, %c0_i32_0 : i32, i32
  }
  func.func @transform_2(%arg0: i32) -> (i32, i32) {
    %c0_i32 = arith.constant 0 : i32
    %c0_i32_0 = arith.constant 0 : i32
    %c0_i32_1 = arith.constant 0 : i32
    return %c0_i32, %c0_i32_0 : i32, i32
  }
  func.func @transform_3(%arg0: i32) -> (i32, i32) {
    %c0_i32 = arith.constant 0 : i32
    %c0_i32_0 = arith.constant 0 : i32
    %c0_i32_1 = arith.constant 0 : i32
    return %c0_i32, %c0_i32_0 : i32, i32
  }
  func.func @transform_4(%arg0: i32) -> (i32, i32) {
    %c0_i32 = arith.constant 0 : i32
    %c0_i32_0 = arith.constant 0 : i32
    return %arg0, %c0_i32 : i32, i32
  }
  func.func @transform_5(%arg0: i32) -> (i32, i32) {
    %c0_i32 = arith.constant 0 : i32
    %c0_i32_0 = arith.constant 0 : i32
    return %arg0, %c0_i32 : i32, i32
  }
  func.func @transform_6(%arg0: i32) -> (i32, i32) {
    %c0_i32 = arith.constant 0 : i32
    %c0_i32_0 = arith.constant 0 : i32
    %c0_i32_1 = arith.constant 0 : i32
    return %c0_i32, %c0_i32_0 : i32, i32
  }
}

module attributes {stable_mosaic.version = 14 : i64} {
  func.func @_critic_body(%arg0: memref<1024x100xf32, #tpu.memory_space<vmem>>, %arg1: memref<100x512xf32, #tpu.memory_space<vmem>>, %arg2: memref<1x512xf32, #tpu.memory_space<vmem>>, %arg3: memref<512x512xf32, #tpu.memory_space<vmem>>, %arg4: memref<1x512xf32, #tpu.memory_space<vmem>>, %arg5: memref<512x1xf32, #tpu.memory_space<vmem>>, %arg6: memref<1x1xf32, #tpu.memory_space<vmem>>, %arg7: memref<1024x1xf32, #tpu.memory_space<vmem>>) attributes {dimension_semantics = [], scalar_prefetch = 0 : i64, scratch_operands = 0 : i64, tpu.core_type = #tpu.core_type<tc>} {
    %get3A = arith.constant 0 : index
    %get3A_0 = arith.constant 0 : index
    %get3A_1 = vector.load %arg0[%get3A, %get3A_0] : memref<1024x100xf32, #tpu.memory_space<vmem>>, vector<1024x100xf32>
    %get3A_2 = arith.constant 0 : index
    %get3A_3 = arith.constant 0 : index
    %get3A_4 = vector.load %arg1[%get3A_2, %get3A_3] : memref<100x512xf32, #tpu.memory_space<vmem>>, vector<100x512xf32>
    %dot_general3A = arith.constant dense<0.000000e+00> : vector<1024x512xf32>
    %dot_general3A_5 = tpu.matmul %get3A_1, %get3A_4, %dot_general3A {dimension_numbers = #tpu.dot_dimension_numbers<[1], [0], [0], [1], [0, 0, 1, 1], [], []>, transpose_lhs_hint = false} : vector<1024x100xf32>, vector<100x512xf32>, vector<1024x512xf32> -> vector<1024x512xf32>
    %get3A_6 = arith.constant 0 : index
    %get3A_7 = arith.constant 0 : index
    %get3A_8 = vector.load %arg2[%get3A_6, %get3A_7] : memref<1x512xf32, #tpu.memory_space<vmem>>, vector<1x512xf32>
    %add3A = vector.broadcast %get3A_8 : vector<1x512xf32> to vector<1024x512xf32>
    %add3A_9 = arith.addf %dot_general3A_5, %add3A : vector<1024x512xf32>
    %max3A = arith.constant 0.000000e+00 : f32
    %max3A_10 = vector.broadcast %max3A : f32 to vector<1024x512xf32>
    %max3A_11 = arith.maximumf %add3A_9, %max3A_10 : vector<1024x512xf32>
    %get3A_12 = arith.constant 0 : index
    %get3A_13 = arith.constant 0 : index
    %get3A_14 = vector.load %arg3[%get3A_12, %get3A_13] : memref<512x512xf32, #tpu.memory_space<vmem>>, vector<512x512xf32>
    %dot_general3A_15 = arith.constant dense<0.000000e+00> : vector<1024x512xf32>
    %dot_general3A_16 = tpu.matmul %max3A_11, %get3A_14, %dot_general3A_15 {dimension_numbers = #tpu.dot_dimension_numbers<[1], [0], [0], [1], [0, 0, 1, 1], [], []>, transpose_lhs_hint = false} : vector<1024x512xf32>, vector<512x512xf32>, vector<1024x512xf32> -> vector<1024x512xf32>
    %get3A_17 = arith.constant 0 : index
    %get3A_18 = arith.constant 0 : index
    %get3A_19 = vector.load %arg4[%get3A_17, %get3A_18] : memref<1x512xf32, #tpu.memory_space<vmem>>, vector<1x512xf32>
    %add3A_20 = vector.broadcast %get3A_19 : vector<1x512xf32> to vector<1024x512xf32>
    %add3A_21 = arith.addf %dot_general3A_16, %add3A_20 : vector<1024x512xf32>
    %max3A_22 = arith.constant 0.000000e+00 : f32
    %max3A_23 = vector.broadcast %max3A_22 : f32 to vector<1024x512xf32>
    %max3A_24 = arith.maximumf %add3A_21, %max3A_23 : vector<1024x512xf32>
    %get3A_25 = arith.constant 0 : index
    %get3A_26 = arith.constant 0 : index
    %get3A_27 = vector.load %arg5[%get3A_25, %get3A_26] : memref<512x1xf32, #tpu.memory_space<vmem>>, vector<512x1xf32>
    %dot_general3A_28 = arith.constant dense<0.000000e+00> : vector<1024x1xf32>
    %dot_general3A_29 = tpu.matmul %max3A_24, %get3A_27, %dot_general3A_28 {dimension_numbers = #tpu.dot_dimension_numbers<[1], [0], [0], [1], [0, 0, 1, 1], [], []>, transpose_lhs_hint = false} : vector<1024x512xf32>, vector<512x1xf32>, vector<1024x1xf32> -> vector<1024x1xf32>
    %get3A_30 = arith.constant 0 : index
    %get3A_31 = arith.constant 0 : index
    %get3A_32 = vector.load %arg6[%get3A_30, %get3A_31] : memref<1x1xf32, #tpu.memory_space<vmem>>, vector<1x1xf32>
    %add3A_33 = vector.broadcast %get3A_32 : vector<1x1xf32> to vector<1024x1xf32>
    %add3A_34 = arith.addf %dot_general3A_29, %add3A_33 : vector<1024x1xf32>
    %swap3A = arith.constant 0 : index
    %swap3A_35 = arith.constant 0 : index
    %swap3A_36 = vector.load %arg7[%swap3A, %swap3A_35] : memref<1024x1xf32, #tpu.memory_space<vmem>>, vector<1024x1xf32>
    tpu.vector_store %arg7[%swap3A, %swap3A_35], %add3A_34 {strides = array<i32>} : memref<1024x1xf32, #tpu.memory_space<vmem>>, vector<1024x1xf32>,
    return
  }
}

module attributes {stable_mosaic.version = 14 : i64} {
  func.func @_epilogue_body(%arg0: i32, %arg1: memref<1000x32xf32, #tpu.memory_space<vmem>>, %arg2: memref<1000x32xf32, #tpu.memory_space<vmem>>, %arg3: memref<1000x5xf32, #tpu.memory_space<vmem>>, %arg4: memref<1000x4xf32, #tpu.memory_space<vmem>>, %arg5: memref<1000x4xf32, #tpu.memory_space<vmem>>, %arg6: memref<1x4xf32, #tpu.memory_space<vmem>>, %arg7: memref<5x512xf32, #tpu.memory_space<vmem>>, %arg8: memref<1x512xf32, #tpu.memory_space<vmem>>, %arg9: memref<512x512xf32, #tpu.memory_space<vmem>>, %arg10: memref<1x512xf32, #tpu.memory_space<vmem>>, %arg11: memref<512x512xf32, #tpu.memory_space<vmem>>, %arg12: memref<1x512xf32, #tpu.memory_space<vmem>>, %arg13: memref<512x4xf32, #tpu.memory_space<vmem>>, %arg14: memref<1x4xf32, #tpu.memory_space<vmem>>, %arg15: memref<1000x2xf32, #tpu.memory_space<vmem>>, %arg16: memref<1000x2xf32, #tpu.memory_space<vmem>>) attributes {dimension_semantics = [#tpu.dimension_semantics<arbitrary>], iteration_bounds = array<i64: 5>, scalar_prefetch = 0 : i64, scratch_operands = 0 : i64, tpu.core_type = #tpu.core_type<tc>, window_params = [{transform_indices = @transform_0, window_bounds = array<i64: 1000, 32>}, {transform_indices = @transform_1, window_bounds = array<i64: 1000, 32>}, {transform_indices = @transform_2, window_bounds = array<i64: 1000, 5>}, {transform_indices = @transform_3, window_bounds = array<i64: 1000, 4>}, {transform_indices = @transform_4, window_bounds = array<i64: 1000, 4>}, {pipeline_mode = #tpu.pipeline_mode<synchronous>, transform_indices = @transform_5, window_bounds = array<i64: 1, 4>}, {pipeline_mode = #tpu.pipeline_mode<synchronous>, transform_indices = @transform_6, window_bounds = array<i64: 5, 512>}, {pipeline_mode = #tpu.pipeline_mode<synchronous>, transform_indices = @transform_7, window_bounds = array<i64: 1, 512>}, {pipeline_mode = #tpu.pipeline_mode<synchronous>, transform_indices = @transform_8, window_bounds = array<i64: 512, 512>}, {pipeline_mode = #tpu.pipeline_mode<synchronous>, transform_indices = @transform_9, window_bounds = array<i64: 1, 512>}, {pipeline_mode = #tpu.pipeline_mode<synchronous>, transform_indices = @transform_10, window_bounds = array<i64: 512, 512>}, {pipeline_mode = #tpu.pipeline_mode<synchronous>, transform_indices = @transform_11, window_bounds = array<i64: 1, 512>}, {pipeline_mode = #tpu.pipeline_mode<synchronous>, transform_indices = @transform_12, window_bounds = array<i64: 512, 4>}, {pipeline_mode = #tpu.pipeline_mode<synchronous>, transform_indices = @transform_13, window_bounds = array<i64: 1, 4>}, {transform_indices = @transform_14, window_bounds = array<i64: 1000, 2>}, {transform_indices = @transform_15, window_bounds = array<i64: 1000, 2>}]} {
    %get3A = arith.constant 0 : index
    %get3A_0 = arith.constant 0 : index
    %get3A_1 = vector.load %arg1[%get3A, %get3A_0] : memref<1000x32xf32, #tpu.memory_space<vmem>>, vector<1000x32xf32>
    %get3A_2 = arith.constant 0 : index
    %get3A_3 = arith.constant 0 : index
    %get3A_4 = vector.load %arg2[%get3A_2, %get3A_3] : memref<1000x32xf32, #tpu.memory_space<vmem>>, vector<1000x32xf32>
    %add3A = arith.addf %get3A_1, %get3A_4 : vector<1000x32xf32>
    %get3A_5 = arith.constant 0 : index
    %get3A_6 = arith.constant 0 : index
    %get3A_7 = vector.load %arg4[%get3A_5, %get3A_6] : memref<1000x4xf32, #tpu.memory_space<vmem>>, vector<1000x4xf32>
    %get3A_8 = arith.constant 0 : index
    %get3A_9 = arith.constant 0 : index
    %get3A_10 = vector.load %arg5[%get3A_8, %get3A_9] : memref<1000x4xf32, #tpu.memory_space<vmem>>, vector<1000x4xf32>
    %add3A_11 = arith.addf %get3A_7, %get3A_10 : vector<1000x4xf32>
    %gt3A = arith.constant 0.000000e+00 : f32
    %gt3A_12 = vector.broadcast %gt3A : f32 to vector<1000x4xf32>
    %gt3A_13 = arith.cmpf ogt, %add3A_11, %gt3A_12 : vector<1000x4xf32>
    %mul3A = arith.constant 2.000000e-01 : f32
    %mul3A_14 = vector.broadcast %mul3A : f32 to vector<1000x4xf32>
    %mul3A_15 = arith.mulf %mul3A_14, %add3A_11 : vector<1000x4xf32>
    %select_n3A = arith.select %gt3A_13, %add3A_11, %mul3A_15 : vector<1000x4xi1>, vector<1000x4xf32>
    %get3A_16 = arith.constant 0 : index
    %get3A_17 = arith.constant 0 : index
    %get3A_18 = vector.load %arg6[%get3A_16, %get3A_17] : memref<1x4xf32, #tpu.memory_space<vmem>>, vector<1x4xf32>
    %sub3A = vector.broadcast %get3A_18 : vector<1x4xf32> to vector<1000x4xf32>
    %sub3A_19 = arith.subf %select_n3A, %sub3A : vector<1000x4xf32>
    %exp3A = math.exp %sub3A_19 : vector<1000x4xf32>
    %get3A_20 = arith.constant 0 : index
    %get3A_21 = arith.constant 0 : index
    %get3A_22 = vector.load %arg3[%get3A_20, %get3A_21] : memref<1000x5xf32, #tpu.memory_space<vmem>>, vector<1000x5xf32>
    %get3A_23 = arith.constant 0 : index
    %get3A_24 = arith.constant 0 : index
    %get3A_25 = vector.load %arg7[%get3A_23, %get3A_24] : memref<5x512xf32, #tpu.memory_space<vmem>>, vector<5x512xf32>
    %slice3A = vector.extract_strided_slice %add3A {offsets = [0, 0], sizes = [1000, 5], strides = [1, 1]} : vector<1000x32xf32> to vector<1000x5xf32>
    %slice3A_26 = vector.extract_strided_slice %exp3A {offsets = [0, 0], sizes = [1000, 1], strides = [1, 1]} : vector<1000x4xf32> to vector<1000x1xf32>
    %mul3A_27 = vector.broadcast %slice3A_26 : vector<1000x1xf32> to vector<1000x5xf32>
    %mul3A_28 = arith.mulf %mul3A_27, %get3A_22 : vector<1000x5xf32>
    %add3A_29 = arith.addf %slice3A, %mul3A_28 : vector<1000x5xf32>
    %slice3A_30 = vector.extract_strided_slice %add3A {offsets = [0, 20], sizes = [1000, 1], strides = [1, 1]} : vector<1000x32xf32> to vector<1000x1xf32>
    %slice3A_31 = vector.extract_strided_slice %exp3A {offsets = [0, 0], sizes = [1000, 1], strides = [1, 1]} : vector<1000x4xf32> to vector<1000x1xf32>
    %add3A_32 = arith.addf %slice3A_30, %slice3A_31 : vector<1000x1xf32>
    %add3A_33 = arith.constant 1.000000e-16 : f32
    %add3A_34 = vector.broadcast %add3A_33 : f32 to vector<1000x1xf32>
    %add3A_35 = arith.addf %add3A_32, %add3A_34 : vector<1000x1xf32>
    %div3A = vector.broadcast %add3A_35 : vector<1000x1xf32> to vector<1000x5xf32>
    %div3A_36 = arith.divf %add3A_29, %div3A : vector<1000x5xf32>
    %slice3A_37 = vector.extract_strided_slice %get3A_25 {offsets = [0, 0], sizes = [5, 128], strides = [1, 1]} : vector<5x512xf32> to vector<5x128xf32>
    %dot_general3A = arith.constant dense<0.000000e+00> : vector<1000x128xf32>
    %dot_general3A_38 = tpu.matmul %div3A_36, %slice3A_37, %dot_general3A {dimension_numbers = #tpu.dot_dimension_numbers<[1], [0], [0], [1], [0, 0, 1, 1], [], []>, transpose_lhs_hint = false} : vector<1000x5xf32>, vector<5x128xf32>, vector<1000x128xf32> -> vector<1000x128xf32>
    %slice3A_39 = vector.extract_strided_slice %add3A {offsets = [0, 5], sizes = [1000, 5], strides = [1, 1]} : vector<1000x32xf32> to vector<1000x5xf32>
    %slice3A_40 = vector.extract_strided_slice %exp3A {offsets = [0, 1], sizes = [1000, 1], strides = [1, 1]} : vector<1000x4xf32> to vector<1000x1xf32>
    %mul3A_41 = vector.broadcast %slice3A_40 : vector<1000x1xf32> to vector<1000x5xf32>
    %mul3A_42 = arith.mulf %mul3A_41, %get3A_22 : vector<1000x5xf32>
    %add3A_43 = arith.addf %slice3A_39, %mul3A_42 : vector<1000x5xf32>
    %slice3A_44 = vector.extract_strided_slice %add3A {offsets = [0, 21], sizes = [1000, 1], strides = [1, 1]} : vector<1000x32xf32> to vector<1000x1xf32>
    %slice3A_45 = vector.extract_strided_slice %exp3A {offsets = [0, 1], sizes = [1000, 1], strides = [1, 1]} : vector<1000x4xf32> to vector<1000x1xf32>
    %add3A_46 = arith.addf %slice3A_44, %slice3A_45 : vector<1000x1xf32>
    %add3A_47 = arith.constant 1.000000e-16 : f32
    %add3A_48 = vector.broadcast %add3A_47 : f32 to vector<1000x1xf32>
    %add3A_49 = arith.addf %add3A_46, %add3A_48 : vector<1000x1xf32>
    %div3A_50 = vector.broadcast %add3A_49 : vector<1000x1xf32> to vector<1000x5xf32>
    %div3A_51 = arith.divf %add3A_43, %div3A_50 : vector<1000x5xf32>
    %slice3A_52 = vector.extract_strided_slice %get3A_25 {offsets = [0, 128], sizes = [5, 128], strides = [1, 1]} : vector<5x512xf32> to vector<5x128xf32>
    %dot_general3A_53 = arith.constant dense<0.000000e+00> : vector<1000x128xf32>
    %dot_general3A_54 = tpu.matmul %div3A_51, %slice3A_52, %dot_general3A_53 {dimension_numbers = #tpu.dot_dimension_numbers<[1], [0], [0], [1], [0, 0, 1, 1], [], []>, transpose_lhs_hint = false} : vector<1000x5xf32>, vector<5x128xf32>, vector<1000x128xf32> -> vector<1000x128xf32>
    %slice3A_55 = vector.extract_strided_slice %add3A {offsets = [0, 10], sizes = [1000, 5], strides = [1, 1]} : vector<1000x32xf32> to vector<1000x5xf32>
    %slice3A_56 = vector.extract_strided_slice %exp3A {offsets = [0, 2], sizes = [1000, 1], strides = [1, 1]} : vector<1000x4xf32> to vector<1000x1xf32>
    %mul3A_57 = vector.broadcast %slice3A_56 : vector<1000x1xf32> to vector<1000x5xf32>
    %mul3A_58 = arith.mulf %mul3A_57, %get3A_22 : vector<1000x5xf32>
    %add3A_59 = arith.addf %slice3A_55, %mul3A_58 : vector<1000x5xf32>
    %slice3A_60 = vector.extract_strided_slice %add3A {offsets = [0, 22], sizes = [1000, 1], strides = [1, 1]} : vector<1000x32xf32> to vector<1000x1xf32>
    %slice3A_61 = vector.extract_strided_slice %exp3A {offsets = [0, 2], sizes = [1000, 1], strides = [1, 1]} : vector<1000x4xf32> to vector<1000x1xf32>
    %add3A_62 = arith.addf %slice3A_60, %slice3A_61 : vector<1000x1xf32>
    %add3A_63 = arith.constant 1.000000e-16 : f32
    %add3A_64 = vector.broadcast %add3A_63 : f32 to vector<1000x1xf32>
    %add3A_65 = arith.addf %add3A_62, %add3A_64 : vector<1000x1xf32>
    %div3A_66 = vector.broadcast %add3A_65 : vector<1000x1xf32> to vector<1000x5xf32>
    %div3A_67 = arith.divf %add3A_59, %div3A_66 : vector<1000x5xf32>
    %slice3A_68 = vector.extract_strided_slice %get3A_25 {offsets = [0, 256], sizes = [5, 128], strides = [1, 1]} : vector<5x512xf32> to vector<5x128xf32>
    %dot_general3A_69 = arith.constant dense<0.000000e+00> : vector<1000x128xf32>
    %dot_general3A_70 = tpu.matmul %div3A_67, %slice3A_68, %dot_general3A_69 {dimension_numbers = #tpu.dot_dimension_numbers<[1], [0], [0], [1], [0, 0, 1, 1], [], []>, transpose_lhs_hint = false} : vector<1000x5xf32>, vector<5x128xf32>, vector<1000x128xf32> -> vector<1000x128xf32>
    %slice3A_71 = vector.extract_strided_slice %add3A {offsets = [0, 15], sizes = [1000, 5], strides = [1, 1]} : vector<1000x32xf32> to vector<1000x5xf32>
    %slice3A_72 = vector.extract_strided_slice %exp3A {offsets = [0, 3], sizes = [1000, 1], strides = [1, 1]} : vector<1000x4xf32> to vector<1000x1xf32>
    %mul3A_73 = vector.broadcast %slice3A_72 : vector<1000x1xf32> to vector<1000x5xf32>
    %mul3A_74 = arith.mulf %mul3A_73, %get3A_22 : vector<1000x5xf32>
    %add3A_75 = arith.addf %slice3A_71, %mul3A_74 : vector<1000x5xf32>
    %slice3A_76 = vector.extract_strided_slice %add3A {offsets = [0, 23], sizes = [1000, 1], strides = [1, 1]} : vector<1000x32xf32> to vector<1000x1xf32>
    %slice3A_77 = vector.extract_strided_slice %exp3A {offsets = [0, 3], sizes = [1000, 1], strides = [1, 1]} : vector<1000x4xf32> to vector<1000x1xf32>
    %add3A_78 = arith.addf %slice3A_76, %slice3A_77 : vector<1000x1xf32>
    %add3A_79 = arith.constant 1.000000e-16 : f32
    %add3A_80 = vector.broadcast %add3A_79 : f32 to vector<1000x1xf32>
    %add3A_81 = arith.addf %add3A_78, %add3A_80 : vector<1000x1xf32>
    %div3A_82 = vector.broadcast %add3A_81 : vector<1000x1xf32> to vector<1000x5xf32>
    %div3A_83 = arith.divf %add3A_75, %div3A_82 : vector<1000x5xf32>
    %slice3A_84 = vector.extract_strided_slice %get3A_25 {offsets = [0, 384], sizes = [5, 128], strides = [1, 1]} : vector<5x512xf32> to vector<5x128xf32>
    %dot_general3A_85 = arith.constant dense<0.000000e+00> : vector<1000x128xf32>
    %dot_general3A_86 = tpu.matmul %div3A_83, %slice3A_84, %dot_general3A_85 {dimension_numbers = #tpu.dot_dimension_numbers<[1], [0], [0], [1], [0, 0, 1, 1], [], []>, transpose_lhs_hint = false} : vector<1000x5xf32>, vector<5x128xf32>, vector<1000x128xf32> -> vector<1000x128xf32>
    %concatenate3A = tpu.concatenate %dot_general3A_38, %dot_general3A_54, %dot_general3A_70, %dot_general3A_86 in 1 : vector<1000x128xf32>, vector<1000x128xf32>, vector<1000x128xf32>, vector<1000x128xf32> -> vector<1000x512xf32>
    %get3A_87 = arith.constant 0 : index
    %get3A_88 = arith.constant 0 : index
    %get3A_89 = vector.load %arg8[%get3A_87, %get3A_88] : memref<1x512xf32, #tpu.memory_space<vmem>>, vector<1x512xf32>
    %add3A_90 = vector.broadcast %get3A_89 : vector<1x512xf32> to vector<1000x512xf32>
    %add3A_91 = arith.addf %concatenate3A, %add3A_90 : vector<1000x512xf32>
    %get3A_92 = arith.constant 0 : index
    %get3A_93 = arith.constant 0 : index
    %get3A_94 = vector.load %arg9[%get3A_92, %get3A_93] : memref<512x512xf32, #tpu.memory_space<vmem>>, vector<512x512xf32>
    %dot_general3A_95 = arith.constant dense<0.000000e+00> : vector<1000x512xf32>
    %dot_general3A_96 = tpu.matmul %add3A_91, %get3A_94, %dot_general3A_95 {dimension_numbers = #tpu.dot_dimension_numbers<[1], [0], [0], [1], [0, 0, 1, 1], [], []>, transpose_lhs_hint = false} : vector<1000x512xf32>, vector<512x512xf32>, vector<1000x512xf32> -> vector<1000x512xf32>
    %get3A_97 = arith.constant 0 : index
    %get3A_98 = arith.constant 0 : index
    %get3A_99 = vector.load %arg10[%get3A_97, %get3A_98] : memref<1x512xf32, #tpu.memory_space<vmem>>, vector<1x512xf32>
    %add3A_100 = vector.broadcast %get3A_99 : vector<1x512xf32> to vector<1000x512xf32>
    %add3A_101 = arith.addf %dot_general3A_96, %add3A_100 : vector<1000x512xf32>
    %max3A = arith.constant 0.000000e+00 : f32
    %max3A_102 = vector.broadcast %max3A : f32 to vector<1000x512xf32>
    %max3A_103 = arith.maximumf %add3A_101, %max3A_102 : vector<1000x512xf32>
    %get3A_104 = arith.constant 0 : index
    %get3A_105 = arith.constant 0 : index
    %get3A_106 = vector.load %arg11[%get3A_104, %get3A_105] : memref<512x512xf32, #tpu.memory_space<vmem>>, vector<512x512xf32>
    %dot_general3A_107 = arith.constant dense<0.000000e+00> : vector<1000x512xf32>
    %dot_general3A_108 = tpu.matmul %max3A_103, %get3A_106, %dot_general3A_107 {dimension_numbers = #tpu.dot_dimension_numbers<[1], [0], [0], [1], [0, 0, 1, 1], [], []>, transpose_lhs_hint = false} : vector<1000x512xf32>, vector<512x512xf32>, vector<1000x512xf32> -> vector<1000x512xf32>
    %get3A_109 = arith.constant 0 : index
    %get3A_110 = arith.constant 0 : index
    %get3A_111 = vector.load %arg12[%get3A_109, %get3A_110] : memref<1x512xf32, #tpu.memory_space<vmem>>, vector<1x512xf32>
    %add3A_112 = vector.broadcast %get3A_111 : vector<1x512xf32> to vector<1000x512xf32>
    %add3A_113 = arith.addf %dot_general3A_108, %add3A_112 : vector<1000x512xf32>
    %max3A_114 = arith.constant 0.000000e+00 : f32
    %max3A_115 = vector.broadcast %max3A_114 : f32 to vector<1000x512xf32>
    %max3A_116 = arith.maximumf %add3A_113, %max3A_115 : vector<1000x512xf32>
    %get3A_117 = arith.constant 0 : index
    %get3A_118 = arith.constant 0 : index
    %get3A_119 = vector.load %arg13[%get3A_117, %get3A_118] : memref<512x4xf32, #tpu.memory_space<vmem>>, vector<512x4xf32>
    %dot_general3A_120 = arith.constant dense<0.000000e+00> : vector<1000x4xf32>
    %dot_general3A_121 = tpu.matmul %max3A_116, %get3A_119, %dot_general3A_120 {dimension_numbers = #tpu.dot_dimension_numbers<[1], [0], [0], [1], [0, 0, 1, 1], [], []>, transpose_lhs_hint = false} : vector<1000x512xf32>, vector<512x4xf32>, vector<1000x4xf32> -> vector<1000x4xf32>
    %get3A_122 = arith.constant 0 : index
    %get3A_123 = arith.constant 0 : index
    %get3A_124 = vector.load %arg14[%get3A_122, %get3A_123] : memref<1x4xf32, #tpu.memory_space<vmem>>, vector<1x4xf32>
    %add3A_125 = vector.broadcast %get3A_124 : vector<1x4xf32> to vector<1000x4xf32>
    %add3A_126 = arith.addf %dot_general3A_121, %add3A_125 : vector<1000x4xf32>
    %slice3A_127 = vector.extract_strided_slice %add3A_126 {offsets = [0, 0], sizes = [1000, 2], strides = [1, 1]} : vector<1000x4xf32> to vector<1000x2xf32>
    %swap3A = arith.constant 0 : index
    %swap3A_128 = arith.constant 0 : index
    %swap3A_129 = vector.load %arg15[%swap3A, %swap3A_128] : memref<1000x2xf32, #tpu.memory_space<vmem>>, vector<1000x2xf32>
    tpu.vector_store %arg15[%swap3A, %swap3A_128], %slice3A_127 {strides = array<i32>} : memref<1000x2xf32, #tpu.memory_space<vmem>>, vector<1000x2xf32>,
    %slice3A_130 = vector.extract_strided_slice %add3A_126 {offsets = [0, 2], sizes = [1000, 2], strides = [1, 1]} : vector<1000x4xf32> to vector<1000x2xf32>
    %jit3A = arith.constant -2.000000e+01 : f32
    %jit3A_131 = arith.constant 2.000000e+00 : f32
    %max3A_132 = vector.broadcast %jit3A : f32 to vector<1000x2xf32>
    %max3A_133 = arith.maximumf %max3A_132, %slice3A_130 : vector<1000x2xf32>
    %min3A = vector.broadcast %jit3A_131 : f32 to vector<1000x2xf32>
    %min3A_134 = arith.minimumf %min3A, %max3A_133 : vector<1000x2xf32>
    %exp3A_135 = math.exp %min3A_134 : vector<1000x2xf32>
    %swap3A_136 = arith.constant 0 : index
    %swap3A_137 = arith.constant 0 : index
    %swap3A_138 = vector.load %arg16[%swap3A_136, %swap3A_137] : memref<1000x2xf32, #tpu.memory_space<vmem>>, vector<1000x2xf32>
    tpu.vector_store %arg16[%swap3A_136, %swap3A_137], %exp3A_135 {strides = array<i32>} : memref<1000x2xf32, #tpu.memory_space<vmem>>, vector<1000x2xf32>,
    return
  }
  func.func @transform_0(%arg0: i32) -> (i32, i32) {
    %c0_i32 = arith.constant 0 : i32
    %c0_i32_0 = arith.constant 0 : i32
    return %arg0, %c0_i32 : i32, i32
  }
  func.func @transform_1(%arg0: i32) -> (i32, i32) {
    %c0_i32 = arith.constant 0 : i32
    %c0_i32_0 = arith.constant 0 : i32
    return %arg0, %c0_i32 : i32, i32
  }
  func.func @transform_2(%arg0: i32) -> (i32, i32) {
    %c0_i32 = arith.constant 0 : i32
    %c0_i32_0 = arith.constant 0 : i32
    return %arg0, %c0_i32 : i32, i32
  }
  func.func @transform_3(%arg0: i32) -> (i32, i32) {
    %c0_i32 = arith.constant 0 : i32
    %c0_i32_0 = arith.constant 0 : i32
    return %arg0, %c0_i32 : i32, i32
  }
  func.func @transform_4(%arg0: i32) -> (i32, i32) {
    %c0_i32 = arith.constant 0 : i32
    %c0_i32_0 = arith.constant 0 : i32
    return %arg0, %c0_i32 : i32, i32
  }
  func.func @transform_5(%arg0: i32) -> (i32, i32) {
    %c0_i32 = arith.constant 0 : i32
    %c0_i32_0 = arith.constant 0 : i32
    %c0_i32_1 = arith.constant 0 : i32
    return %c0_i32, %c0_i32_0 : i32, i32
  }
  func.func @transform_6(%arg0: i32) -> (i32, i32) {
    %c0_i32 = arith.constant 0 : i32
    %c0_i32_0 = arith.constant 0 : i32
    %c0_i32_1 = arith.constant 0 : i32
    return %c0_i32, %c0_i32_0 : i32, i32
  }
  func.func @transform_7(%arg0: i32) -> (i32, i32) {
    %c0_i32 = arith.constant 0 : i32
    %c0_i32_0 = arith.constant 0 : i32
    %c0_i32_1 = arith.constant 0 : i32
    return %c0_i32, %c0_i32_0 : i32, i32
  }
  func.func @transform_8(%arg0: i32) -> (i32, i32) {
    %c0_i32 = arith.constant 0 : i32
    %c0_i32_0 = arith.constant 0 : i32
    %c0_i32_1 = arith.constant 0 : i32
    return %c0_i32, %c0_i32_0 : i32, i32
  }
  func.func @transform_9(%arg0: i32) -> (i32, i32) {
    %c0_i32 = arith.constant 0 : i32
    %c0_i32_0 = arith.constant 0 : i32
    %c0_i32_1 = arith.constant 0 : i32
    return %c0_i32, %c0_i32_0 : i32, i32
  }
  func.func @transform_10(%arg0: i32) -> (i32, i32) {
    %c0_i32 = arith.constant 0 : i32
    %c0_i32_0 = arith.constant 0 : i32
    %c0_i32_1 = arith.constant 0 : i32
    return %c0_i32, %c0_i32_0 : i32, i32
  }
  func.func @transform_11(%arg0: i32) -> (i32, i32) {
    %c0_i32 = arith.constant 0 : i32
    %c0_i32_0 = arith.constant 0 : i32
    %c0_i32_1 = arith.constant 0 : i32
    return %c0_i32, %c0_i32_0 : i32, i32
  }
  func.func @transform_12(%arg0: i32) -> (i32, i32) {
    %c0_i32 = arith.constant 0 : i32
    %c0_i32_0 = arith.constant 0 : i32
    %c0_i32_1 = arith.constant 0 : i32
    return %c0_i32, %c0_i32_0 : i32, i32
  }
  func.func @transform_13(%arg0: i32) -> (i32, i32) {
    %c0_i32 = arith.constant 0 : i32
    %c0_i32_0 = arith.constant 0 : i32
    %c0_i32_1 = arith.constant 0 : i32
    return %c0_i32, %c0_i32_0 : i32, i32
  }
  func.func @transform_14(%arg0: i32) -> (i32, i32) {
    %c0_i32 = arith.constant 0 : i32
    %c0_i32_0 = arith.constant 0 : i32
    return %arg0, %c0_i32 : i32, i32
  }
  func.func @transform_15(%arg0: i32) -> (i32, i32) {
    %c0_i32 = arith.constant 0 : i32
    %c0_i32_0 = arith.constant 0 : i32
    return %arg0, %c0_i32 : i32, i32
  }
}

</mosaic_0001>

<sc_bundles>
// kernel: kernel.6.cloned.1.call-start
scs
__scs_entry_jumppad:
0x0: {  	(pc) =	sbr.rel $0x88, $3  }
0x1: {  	(tag) =	ssettag $0x0;
	lr =	simm.s32 $0x1  }
0x2: {  	[smem:$0x3F8E] =	sst lr;
	_ =	strace $0xD0000000  }
0x3: {  	_ = 	snop  }
0x4: {  	_ = 	snop  }
0x5: {  	_ = 	snop  }
0x6: {  	_ = 	snop  }
0x7: {  	_ = 	snop  }
__scs_overlays_trampoline_lowered:
0x8: {  	[smem:$0x3F9D] =	sst s0  }
0x9: {  	[smem:$0x3F9E] =	sst s1  }
0xa: {  	[smem:$0x3F9F] =	sst s2  }
0xb: {  	[smem:$0x3FA0] =	sst s3  }
0xc: {  	[smem:$0x3FA1] =	sst s4  }
0xd: {  	[smem:$0x3FA2] =	sst s5  }
0xe: {  	[smem:$0x3FA3] =	sst s6  }
0xf: {  	[smem:$0x3FA4] =	sst s7  }
0x10: {  	[smem:$0x3FA5] =	sst s8  }
0x11: {  	[smem:$0x3FA6] =	sst s9;
	s0 =	simm.s32 @!p0 $0x0  }
0x12: {  	s1 =	sld [smem:$0x3F8C];
	s0 =	simm.s32 @p0 $0x1  }
0x13: {  	[smem:$0x3FA7] =	sst s0;
	s0 =	simm.s32 @!p1 $0x0  }
0x14: {  	s2 =	sld [smem:$0x3F8B];
	s0 =	simm.s32 @p1 $0x1  }
0x15: {  	[smem:$0x3FA8] =	sst s0;
	s0 =	simm.s32 @!p2 $0x0  }
0x16: {  	s3 =	sld [smem:$0x3FDB];
	s0 =	simm.s32 @p2 $0x1  }
0x17: {  	s4 =	simm.s32 $0x1BF5;
	[smem:$0x3FAA] =	sst s0  }
0x18: {  	s0 =	sld [smem:$0x3F8D];
	_ =	swait.ge [sflag:s4], $0x0  }
0x19: {  	s7 =	sld [smem:$0x3F8E]  }
0x1a: {  	s8 =	sadd.s32 $0xFFFFE003, lr  }
0x1b: {  	s9 =	sadd.s32 $0xFFFFFEF7, lr;
	s5 =	simm.s32 $0xFFFFFFFF;
	p2 =	slt.u32 s8, $0xFFFFF086  }
0x1c: {  	p1 =	slt.u32 s9, $0xF7A;
	s5 =	simm.s32 @!p2 $0x0  }
0x1d: {  	s5 =	simm.s32 @p1 $0x1;
	p0 =	seq.s32 s7, s2  }
0x1e: {  	s7 =	smul.u32 @!p0 $0xF7A, s2;
	p2 =	seq.s32 @!p0 s5, $0x0  }
0x1f: {  	s9 =	smul.u32 $0xF7A, s1;
	s8 =	simm.s32 @!p0 $0x1BF5;
	p2 =	por !p2, p0  }
0x20: {  	[sflag:s8] =	ssyncset.s32 @!p0 $0xFFFFF086;
	s6 =	sadd.s32 @!p0 s3, s7;
	s7 =	simm.s32 @!p0 $0x108  }
0x21: {  	s3 =	sadd.s32 s3, s9;
	s6 =	sadd.s32 @!p0 $0x88, s6;
	s7 =	simm.s32 @p2 $0x1082  }
0x22: {  	[simem:s7], [sflag:s8] =	dma.local @!p0 [hbm:s6], $0xF7A  }
0x23: {  	s9 =	sor.u32 $0xD0000000, s2;
	s6 =	simm.s32 $0x108;
	_ =	swait.ge @!p0 [sflag:s8], $0x0  }
0x24: {  	s3 =	sadd.s32 $0x88, s3;
	s6 =	simm.s32 @!p1 $0x1082;
	[sflag:s4] =	ssyncset.s32 $0xFFFFF086  }
0x25: {  	[simem:s6], [sflag:s4] =	dma.local [hbm:s3], $0xF7A  }
0x26: {  	[smem:$0x3F8E] =	sst s1;
	(tag) =	ssettag s2;
	_ =	strace s9  }
0x27: {  	s1 =	sld [smem:$0x3F9E]  }
0x28: {  	s2 =	sld [smem:$0x3F9F]  }
0x29: {  	s4 =	sld [smem:$0x3FA1]  }
0x2a: {  	p0 =	seq.s32 s5, $0x0;
	s5 =	sld [smem:$0x3FA2]  }
0x2b: {  	s6 =	sld [smem:$0x3FA3]  }
0x2c: {  	s7 =	sld [smem:$0x3FA4]  }
0x2d: {  	s3 =	simm.s32 $0x108;
	s8 =	sld [smem:$0x3FA5]  }
0x2e: {  	s3 =	simm.s32 @!p0 $0x1082;
	s9 =	sld [smem:$0x3FA6]  }
0x2f: {  	lr =	sadd.s32 s0, s3;
	s0 =	sld [smem:$0x3F9D]  }
0x30: {  	s3 =	sld [smem:$0x3FA0]  }
0x31: {  	[smem:$0x3FA9] =	sst s10  }
0x32: {  	s10 =	sld [smem:$0x3FA7];
	_ =	sdelay $0x3  }
0x33: {  	p0 =	seq.s32 s10, $0x1;
	s10 =	sld [smem:$0x3FA9];
	_ =	sdelay $0x3  }
0x34: {  	[smem:$0x3FA9] =	sst s10  }
0x35: {  	s10 =	sld [smem:$0x3FA8];
	_ =	sdelay $0x3  }
0x36: {  	p1 =	seq.s32 s10, $0x1;
	s10 =	sld [smem:$0x3FA9];
	_ =	sdelay $0x3  }
0x37: {  	[smem:$0x3FA9] =	sst s10  }
0x38: {  	s10 =	sld [smem:$0x3FAA]  }
0x39: {  	_ = 	snop;
	(pc) =	sbr.ind lr, $3  }
0x3a: {  	_ = 	snop  }
0x3b: {  	_ = 	snop  }
0x3c: {  	p2 =	seq.s32 s10, $0x1;
	s10 =	sld [smem:$0x3FA9]  }
0x3d: {  	_ =	shalt  }
0x3e: {  	_ =	shalt  }
0x3f: {  	_ =	shalt  }
0x40: {  	_ =	shalt  }
0x41: {  	_ =	shalt  }
0x42: {  	_ =	shalt  }
0x43: {  	_ =	shalt  }
0x44: {  	_ =	shalt  }
0x45: {  	_ =	shalt  }
0x46: {  	_ =	shalt  }
0x47: {  	_ =	shalt  }
0x48: {  	_ =	shalt  }
0x49: {  	_ =	shalt  }
0x4a: {  	_ =	shalt  }
0x4b: {  	_ =	shalt  }
0x4c: {  	_ =	shalt  }
0x4d: {  	_ =	shalt  }
0x4e: {  	_ =	shalt  }
0x4f: {  	_ =	shalt  }
0x50: {  	_ =	shalt  }
0x51: {  	_ =	shalt  }
0x52: {  	_ =	shalt  }
0x53: {  	_ =	shalt  }
0x54: {  	_ =	shalt  }
0x55: {  	_ =	shalt  }
0x56: {  	_ =	shalt  }
0x57: {  	_ =	shalt  }
0x58: {  	_ =	shalt  }
0x59: {  	_ =	shalt  }
0x5a: {  	_ =	shalt  }
0x5b: {  	_ =	shalt  }
0x5c: {  	_ =	shalt  }
0x5d: {  	_ =	shalt  }
0x5e: {  	_ =	shalt  }
0x5f: {  	_ =	shalt  }
0x60: {  	_ =	shalt  }
0x61: {  	_ =	shalt  }
0x62: {  	_ =	shalt  }
0x63: {  	_ =	shalt  }
0x64: {  	_ =	shalt  }
0x65: {  	_ =	shalt  }
0x66: {  	_ =	shalt  }
0x67: {  	_ =	shalt  }
0x68: {  	_ =	shalt  }
0x69: {  	_ =	shalt  }
0x6a: {  	_ =	shalt  }
0x6b: {  	_ =	shalt  }
0x6c: {  	_ =	shalt  }
0x6d: {  	_ =	shalt  }
0x6e: {  	_ =	shalt  }
0x6f: {  	_ =	shalt  }
0x70: {  	_ =	shalt  }
0x71: {  	_ =	shalt  }
0x72: {  	_ =	shalt  }
0x73: {  	_ =	shalt  }
0x74: {  	_ =	shalt  }
0x75: {  	_ =	shalt  }
0x76: {  	_ =	shalt  }
0x77: {  	_ =	shalt  }
0x78: {  	_ =	shalt  }
0x79: {  	_ =	shalt  }
0x7a: {  	_ =	shalt  }
0x7b: {  	_ =	shalt  }
0x7c: {  	_ =	shalt  }
0x7d: {  	_ =	shalt  }
0x7e: {  	_ =	shalt  }
0x7f: {  	_ =	shalt  }
0x80: {  	_ =	shalt  }
0x81: {  	_ =	shalt  }
0x82: {  	_ =	shalt  }
0x83: {  	_ =	shalt  }
0x84: {  	_ =	shalt  }
0x85: {  	_ =	shalt  }
0x86: {  	_ =	shalt  }
0x87: {  	_ =	shalt  }
.Lfunc_end0:
.L_simem_size_0:
called_computation_lowered:
.L_overlay_start_0:
0x88: {  	s2 =	sld [smem:$0x3FD9]  }
0x89: {  	s3 =	sld [smem:$0x3FFE];
	_ =	sdelay $0x1  }
0x8a: {  	s1 =	srdreg.scid  }
0x8b: {  	s0 =	sand.u32 $0x1, s1  }
0x8c: {  	s14 =	sshll.u32 s0, $0xA;
	s2 =	sadd.s32 s3, s2  }
0x8d: {  	s2 =	sadd.s32 s2, s14  }
0x8e: {  	[smem:$0x3FB5] =	sst s2  }
0x8f: {  	_ = 	snop  }
0x90: {  	s2 =	sld [smem:$0x3FD0];
	_ =	sdelay $0x2  }
0x91: {  	s15 =	simm.s32 $0xA;
	s4 =	simm.s32 $0x10  }
0x92: {  	[smem:s4], [sflag:s15] =	dma.local [hbm:s2], $0x1  }
0x93: {  	_ =	swait.eq [sflag:s15], $0x1  }
0x94: {  	[sflag:s15] =	ssyncset.done $0x0  }
0x95: {  	s16 =	sld [smem:$0x10];
	[sflag:s15] =	ssyncadd.s32 $0xFFFFFFFF  }
0x96: {  	s17 =	sld [smem:$0x11];
	(tm) =	ssettm $0x1  }
0x97: {  	s18 =	sld [smem:$0x3FFB];
	_ =	sdelay $0x3  }
0x98: {  	_ =	strace s18  }
0x99: {  	s4 =	sld [smem:$0x3FFC];
	_ =	sdelay $0x3  }
0x9a: {  	_ =	strace s4  }
0x9b: {  	s4 =	sld [smem:$0x3FFD];
	_ =	sdelay $0x3  }
0x9c: {  	_ =	strace s4  }
0x9d: {  	_ =	strace $0x8FFFFFFF  }
0x9e: {  	s19 =	sld [smem:$0x3FDB];
	_ =	sdelay $0x1  }
0x9f: {  	s5 =	simm.s32 $_scs_section_size  }
0xa0: {  	s6 =	simm.s32 $_size__tile_overlayer_lowered;
	s7 =	simm.s32 $_tile_overlayer_lowered  }
0xa1: {  	s22 =	simm.s32 $0x1BFF;
	s21 =	sshll.u32 s7, $0x1;
	s4 =	sadd.s32 s5, s19  }
0xa2: {  	s8 =	simm.s32 $0x0;
	s20 =	sshll.u32 s6, $0x1;
	s6 =	sadd.s32 s21, s4  }
0xa3: {  	[timem:s8], [sflag:s22] =	dma.local [hbm:s6], s20  }
0xa4: {  	_ =	swait.ge [sflag:s22], s20  }
0xa5: {  	s5 =	ssub.s32 $0x0, s20;
	[sflag:s22] =	ssyncset.done $0x0  }
0xa6: {  	[sflag:s22] =	ssyncadd.s32 s5;
	_ =	sdelay $0x1  }
0xa7: {  	s23 =	simm.s32 $0x1B8B  }
0xa8: {  	_ =	swait.ge [sflag:s23], $0x1  }
0xa9: {  	[sflag:s23] =	ssyncset.done $0x0  }
0xaa: {  	s25 =	simm.s32 $0x1B8E;
	s24 =	sld [smem:$0x3FFE];
	[sflag:s23] =	ssyncadd.s32 $0xFFFFFFFF  }
0xab: {  	s26 =	simm.s32 $execute0_lowered;
	[smem:$0x3FD2] =	sst s25  }
0xac: {  	s6 =	sshll.u32 s26, $0x1;
	_ =	strace $0x80000046;
	[dreg:$0x1] =	wrdreg $0xFFFFFFFF  }
0xad: {  	s28 =	simm.s32 $_size_execute0_lowered;
	s4 =	sadd.s32 s4, s6;
	[dreg:$0x0] =	wrdreg $0x0  }
0xae: {  	s6 =	sshll.u32 s28, $0x1;
	[dreg:$0x2] =	wrdreg s4  }
0xaf: {  	[dreg:$0x3] =	wrdreg s6  }
0xb0: {  	[dreg:$0x4] =	wrdreg $0xC0  }
0xb1: {  	_ =	task [dreg:s8], $0x5FFFF  }
0xb2: {  	[dreg:$0x1] =	wrdreg $0xFFFFFFFF  }
0xb3: {  	[dreg:$0x0] =	wrdreg $0x60  }
0xb4: {  	[dreg:$0x2] =	wrdreg s24  }
0xb5: {  	[dreg:$0x3] =	wrdreg s16  }
0xb6: {  	[dreg:$0x4] =	wrdreg s17  }
0xb7: {  	[dreg:$0x5] =	wrdreg $0x183180  }
0xb8: {  	[dreg:$0x6] =	wrdreg $0x9  }
0xb9: {  	_ =	task.clear_ibuf [dreg:s8], $0x7FFFF;
	_ =	strace $0x90000046  }
0xba: {  	s29 =	simm.s32 $0x9;
	_ =	strace $0x80000048  }
0xbb: {  	_ =	swait.ge [sflag:s29], $0x1  }
0xbc: {  	[sflag:s29] =	ssyncadd.s32 $0xFFFFFFFF  }
0xbd: {  	_ =	strace $0x90000048  }
0xbe: {  	_ =	sfence  }
0xbf: {  	s30 =	sld [smem:$0x0];
	_ =	sdelay $0x2  }
0xc0: {  	s31 =	sshll.u32 s1, $0xD;
	s1 =	sshrl.u32 s1, $0x2  }
0xc1: {  	s3 =	sand.u32 $0x4000, s31;
	s1 =	sadd.s32 s1, s30  }
0xc2: {  	s0 =	sor.u32 s3, s0;
	s1 =	sshll.u32 s1, $0x11  }
0xc3: {  	s0 =	sor.u32 s1, s0  }
0xc4: {  	s0 =	sadd.s32 $0x8F2B, s0  }
0xc5: {  	[sflag:s0] =	ssyncadd.remote.s32 $0x1  }
0xc6: {  	_ =	sfence.sel $0xFFFF  }
0xc7: {  	[dreg:$0x0] =	wrdreg $0xFFFFFFFF;
	(pc) =	sbr.abs _section_cstart, $3  }
0xc8: {  	[dreg:$0x1] =	wrdreg $0xFFFFFFFF  }
0xc9: {  	_ =	task.clear_ibuf [dreg:s8], $0x2FFFF;
	_ =	strace $0x9FFFFFFF  }
0xca: {  	(tm) =	ssettm $0x7FFFFFFF  }
0xcb: {  	_ =	shalt  }
tec
execute0_lowered:
.L_overlay_start_1:
0x0: {  	(tag) =	ssettag $0x1  }
0x1: {  	v0 =	vlaneseq.u32  }
0x2: {  	v0 =	vmul.u32 $0x20, v0;
	_ =	sdelay $0x1  }
0x3: {  	v1 =	vor.u32 $0x1, v0  }
0x4: {  	[tilespmem:$0x1FC60] =	vst v1;
	v1 =	vor.u32 $0x2, v0  }
0x5: {  	[tilespmem:$0x1FC70] =	vst v1;
	v1 =	vor.u32 $0x3, v0  }
0x6: {  	[tilespmem:$0x1FC80] =	vst v1;
	v1 =	vor.u32 $0x4, v0  }
0x7: {  	s1 =	rddreg [dreg:$0x0];
	s6 =	simm.s32 $0x0;
	[tilespmem:$0x1FC90] =	vst v1;
	v1 =	vor.u32 $0x15, v0  }
0x8: {  	[smem:$0x7FF] =	sst s6;
	[tilespmem:$0x1FCA0] =	vst v1;
	v1 =	vor.u32 $0x5, v0  }
0x9: {  	s4 =	rddreg [dreg:$0x3];
	_ =	strace $0x80000047;
	[tilespmem:$0x1FCB0] =	vst v1;
	v1 =	vor.u32 $0x6, v0  }
0xa: {  	[tilespmem:$0x1FCC0] =	vst v1;
	v1 =	vor.u32 $0x7, v0  }
0xb: {  	[tilespmem:$0x1FCD0] =	vst v1;
	v1 =	vor.u32 $0x8, v0  }
0xc: {  	[tilespmem:$0x1FCE0] =	vst v1;
	v1 =	vor.u32 $0x9, v0  }
0xd: {  	[tilespmem:$0x1FCF0] =	vst v1;
	v1 =	vor.u32 $0x16, v0  }
0xe: {  	[tilespmem:$0x1FD00] =	vst v1;
	v1 =	vor.u32 $0xA, v0  }
0xf: {  	[tilespmem:$0x1FD10] =	vst v1;
	v1 =	vor.u32 $0xB, v0  }
0x10: {  	[tilespmem:$0x1FD20] =	vst v1;
	v1 =	vor.u32 $0xC, v0  }
0x11: {  	[tilespmem:$0x1FD30] =	vst v1;
	v1 =	vor.u32 $0xD, v0  }
0x12: {  	[tilespmem:$0x1FD40] =	vst v1;
	v1 =	vor.u32 $0xE, v0  }
0x13: {  	[tilespmem:$0x1FD50] =	vst v1;
	v1 =	vor.u32 $0x17, v0  }
0x14: {  	[tilespmem:$0x1FD60] =	vst v1;
	v1 =	vor.u32 $0xF, v0  }
0x15: {  	[tilespmem:$0x1FD70] =	vst v1;
	v1 =	vor.u32 $0x10, v0  }
0x16: {  	[tilespmem:$0x1FD80] =	vst v1;
	v1 =	vor.u32 $0x11, v0  }
0x17: {  	[tilespmem:$0x1FD90] =	vst v1;
	v1 =	vor.u32 $0x12, v0  }
0x18: {  	[tilespmem:$0x1FDA0] =	vst v1;
	v1 =	vor.u32 $0x13, v0  }
0x19: {  	[tilespmem:$0x1FDB0] =	vst v1;
	v1 =	vor.u32 $0x214, v0  }
0x1a: {  	[tilespmem:$0x1FDC0] =	vst v1;
	v1 =	vor.u32 $0x200, v0  }
0x1b: {  	[tilespmem:$0x1FDD0] =	vst v1;
	v1 =	vor.u32 $0x201, v0  }
0x1c: {  	[tilespmem:$0x1FDE0] =	vst v1;
	v1 =	vor.u32 $0x202, v0  }
0x1d: {  	[tilespmem:$0x1FDF0] =	vst v1;
	v1 =	vor.u32 $0x203, v0  }
0x1e: {  	[tilespmem:$0x1FE00] =	vst v1;
	v1 =	vor.u32 $0x204, v0  }
0x1f: {  	[tilespmem:$0x1FE10] =	vst v1;
	v1 =	vor.u32 $0x215, v0  }
0x20: {  	[tilespmem:$0x1FE20] =	vst v1;
	v1 =	vor.u32 $0x205, v0  }
0x21: {  	[tilespmem:$0x1FE30] =	vst v1;
	v1 =	vor.u32 $0x206, v0  }
0x22: {  	[tilespmem:$0x1FE40] =	vst v1;
	v1 =	vor.u32 $0x207, v0  }
0x23: {  	[tilespmem:$0x1FE50] =	vst v1;
	v1 =	vor.u32 $0x208, v0  }
0x24: {  	[tilespmem:$0x1FE60] =	vst v1;
	v1 =	vor.u32 $0x209, v0  }
0x25: {  	[tilespmem:$0x1FE70] =	vst v1;
	v1 =	vor.u32 $0x216, v0  }
0x26: {  	[tilespmem:$0x1FE80] =	vst v1;
	v1 =	vor.u32 $0x20A, v0  }
0x27: {  	s0 =	srdreg.scid;
	s9 =	stileid.u32;
	[tilespmem:$0x1FE90] =	vst v1;
	v1 =	vor.u32 $0x20B, v0  }
0x28: {  	s28 =	simm.s32 $0x15FD8;
	s29 =	simm.s32 $0x16058;
	s30 =	simm.s32 $0x160D8;
	[tilespmem:$0x1FEA0] =	vst v1;
	v1 =	vor.u32 $0x20C, v0  }
0x29: {  	s31 =	simm.s32 $0x16158;
	s0 =	sand.u32 $0x1, s0;
	s2 =	smul.u32 $0x2800, s9;
	[tilespmem:$0x1FEB0] =	vst v1;
	v1 =	vor.u32 $0x20D, v0  }
0x2a: {  	s10 =	simm.s32 $0x3;
	s5 =	sadd.s32 $0x15400, s1;
	s3 =	smul.u32 $0x28000, s0;
	[tilespmem:$0x1FEC0] =	vst v1;
	v1 =	vor.u32 $0x20E, v0  }
0x2b: {  	s12 =	sshll.u32 s9, $0x1;
	s7 =	sadd.s32 $0x13A00, s1;
	s8 =	sadd.s32 $0x14400, s1;
	[tilespmem:$0x1FED0] =	vst v1;
	v1 =	vor.u32 $0x217, v0  }
0x2c: {  	s15 =	smul.u32 $0x4E20, s9;
	s13 =	ssub.s32 $0x2, s0;
	s3 =	sadd.s32 s2, s3;
	[tilespmem:$0x1FEE0] =	vst v1;
	v1 =	vor.u32 $0x20F, v0  }
0x2d: {  	s9 =	simm.s32 $0x16258;
	s14 =	sshrl.u32 s13, $0x1;
	s3 =	sshrl.u32 s3, $0x3;
	[tilespmem:$0x1FEF0] =	vst v1;
	v1 =	vor.u32 $0x210, v0  }
0x2e: {  	s2 =	sadd.s32 s2, s4;
	s3 =	sadd.s32 s3, s1;
	[dreg:$0x5] =	wrdreg s5;
	[tilespmem:$0x1FF00] =	vst v1;
	v1 =	vor.u32 $0x211, v0  }
0x2f: {  	s21 =	sadd.s32 $0x16800, s3;
	s3 =	simm.s32 $0x80;
	[dreg:$0x6] =	wrdreg s7;
	[tilespmem:$0x1FF10] =	vst v1;
	v1 =	vor.u32 $0x212, v0  }
0x30: {  	s5 =	sor.u32 s0, s12;
	[dreg:$0x7] =	wrdreg s8;
	s0 =	smul.u32 $0x2710, s0;
	[tilespmem:$0x1FF20] =	vst v1;
	v1 =	vor.u32 $0x213, v0  }
0x31: {  	s7 =	ssub.s32 s13, s14;
	[dreg:$0x8] =	wrdreg s2;
	s5 =	smul.u32 $0x2710, s5;
	[tilespmem:$0x1FF30] =	vst v1;
	v1 =	vor.u32 $0x414, v0  }
0x32: {  	[dreg:$0xe] =	wrdreg s21;
	s8 =	simm.s32 $0x172D8;
	s0 =	sadd.s32 s0, s15;
	[tilespmem:$0x1FF40] =	vst v1;
	v1 =	vor.u32 $0x400, v0  }
0x33: {  	s12 =	simm.s32 $0x0;
	s5 =	sshrl.u32 s5, $0x3;
	s22 =	sadd.s32 $0x180, s0;
	[tilespmem:$0x1FF50] =	vst v1;
	v1 =	vor.u32 $0x401, v0  }
0x34: {  	s23 =	sadd.s32 $0x4E380, s0;
	s24 =	sadd.s32 $0x4E300, s0;
	s15 =	sadd.s32 $0x100, s0;
	[tilespmem:$0x1FF60] =	vst v1;
	v1 =	vor.u32 $0x402, v0  }
0x35: {  	s0 =	simm.s32 $0x1;
	s11 =	sadd.s32 s1, s5;
	s2 =	sshrl.u32 s22, $0x3;
	[tilespmem:$0x1FF70] =	vst v1;
	v1 =	vor.u32 $0x403, v0  }
0x36: {  	s25 =	sshrl.u32 s23, $0x3;
	s26 =	sshrl.u32 s24, $0x3;
	s16 =	sadd.s32 $0x9C40, s11;
	[tilespmem:$0x1FF80] =	vst v1;
	v1 =	vor.u32 $0x404, v0  }
0x37: {  	s23 =	simm.s32 $0x5;
	s17 =	sadd.s32 $0x10, s11;
	[dreg:$0x9] =	wrdreg s16;
	[tilespmem:$0x1FF90] =	vst v1;
	v1 =	vor.u32 $0x415, v0  }
0x38: {  	s24 =	simm.s32 $0x9C60;
	s18 =	sadd.s32 $0x9C50, s11;
	[dreg:$0xa] =	wrdreg s17;
	[tilespmem:$0x1FFA0] =	vst v1;
	v1 =	vor.u32 $0x405, v0  }
.Ltmp0:
0x39: {  	s19 =	sadd.s32 $0x4E0, s11;
	[dreg:$0xb] =	wrdreg s18;
	[tilespmem:$0x1FFB0] =	vst v1;
	v1 =	vor.u32 $0x406, v0;
	(pc) =	sbr.rel .LBB2_1-.Ltmp0, $4  }
0x3a: {  	s5 =	simm.s32 $0x4;
	s20 =	sadd.s32 $0xA120, s11;
	[dreg:$0xc] =	wrdreg s19;
	[tilespmem:$0x1FFC0] =	vst v1;
	v1 =	vor.u32 $0x407, v0  }
0x3b: {  	s22 =	sadd.s32 s26, s1;
	s26 =	simm.s32 $0x161D8;
	[dreg:$0xd] =	wrdreg s20;
	[tilespmem:$0x1FFD0] =	vst v1;
	v1 =	vor.u32 $0x408, v0  }
0x3c: {  	s18 =	smax.u32 s7, $0x1;
	s19 =	sadd.s32 s2, s1;
	s20 =	sadd.s32 s25, s1;
	[tilespmem:$0x1FFE0] =	vst v1;
	v1 =	vor.u32 $0x409, v0  }
0x3d: {  	v32 =	vor.u32 $0x14, v0;
	s25 =	simm.s32 $0xEA90;
	s2 =	simm.s32 $0x162D8;
	s7 =	simm.s32 $0x2;
	[tilespmem:$0x1FFF0] =	vst v1  }
.LBB2_8:
0x3e: {  	[spmem:s4] =	stream.indirect.scatter.add.f32 [tilespmem:s8], [sflag:$0x4], $0x20, s9, s3, $0xb8;
	[tilespmem:$0x1AB18] =	vst v63  }
0x3f: {  	_ =	swait.ge [sflag:s10], $0x1000  }
0x40: {  	[sflag:s10] =	ssyncset.done $0x0  }
0x41: {  	[sflag:s10] =	ssyncadd.s32 $0xFFFFF000  }
0x42: {  	_ =	swait.ge [sflag:s5], $0x1000  }
0x43: {  	[sflag:s5] =	ssyncset.done $0x0  }
0x44: {  	s16 =	rddreg [dreg:$0xc];
	[sflag:s5] =	ssyncadd.s32 $0xFFFFF000  }
0x45: {  	[tilespmem:s28], [sflag:$0x5] =	stream.linear.gather [hbm4b:s16+s6], $0x10, $0x38;
	[tilespmem:$0x1AB18] =	vst v63  }
0x46: {  	_ =	swait.ge [sflag:s23], $0x10  }
0x47: {  	[sflag:s23] =	ssyncset.done $0x0  }
0x48: {  	s17 =	rddreg [dreg:$0xd];
	[sflag:s23] =	ssyncadd.s32 $0xFFFFFFF0  }
0x49: {  	[tilespmem:s29], [sflag:$0x5] =	stream.linear.gather [hbm4b:s17+s6], $0x10, $0x38;
	[tilespmem:$0x1AB18] =	vst v63  }
0x4a: {  	_ =	swait.ge [sflag:s23], $0x10  }
0x4b: {  	[sflag:s23] =	ssyncset.done $0x0  }
0x4c: {  	[sflag:s23] =	ssyncadd.s32 $0xFFFFFFF0  }
0x4d: {  	v1 =	vld [tilespmem:$0x16058];
	_ =	sdelay $0x4  }
0x4e: {  	v5 =	vimm.s32 $0x1388;
	v2 =	vmul.u32 $0xCCCD, v1  }
0x4f: {  	[tilespmem:$0x161E8] =	vst v5  }
0x50: {  	[tilespmem:$0x161F8] =	vst v5;
	v3 =	vld [tilespmem:$0x15FD8];
	v2 =	vshrl.u32 v2, $0x13  }
0x51: {  	[tilespmem:$0x16208] =	vst v5;
	v4 =	vmul.u32 $0xFFFFFFF6, v2  }
0x52: {  	[tilespmem:$0x16218] =	vst v5;
	v2 =	vmul.u32 $0x5, v2  }
0x53: {  	[tilespmem:$0x16228] =	vst v5;
	v4 =	vadd.s32 v1, v4  }
0x54: {  	[tilespmem:$0x16238] =	vst v5;
	vm0 =	vlt.s32 v4, $0x5;
	v2 =	vadd.s32 v2, v4  }
0x55: {  	[tilespmem:$0x16248] =	vst v5;
	v2 =	vnsel vm0, $0x1388, v2  }
0x56: {  	[tilespmem:$0x161D8] =	vst v2  }
0x57: {  	v34 =	vadd.s32 $0x2718, v3;
	v2 =	vld.idx.msk [tilespmem:v1+s24+$0x0], $0xffff  }
0x58: {  	v32 =	vld.idx.msk [tilespmem:v3+s6+$0x0], $0xffff;
	_ =	sdelay $0x2  }
0x59: {  	v1 =	vadd.s32 $0x2718, v1  }
0x5a: {  	v7 =	vadd.s32 $0x4E30, v3;
	v35 =	vld.idx.msk [tilespmem:v34+s6+$0x0], $0xffff;
	v6 =	vunpack.i.l.bf16.f32 v2  }
0x5b: {  	v4 =	vadd.f32 v6, v32;
	_ =	sdelay $0x1  }
0x5c: {  	v8 =	vmul.f32 $2.000000030e-01, v4  }
0x5d: {  	v2 =	vunpack.i.u.bf16.f32 v2;
	v1 =	vld.idx.msk [tilespmem:v1+s24+$0x0], $0xffff;
	vm12 =	vgt.f32 v4, $0.0e+00  }
0x5e: {  	v36 =	vld.idx.msk [tilespmem:v7+s6+$0x0], $0xffff;
	v2 =	vadd.f32 v2, v35;
	v4 =	vsel vm12, v4, v8  }
0x5f: {  	v4 =	vsub.f32 v4, v60  }
0x60: {  	v9 =	vmul.f32 $2.000000030e-01, v2  }
0x61: {  	vm13 =	vgt.f32 v2, $0.0e+00;
	v4 =	vmul.f32 $1.442695020e+00, v4  }
0x62: {  	v2 =	vsel vm13, v2, v9;
	v38 =	vunpack.i.l.bf16.f32 v1  }
0x63: {  	v2 =	vsub.f32 v2, v63;
	(erf) = vpow2.f32 v4;
	v4 =	vadd.f32 v38, v36;
	_ =	sdelay $0x1  }
0x64: {  	v37 =	vadd.s32 $0x7548, v3;
	v2 =	vmul.f32 $1.442695020e+00, v2;
	v6 =	vmul.f32 $2.000000030e-01, v4  }
0x65: {  	vm14 =	vgt.f32 v4, $0.0e+00  }
0x66: {  	(erf) = vpow2.f32 v2;
	v2 =	vsel vm14, v4, v6  }
0x67: {  	v2 =	vsub.f32 v2, v62;
	_ =	sdelay $0x1  }
0x68: {  	v8 =	vld.idx.msk [tilespmem:v37+s6+$0x0], $0xffff;
	v2 =	vmul.f32 $1.442695020e+00, v2  }
0x69: {  	v3 =	vld.idx.msk [tilespmem:v3+s25+$0x0], $0xffff  }
0x6a: {  	v41 =	vpop (erf);
	(erf) = vpow2.f32 v2;
	v2 =	vld [tilespmem:$0x1FC60];
	_ =	sdelay $0x1  }
0x6b: {  	v5 =	vld.idx.msk [tilespmem:v34+s25+$0x0], $0xffff;
	v1 =	vunpack.i.u.bf16.f32 v1  }
0x6c: {  	v45 =	vld [tilespmem:$0x1FC70];
	v1 =	vadd.f32 v1, v8  }
0x6d: {  	v46 =	vld [tilespmem:$0x1FC80];
	v40 =	vunpack.i.u.bf16.f32 v3;
	v3 =	vunpack.i.l.bf16.f32 v3  }
0x6e: {  	v11 =	vmul.f32 $2.000000030e-01, v1;
	v43 =	vmul.f32 v3, v41  }
0x6f: {  	v39 =	vld.idx.msk [tilespmem:v7+s25+$0x0], $0xffff;
	vm15 =	vgt.f32 v1, $0.0e+00;
	[tilespmem:v33+s2+$0x0] =	vst.idx.msk $0xffff, v41;
	v10 =	vmul.f32 v40, v41  }
0x70: {  	v42 =	vunpack.i.u.bf16.f32 v5;
	v1 =	vsel vm15, v1, v11;
	[tilespmem:v0+s2+$0x0] =	vst.idx.msk $0xffff, v43  }
0x71: {  	v5 =	vunpack.i.l.bf16.f32 v5;
	v1 =	vsub.f32 v1, v61;
	[tilespmem:v2+s2+$0x0] =	vst.idx.msk $0xffff, v10;
	v2 =	vmul.f32 v42, v41  }
0x72: {  	v47 =	vld [tilespmem:$0x1FC90];
	v44 =	vmul.f32 v5, v41  }
0x73: {  	v49 =	vld [tilespmem:$0x1FCA0];
	v1 =	vmul.f32 $1.442695020e+00, v1  }
0x74: {  	v51 =	vld [tilespmem:$0x1FCB0];
	[tilespmem:v45+s2+$0x0] =	vst.idx.msk $0xffff, v44  }
0x75: {  	[tilespmem:v46+s2+$0x0] =	vst.idx.msk $0xffff, v2;
	v2 =	vpop (erf);
	(erf) = vpow2.f32 v1;
	v1 =	vld [tilespmem:$0x1FCC0]  }
0x76: {  	v53 =	vld [tilespmem:$0x1FCD0]  }
0x77: {  	v55 =	vld [tilespmem:$0x1FCE0]  }
0x78: {  	v7 =	vmul.f32 v39, v41;
	_ =	sdelay $0x1  }
0x79: {  	[tilespmem:v47+s2+$0x0] =	vst.idx.msk $0xffff, v7;
	v48 =	vmul.f32 v3, v2  }
0x7a: {  	[tilespmem:v49+s2+$0x0] =	vst.idx.msk $0xffff, v2;
	v50 =	vmul.f32 v40, v2  }
0x7b: {  	v52 =	vmul.f32 v5, v2;
	[tilespmem:v51+s2+$0x0] =	vst.idx.msk $0xffff, v48  }
0x7c: {  	[tilespmem:v1+s2+$0x0] =	vst.idx.msk $0xffff, v50;
	v1 =	vmul.f32 v42, v2  }
0x7d: {  	[tilespmem:v53+s2+$0x0] =	vst.idx.msk $0xffff, v52  }
0x7e: {  	[tilespmem:v55+s2+$0x0] =	vst.idx.msk $0xffff, v1;
	v1 =	vld [tilespmem:$0x1FCF0];
	_ =	sdelay $0x5  }
0x7f: {  	v2 =	vmul.f32 v39, v2;
	_ =	sdelay $0x1  }
0x80: {  	[tilespmem:v1+s2+$0x0] =	vst.idx.msk $0xffff, v2;
	v2 =	vld [tilespmem:$0x1FD00]  }
0x81: {  	v56 =	vld [tilespmem:$0x1FD10]  }
0x82: {  	v57 =	vld [tilespmem:$0x1FD20];
	_ =	sdelay $0x2  }
0x83: {  	v58 =	vld [tilespmem:$0x1FD30]  }
0x84: {  	v59 =	vld [tilespmem:$0x1FD40];
	v54 =	vpop (erf)  }
0x85: {  	v60 =	vld [tilespmem:$0x1FD50];
	v1 =	vmul.f32 v54, v3  }
0x86: {  	[tilespmem:v2+s2+$0x0] =	vst.idx.msk $0xffff, v54;
	v2 =	vmul.f32 v54, v40  }
0x87: {  	[tilespmem:v56+s2+$0x0] =	vst.idx.msk $0xffff, v1  }
0x88: {  	[tilespmem:v57+s2+$0x0] =	vst.idx.msk $0xffff, v2;
	v2 =	vmul.f32 v42, v54  }
0x89: {  	v1 =	vmul.f32 v5, v54;
	_ =	sdelay $0x1  }
0x8a: {  	[tilespmem:v58+s2+$0x0] =	vst.idx.msk $0xffff, v1;
	v1 =	vmul.f32 v39, v54  }
0x8b: {  	[tilespmem:v59+s2+$0x0] =	vst.idx.msk $0xffff, v2;
	v2 =	vpop (erf)  }
0x8c: {  	[tilespmem:v60+s2+$0x0] =	vst.idx.msk $0xffff, v1;
	v1 =	vmul.f32 v3, v2;
	v3 =	vld [tilespmem:$0x1FD60]  }
0x8d: {  	v61 =	vld [tilespmem:$0x1FD70]  }
0x8e: {  	v62 =	vld [tilespmem:$0x1FD80]  }
0x8f: {  	v63 =	vld [tilespmem:$0x1FD90];
	_ =	sdelay $0x4  }
0x90: {  	[tilespmem:v3+s2+$0x0] =	vst.idx.msk $0xffff, v2;
	v3 =	vmul.f32 v2, v40  }
0x91: {  	[tilespmem:v61+s2+$0x0] =	vst.idx.msk $0xffff, v1;
	v1 =	vmul.f32 v5, v2  }
0x92: {  	[tilespmem:v62+s2+$0x0] =	vst.idx.msk $0xffff, v3  }
0x93: {  	v3 =	vmul.f32 v42, v2;
	[tilespmem:v63+s2+$0x0] =	vst.idx.msk $0xffff, v1;
	v1 =	vmul.f32 v39, v2;
	v2 =	vld [tilespmem:$0x1FDA0];
	_ =	sdelay $0x7  }
0x94: {  	[tilespmem:v2+s2+$0x0] =	vst.idx.msk $0xffff, v3;
	v2 =	vld [tilespmem:$0x1FDB0];
	_ =	sdelay $0x7  }
0x95: {  	[tilespmem:v2+s2+$0x0] =	vst.idx.msk $0xffff, v1  }
0x96: {  	[spmem:s4] =	stream.indirect.scatter.add.f32 [tilespmem:s2], [sflag:$0x5], $0x20, s26, s3, $0xb8;
	[tilespmem:$0x1AB18] =	vst v63  }
0x97: {  	_ =	swait.ge [sflag:s23], $0x1000  }
0x98: {  	[sflag:s23] =	ssyncset.done $0x0  }
0x99: {  	s12 =	sadd.s32 $0x1, s12;
	[sflag:s23] =	ssyncadd.s32 $0xFFFFF000  }
0x9a: {  	p0 =	sne.s32 s12, s18;
	[bflag:$0x0] =	sbarrier.arrive $0xFFFF  }
.Ltmp1:
0x9b: {  	s21 =	rddreg [dreg:$0xe];
	(pc) =	sbr.rel @!p0 .LBB2_9-.Ltmp1, $4  }
0x9c: {  	[hbm:s21], [sflag:s13] =	dma.local [spmem:s14], $0x500  }
0x9d: {  	_ =	swait.ge [sflag:s23], $0x500  }
0x9e: {  	[sflag:s23] =	ssyncset.done $0x0  }
0x9f: {  	v32 =	vmov v33;
	[sflag:s23] =	ssyncadd.s32 $0xFFFFFB00  }
.LBB2_1:
0xa0: {  	s13 =	rddreg [dreg:$0x5]  }
0xa1: {  	[tilespmem:s6], [sflag:$0x5] =	stream.linear.gather [hbm4b:s13+s6], $0x9C60, $0x38;
	[tilespmem:$0x1AB18] =	vst v63  }
0xa2: {  	_ =	swait.ge [sflag:s23], $0x9C60  }
0xa3: {  	[sflag:s23] =	ssyncset.done $0x0  }
0xa4: {  	s16 =	rddreg [dreg:$0x6];
	[sflag:s23] =	ssyncadd.s32 $0xFFFF63A0  }
0xa5: {  	[tilespmem:s24], [sflag:$0x5] =	stream.linear.gather [hbm4b:s16+s6], $0x4E30, $0x38;
	[tilespmem:$0x1AB18] =	vst v63  }
0xa6: {  	_ =	swait.ge [sflag:s23], $0x4E30  }
0xa7: {  	[sflag:s23] =	ssyncset.done $0x0  }
0xa8: {  	s17 =	rddreg [dreg:$0x7];
	[sflag:s23] =	ssyncadd.s32 $0xFFFFB1D0  }
0xa9: {  	[tilespmem:s25], [sflag:$0x5] =	stream.linear.gather [hbm4b:s17+s6], $0x7548, $0x38;
	[tilespmem:$0x1AB18] =	vst v63  }
0xaa: {  	_ =	swait.ge [sflag:s23], $0x7548  }
0xab: {  	[sflag:s23] =	ssyncset.done $0x0  }
0xac: {  	[sflag:s23] =	ssyncadd.s32 $0xFFFF8AB8  }
0xad: {  	s14 =	simm.s32 $0x182D8;
	s21 =	rddreg [dreg:$0x1]  }
0xae: {  	[tilespmem:s14], [sflag:$0x5] =	stream.linear.gather [hbm4b:s21+s6], $0x40, $0x38;
	[tilespmem:$0x1AB18] =	vst v63  }
0xaf: {  	_ =	swait.ge [sflag:s23], $0x40  }
0xb0: {  	s16 =	stileid.u32;
	[sflag:s23] =	ssyncset.done $0x0  }
0xb1: {  	s13 =	sshll.u32 s16, $0x6;
	s17 =	rddreg [dreg:$0x8];
	[sflag:s23] =	ssyncadd.s32 $0xFFFFFFC0  }
0xb2: {  	s13 =	sor.u32 $0x1C05, s13;
	s14 =	sshrl.u32 s17, $0x3;
	s16 =	rddreg [dreg:$0x2]  }
0xb3: {  	[spmem:s14], [sflag:s13] =	dma.local [hbm:s16], $0x500  }
0xb4: {  	_ =	swait.ge [sflag:s23], $0x500  }
0xb5: {  	[sflag:s23] =	ssyncset.done $0x0  }
0xb6: {  	[sflag:s23] =	ssyncadd.s32 $0xFFFFFB00  }
0xb7: {  	[bflag:$0x0] =	sbarrier.arrive $0xFFFF  }
0xb8: {  	v60 =	vld [tilespmem:$0x182D8]  }
0xb9: {  	v63 =	vld [tilespmem:$0x182E8]  }
0xba: {  	v62 =	vld [tilespmem:$0x182F8]  }
0xbb: {  	v61 =	vld [tilespmem:$0x18308];
	[tilespmem:s28], [sflag:$0x1] =	stream.linear.gather [hbm4b:s11+s6], $0x80, $0x38  }
0xbc: {  	s21 =	rddreg [dreg:$0x9]  }
0xbd: {  	[tilespmem:s29], [sflag:$0x1] =	stream.linear.gather [hbm4b:s21+s6], $0x80, $0x38;
	[tilespmem:$0x1AB18] =	vst v63  }
0xbe: {  	s17 =	rddreg [dreg:$0xa]  }
0xbf: {  	[tilespmem:s30], [sflag:$0x2] =	stream.linear.gather [hbm4b:s17+s6], $0x80, $0x38;
	[tilespmem:$0x1AB18] =	vst v63  }
0xc0: {  	s21 =	rddreg [dreg:$0xb]  }
0xc1: {  	[tilespmem:s31], [sflag:$0x2] =	stream.linear.gather [hbm4b:s21+s6], $0x80, $0x38;
	[tilespmem:$0x1AB18] =	vst v63  }
0xc2: {  	s16 =	simm.s32 $0x0;
	s21 =	smov.u32 s15  }
.LBB2_2:
0xc3: {  	p0 =	seq.s32 s16, $0x0  }
0xc4: {  	s17 =	simm.s32 @!p0 $0x3  }
0xc5: {  	_ =	swait.ge @!p0 [sflag:s17], $0x1000  }
0xc6: {  	[sflag:s17] =	ssyncset.done @!p0 $0x0  }
0xc7: {  	[sflag:s17] =	ssyncadd.s32 @!p0 $0xFFFFF000  }
0xc8: {  	_ =	swait.ge [sflag:s0], $0x80  }
0xc9: {  	[sflag:s0] =	ssyncset.done $0x0  }
0xca: {  	[sflag:s0] =	ssyncadd.s32 $0xFFFFFF80  }
0xcb: {  	_ =	swait.ge [sflag:s0], $0x80  }
0xcc: {  	[sflag:s0] =	ssyncset.done $0x0  }
0xcd: {  	[sflag:s0] =	ssyncadd.s32 $0xFFFFFF80  }
0xce: {  	v1 =	vld [tilespmem:$0x16058];
	_ =	sdelay $0x4  }
0xcf: {  	v2 =	vmul.u32 $0xCCCD, v1;
	_ =	sdelay $0x1  }
0xd0: {  	v3 =	vld [tilespmem:$0x15FD8];
	v2 =	vshrl.u32 v2, $0x13  }
0xd1: {  	v4 =	vmul.u32 $0xFFFFFFF6, v2  }
0xd2: {  	v2 =	vmul.u32 $0x5, v2  }
0xd3: {  	v4 =	vadd.s32 v1, v4  }
0xd4: {  	vm0 =	vlt.s32 v4, $0x5;
	v2 =	vadd.s32 v2, v4  }
0xd5: {  	v2 =	vnsel vm0, $0x1388, v2  }
0xd6: {  	[tilespmem:$0x161D8] =	vst v2  }
0xd7: {  	v2 =	vld.idx.msk [tilespmem:v1+s24+$0x0], $0xffff  }
0xd8: {  	v5 =	vadd.s32 $0x2718, v3;
	v4 =	vld.idx.msk [tilespmem:v3+s6+$0x0], $0xffff;
	_ =	sdelay $0x3  }
0xd9: {  	v1 =	vadd.s32 $0x2718, v1;
	v6 =	vunpack.i.l.bf16.f32 v2  }
0xda: {  	v7 =	vadd.s32 $0x4E30, v3;
	v4 =	vadd.f32 v6, v4;
	v6 =	vld.idx.msk [tilespmem:v5+s6+$0x0], $0xffff;
	_ =	sdelay $0x1  }
0xdb: {  	v8 =	vmul.f32 $2.000000030e-01, v4  }
0xdc: {  	vm13 =	vgt.f32 v4, $0.0e+00  }
0xdd: {  	v2 =	vunpack.i.u.bf16.f32 v2;
	v1 =	vld.idx.msk [tilespmem:v1+s24+$0x0], $0xffff;
	v4 =	vsel vm13, v4, v8  }
0xde: {  	v4 =	vsub.f32 v4, v60;
	v2 =	vadd.f32 v2, v6;
	v6 =	vld.idx.msk [tilespmem:v7+s6+$0x0], $0xffff;
	_ =	sdelay $0x1  }
0xdf: {  	v4 =	vmul.f32 $1.442695020e+00, v4;
	v9 =	vmul.f32 $2.000000030e-01, v2  }
0xe0: {  	vm14 =	vgt.f32 v2, $0.0e+00  }
0xe1: {  	(erf) = vpow2.f32 v4;
	v2 =	vsel vm14, v2, v9;
	v4 =	vunpack.i.l.bf16.f32 v1  }
0xe2: {  	v2 =	vsub.f32 v2, v63;
	v4 =	vadd.f32 v4, v6;
	_ =	sdelay $0x1  }
0xe3: {  	v2 =	vmul.f32 $1.442695020e+00, v2;
	v6 =	vmul.f32 $2.000000030e-01, v4  }
0xe4: {  	vm15 =	vgt.f32 v4, $0.0e+00  }
0xe5: {  	(erf) = vpow2.f32 v2;
	v2 =	vsel vm15, v4, v6  }
0xe6: {  	v2 =	vsub.f32 v2, v62;
	_ =	sdelay $0x1  }
0xe7: {  	v8 =	vadd.s32 $0x7548, v3;
	v3 =	vld.idx.msk [tilespmem:v3+s25+$0x0], $0xffff;
	v2 =	vmul.f32 $1.442695020e+00, v2  }
0xe8: {  	v4 =	vld.idx.msk [tilespmem:v7+s25+$0x0], $0xffff  }
0xe9: {  	v7 =	vpop (erf);
	(erf) = vpow2.f32 v2;
	v2 =	vld [tilespmem:$0x1FC60];
	_ =	sdelay $0x3  }
0xea: {  	v6 =	vunpack.i.u.bf16.f32 v3;
	v3 =	vunpack.i.l.bf16.f32 v3  }
0xeb: {  	v5 =	vld.idx.msk [tilespmem:v5+s25+$0x0], $0xffff;
	v9 =	vmul.f32 v3, v7  }
0xec: {  	v8 =	vld.idx.msk [tilespmem:v8+s6+$0x0], $0xffff;
	[tilespmem:v32+s2+$0x0] =	vst.idx.msk $0xffff, v7;
	v10 =	vmul.f32 v6, v7  }
0xed: {  	[tilespmem:v0+s2+$0x0] =	vst.idx.msk $0xffff, v9  }
0xee: {  	[tilespmem:v2+s2+$0x0] =	vst.idx.msk $0xffff, v10;
	v10 =	vld [tilespmem:$0x1FC70];
	_ =	sdelay $0x3  }
0xef: {  	v1 =	vunpack.i.u.bf16.f32 v1  }
0xf0: {  	v1 =	vadd.f32 v1, v8;
	v8 =	vunpack.i.u.bf16.f32 v5;
	v5 =	vunpack.i.l.bf16.f32 v5  }
0xf1: {  	v9 =	vmul.f32 v5, v7;
	_ =	sdelay $0x1  }
0xf2: {  	[tilespmem:v10+s2+$0x0] =	vst.idx.msk $0xffff, v9;
	v9 =	vld [tilespmem:$0x1FC80];
	_ =	sdelay $0x5  }
0xf3: {  	v2 =	vmul.f32 v8, v7;
	_ =	sdelay $0x1  }
0xf4: {  	[tilespmem:v9+s2+$0x0] =	vst.idx.msk $0xffff, v2;
	v9 =	vld [tilespmem:$0x1FC90];
	_ =	sdelay $0x2  }
0xf5: {  	v11 =	vmul.f32 $2.000000030e-01, v1  }
0xf6: {  	vm4 =	vgt.f32 v1, $0.0e+00  }
0xf7: {  	v1 =	vsel vm4, v1, v11  }
0xf8: {  	v1 =	vsub.f32 v1, v61;
	v7 =	vmul.f32 v4, v7;
	_ =	sdelay $0x1  }
0xf9: {  	v1 =	vmul.f32 $1.442695020e+00, v1;
	[tilespmem:v9+s2+$0x0] =	vst.idx.msk $0xffff, v7;
	v9 =	vld [tilespmem:$0x1FCA0]  }
0xfa: {  	v10 =	vld [tilespmem:$0x1FCB0]  }
0xfb: {  	(erf) = vpow2.f32 v1;
	v1 =	vld [tilespmem:$0x1FCC0];
	_ =	sdelay $0x3  }
0xfc: {  	v2 =	vpop (erf)  }
0xfd: {  	v7 =	vmul.f32 v3, v2  }
0xfe: {  	[tilespmem:v9+s2+$0x0] =	vst.idx.msk $0xffff, v2;
	v9 =	vmul.f32 v6, v2  }
0xff: {  	[tilespmem:v10+s2+$0x0] =	vst.idx.msk $0xffff, v7  }
0x100: {  	[tilespmem:v1+s2+$0x0] =	vst.idx.msk $0xffff, v9;
	v9 =	vld [tilespmem:$0x1FCD0];
	_ =	sdelay $0x5  }
0x101: {  	v7 =	vmul.f32 v5, v2;
	_ =	sdelay $0x1  }
0x102: {  	[tilespmem:v9+s2+$0x0] =	vst.idx.msk $0xffff, v7;
	v7 =	vld [tilespmem:$0x1FCE0];
	_ =	sdelay $0x5  }
0x103: {  	v1 =	vmul.f32 v8, v2;
	_ =	sdelay $0x1  }
0x104: {  	[tilespmem:v7+s2+$0x0] =	vst.idx.msk $0xffff, v1;
	v7 =	vld [tilespmem:$0x1FCF0];
	_ =	sdelay $0x5  }
0x105: {  	v2 =	vmul.f32 v4, v2;
	_ =	sdelay $0x1  }
0x106: {  	[tilespmem:v7+s2+$0x0] =	vst.idx.msk $0xffff, v2;
	v7 =	vld [tilespmem:$0x1FD00]  }
0x107: {  	v9 =	vld [tilespmem:$0x1FD10];
	_ =	sdelay $0x4  }
0x108: {  	v1 =	vpop (erf)  }
0x109: {  	v2 =	vmul.f32 v1, v3  }
0x10a: {  	[tilespmem:v7+s2+$0x0] =	vst.idx.msk $0xffff, v1  }
0x10b: {  	[tilespmem:v9+s2+$0x0] =	vst.idx.msk $0xffff, v2;
	v9 =	vld [tilespmem:$0x1FD20];
	_ =	sdelay $0x5  }
0x10c: {  	v7 =	vmul.f32 v1, v6;
	_ =	sdelay $0x1  }
0x10d: {  	[tilespmem:v9+s2+$0x0] =	vst.idx.msk $0xffff, v7;
	v9 =	vld [tilespmem:$0x1FD30];
	_ =	sdelay $0x5  }
0x10e: {  	v2 =	vmul.f32 v5, v1;
	_ =	sdelay $0x1  }
0x10f: {  	[tilespmem:v9+s2+$0x0] =	vst.idx.msk $0xffff, v2;
	v2 =	vld [tilespmem:$0x1FD40];
	_ =	sdelay $0x5  }
0x110: {  	v7 =	vmul.f32 v8, v1;
	_ =	sdelay $0x1  }
0x111: {  	[tilespmem:v2+s2+$0x0] =	vst.idx.msk $0xffff, v7;
	v7 =	vld [tilespmem:$0x1FD50];
	_ =	sdelay $0x5  }
0x112: {  	v1 =	vmul.f32 v4, v1  }
0x113: {  	v2 =	vpop (erf)  }
0x114: {  	[tilespmem:v7+s2+$0x0] =	vst.idx.msk $0xffff, v1;
	v1 =	vmul.f32 v3, v2;
	v3 =	vld [tilespmem:$0x1FD60];
	_ =	sdelay $0x7  }
0x115: {  	[tilespmem:v3+s2+$0x0] =	vst.idx.msk $0xffff, v2;
	v3 =	vmul.f32 v2, v6;
	v6 =	vld [tilespmem:$0x1FD70];
	_ =	sdelay $0x7  }
0x116: {  	[tilespmem:v6+s2+$0x0] =	vst.idx.msk $0xffff, v1;
	v1 =	vmul.f32 v5, v2;
	v5 =	vld [tilespmem:$0x1FD80];
	_ =	sdelay $0x7  }
0x117: {  	[tilespmem:v5+s2+$0x0] =	vst.idx.msk $0xffff, v3;
	v5 =	vld [tilespmem:$0x1FD90];
	_ =	sdelay $0x7  }
0x118: {  	v3 =	vmul.f32 v8, v2;
	[tilespmem:v5+s2+$0x0] =	vst.idx.msk $0xffff, v1;
	v1 =	vmul.f32 v4, v2;
	v2 =	vld [tilespmem:$0x1FDA0];
	_ =	sdelay $0x7  }
0x119: {  	[tilespmem:v2+s2+$0x0] =	vst.idx.msk $0xffff, v3;
	v2 =	vld [tilespmem:$0x1FDB0];
	_ =	sdelay $0x7  }
0x11a: {  	[tilespmem:v2+s2+$0x0] =	vst.idx.msk $0xffff, v1  }
0x11b: {  	v1 =	vld [tilespmem:$0x16068];
	_ =	sdelay $0x4  }
0x11c: {  	v2 =	vmul.u32 $0xCCCD, v1;
	_ =	sdelay $0x1  }
0x11d: {  	v3 =	vld [tilespmem:$0x15FE8];
	v2 =	vshrl.u32 v2, $0x13  }
0x11e: {  	v4 =	vmul.u32 $0xFFFFFFF6, v2  }
0x11f: {  	v2 =	vmul.u32 $0x5, v2  }
0x120: {  	v4 =	vadd.s32 v1, v4  }
0x121: {  	vm5 =	vlt.s32 v4, $0x5;
	v2 =	vadd.s32 v2, v4  }
0x122: {  	v2 =	vnsel vm5, $0x1388, v2  }
0x123: {  	[tilespmem:$0x161E8] =	vst v2  }
0x124: {  	v2 =	vld.idx.msk [tilespmem:v1+s24+$0x0], $0xffff  }
0x125: {  	v5 =	vadd.s32 $0x2718, v3;
	v4 =	vld.idx.msk [tilespmem:v3+s6+$0x0], $0xffff;
	_ =	sdelay $0x3  }
0x126: {  	v1 =	vadd.s32 $0x2718, v1;
	v6 =	vunpack.i.l.bf16.f32 v2  }
0x127: {  	v7 =	vadd.s32 $0x4E30, v3;
	v4 =	vadd.f32 v6, v4;
	v6 =	vld.idx.msk [tilespmem:v5+s6+$0x0], $0xffff;
	_ =	sdelay $0x1  }
0x128: {  	v8 =	vmul.f32 $2.000000030e-01, v4  }
0x129: {  	vm6 =	vgt.f32 v4, $0.0e+00  }
0x12a: {  	v2 =	vunpack.i.u.bf16.f32 v2;
	v1 =	vld.idx.msk [tilespmem:v1+s24+$0x0], $0xffff;
	v4 =	vsel vm6, v4, v8  }
0x12b: {  	v4 =	vsub.f32 v4, v60;
	v2 =	vadd.f32 v2, v6;
	v6 =	vld.idx.msk [tilespmem:v7+s6+$0x0], $0xffff;
	_ =	sdelay $0x1  }
0x12c: {  	v4 =	vmul.f32 $1.442695020e+00, v4;
	v9 =	vmul.f32 $2.000000030e-01, v2  }
0x12d: {  	vm7 =	vgt.f32 v2, $0.0e+00  }
0x12e: {  	(erf) = vpow2.f32 v4;
	v2 =	vsel vm7, v2, v9;
	v4 =	vunpack.i.l.bf16.f32 v1  }
0x12f: {  	v2 =	vsub.f32 v2, v63;
	v4 =	vadd.f32 v4, v6;
	_ =	sdelay $0x1  }
0x130: {  	v2 =	vmul.f32 $1.442695020e+00, v2;
	v6 =	vmul.f32 $2.000000030e-01, v4  }
0x131: {  	vm8 =	vgt.f32 v4, $0.0e+00  }
0x132: {  	(erf) = vpow2.f32 v2;
	v2 =	vsel vm8, v4, v6  }
0x133: {  	v2 =	vsub.f32 v2, v62  }
0x134: {  	v12 =	vld [tilespmem:$0x1FDD0]  }
0x135: {  	v10 =	vld [tilespmem:$0x1FDC0];
	v2 =	vmul.f32 $1.442695020e+00, v2  }
0x136: {  	v8 =	vadd.s32 $0x7548, v3;
	v3 =	vld.idx.msk [tilespmem:v3+s25+$0x0], $0xffff  }
0x137: {  	(erf) = vpow2.f32 v2;
	v2 =	vld [tilespmem:$0x1FDE0];
	_ =	sdelay $0x3  }
0x138: {  	v4 =	vld.idx.msk [tilespmem:v7+s25+$0x0], $0xffff;
	v6 =	vunpack.i.u.bf16.f32 v3;
	v3 =	vunpack.i.l.bf16.f32 v3;
	v7 =	vpop (erf)  }
0x139: {  	v5 =	vld.idx.msk [tilespmem:v5+s25+$0x0], $0xffff;
	v9 =	vmul.f32 v3, v7  }
0x13a: {  	v8 =	vld.idx.msk [tilespmem:v8+s6+$0x0], $0xffff;
	[tilespmem:v10+s2+$0x0] =	vst.idx.msk $0xffff, v7;
	v10 =	vmul.f32 v6, v7  }
0x13b: {  	[tilespmem:v12+s2+$0x0] =	vst.idx.msk $0xffff, v9  }
0x13c: {  	[tilespmem:v2+s2+$0x0] =	vst.idx.msk $0xffff, v10;
	v10 =	vld [tilespmem:$0x1FDF0];
	_ =	sdelay $0x3  }
0x13d: {  	v1 =	vunpack.i.u.bf16.f32 v1  }
0x13e: {  	v1 =	vadd.f32 v1, v8;
	v8 =	vunpack.i.u.bf16.f32 v5;
	v5 =	vunpack.i.l.bf16.f32 v5  }
0x13f: {  	v9 =	vmul.f32 v5, v7;
	_ =	sdelay $0x1  }
0x140: {  	[tilespmem:v10+s2+$0x0] =	vst.idx.msk $0xffff, v9;
	v9 =	vld [tilespmem:$0x1FE00];
	_ =	sdelay $0x5  }
0x141: {  	v2 =	vmul.f32 v8, v7;
	_ =	sdelay $0x1  }
0x142: {  	[tilespmem:v9+s2+$0x0] =	vst.idx.msk $0xffff, v2;
	v9 =	vld [tilespmem:$0x1FE10];
	_ =	sdelay $0x2  }
0x143: {  	v11 =	vmul.f32 $2.000000030e-01, v1  }
0x144: {  	vm9 =	vgt.f32 v1, $0.0e+00  }
0x145: {  	v1 =	vsel vm9, v1, v11  }
0x146: {  	v1 =	vsub.f32 v1, v61;
	v7 =	vmul.f32 v4, v7;
	_ =	sdelay $0x1  }
0x147: {  	v1 =	vmul.f32 $1.442695020e+00, v1;
	[tilespmem:v9+s2+$0x0] =	vst.idx.msk $0xffff, v7;
	v9 =	vld [tilespmem:$0x1FE20]  }
0x148: {  	v10 =	vld [tilespmem:$0x1FE30]  }
0x149: {  	v2 =	vpop (erf);
	(erf) = vpow2.f32 v1;
	v1 =	vld [tilespmem:$0x1FE40];
	_ =	sdelay $0x4  }
0x14a: {  	v7 =	vmul.f32 v3, v2  }
0x14b: {  	[tilespmem:v9+s2+$0x0] =	vst.idx.msk $0xffff, v2;
	v9 =	vmul.f32 v6, v2  }
0x14c: {  	[tilespmem:v10+s2+$0x0] =	vst.idx.msk $0xffff, v7  }
0x14d: {  	[tilespmem:v1+s2+$0x0] =	vst.idx.msk $0xffff, v9;
	v9 =	vld [tilespmem:$0x1FE50];
	_ =	sdelay $0x5  }
0x14e: {  	v7 =	vmul.f32 v5, v2;
	_ =	sdelay $0x1  }
0x14f: {  	[tilespmem:v9+s2+$0x0] =	vst.idx.msk $0xffff, v7;
	v7 =	vld [tilespmem:$0x1FE60];
	_ =	sdelay $0x5  }
0x150: {  	v1 =	vmul.f32 v8, v2;
	_ =	sdelay $0x1  }
0x151: {  	[tilespmem:v7+s2+$0x0] =	vst.idx.msk $0xffff, v1;
	v7 =	vld [tilespmem:$0x1FE70];
	_ =	sdelay $0x5  }
0x152: {  	v2 =	vmul.f32 v4, v2;
	_ =	sdelay $0x1  }
0x153: {  	[tilespmem:v7+s2+$0x0] =	vst.idx.msk $0xffff, v2;
	v7 =	vld [tilespmem:$0x1FE80]  }
0x154: {  	v9 =	vld [tilespmem:$0x1FE90];
	_ =	sdelay $0x4  }
0x155: {  	v1 =	vpop (erf)  }
0x156: {  	v2 =	vmul.f32 v1, v3  }
0x157: {  	[tilespmem:v7+s2+$0x0] =	vst.idx.msk $0xffff, v1  }
0x158: {  	[tilespmem:v9+s2+$0x0] =	vst.idx.msk $0xffff, v2;
	v9 =	vld [tilespmem:$0x1FEA0];
	_ =	sdelay $0x5  }
0x159: {  	v7 =	vmul.f32 v1, v6;
	_ =	sdelay $0x1  }
0x15a: {  	[tilespmem:v9+s2+$0x0] =	vst.idx.msk $0xffff, v7;
	v9 =	vld [tilespmem:$0x1FEB0];
	_ =	sdelay $0x5  }
0x15b: {  	v2 =	vmul.f32 v5, v1;
	_ =	sdelay $0x1  }
0x15c: {  	[tilespmem:v9+s2+$0x0] =	vst.idx.msk $0xffff, v2;
	v2 =	vld [tilespmem:$0x1FEC0];
	_ =	sdelay $0x5  }
0x15d: {  	v7 =	vmul.f32 v8, v1;
	_ =	sdelay $0x1  }
0x15e: {  	[tilespmem:v2+s2+$0x0] =	vst.idx.msk $0xffff, v7;
	v7 =	vld [tilespmem:$0x1FED0];
	_ =	sdelay $0x5  }
0x15f: {  	v1 =	vmul.f32 v4, v1  }
0x160: {  	v2 =	vpop (erf)  }
0x161: {  	[tilespmem:v7+s2+$0x0] =	vst.idx.msk $0xffff, v1;
	v1 =	vmul.f32 v3, v2;
	v3 =	vld [tilespmem:$0x1FEE0];
	_ =	sdelay $0x7  }
0x162: {  	[tilespmem:v3+s2+$0x0] =	vst.idx.msk $0xffff, v2;
	v3 =	vmul.f32 v2, v6;
	v6 =	vld [tilespmem:$0x1FEF0];
	_ =	sdelay $0x7  }
0x163: {  	[tilespmem:v6+s2+$0x0] =	vst.idx.msk $0xffff, v1;
	v1 =	vmul.f32 v5, v2;
	v5 =	vld [tilespmem:$0x1FF00];
	_ =	sdelay $0x7  }
0x164: {  	[tilespmem:v5+s2+$0x0] =	vst.idx.msk $0xffff, v3;
	v5 =	vld [tilespmem:$0x1FF10];
	_ =	sdelay $0x7  }
0x165: {  	v3 =	vmul.f32 v8, v2;
	[tilespmem:v5+s2+$0x0] =	vst.idx.msk $0xffff, v1;
	v1 =	vmul.f32 v4, v2;
	v2 =	vld [tilespmem:$0x1FF20];
	_ =	sdelay $0x7  }
0x166: {  	[tilespmem:v2+s2+$0x0] =	vst.idx.msk $0xffff, v3;
	v2 =	vld [tilespmem:$0x1FF30];
	_ =	sdelay $0x7  }
0x167: {  	[tilespmem:v2+s2+$0x0] =	vst.idx.msk $0xffff, v1  }
0x168: {  	v1 =	vld [tilespmem:$0x16078];
	_ =	sdelay $0x4  }
0x169: {  	v2 =	vmul.u32 $0xCCCD, v1;
	_ =	sdelay $0x1  }
0x16a: {  	v3 =	vld [tilespmem:$0x15FF8];
	v2 =	vshrl.u32 v2, $0x13  }
0x16b: {  	v4 =	vmul.u32 $0xFFFFFFF6, v2  }
0x16c: {  	v2 =	vmul.u32 $0x5, v2  }
0x16d: {  	v4 =	vadd.s32 v1, v4  }
0x16e: {  	vm10 =	vlt.s32 v4, $0x5;
	v2 =	vadd.s32 v2, v4  }
0x16f: {  	v2 =	vnsel vm10, $0x1388, v2  }
0x170: {  	[tilespmem:$0x161F8] =	vst v2  }
0x171: {  	v2 =	vld.idx.msk [tilespmem:v1+s24+$0x0], $0xffff  }
0x172: {  	v5 =	vadd.s32 $0x2718, v3;
	v4 =	vld.idx.msk [tilespmem:v3+s6+$0x0], $0xffff;
	_ =	sdelay $0x3  }
0x173: {  	v1 =	vadd.s32 $0x2718, v1;
	v6 =	vunpack.i.l.bf16.f32 v2  }
0x174: {  	v7 =	vadd.s32 $0x4E30, v3;
	v4 =	vadd.f32 v6, v4;
	v6 =	vld.idx.msk [tilespmem:v5+s6+$0x0], $0xffff;
	_ =	sdelay $0x1  }
0x175: {  	v8 =	vmul.f32 $2.000000030e-01, v4  }
0x176: {  	vm11 =	vgt.f32 v4, $0.0e+00  }
0x177: {  	v2 =	vunpack.i.u.bf16.f32 v2;
	v1 =	vld.idx.msk [tilespmem:v1+s24+$0x0], $0xffff;
	v4 =	vsel vm11, v4, v8  }
0x178: {  	v4 =	vsub.f32 v4, v60;
	v2 =	vadd.f32 v2, v6;
	v6 =	vld.idx.msk [tilespmem:v7+s6+$0x0], $0xffff;
	_ =	sdelay $0x1  }
0x179: {  	v4 =	vmul.f32 $1.442695020e+00, v4;
	v9 =	vmul.f32 $2.000000030e-01, v2  }
0x17a: {  	vm12 =	vgt.f32 v2, $0.0e+00  }
0x17b: {  	(erf) = vpow2.f32 v4;
	v2 =	vsel vm12, v2, v9;
	v4 =	vunpack.i.l.bf16.f32 v1  }
0x17c: {  	v2 =	vsub.f32 v2, v63;
	v4 =	vadd.f32 v4, v6;
	_ =	sdelay $0x1  }
0x17d: {  	v2 =	vmul.f32 $1.442695020e+00, v2;
	v6 =	vmul.f32 $2.000000030e-01, v4  }
0x17e: {  	vm13 =	vgt.f32 v4, $0.0e+00  }
0x17f: {  	(erf) = vpow2.f32 v2;
	v2 =	vsel vm13, v4, v6  }
0x180: {  	v2 =	vsub.f32 v2, v62  }
0x181: {  	v59 =	vld [tilespmem:$0x1FF50]  }
0x182: {  	v10 =	vld [tilespmem:$0x1FF40];
	v2 =	vmul.f32 $1.442695020e+00, v2  }
0x183: {  	v8 =	vadd.s32 $0x7548, v3;
	v3 =	vld.idx.msk [tilespmem:v3+s25+$0x0], $0xffff  }
0x184: {  	(erf) = vpow2.f32 v2;
	v2 =	vld [tilespmem:$0x1FF60];
	_ =	sdelay $0x3  }
0x185: {  	v4 =	vld.idx.msk [tilespmem:v7+s25+$0x0], $0xffff;
	v6 =	vunpack.i.u.bf16.f32 v3;
	v3 =	vunpack.i.l.bf16.f32 v3;
	v7 =	vpop (erf)  }
0x186: {  	v5 =	vld.idx.msk [tilespmem:v5+s25+$0x0], $0xffff;
	v9 =	vmul.f32 v3, v7  }
0x187: {  	v8 =	vld.idx.msk [tilespmem:v8+s6+$0x0], $0xffff;
	[tilespmem:v10+s2+$0x0] =	vst.idx.msk $0xffff, v7;
	v10 =	vmul.f32 v6, v7  }
0x188: {  	[tilespmem:v59+s2+$0x0] =	vst.idx.msk $0xffff, v9  }
0x189: {  	[tilespmem:v2+s2+$0x0] =	vst.idx.msk $0xffff, v10;
	v10 =	vld [tilespmem:$0x1FF70];
	_ =	sdelay $0x3  }
0x18a: {  	v1 =	vunpack.i.u.bf16.f32 v1  }
0x18b: {  	v1 =	vadd.f32 v1, v8;
	v8 =	vunpack.i.u.bf16.f32 v5;
	v5 =	vunpack.i.l.bf16.f32 v5  }
0x18c: {  	v9 =	vmul.f32 v5, v7;
	_ =	sdelay $0x1  }
0x18d: {  	[tilespmem:v10+s2+$0x0] =	vst.idx.msk $0xffff, v9;
	v9 =	vld [tilespmem:$0x1FF80];
	_ =	sdelay $0x5  }
0x18e: {  	v2 =	vmul.f32 v8, v7;
	_ =	sdelay $0x1  }
0x18f: {  	[tilespmem:v9+s2+$0x0] =	vst.idx.msk $0xffff, v2;
	v9 =	vld [tilespmem:$0x1FF90];
	_ =	sdelay $0x2  }
0x190: {  	v11 =	vmul.f32 $2.000000030e-01, v1  }
0x191: {  	vm14 =	vgt.f32 v1, $0.0e+00  }
0x192: {  	v1 =	vsel vm14, v1, v11  }
0x193: {  	v1 =	vsub.f32 v1, v61;
	v7 =	vmul.f32 v4, v7;
	_ =	sdelay $0x1  }
0x194: {  	v1 =	vmul.f32 $1.442695020e+00, v1;
	[tilespmem:v9+s2+$0x0] =	vst.idx.msk $0xffff, v7;
	v9 =	vld [tilespmem:$0x1FFA0]  }
0x195: {  	v10 =	vld [tilespmem:$0x1FFB0]  }
0x196: {  	v2 =	vpop (erf);
	(erf) = vpow2.f32 v1;
	v1 =	vld [tilespmem:$0x1FFC0];
	_ =	sdelay $0x4  }
0x197: {  	v7 =	vmul.f32 v3, v2  }
0x198: {  	[tilespmem:v9+s2+$0x0] =	vst.idx.msk $0xffff, v2;
	v9 =	vmul.f32 v6, v2  }
0x199: {  	[tilespmem:v10+s2+$0x0] =	vst.idx.msk $0xffff, v7  }
0x19a: {  	[tilespmem:v1+s2+$0x0] =	vst.idx.msk $0xffff, v9;
	v9 =	vld [tilespmem:$0x1FFD0];
	_ =	sdelay $0x5  }
0x19b: {  	v7 =	vmul.f32 v5, v2;
	_ =	sdelay $0x1  }
0x19c: {  	[tilespmem:v9+s2+$0x0] =	vst.idx.msk $0xffff, v7;
	v7 =	vld [tilespmem:$0x1FFE0];
	_ =	sdelay $0x5  }
0x19d: {  	v1 =	vmul.f32 v8, v2;
	_ =	sdelay $0x1  }
0x19e: {  	[tilespmem:v7+s2+$0x0] =	vst.idx.msk $0xffff, v1;
	v7 =	vld [tilespmem:$0x1FFF0];
	_ =	sdelay $0x3  }
0x19f: {  	v11 =	vor.u32 $0x40A, v0;
	v10 =	vor.u32 $0x416, v0  }
0x1a0: {  	[tilespmem:$0x1F720] =	vst v11  }
0x1a1: {  	v2 =	vmul.f32 v4, v2;
	[tilespmem:$0x1F710] =	vst v10;
	v9 =	vor.u32 $0x40B, v0  }
0x1a2: {  	[tilespmem:$0x1F730] =	vst v9;
	v1 =	vpop (erf)  }
0x1a3: {  	v30 =	vor.u32 $0x40C, v0;
	[tilespmem:v7+s2+$0x0] =	vst.idx.msk $0xffff, v2;
	v2 =	vmul.f32 v1, v3  }
0x1a4: {  	v13 =	vor.u32 $0x40D, v0;
	[tilespmem:v10+s2+$0x0] =	vst.idx.msk $0xffff, v1  }
0x1a5: {  	v7 =	vmul.f32 v1, v6;
	v10 =	vor.u32 $0x40E, v0;
	[tilespmem:v11+s2+$0x0] =	vst.idx.msk $0xffff, v2;
	v2 =	vmul.f32 v5, v1  }
0x1a6: {  	v11 =	vor.u32 $0x417, v0;
	[tilespmem:$0x1F760] =	vst v10  }
0x1a7: {  	[tilespmem:v9+s2+$0x0] =	vst.idx.msk $0xffff, v7;
	v7 =	vmul.f32 v8, v1;
	v9 =	vor.u32 $0x40F, v0  }
0x1a8: {  	v31 =	vor.u32 $0x410, v0;
	v1 =	vmul.f32 v4, v1;
	[tilespmem:v30+s2+$0x0] =	vst.idx.msk $0xffff, v2  }
0x1a9: {  	[tilespmem:v13+s2+$0x0] =	vst.idx.msk $0xffff, v7;
	v7 =	vor.u32 $0x411, v0;
	v2 =	vpop (erf)  }
0x1aa: {  	[tilespmem:v10+s2+$0x0] =	vst.idx.msk $0xffff, v1;
	v10 =	vor.u32 $0x412, v0;
	v1 =	vmul.f32 v3, v2  }
0x1ab: {  	[tilespmem:v11+s2+$0x0] =	vst.idx.msk $0xffff, v2;
	v3 =	vmul.f32 v2, v6;
	v6 =	vor.u32 $0x413, v0  }
0x1ac: {  	[tilespmem:v9+s2+$0x0] =	vst.idx.msk $0xffff, v1;
	v1 =	vmul.f32 v5, v2  }
0x1ad: {  	[tilespmem:v31+s2+$0x0] =	vst.idx.msk $0xffff, v3;
	v3 =	vmul.f32 v8, v2  }
0x1ae: {  	[tilespmem:v7+s2+$0x0] =	vst.idx.msk $0xffff, v1;
	v1 =	vmul.f32 v4, v2  }
0x1af: {  	[tilespmem:v10+s2+$0x0] =	vst.idx.msk $0xffff, v3  }
0x1b0: {  	[tilespmem:v6+s2+$0x0] =	vst.idx.msk $0xffff, v1  }
0x1b1: {  	v1 =	vld [tilespmem:$0x16088];
	_ =	sdelay $0x4  }
0x1b2: {  	v2 =	vmul.u32 $0xCCCD, v1;
	_ =	sdelay $0x1  }
0x1b3: {  	v3 =	vld [tilespmem:$0x16008];
	v2 =	vshrl.u32 v2, $0x13  }
0x1b4: {  	v4 =	vmul.u32 $0xFFFFFFF6, v2  }
0x1b5: {  	v2 =	vmul.u32 $0x5, v2  }
0x1b6: {  	v4 =	vadd.s32 v1, v4  }
0x1b7: {  	vm15 =	vlt.s32 v4, $0x5;
	v2 =	vadd.s32 v2, v4  }
0x1b8: {  	v2 =	vnsel vm15, $0x1388, v2  }
0x1b9: {  	[tilespmem:$0x16208] =	vst v2  }
0x1ba: {  	v2 =	vld.idx.msk [tilespmem:v1+s24+$0x0], $0xffff  }
0x1bb: {  	v4 =	vld.idx.msk [tilespmem:v3+s6+$0x0], $0xffff;
	_ =	sdelay $0x1  }
0x1bc: {  	v5 =	vadd.s32 $0x2718, v3;
	_ =	sdelay $0x1  }
0x1bd: {  	[tilespmem:$0x1F7C0] =	vst v6;
	v6 =	vunpack.i.l.bf16.f32 v2  }
0x1be: {  	v4 =	vadd.f32 v6, v4  }
0x1bf: {  	v1 =	vadd.s32 $0x2718, v1  }
0x1c0: {  	[tilespmem:$0x1F7A0] =	vst v7;
	v8 =	vadd.s32 $0x4E30, v3;
	v6 =	vld.idx.msk [tilespmem:v5+s6+$0x0], $0xffff;
	v7 =	vmul.f32 $2.000000030e-01, v4  }
0x1c1: {  	vm4 =	vgt.f32 v4, $0.0e+00  }
0x1c2: {  	v4 =	vsel vm4, v4, v7  }
0x1c3: {  	v4 =	vsub.f32 v4, v60  }
0x1c4: {  	v2 =	vunpack.i.u.bf16.f32 v2;
	v1 =	vld.idx.msk [tilespmem:v1+s24+$0x0], $0xffff  }
0x1c5: {  	v2 =	vadd.f32 v2, v6;
	v6 =	vld.idx.msk [tilespmem:v8+s6+$0x0], $0xffff;
	v4 =	vmul.f32 $1.442695020e+00, v4;
	_ =	sdelay $0x1  }
0x1c6: {  	(erf) = vpow2.f32 v4;
	v4 =	vmul.f32 $2.000000030e-01, v2  }
0x1c7: {  	v7 =	vadd.s32 $0x7548, v3;
	vm5 =	vgt.f32 v2, $0.0e+00  }
0x1c8: {  	v2 =	vsel vm5, v2, v4;
	v4 =	vunpack.i.l.bf16.f32 v1  }
0x1c9: {  	v3 =	vld.idx.msk [tilespmem:v3+s25+$0x0], $0xffff;
	v4 =	vadd.f32 v4, v6;
	_ =	sdelay $0x1  }
0x1ca: {  	[tilespmem:$0x1F780] =	vst v9;
	v2 =	vsub.f32 v2, v63;
	v9 =	vmul.f32 $2.000000030e-01, v4  }
0x1cb: {  	v33 =	vor.u32 $0x600, v0;
	[tilespmem:$0x1F770] =	vst v11;
	v11 =	vor.u32 $0x614, v0;
	v6 =	vld.idx.msk [tilespmem:v7+s6+$0x0], $0xffff  }
0x1cc: {  	v14 =	vor.u32 $0x601, v0;
	v15 =	vor.u32 $0x602, v0;
	v5 =	vld.idx.msk [tilespmem:v5+s25+$0x0], $0xffff;
	v2 =	vmul.f32 $1.442695020e+00, v2  }
0x1cd: {  	v16 =	vor.u32 $0x603, v0;
	v7 =	vunpack.i.u.bf16.f32 v3;
	vm6 =	vgt.f32 v4, $0.0e+00  }
0x1ce: {  	[tilespmem:$0x1F7B0] =	vst v10;
	v3 =	vunpack.i.l.bf16.f32 v3;
	(erf) = vpow2.f32 v2;
	v4 =	vsel vm6, v4, v9;
	v9 =	vpop (erf)  }
0x1cf: {  	[tilespmem:$0x1F7D0] =	vst v11;
	v1 =	vunpack.i.u.bf16.f32 v1;
	v4 =	vsub.f32 v4, v62;
	v10 =	vmul.f32 v3, v9  }
0x1d0: {  	v8 =	vld.idx.msk [tilespmem:v8+s25+$0x0], $0xffff;
	v1 =	vadd.f32 v1, v6;
	v6 =	vmul.f32 v7, v9;
	[tilespmem:v11+s2+$0x0] =	vst.idx.msk $0xffff, v9  }
0x1d1: {  	v2 =	vunpack.i.u.bf16.f32 v5;
	v5 =	vunpack.i.l.bf16.f32 v5;
	v4 =	vmul.f32 $1.442695020e+00, v4;
	[tilespmem:v33+s2+$0x0] =	vst.idx.msk $0xffff, v10  }
0x1d2: {  	v17 =	vor.u32 $0x604, v0;
	v11 =	vmul.f32 v5, v9;
	v10 =	vor.u32 $0x615, v0;
	[tilespmem:v14+s2+$0x0] =	vst.idx.msk $0xffff, v6  }
0x1d3: {  	(erf) = vpow2.f32 v4;
	v4 =	vmul.f32 v2, v9;
	[tilespmem:$0x1F830] =	vst v10  }
0x1d4: {  	v35 =	vor.u32 $0x605, v0;
	v34 =	vmul.f32 $2.000000030e-01, v1;
	[tilespmem:v15+s2+$0x0] =	vst.idx.msk $0xffff, v11  }
0x1d5: {  	vm7 =	vgt.f32 v1, $0.0e+00;
	v6 =	vmul.f32 v8, v9;
	v11 =	vor.u32 $0x606, v0;
	[tilespmem:v16+s2+$0x0] =	vst.idx.msk $0xffff, v4  }
0x1d6: {  	v1 =	vsel vm7, v1, v34;
	[tilespmem:$0x1F850] =	vst v11  }
0x1d7: {  	v36 =	vor.u32 $0x607, v0;
	v1 =	vsub.f32 v1, v61;
	v4 =	vpop (erf);
	[tilespmem:v17+s2+$0x0] =	vst.idx.msk $0xffff, v6  }
0x1d8: {  	v6 =	vmul.f32 v3, v4;
	[tilespmem:v10+s2+$0x0] =	vst.idx.msk $0xffff, v4;
	v10 =	vor.u32 $0x609, v0  }
0x1d9: {  	v1 =	vmul.f32 $1.442695020e+00, v1;
	v9 =	vmul.f32 v7, v4;
	[tilespmem:$0x1F880] =	vst v10  }
0x1da: {  	v37 =	vor.u32 $0x608, v0;
	[tilespmem:v35+s2+$0x0] =	vst.idx.msk $0xffff, v6;
	v6 =	vmul.f32 v5, v4  }
0x1db: {  	(erf) = vpow2.f32 v1;
	v1 =	vmul.f32 v2, v4;
	[tilespmem:v11+s2+$0x0] =	vst.idx.msk $0xffff, v9  }
0x1dc: {  	v38 =	vor.u32 $0x616, v0;
	v9 =	vor.u32 $0x60A, v0;
	[tilespmem:v36+s2+$0x0] =	vst.idx.msk $0xffff, v6  }
0x1dd: {  	v11 =	vor.u32 $0x60B, v0;
	[tilespmem:$0x1F8A0] =	vst v9  }
0x1de: {  	v4 =	vmul.f32 v8, v4;
	[tilespmem:$0x1F8B0] =	vst v11  }
0x1df: {  	[tilespmem:v37+s2+$0x0] =	vst.idx.msk $0xffff, v1;
	v1 =	vpop (erf)  }
0x1e0: {  	v39 =	vor.u32 $0x60C, v0;
	[tilespmem:v10+s2+$0x0] =	vst.idx.msk $0xffff, v4;
	v4 =	vmul.f32 v1, v3  }
0x1e1: {  	v10 =	vor.u32 $0x60D, v0;
	[tilespmem:v38+s2+$0x0] =	vst.idx.msk $0xffff, v1  }
0x1e2: {  	v40 =	vor.u32 $0x60E, v0;
	v6 =	vmul.f32 v1, v7;
	[tilespmem:v9+s2+$0x0] =	vst.idx.msk $0xffff, v4;
	v4 =	vmul.f32 v5, v1  }
0x1e3: {  	[tilespmem:$0x1F8D0] =	vst v10;
	v9 =	vor.u32 $0x617, v0  }
0x1e4: {  	[tilespmem:v11+s2+$0x0] =	vst.idx.msk $0xffff, v6;
	v6 =	vmul.f32 v2, v1;
	v11 =	vor.u32 $0x60F, v0  }
0x1e5: {  	v41 =	vor.u32 $0x610, v0;
	v1 =	vmul.f32 v8, v1;
	[tilespmem:v39+s2+$0x0] =	vst.idx.msk $0xffff, v4  }
0x1e6: {  	[tilespmem:v10+s2+$0x0] =	vst.idx.msk $0xffff, v6;
	v6 =	vor.u32 $0x611, v0;
	v4 =	vpop (erf)  }
0x1e7: {  	v10 =	vor.u32 $0x612, v0;
	[tilespmem:v40+s2+$0x0] =	vst.idx.msk $0xffff, v1;
	v1 =	vmul.f32 v3, v4  }
0x1e8: {  	[tilespmem:v9+s2+$0x0] =	vst.idx.msk $0xffff, v4;
	v3 =	vmul.f32 v4, v7;
	v7 =	vor.u32 $0x613, v0  }
0x1e9: {  	[tilespmem:v11+s2+$0x0] =	vst.idx.msk $0xffff, v1;
	v1 =	vmul.f32 v5, v4  }
0x1ea: {  	v2 =	vmul.f32 v2, v4;
	[tilespmem:v41+s2+$0x0] =	vst.idx.msk $0xffff, v3  }
0x1eb: {  	[tilespmem:v6+s2+$0x0] =	vst.idx.msk $0xffff, v1;
	v1 =	vmul.f32 v8, v4  }
0x1ec: {  	[tilespmem:v10+s2+$0x0] =	vst.idx.msk $0xffff, v2  }
0x1ed: {  	[tilespmem:v7+s2+$0x0] =	vst.idx.msk $0xffff, v1  }
0x1ee: {  	v1 =	vld [tilespmem:$0x16098];
	_ =	sdelay $0x4  }
0x1ef: {  	v2 =	vmul.u32 $0xCCCD, v1;
	_ =	sdelay $0x1  }
0x1f0: {  	v3 =	vld [tilespmem:$0x16018];
	v2 =	vshrl.u32 v2, $0x13  }
0x1f1: {  	v4 =	vmul.u32 $0xFFFFFFF6, v2  }
0x1f2: {  	v2 =	vmul.u32 $0x5, v2  }
0x1f3: {  	v4 =	vadd.s32 v1, v4  }
0x1f4: {  	vm8 =	vlt.s32 v4, $0x5;
	v2 =	vadd.s32 v2, v4  }
0x1f5: {  	v2 =	vnsel vm8, $0x1388, v2  }
0x1f6: {  	[tilespmem:$0x16218] =	vst v2  }
0x1f7: {  	v2 =	vld.idx.msk [tilespmem:v1+s24+$0x0], $0xffff  }
0x1f8: {  	v4 =	vld.idx.msk [tilespmem:v3+s6+$0x0], $0xffff;
	_ =	sdelay $0x1  }
0x1f9: {  	v5 =	vadd.s32 $0x2718, v3;
	_ =	sdelay $0x1  }
0x1fa: {  	[tilespmem:$0x1F920] =	vst v6;
	v6 =	vunpack.i.l.bf16.f32 v2  }
0x1fb: {  	v4 =	vadd.f32 v6, v4  }
0x1fc: {  	v1 =	vadd.s32 $0x2718, v1  }
0x1fd: {  	[tilespmem:$0x1F940] =	vst v7;
	v8 =	vadd.s32 $0x4E30, v3;
	v6 =	vld.idx.msk [tilespmem:v5+s6+$0x0], $0xffff;
	v7 =	vmul.f32 $2.000000030e-01, v4  }
0x1fe: {  	vm9 =	vgt.f32 v4, $0.0e+00  }
0x1ff: {  	v4 =	vsel vm9, v4, v7  }
0x200: {  	v4 =	vsub.f32 v4, v60  }
0x201: {  	v2 =	vunpack.i.u.bf16.f32 v2;
	v1 =	vld.idx.msk [tilespmem:v1+s24+$0x0], $0xffff  }
0x202: {  	v2 =	vadd.f32 v2, v6;
	v6 =	vld.idx.msk [tilespmem:v8+s6+$0x0], $0xffff;
	v4 =	vmul.f32 $1.442695020e+00, v4;
	_ =	sdelay $0x1  }
0x203: {  	(erf) = vpow2.f32 v4;
	v4 =	vmul.f32 $2.000000030e-01, v2  }
0x204: {  	v7 =	vadd.s32 $0x7548, v3;
	vm10 =	vgt.f32 v2, $0.0e+00  }
0x205: {  	v2 =	vsel vm10, v2, v4;
	v4 =	vunpack.i.l.bf16.f32 v1  }
0x206: {  	v3 =	vld.idx.msk [tilespmem:v3+s25+$0x0], $0xffff;
	v4 =	vadd.f32 v4, v6  }
0x207: {  	[tilespmem:$0x1F800] =	vst v15  }
0x208: {  	[tilespmem:$0x1F8F0] =	vst v9;
	v2 =	vsub.f32 v2, v63;
	v9 =	vmul.f32 $2.000000030e-01, v4  }
0x209: {  	v42 =	vor.u32 $0x800, v0;
	[tilespmem:$0x1F900] =	vst v11;
	v11 =	vor.u32 $0x814, v0;
	v6 =	vld.idx.msk [tilespmem:v7+s6+$0x0], $0xffff  }
0x20a: {  	v43 =	vor.u32 $0x801, v0;
	[tilespmem:$0x1F810] =	vst v16;
	v15 =	vor.u32 $0x802, v0;
	v5 =	vld.idx.msk [tilespmem:v5+s25+$0x0], $0xffff;
	v2 =	vmul.f32 $1.442695020e+00, v2  }
0x20b: {  	[tilespmem:$0x1F820] =	vst v17;
	v16 =	vor.u32 $0x803, v0;
	v7 =	vunpack.i.u.bf16.f32 v3;
	vm11 =	vgt.f32 v4, $0.0e+00  }
0x20c: {  	[tilespmem:$0x1F930] =	vst v10;
	v3 =	vunpack.i.l.bf16.f32 v3;
	(erf) = vpow2.f32 v2;
	v4 =	vsel vm11, v4, v9;
	v9 =	vpop (erf)  }
0x20d: {  	[tilespmem:$0x1F950] =	vst v11;
	v1 =	vunpack.i.u.bf16.f32 v1;
	v4 =	vsub.f32 v4, v62;
	v10 =	vmul.f32 v3, v9  }
0x20e: {  	v8 =	vld.idx.msk [tilespmem:v8+s25+$0x0], $0xffff;
	v1 =	vadd.f32 v1, v6;
	v6 =	vmul.f32 v7, v9;
	[tilespmem:v11+s2+$0x0] =	vst.idx.msk $0xffff, v9  }
0x20f: {  	v2 =	vunpack.i.u.bf16.f32 v5;
	v5 =	vunpack.i.l.bf16.f32 v5;
	v4 =	vmul.f32 $1.442695020e+00, v4;
	[tilespmem:v42+s2+$0x0] =	vst.idx.msk $0xffff, v10  }
0x210: {  	v17 =	vor.u32 $0x804, v0;
	v11 =	vmul.f32 v5, v9;
	v10 =	vor.u32 $0x815, v0;
	[tilespmem:v43+s2+$0x0] =	vst.idx.msk $0xffff, v6  }
0x211: {  	(erf) = vpow2.f32 v4;
	v4 =	vmul.f32 v2, v9;
	[tilespmem:$0x1F9B0] =	vst v10  }
0x212: {  	v45 =	vor.u32 $0x805, v0;
	v44 =	vmul.f32 $2.000000030e-01, v1;
	[tilespmem:v15+s2+$0x0] =	vst.idx.msk $0xffff, v11  }
0x213: {  	vm12 =	vgt.f32 v1, $0.0e+00;
	v6 =	vmul.f32 v8, v9;
	v11 =	vor.u32 $0x806, v0;
	[tilespmem:v16+s2+$0x0] =	vst.idx.msk $0xffff, v4  }
0x214: {  	v1 =	vsel vm12, v1, v44;
	[tilespmem:$0x1F9D0] =	vst v11  }
0x215: {  	v46 =	vor.u32 $0x807, v0;
	v1 =	vsub.f32 v1, v61;
	v4 =	vpop (erf);
	[tilespmem:v17+s2+$0x0] =	vst.idx.msk $0xffff, v6  }
0x216: {  	v6 =	vmul.f32 v3, v4;
	[tilespmem:v10+s2+$0x0] =	vst.idx.msk $0xffff, v4;
	v10 =	vor.u32 $0x809, v0  }
0x217: {  	v1 =	vmul.f32 $1.442695020e+00, v1;
	v9 =	vmul.f32 v7, v4;
	[tilespmem:$0x1FA00] =	vst v10  }
0x218: {  	v47 =	vor.u32 $0x808, v0;
	[tilespmem:v45+s2+$0x0] =	vst.idx.msk $0xffff, v6;
	v6 =	vmul.f32 v5, v4  }
0x219: {  	(erf) = vpow2.f32 v1;
	v1 =	vmul.f32 v2, v4;
	[tilespmem:v11+s2+$0x0] =	vst.idx.msk $0xffff, v9  }
0x21a: {  	v48 =	vor.u32 $0x816, v0;
	v9 =	vor.u32 $0x80A, v0;
	[tilespmem:v46+s2+$0x0] =	vst.idx.msk $0xffff, v6  }
0x21b: {  	v11 =	vor.u32 $0x80B, v0;
	[tilespmem:$0x1FA20] =	vst v9  }
0x21c: {  	v4 =	vmul.f32 v8, v4;
	[tilespmem:$0x1FA30] =	vst v11  }
0x21d: {  	[tilespmem:v47+s2+$0x0] =	vst.idx.msk $0xffff, v1;
	v1 =	vpop (erf)  }
0x21e: {  	v49 =	vor.u32 $0x80C, v0;
	[tilespmem:v10+s2+$0x0] =	vst.idx.msk $0xffff, v4;
	v4 =	vmul.f32 v1, v3  }
0x21f: {  	v10 =	vor.u32 $0x80D, v0;
	[tilespmem:v48+s2+$0x0] =	vst.idx.msk $0xffff, v1  }
0x220: {  	v50 =	vor.u32 $0x80E, v0;
	v6 =	vmul.f32 v1, v7;
	[tilespmem:v9+s2+$0x0] =	vst.idx.msk $0xffff, v4;
	v4 =	vmul.f32 v5, v1  }
0x221: {  	[tilespmem:$0x1FA50] =	vst v10;
	v9 =	vor.u32 $0x817, v0  }
0x222: {  	[tilespmem:v11+s2+$0x0] =	vst.idx.msk $0xffff, v6;
	v6 =	vmul.f32 v2, v1;
	v11 =	vor.u32 $0x80F, v0  }
0x223: {  	v51 =	vor.u32 $0x810, v0;
	v1 =	vmul.f32 v8, v1;
	[tilespmem:v49+s2+$0x0] =	vst.idx.msk $0xffff, v4  }
0x224: {  	[tilespmem:v10+s2+$0x0] =	vst.idx.msk $0xffff, v6;
	v6 =	vor.u32 $0x811, v0;
	v4 =	vpop (erf)  }
0x225: {  	v10 =	vor.u32 $0x812, v0;
	[tilespmem:v50+s2+$0x0] =	vst.idx.msk $0xffff, v1;
	v1 =	vmul.f32 v3, v4  }
0x226: {  	[tilespmem:v9+s2+$0x0] =	vst.idx.msk $0xffff, v4;
	v3 =	vmul.f32 v4, v7;
	v7 =	vor.u32 $0x813, v0  }
0x227: {  	[tilespmem:v11+s2+$0x0] =	vst.idx.msk $0xffff, v1;
	v1 =	vmul.f32 v5, v4  }
0x228: {  	v2 =	vmul.f32 v2, v4;
	[tilespmem:v51+s2+$0x0] =	vst.idx.msk $0xffff, v3  }
0x229: {  	[tilespmem:v6+s2+$0x0] =	vst.idx.msk $0xffff, v1;
	v1 =	vmul.f32 v8, v4  }
0x22a: {  	[tilespmem:v10+s2+$0x0] =	vst.idx.msk $0xffff, v2  }
0x22b: {  	[tilespmem:v7+s2+$0x0] =	vst.idx.msk $0xffff, v1  }
0x22c: {  	v1 =	vld [tilespmem:$0x160A8];
	_ =	sdelay $0x4  }
0x22d: {  	v2 =	vmul.u32 $0xCCCD, v1;
	_ =	sdelay $0x1  }
0x22e: {  	v3 =	vld [tilespmem:$0x16028];
	v2 =	vshrl.u32 v2, $0x13  }
0x22f: {  	v4 =	vmul.u32 $0xFFFFFFF6, v2  }
0x230: {  	v2 =	vmul.u32 $0x5, v2  }
0x231: {  	v4 =	vadd.s32 v1, v4  }
0x232: {  	vm13 =	vlt.s32 v4, $0x5;
	v2 =	vadd.s32 v2, v4  }
0x233: {  	v2 =	vnsel vm13, $0x1388, v2  }
0x234: {  	[tilespmem:$0x16228] =	vst v2  }
0x235: {  	v2 =	vld.idx.msk [tilespmem:v1+s24+$0x0], $0xffff  }
0x236: {  	v5 =	vadd.s32 $0x2718, v3;
	v4 =	vld.idx.msk [tilespmem:v3+s6+$0x0], $0xffff;
	_ =	sdelay $0x2  }
0x237: {  	[tilespmem:$0x1FAA0] =	vst v6;
	v1 =	vadd.s32 $0x2718, v1  }
0x238: {  	[tilespmem:$0x1FAC0] =	vst v7;
	v6 =	vadd.s32 $0x4E30, v3;
	v7 =	vunpack.i.l.bf16.f32 v2  }
0x239: {  	v4 =	vadd.f32 v7, v4;
	v7 =	vld.idx.msk [tilespmem:v5+s6+$0x0], $0xffff;
	_ =	sdelay $0x1  }
0x23a: {  	[tilespmem:$0x1FA70] =	vst v9;
	v9 =	vmul.f32 $2.000000030e-01, v4  }
0x23b: {  	v1 =	vld.idx.msk [tilespmem:v1+s24+$0x0], $0xffff;
	vm14 =	vgt.f32 v4, $0.0e+00  }
0x23c: {  	v8 =	vld.idx.msk [tilespmem:v6+s6+$0x0], $0xffff;
	v2 =	vunpack.i.u.bf16.f32 v2;
	v4 =	vsel vm14, v4, v9  }
0x23d: {  	v4 =	vsub.f32 v4, v60;
	v2 =	vadd.f32 v2, v7;
	v7 =	vadd.s32 $0x7548, v3;
	_ =	sdelay $0x1  }
0x23e: {  	v4 =	vmul.f32 $1.442695020e+00, v4  }
0x23f: {  	v9 =	vunpack.i.l.bf16.f32 v1  }
0x240: {  	v8 =	vadd.f32 v9, v8;
	v9 =	vmul.f32 $2.000000030e-01, v2;
	(erf) = vpow2.f32 v4  }
0x241: {  	vm15 =	vgt.f32 v2, $0.0e+00;
	v7 =	vld.idx.msk [tilespmem:v7+s6+$0x0], $0xffff  }
0x242: {  	v4 =	vmul.f32 $2.000000030e-01, v8;
	v2 =	vsel vm15, v2, v9  }
0x243: {  	[tilespmem:$0x1F740] =	vst v30;
	v3 =	vld.idx.msk [tilespmem:v3+s25+$0x0], $0xffff;
	vm4 =	vgt.f32 v8, $0.0e+00;
	v2 =	vsub.f32 v2, v63  }
0x244: {  	[tilespmem:$0x1F790] =	vst v31;
	v1 =	vunpack.i.u.bf16.f32 v1;
	v4 =	vsel vm4, v8, v4  }
0x245: {  	[tilespmem:$0x1F980] =	vst v15;
	v9 =	vor.u32 $0xA14, v0;
	v4 =	vsub.f32 v4, v62;
	v2 =	vmul.f32 $1.442695020e+00, v2  }
0x246: {  	v52 =	vor.u32 $0xA00, v0;
	v53 =	vor.u32 $0xA02, v0;
	[tilespmem:$0x1FA80] =	vst v11;
	v5 =	vld.idx.msk [tilespmem:v5+s25+$0x0], $0xffff;
	v1 =	vadd.f32 v1, v7  }
0x247: {  	[tilespmem:$0x1FAB0] =	vst v10;
	v11 =	vor.u32 $0xA01, v0;
	v4 =	vmul.f32 $1.442695020e+00, v4;
	(erf) = vpow2.f32 v2  }
0x248: {  	v54 =	vor.u32 $0xA03, v0;
	[tilespmem:$0x1FAF0] =	vst v11;
	v2 =	vunpack.i.u.bf16.f32 v3;
	v10 =	vmul.f32 $2.000000030e-01, v1  }
0x249: {  	[tilespmem:$0x1FAD0] =	vst v9;
	v3 =	vunpack.i.l.bf16.f32 v3;
	(erf) = vpow2.f32 v4;
	v4 =	vld.idx.msk [tilespmem:v6+s25+$0x0], $0xffff;
	vm5 =	vgt.f32 v1, $0.0e+00;
	v7 =	vpop (erf)  }
0x24a: {  	v8 =	vmul.f32 v3, v7;
	[tilespmem:v9+s2+$0x0] =	vst.idx.msk $0xffff, v7;
	v1 =	vsel vm5, v1, v10;
	v10 =	vor.u32 $0xA05, v0  }
0x24b: {  	v6 =	vunpack.i.u.bf16.f32 v5;
	v5 =	vunpack.i.l.bf16.f32 v5;
	v9 =	vmul.f32 v2, v7;
	[tilespmem:$0x1FB40] =	vst v10  }
0x24c: {  	v15 =	vor.u32 $0xA04, v0;
	[tilespmem:v52+s2+$0x0] =	vst.idx.msk $0xffff, v8;
	v8 =	vmul.f32 v5, v7  }
0x24d: {  	v55 =	vor.u32 $0xA15, v0;
	[tilespmem:v11+s2+$0x0] =	vst.idx.msk $0xffff, v9  }
0x24e: {  	v9 =	vmul.f32 v6, v7;
	v11 =	vor.u32 $0xA06, v0;
	[tilespmem:v53+s2+$0x0] =	vst.idx.msk $0xffff, v8  }
0x24f: {  	v7 =	vmul.f32 v4, v7;
	[tilespmem:$0x1FB50] =	vst v11  }
0x250: {  	v1 =	vsub.f32 v1, v61;
	[tilespmem:v54+s2+$0x0] =	vst.idx.msk $0xffff, v9;
	v8 =	vpop (erf)  }
0x251: {  	v56 =	vor.u32 $0xA07, v0;
	[tilespmem:v15+s2+$0x0] =	vst.idx.msk $0xffff, v7;
	v7 =	vmul.f32 v3, v8  }
0x252: {  	v1 =	vmul.f32 $1.442695020e+00, v1;
	[tilespmem:v55+s2+$0x0] =	vst.idx.msk $0xffff, v8;
	v9 =	vmul.f32 v2, v8  }
0x253: {  	v57 =	vor.u32 $0xA08, v0;
	[tilespmem:v10+s2+$0x0] =	vst.idx.msk $0xffff, v7  }
0x254: {  	(erf) = vpow2.f32 v1;
	v1 =	vmul.f32 v5, v8;
	v10 =	vor.u32 $0xA16, v0;
	[tilespmem:v11+s2+$0x0] =	vst.idx.msk $0xffff, v9  }
0x255: {  	v58 =	vor.u32 $0xA09, v0;
	v7 =	vmul.f32 v6, v8;
	[tilespmem:$0x1FB90] =	vst v10  }
0x256: {  	v9 =	vor.u32 $0xA0A, v0;
	[tilespmem:v56+s2+$0x0] =	vst.idx.msk $0xffff, v1  }
0x257: {  	v11 =	vor.u32 $0xA0B, v0;
	[tilespmem:$0x1FBA0] =	vst v9  }
0x258: {  	v1 =	vmul.f32 v4, v8;
	[tilespmem:$0x1FBB0] =	vst v11  }
0x259: {  	v59 =	vor.u32 $0xA0C, v0;
	[tilespmem:v57+s2+$0x0] =	vst.idx.msk $0xffff, v7;
	v7 =	vpop (erf)  }
0x25a: {  	v30 =	vor.u32 $0xA0D, v0;
	[tilespmem:v58+s2+$0x0] =	vst.idx.msk $0xffff, v1;
	v1 =	vmul.f32 v7, v3  }
0x25b: {  	[tilespmem:v10+s2+$0x0] =	vst.idx.msk $0xffff, v7;
	v8 =	vmul.f32 v7, v2;
	v10 =	vor.u32 $0xA0E, v0  }
0x25c: {  	[tilespmem:v9+s2+$0x0] =	vst.idx.msk $0xffff, v1;
	v1 =	vmul.f32 v5, v7;
	v9 =	vor.u32 $0xA17, v0  }
0x25d: {  	[tilespmem:v11+s2+$0x0] =	vst.idx.msk $0xffff, v8;
	v8 =	vmul.f32 v6, v7;
	v11 =	vor.u32 $0xA0F, v0  }
0x25e: {  	v31 =	vor.u32 $0xA10, v0;
	[tilespmem:v59+s2+$0x0] =	vst.idx.msk $0xffff, v1;
	v1 =	vmul.f32 v4, v7  }
0x25f: {  	v7 =	vpop (erf);
	[tilespmem:v30+s2+$0x0] =	vst.idx.msk $0xffff, v8;
	v8 =	vor.u32 $0xA11, v0  }
0x260: {  	[tilespmem:v10+s2+$0x0] =	vst.idx.msk $0xffff, v1;
	v1 =	vmul.f32 v3, v7;
	v3 =	vor.u32 $0xA12, v0  }
0x261: {  	v18 =	vor.u32 $0xA13, v0;
	v2 =	vmul.f32 v7, v2;
	[tilespmem:v9+s2+$0x0] =	vst.idx.msk $0xffff, v7  }
0x262: {  	[tilespmem:v11+s2+$0x0] =	vst.idx.msk $0xffff, v1;
	v1 =	vmul.f32 v5, v7  }
0x263: {  	[tilespmem:v31+s2+$0x0] =	vst.idx.msk $0xffff, v2;
	v2 =	vmul.f32 v6, v7  }
0x264: {  	[tilespmem:v8+s2+$0x0] =	vst.idx.msk $0xffff, v1;
	v1 =	vmul.f32 v4, v7  }
0x265: {  	[tilespmem:v3+s2+$0x0] =	vst.idx.msk $0xffff, v2  }
0x266: {  	[tilespmem:v18+s2+$0x0] =	vst.idx.msk $0xffff, v1  }
0x267: {  	v1 =	vld [tilespmem:$0x160B8];
	_ =	sdelay $0x4  }
0x268: {  	v2 =	vmul.u32 $0xCCCD, v1;
	_ =	sdelay $0x1  }
0x269: {  	[tilespmem:$0x1FC30] =	vst v3;
	v3 =	vld [tilespmem:$0x16038];
	v2 =	vshrl.u32 v2, $0x13  }
0x26a: {  	v4 =	vmul.u32 $0xFFFFFFF6, v2  }
0x26b: {  	v2 =	vmul.u32 $0x5, v2  }
0x26c: {  	v4 =	vadd.s32 v1, v4  }
0x26d: {  	vm6 =	vlt.s32 v4, $0x5;
	v2 =	vadd.s32 v2, v4  }
0x26e: {  	v2 =	vnsel vm6, $0x1388, v2  }
0x26f: {  	[tilespmem:$0x16238] =	vst v2  }
0x270: {  	v2 =	vld.idx.msk [tilespmem:v1+s24+$0x0], $0xffff  }
0x271: {  	v4 =	vld.idx.msk [tilespmem:v3+s6+$0x0], $0xffff;
	_ =	sdelay $0x1  }
0x272: {  	v5 =	vadd.s32 $0x2718, v3  }
0x273: {  	v1 =	vadd.s32 $0x2718, v1  }
0x274: {  	v6 =	vadd.s32 $0x4E30, v3;
	v7 =	vunpack.i.l.bf16.f32 v2  }
0x275: {  	v4 =	vadd.f32 v7, v4;
	_ =	sdelay $0x1  }
0x276: {  	[tilespmem:$0x1FBF0] =	vst v9;
	v7 =	vld.idx.msk [tilespmem:v5+s6+$0x0], $0xffff;
	v9 =	vmul.f32 $2.000000030e-01, v4  }
0x277: {  	[tilespmem:$0x1F840] =	vst v35;
	v1 =	vld.idx.msk [tilespmem:v1+s24+$0x0], $0xffff;
	vm7 =	vgt.f32 v4, $0.0e+00  }
0x278: {  	[tilespmem:$0x1FC20] =	vst v8;
	v8 =	vld.idx.msk [tilespmem:v6+s6+$0x0], $0xffff;
	v4 =	vsel vm7, v4, v9  }
0x279: {  	[tilespmem:$0x1F860] =	vst v36;
	v4 =	vsub.f32 v4, v60  }
0x27a: {  	[tilespmem:$0x1F870] =	vst v37;
	v2 =	vunpack.i.u.bf16.f32 v2  }
0x27b: {  	[tilespmem:$0x1F890] =	vst v38;
	v2 =	vadd.f32 v2, v7;
	v4 =	vmul.f32 $1.442695020e+00, v4  }
0x27c: {  	[tilespmem:$0x1F8C0] =	vst v39;
	v9 =	vunpack.i.l.bf16.f32 v1;
	v7 =	vadd.s32 $0x7548, v3  }
0x27d: {  	[tilespmem:$0x1F8E0] =	vst v40;
	v8 =	vadd.f32 v9, v8;
	v9 =	vmul.f32 $2.000000030e-01, v2;
	(erf) = vpow2.f32 v4  }
0x27e: {  	[tilespmem:$0x1F910] =	vst v41;
	vm8 =	vgt.f32 v2, $0.0e+00  }
0x27f: {  	[tilespmem:$0x1F960] =	vst v42;
	v2 =	vsel vm8, v2, v9  }
0x280: {  	[tilespmem:$0x1F970] =	vst v43;
	v3 =	vld.idx.msk [tilespmem:v3+s25+$0x0], $0xffff;
	v4 =	vmul.f32 $2.000000030e-01, v8;
	v2 =	vsub.f32 v2, v63  }
0x281: {  	[tilespmem:$0x1F9C0] =	vst v45;
	vm9 =	vgt.f32 v8, $0.0e+00;
	v7 =	vld.idx.msk [tilespmem:v7+s6+$0x0], $0xffff  }
0x282: {  	[tilespmem:$0x1F9E0] =	vst v46;
	v4 =	vsel vm9, v8, v4;
	v2 =	vmul.f32 $1.442695020e+00, v2  }
0x283: {  	[tilespmem:$0x1F9F0] =	vst v47;
	v5 =	vld.idx.msk [tilespmem:v5+s25+$0x0], $0xffff;
	v9 =	vor.u32 $0xC14, v0;
	v4 =	vsub.f32 v4, v62  }
0x284: {  	[tilespmem:$0x1F9A0] =	vst v17;
	v17 =	vor.u32 $0xC00, v0;
	(erf) = vpow2.f32 v2  }
0x285: {  	[tilespmem:$0x1FC00] =	vst v11;
	v11 =	vor.u32 $0xC01, v0;
	v1 =	vunpack.i.u.bf16.f32 v1;
	v4 =	vmul.f32 $1.442695020e+00, v4  }
0x286: {  	[tilespmem:$0x1FA10] =	vst v48;
	v2 =	vunpack.i.u.bf16.f32 v3;
	v3 =	vunpack.i.l.bf16.f32 v3;
	v1 =	vadd.f32 v1, v7;
	v7 =	vpop (erf)  }
0x287: {  	v34 =	vor.u32 $0xC02, v0;
	[tilespmem:$0x1FC40] =	vst v9;
	(erf) = vpow2.f32 v4;
	v4 =	vld.idx.msk [tilespmem:v6+s25+$0x0], $0xffff;
	v8 =	vmul.f32 v3, v7  }
0x288: {  	v35 =	vor.u32 $0xC03, v0;
	v6 =	vunpack.i.u.bf16.f32 v5;
	v5 =	vunpack.i.l.bf16.f32 v5;
	[tilespmem:v9+s2+$0x0] =	vst.idx.msk $0xffff, v7  }
0x289: {  	v36 =	vor.u32 $0xC04, v0;
	v9 =	vmul.f32 v2, v7;
	[tilespmem:v17+s2+$0x0] =	vst.idx.msk $0xffff, v8;
	v8 =	vmul.f32 v5, v7  }
0x28a: {  	v19 =	vor.u32 $0xC15, v0;
	[tilespmem:$0x1FBE0] =	vst v10;
	v10 =	vmul.f32 $2.000000030e-01, v1  }
0x28b: {  	v20 =	vor.u32 $0xC05, v0;
	vm10 =	vgt.f32 v1, $0.0e+00;
	[tilespmem:v11+s2+$0x0] =	vst.idx.msk $0xffff, v9;
	v9 =	vmul.f32 v6, v7  }
0x28c: {  	v1 =	vsel vm10, v1, v10;
	v7 =	vmul.f32 v4, v7;
	[tilespmem:v34+s2+$0x0] =	vst.idx.msk $0xffff, v8  }
0x28d: {  	v21 =	vor.u32 $0xC06, v0;
	v1 =	vsub.f32 v1, v61;
	[tilespmem:v35+s2+$0x0] =	vst.idx.msk $0xffff, v9;
	v8 =	vpop (erf)  }
0x28e: {  	v22 =	vor.u32 $0xC07, v0;
	[tilespmem:v36+s2+$0x0] =	vst.idx.msk $0xffff, v7;
	v7 =	vmul.f32 v3, v8  }
0x28f: {  	v37 =	vor.u32 $0xC08, v0;
	v1 =	vmul.f32 $1.442695020e+00, v1;
	[tilespmem:v19+s2+$0x0] =	vst.idx.msk $0xffff, v8  }
0x290: {  	v38 =	vor.u32 $0xC09, v0;
	v9 =	vmul.f32 v2, v8;
	[tilespmem:v20+s2+$0x0] =	vst.idx.msk $0xffff, v7;
	v7 =	vmul.f32 v6, v8  }
0x291: {  	[tilespmem:$0x1FAE0] =	vst v52;
	v39 =	vor.u32 $0xC16, v0;
	(erf) = vpow2.f32 v1;
	v1 =	vmul.f32 v5, v8  }
0x292: {  	v23 =	vor.u32 $0xC0A, v0;
	[tilespmem:v21+s2+$0x0] =	vst.idx.msk $0xffff, v9  }
0x293: {  	v40 =	vor.u32 $0xC0B, v0;
	[tilespmem:v22+s2+$0x0] =	vst.idx.msk $0xffff, v1;
	v1 =	vmul.f32 v4, v8  }
0x294: {  	v41 =	vor.u32 $0xC0C, v0;
	[tilespmem:v37+s2+$0x0] =	vst.idx.msk $0xffff, v7;
	v7 =	vpop (erf)  }
0x295: {  	v42 =	vor.u32 $0xC0D, v0;
	[tilespmem:v38+s2+$0x0] =	vst.idx.msk $0xffff, v1;
	v1 =	vmul.f32 v7, v3  }
0x296: {  	v43 =	vor.u32 $0xC0E, v0;
	[tilespmem:v39+s2+$0x0] =	vst.idx.msk $0xffff, v7;
	v8 =	vmul.f32 v7, v2  }
0x297: {  	v44 =	vor.u32 $0xC17, v0;
	[tilespmem:v23+s2+$0x0] =	vst.idx.msk $0xffff, v1;
	v1 =	vmul.f32 v5, v7  }
0x298: {  	v45 =	vor.u32 $0xC0F, v0;
	[tilespmem:v40+s2+$0x0] =	vst.idx.msk $0xffff, v8;
	v8 =	vmul.f32 v6, v7  }
0x299: {  	v46 =	vor.u32 $0xC10, v0;
	[tilespmem:v41+s2+$0x0] =	vst.idx.msk $0xffff, v1;
	v1 =	vmul.f32 v4, v7  }
0x29a: {  	v47 =	vor.u32 $0xC11, v0;
	v7 =	vpop (erf);
	[tilespmem:v42+s2+$0x0] =	vst.idx.msk $0xffff, v8  }
0x29b: {  	v48 =	vor.u32 $0xC12, v0;
	[tilespmem:v43+s2+$0x0] =	vst.idx.msk $0xffff, v1;
	v1 =	vmul.f32 v3, v7  }
0x29c: {  	v52 =	vor.u32 $0xC13, v0;
	v2 =	vmul.f32 v7, v2;
	[tilespmem:v44+s2+$0x0] =	vst.idx.msk $0xffff, v7  }
0x29d: {  	[tilespmem:v45+s2+$0x0] =	vst.idx.msk $0xffff, v1;
	v1 =	vmul.f32 v5, v7  }
0x29e: {  	[tilespmem:v46+s2+$0x0] =	vst.idx.msk $0xffff, v2;
	v2 =	vmul.f32 v6, v7  }
0x29f: {  	[tilespmem:v47+s2+$0x0] =	vst.idx.msk $0xffff, v1;
	v1 =	vmul.f32 v4, v7  }
0x2a0: {  	[tilespmem:v48+s2+$0x0] =	vst.idx.msk $0xffff, v2  }
0x2a1: {  	[tilespmem:v52+s2+$0x0] =	vst.idx.msk $0xffff, v1  }
0x2a2: {  	v1 =	vld [tilespmem:$0x160C8];
	_ =	sdelay $0x4  }
0x2a3: {  	v2 =	vmul.u32 $0xCCCD, v1;
	_ =	sdelay $0x1  }
0x2a4: {  	v3 =	vld [tilespmem:$0x16048];
	v2 =	vshrl.u32 v2, $0x13  }
0x2a5: {  	v4 =	vmul.u32 $0xFFFFFFF6, v2  }
0x2a6: {  	v2 =	vmul.u32 $0x5, v2  }
0x2a7: {  	v4 =	vadd.s32 v1, v4  }
0x2a8: {  	vm11 =	vlt.s32 v4, $0x5;
	v2 =	vadd.s32 v2, v4  }
0x2a9: {  	v2 =	vnsel vm11, $0x1388, v2  }
0x2aa: {  	[tilespmem:$0x16248] =	vst v2  }
0x2ab: {  	v2 =	vld.idx.msk [tilespmem:v1+s24+$0x0], $0xffff  }
0x2ac: {  	v4 =	vld.idx.msk [tilespmem:v3+s6+$0x0], $0xffff  }
0x2ad: {  	v5 =	vadd.s32 $0x2718, v3  }
0x2ae: {  	v1 =	vadd.s32 $0x2718, v1  }
0x2af: {  	v6 =	vadd.s32 $0x4E30, v3  }
0x2b0: {  	v7 =	vunpack.i.l.bf16.f32 v2  }
0x2b1: {  	v4 =	vadd.f32 v7, v4  }
0x2b2: {  	v7 =	vld.idx.msk [tilespmem:v5+s6+$0x0], $0xffff  }
0x2b3: {  	[tilespmem:$0x1F750] =	vst v13;
	v1 =	vld.idx.msk [tilespmem:v1+s24+$0x0], $0xffff;
	v9 =	vmul.f32 $2.000000030e-01, v4  }
0x2b4: {  	[tilespmem:$0x1F7E0] =	vst v33;
	v8 =	vld.idx.msk [tilespmem:v6+s6+$0x0], $0xffff;
	vm12 =	vgt.f32 v4, $0.0e+00  }
0x2b5: {  	[tilespmem:$0x1F7F0] =	vst v14;
	v4 =	vsel vm12, v4, v9  }
0x2b6: {  	[tilespmem:$0x1FA40] =	vst v49;
	v2 =	vunpack.i.u.bf16.f32 v2;
	v4 =	vsub.f32 v4, v60  }
0x2b7: {  	[tilespmem:$0x1FA60] =	vst v50;
	v2 =	vadd.f32 v2, v7  }
0x2b8: {  	[tilespmem:$0x1FA90] =	vst v51;
	v9 =	vunpack.i.l.bf16.f32 v1;
	v4 =	vmul.f32 $1.442695020e+00, v4  }
0x2b9: {  	[tilespmem:$0x1FB00] =	vst v53;
	v7 =	vadd.s32 $0x7548, v3;
	v8 =	vadd.f32 v9, v8;
	v9 =	vmul.f32 $2.000000030e-01, v2  }
0x2ba: {  	[tilespmem:$0x1FB10] =	vst v54;
	vm13 =	vgt.f32 v2, $0.0e+00;
	(erf) = vpow2.f32 v4  }
0x2bb: {  	[tilespmem:$0x1FB30] =	vst v55;
	v2 =	vsel vm13, v2, v9  }
0x2bc: {  	[tilespmem:$0x1FB60] =	vst v56;
	v5 =	vld.idx.msk [tilespmem:v5+s25+$0x0], $0xffff;
	v2 =	vsub.f32 v2, v63  }
0x2bd: {  	[tilespmem:$0x1FB70] =	vst v57;
	v3 =	vld.idx.msk [tilespmem:v3+s25+$0x0], $0xffff;
	v4 =	vmul.f32 $2.000000030e-01, v8  }
0x2be: {  	[tilespmem:$0x1FB80] =	vst v58;
	vm14 =	vgt.f32 v8, $0.0e+00;
	v7 =	vld.idx.msk [tilespmem:v7+s6+$0x0], $0xffff;
	v2 =	vmul.f32 $1.442695020e+00, v2  }
0x2bf: {  	[tilespmem:$0x1FBC0] =	vst v59;
	v49 =	vor.u32 $0xE01, v0;
	v4 =	vsel vm14, v8, v4  }
0x2c0: {  	[tilespmem:$0x1FBD0] =	vst v30;
	v50 =	vor.u32 $0xE14, v0;
	v4 =	vsub.f32 v4, v62;
	(erf) = vpow2.f32 v2  }
0x2c1: {  	[tilespmem:$0x1FC10] =	vst v31;
	v51 =	vor.u32 $0xE00, v0;
	v53 =	vor.u32 $0xE02, v0;
	v54 =	vor.u32 $0xE03, v0  }
0x2c2: {  	[tilespmem:$0x1F990] =	vst v16;
	v55 =	vor.u32 $0xE04, v0;
	v1 =	vunpack.i.u.bf16.f32 v1;
	v4 =	vmul.f32 $1.442695020e+00, v4  }
0x2c3: {  	[tilespmem:$0x1FC50] =	vst v11;
	v11 =	vld.idx.msk [tilespmem:v6+s25+$0x0], $0xffff;
	v12 =	vunpack.i.u.bf16.f32 v5;
	v26 =	vunpack.i.l.bf16.f32 v3;
	v1 =	vadd.f32 v1, v7;
	v2 =	vpop (erf)  }
0x2c4: {  	[tilespmem:$0x1FB20] =	vst v15;
	v27 =	vunpack.i.u.bf16.f32 v3;
	(erf) = vpow2.f32 v4;
	v3 =	vmul.f32 v26, v2  }
0x2c5: {  	v28 =	vunpack.i.l.bf16.f32 v5;
	v5 =	vmul.f32 $2.000000030e-01, v1;
	[tilespmem:v50+s2+$0x0] =	vst.idx.msk $0xffff, v2;
	v4 =	vmul.f32 v27, v2  }
0x2c6: {  	v56 =	vor.u32 $0xE15, v0;
	vm15 =	vgt.f32 v1, $0.0e+00;
	[tilespmem:v51+s2+$0x0] =	vst.idx.msk $0xffff, v3;
	v3 =	vmul.f32 v28, v2  }
0x2c7: {  	v57 =	vor.u32 $0xE05, v0;
	v1 =	vsel vm15, v1, v5;
	[tilespmem:v49+s2+$0x0] =	vst.idx.msk $0xffff, v4;
	v4 =	vmul.f32 v12, v2  }
0x2c8: {  	v58 =	vor.u32 $0xE06, v0;
	v2 =	vmul.f32 v11, v2;
	[tilespmem:v53+s2+$0x0] =	vst.idx.msk $0xffff, v3;
	v3 =	vsub.f32 v1, v61  }
0x2c9: {  	v5 =	vpop (erf);
	v1 =	vor.u32 $0xE07, v0;
	[tilespmem:v54+s2+$0x0] =	vst.idx.msk $0xffff, v4  }
0x2ca: {  	v59 =	vor.u32 $0xE08, v0;
	v4 =	vmul.f32 v26, v5;
	[tilespmem:v55+s2+$0x0] =	vst.idx.msk $0xffff, v2;
	v3 =	vmul.f32 $1.442695020e+00, v3  }
0x2cb: {  	v6 =	vmul.f32 v27, v5;
	v2 =	vor.u32 $0xE09, v0;
	[tilespmem:v56+s2+$0x0] =	vst.idx.msk $0xffff, v5  }
0x2cc: {  	v7 =	vmul.f32 v28, v5;
	[tilespmem:v57+s2+$0x0] =	vst.idx.msk $0xffff, v4;
	(erf) = vpow2.f32 v3;
	v3 =	vor.u32 $0xE16, v0  }
0x2cd: {  	v4 =	vor.u32 $0xE0A, v0;
	[tilespmem:v58+s2+$0x0] =	vst.idx.msk $0xffff, v6;
	v6 =	vmul.f32 v12, v5  }
0x2ce: {  	[tilespmem:v1+s2+$0x0] =	vst.idx.msk $0xffff, v7;
	v7 =	vmul.f32 v11, v5;
	v5 =	vor.u32 $0xE0B, v0  }
0x2cf: {  	v9 =	vpop (erf);
	[tilespmem:v59+s2+$0x0] =	vst.idx.msk $0xffff, v6;
	v6 =	vor.u32 $0xE0C, v0  }
0x2d0: {  	v24 =	vor.u32 $0xE0D, v0;
	v8 =	vmul.f32 v9, v26;
	[tilespmem:v2+s2+$0x0] =	vst.idx.msk $0xffff, v7  }
0x2d1: {  	v10 =	vmul.f32 v9, v27;
	v7 =	vor.u32 $0xE0E, v0;
	[tilespmem:v3+s2+$0x0] =	vst.idx.msk $0xffff, v9  }
0x2d2: {  	v29 =	vmul.f32 v28, v9;
	[tilespmem:v4+s2+$0x0] =	vst.idx.msk $0xffff, v8;
	v8 =	vor.u32 $0xE17, v0  }
0x2d3: {  	v25 =	vor.u32 $0xE0F, v0;
	[tilespmem:v5+s2+$0x0] =	vst.idx.msk $0xffff, v10;
	v10 =	vmul.f32 v12, v9  }
0x2d4: {  	[tilespmem:v6+s2+$0x0] =	vst.idx.msk $0xffff, v29;
	v29 =	vmul.f32 v11, v9;
	v9 =	vor.u32 $0xE10, v0  }
0x2d5: {  	[tilespmem:v24+s2+$0x0] =	vst.idx.msk $0xffff, v10;
	v30 =	vpop (erf);
	v10 =	vor.u32 $0xE11, v0  }
0x2d6: {  	[tilespmem:v7+s2+$0x0] =	vst.idx.msk $0xffff, v29;
	v29 =	vmul.f32 v26, v30;
	v26 =	vor.u32 $0xE12, v0  }
0x2d7: {  	p1 =	sne.s32 s16, $0x4C0;
	v33 =	vmul.f32 v30, v27;
	v27 =	vor.u32 $0xE13, v0;
	[tilespmem:v8+s2+$0x0] =	vst.idx.msk $0xffff, v30  }
.Ltmp2:
0x2d8: {  	v28 =	vmul.f32 v28, v30;
	[tilespmem:v25+s2+$0x0] =	vst.idx.msk $0xffff, v29;
	(pc) =	sbr.rel @p1 .LBB2_4-.Ltmp2, $4  }
0x2d9: {  	v12 =	vmul.f32 v12, v30;
	[tilespmem:v9+s2+$0x0] =	vst.idx.msk $0xffff, v33  }
0x2da: {  	v11 =	vmul.f32 v11, v30;
	[tilespmem:v10+s2+$0x0] =	vst.idx.msk $0xffff, v28  }
0x2db: {  	[tilespmem:v26+s2+$0x0] =	vst.idx.msk $0xffff, v12  }
0x2dc: {  	[tilespmem:v27+s2+$0x0] =	vst.idx.msk $0xffff, v11  }
.Ltmp3:
0x2dd: {  	(pc) =	sbr.rel .LBB2_5-.Ltmp3, $2  }
0x2de: {  	_ =	sdelay $0x2  }
0x2df: {  	[spmem:s4] =	stream.indirect.scatter.add.f32 [tilespmem:s2], [sflag:$0x3], $0x20, s26, s3, $0xb8;
	[tilespmem:$0x1AB18] =	vst v63  }
.LBB2_4:
0x2e0: {  	s17 =	sshrl.u32 s21, $0x3  }
0x2e1: {  	s17 =	sadd.s32 s1, s17  }
0x2e2: {  	[tilespmem:s28], [sflag:$0x1] =	stream.linear.gather [hbm4b:s17+s6], $0x80, $0x38;
	[tilespmem:$0x1AB18] =	vst v63  }
.Ltmp4:
0x2e3: {  	_ = 	snop;
	(pc) =	sbr.rel @p0 .LBB2_6-.Ltmp4, $4  }
0x2e4: {  	s17 =	sadd.s32 s16, s22  }
0x2e5: {  	[tilespmem:s29], [sflag:$0x1] =	stream.linear.gather [hbm4b:s17+s6], $0x80, $0x38;
	[tilespmem:$0x1AB18] =	vst v63  }
0x2e6: {  	_ = 	snop  }
0x2e7: {  	[spmem:s4] =	stream.indirect.scatter.add.f32 [tilespmem:s2], [sflag:$0x3], $0x20, s26, s3, $0xb8;
	[tilespmem:$0x1AB18] =	vst v63  }
.LBB2_5:
0x2e8: {  	_ =	swait.ge [sflag:s5], $0x1000  }
0x2e9: {  	[sflag:s5] =	ssyncset.done $0x0  }
0x2ea: {  	[sflag:s5] =	ssyncadd.s32 $0xFFFFF000  }
.LBB2_6:
0x2eb: {  	_ =	swait.ge [sflag:s7], $0x80  }
0x2ec: {  	[sflag:s7] =	ssyncset.done $0x0  }
0x2ed: {  	[sflag:s7] =	ssyncadd.s32 $0xFFFFFF80  }
0x2ee: {  	_ =	swait.ge [sflag:s7], $0x80  }
0x2ef: {  	[sflag:s7] =	ssyncset.done $0x0  }
0x2f0: {  	[sflag:s7] =	ssyncadd.s32 $0xFFFFFF80  }
0x2f1: {  	v11 =	vld [tilespmem:$0x16158];
	_ =	sdelay $0x4  }
0x2f2: {  	v12 =	vmul.u32 $0xCCCD, v11;
	_ =	sdelay $0x1  }
0x2f3: {  	v13 =	vld [tilespmem:$0x160D8];
	v12 =	vshrl.u32 v12, $0x13  }
0x2f4: {  	v28 =	vmul.u32 $0xFFFFFFF6, v12  }
0x2f5: {  	v12 =	vmul.u32 $0x5, v12  }
0x2f6: {  	v28 =	vadd.s32 v11, v28  }
0x2f7: {  	vm0 =	vlt.s32 v28, $0x5;
	v12 =	vadd.s32 v12, v28  }
0x2f8: {  	v12 =	vnsel vm0, $0x1388, v12  }
0x2f9: {  	[tilespmem:$0x16258] =	vst v12  }
0x2fa: {  	v12 =	vld.idx.msk [tilespmem:v11+s24+$0x0], $0xffff  }
0x2fb: {  	v16 =	vld.idx.msk [tilespmem:v13+s6+$0x0], $0xffff;
	_ =	sdelay $0x2  }
0x2fc: {  	v29 =	vadd.s32 $0x2718, v13  }
0x2fd: {  	v30 =	vunpack.i.l.bf16.f32 v12  }
0x2fe: {  	v28 =	vadd.f32 v30, v16;
	_ =	sdelay $0x1  }
0x2ff: {  	v15 =	vmul.f32 $2.000000030e-01, v28  }
0x300: {  	v11 =	vadd.s32 $0x2718, v11;
	v14 =	vld.idx.msk [tilespmem:v29+s6+$0x0], $0xffff;
	vm13 =	vgt.f32 v28, $0.0e+00  }
0x301: {  	v30 =	vadd.s32 $0x4E30, v13;
	v15 =	vsel vm13, v28, v15  }
0x302: {  	v15 =	vsub.f32 v15, v60;
	_ =	sdelay $0x1  }
0x303: {  	v12 =	vunpack.i.u.bf16.f32 v12;
	v33 =	vmul.f32 $1.442695020e+00, v15  }
0x304: {  	v11 =	vld.idx.msk [tilespmem:v11+s24+$0x0], $0xffff;
	v12 =	vadd.f32 v12, v14;
	v15 =	vadd.s32 $0x7548, v13  }
0x305: {  	v28 =	vld.idx.msk [tilespmem:v30+s6+$0x0], $0xffff;
	(erf) = vpow2.f32 v33  }
0x306: {  	v31 =	vmul.f32 $2.000000030e-01, v12  }
0x307: {  	vm14 =	vgt.f32 v12, $0.0e+00  }
0x308: {  	v12 =	vsel vm14, v12, v31;
	v13 =	vld.idx.msk [tilespmem:v13+s25+$0x0], $0xffff  }
0x309: {  	v12 =	vsub.f32 v12, v63;
	v33 =	vunpack.i.l.bf16.f32 v11;
	v15 =	vld.idx.msk [tilespmem:v15+s6+$0x0], $0xffff  }
0x30a: {  	v14 =	vadd.f32 v33, v28  }
0x30b: {  	v12 =	vmul.f32 $1.442695020e+00, v12  }
0x30c: {  	v28 =	vmul.f32 $2.000000030e-01, v14  }
0x30d: {  	v11 =	vunpack.i.u.bf16.f32 v11;
	(erf) = vpow2.f32 v12;
	vm15 =	vgt.f32 v14, $0.0e+00  }
0x30e: {  	v12 =	vld.idx.msk [tilespmem:v29+s25+$0x0], $0xffff;
	v14 =	vsel vm15, v14, v28;
	v28 =	vunpack.i.l.bf16.f32 v13;
	v11 =	vadd.f32 v11, v15;
	v29 =	vpop (erf)  }
0x30f: {  	v16 =	vmul.f32 v28, v29  }
0x310: {  	v33 =	vmov v32;
	v15 =	vld.idx.msk [tilespmem:v30+s25+$0x0], $0xffff;
	[tilespmem:v32+s8+$0x0] =	vst.idx.msk $0xffff, v29;
	v32 =	vmul.f32 $2.000000030e-01, v11  }
0x311: {  	vm4 =	vgt.f32 v11, $0.0e+00;
	[tilespmem:v0+s8+$0x0] =	vst.idx.msk $0xffff, v16;
	v16 =	vld [tilespmem:$0x1FC60]  }
0x312: {  	v11 =	vsel vm4, v11, v32;
	v32 =	vld [tilespmem:$0x1FC70];
	_ =	sdelay $0x1  }
0x313: {  	v14 =	vsub.f32 v14, v62;
	_ =	sdelay $0x1  }
0x314: {  	v13 =	vunpack.i.u.bf16.f32 v13;
	v14 =	vmul.f32 $1.442695020e+00, v14  }
0x315: {  	v30 =	vunpack.i.l.bf16.f32 v12;
	v31 =	vmul.f32 v13, v29  }
0x316: {  	(erf) = vpow2.f32 v14;
	v14 =	vmul.f32 v30, v29  }
0x317: {  	v12 =	vunpack.i.u.bf16.f32 v12;
	[tilespmem:v16+s8+$0x0] =	vst.idx.msk $0xffff, v31  }
0x318: {  	v31 =	vmul.f32 v12, v29;
	[tilespmem:v32+s8+$0x0] =	vst.idx.msk $0xffff, v14;
	v14 =	vmul.f32 v15, v29;
	v29 =	vld [tilespmem:$0x1FC80]  }
0x319: {  	v32 =	vld [tilespmem:$0x1FC90];
	_ =	sdelay $0x6  }
0x31a: {  	[tilespmem:v29+s8+$0x0] =	vst.idx.msk $0xffff, v31;
	v31 =	vld [tilespmem:$0x1FCA0]  }
0x31b: {  	[tilespmem:v32+s8+$0x0] =	vst.idx.msk $0xffff, v14;
	v32 =	vld [tilespmem:$0x1FCB0]  }
0x31c: {  	v16 =	vld [tilespmem:$0x1FCC0];
	_ =	sdelay $0x3  }
0x31d: {  	v29 =	vpop (erf)  }
0x31e: {  	v14 =	vmul.f32 v28, v29  }
0x31f: {  	[tilespmem:v31+s8+$0x0] =	vst.idx.msk $0xffff, v29;
	v31 =	vmul.f32 v13, v29  }
0x320: {  	[tilespmem:v32+s8+$0x0] =	vst.idx.msk $0xffff, v14  }
0x321: {  	[tilespmem:v16+s8+$0x0] =	vst.idx.msk $0xffff, v31;
	v31 =	vld [tilespmem:$0x1FCD0];
	_ =	sdelay $0x5  }
0x322: {  	v32 =	vmul.f32 v30, v29;
	_ =	sdelay $0x1  }
0x323: {  	v14 =	vmul.f32 v12, v29;
	[tilespmem:v31+s8+$0x0] =	vst.idx.msk $0xffff, v32;
	v32 =	vmul.f32 v15, v29;
	v29 =	vld [tilespmem:$0x1FCE0]  }
0x324: {  	v31 =	vld [tilespmem:$0x1FCF0];
	_ =	sdelay $0x6  }
0x325: {  	[tilespmem:v29+s8+$0x0] =	vst.idx.msk $0xffff, v14;
	v29 =	vld [tilespmem:$0x1FD00]  }
0x326: {  	[tilespmem:v31+s8+$0x0] =	vst.idx.msk $0xffff, v32;
	v31 =	vld [tilespmem:$0x1FD10];
	_ =	sdelay $0x4  }
0x327: {  	v14 =	vpop (erf)  }
0x328: {  	v32 =	vmul.f32 v14, v28  }
0x329: {  	[tilespmem:v29+s8+$0x0] =	vst.idx.msk $0xffff, v14  }
0x32a: {  	[tilespmem:v31+s8+$0x0] =	vst.idx.msk $0xffff, v32;
	v32 =	vld [tilespmem:$0x1FD20]  }
0x32b: {  	v31 =	vld [tilespmem:$0x1FD30];
	_ =	sdelay $0x1  }
0x32c: {  	v11 =	vsub.f32 v11, v61;
	_ =	sdelay $0x1  }
0x32d: {  	v11 =	vmul.f32 $1.442695020e+00, v11  }
0x32e: {  	v29 =	vmul.f32 v14, v13  }
0x32f: {  	(erf) = vpow2.f32 v11;
	v11 =	vmul.f32 v30, v14  }
0x330: {  	v16 =	vld [tilespmem:$0x1FD40];
	[tilespmem:v32+s8+$0x0] =	vst.idx.msk $0xffff, v29  }
0x331: {  	[tilespmem:v31+s8+$0x0] =	vst.idx.msk $0xffff, v11;
	v31 =	vld [tilespmem:$0x1FD50];
	_ =	sdelay $0x4  }
0x332: {  	v29 =	vmul.f32 v12, v14  }
0x333: {  	v32 =	vmul.f32 v15, v14  }
0x334: {  	v14 =	vpop (erf);
	[tilespmem:v16+s8+$0x0] =	vst.idx.msk $0xffff, v29  }
0x335: {  	[tilespmem:v31+s8+$0x0] =	vst.idx.msk $0xffff, v32;
	v32 =	vmul.f32 v28, v14;
	v28 =	vld [tilespmem:$0x1FD60]  }
0x336: {  	v29 =	vld [tilespmem:$0x1FD70];
	_ =	sdelay $0x6  }
0x337: {  	v31 =	vld [tilespmem:$0x1FD80];
	[tilespmem:v28+s8+$0x0] =	vst.idx.msk $0xffff, v14  }
0x338: {  	[tilespmem:v29+s8+$0x0] =	vst.idx.msk $0xffff, v32;
	v32 =	vld [tilespmem:$0x1FD90]  }
0x339: {  	v28 =	vld [tilespmem:$0x1FDA0]  }
0x33a: {  	v29 =	vld [tilespmem:$0x1FDB0];
	_ =	sdelay $0x2  }
0x33b: {  	v13 =	vmul.f32 v14, v13  }
0x33c: {  	v30 =	vmul.f32 v30, v14  }
0x33d: {  	v12 =	vmul.f32 v12, v14;
	[tilespmem:v31+s8+$0x0] =	vst.idx.msk $0xffff, v13  }
0x33e: {  	v16 =	vmul.f32 v15, v14;
	[tilespmem:v32+s8+$0x0] =	vst.idx.msk $0xffff, v30  }
0x33f: {  	[tilespmem:v28+s8+$0x0] =	vst.idx.msk $0xffff, v12  }
0x340: {  	[tilespmem:v29+s8+$0x0] =	vst.idx.msk $0xffff, v16  }
0x341: {  	v11 =	vld [tilespmem:$0x16168];
	_ =	sdelay $0x4  }
0x342: {  	v30 =	vmul.u32 $0xCCCD, v11;
	_ =	sdelay $0x1  }
0x343: {  	v13 =	vld [tilespmem:$0x160E8];
	v12 =	vshrl.u32 v30, $0x13  }
0x344: {  	v31 =	vmul.u32 $0xFFFFFFF6, v12  }
0x345: {  	v12 =	vmul.u32 $0x5, v12  }
0x346: {  	v14 =	vadd.s32 v11, v31  }
0x347: {  	vm5 =	vlt.s32 v14, $0x5;
	v12 =	vadd.s32 v12, v14  }
0x348: {  	v12 =	vnsel vm5, $0x1388, v12  }
0x349: {  	[tilespmem:$0x16268] =	vst v12  }
0x34a: {  	v12 =	vld.idx.msk [tilespmem:v11+s24+$0x0], $0xffff  }
0x34b: {  	v14 =	vld.idx.msk [tilespmem:v13+s6+$0x0], $0xffff;
	_ =	sdelay $0x1  }
0x34c: {  	v15 =	vadd.s32 $0x2718, v13;
	_ =	sdelay $0x1  }
0x34d: {  	v11 =	vadd.s32 $0x2718, v11;
	v32 =	vunpack.i.l.bf16.f32 v12  }
0x34e: {  	v28 =	vadd.s32 $0x4E30, v13;
	v14 =	vadd.f32 v32, v14;
	_ =	sdelay $0x1  }
0x34f: {  	v29 =	vld.idx.msk [tilespmem:v15+s6+$0x0], $0xffff;
	v16 =	vmul.f32 $2.000000030e-01, v14  }
0x350: {  	vm6 =	vgt.f32 v14, $0.0e+00  }
0x351: {  	v11 =	vld.idx.msk [tilespmem:v11+s24+$0x0], $0xffff;
	v14 =	vsel vm6, v14, v16  }
0x352: {  	v30 =	vld.idx.msk [tilespmem:v28+s6+$0x0], $0xffff;
	v14 =	vsub.f32 v14, v60  }
0x353: {  	v12 =	vunpack.i.u.bf16.f32 v12  }
0x354: {  	v12 =	vadd.f32 v12, v29;
	v29 =	vadd.s32 $0x7548, v13;
	v14 =	vmul.f32 $1.442695020e+00, v14;
	_ =	sdelay $0x1  }
0x355: {  	v31 =	vmul.f32 $2.000000030e-01, v12;
	v16 =	vunpack.i.l.bf16.f32 v11;
	(erf) = vpow2.f32 v14  }
0x356: {  	v13 =	vld.idx.msk [tilespmem:v13+s25+$0x0], $0xffff;
	vm7 =	vgt.f32 v12, $0.0e+00;
	v14 =	vadd.f32 v16, v30  }
0x357: {  	v12 =	vsel vm7, v12, v31;
	v31 =	vld [tilespmem:$0x1FDC0]  }
0x358: {  	v29 =	vld.idx.msk [tilespmem:v29+s6+$0x0], $0xffff;
	v30 =	vmul.f32 $2.000000030e-01, v14  }
0x359: {  	v12 =	vsub.f32 v12, v63;
	v16 =	vld [tilespmem:$0x1FDD0];
	vm8 =	vgt.f32 v14, $0.0e+00  }
0x35a: {  	v14 =	vsel vm8, v14, v30  }
0x35b: {  	v12 =	vmul.f32 $1.442695020e+00, v12;
	v14 =	vsub.f32 v14, v62;
	_ =	sdelay $0x1  }
0x35c: {  	v11 =	vunpack.i.u.bf16.f32 v11;
	(erf) = vpow2.f32 v12;
	v12 =	vld.idx.msk [tilespmem:v15+s25+$0x0], $0xffff;
	v14 =	vmul.f32 $1.442695020e+00, v14  }
0x35d: {  	v11 =	vadd.f32 v11, v29;
	v15 =	vld.idx.msk [tilespmem:v28+s25+$0x0], $0xffff;
	v28 =	vunpack.i.l.bf16.f32 v13;
	v29 =	vpop (erf)  }
0x35e: {  	(erf) = vpow2.f32 v14;
	v14 =	vmul.f32 v28, v29  }
0x35f: {  	v32 =	vmul.f32 $2.000000030e-01, v11;
	[tilespmem:v31+s8+$0x0] =	vst.idx.msk $0xffff, v29  }
0x360: {  	vm9 =	vgt.f32 v11, $0.0e+00;
	[tilespmem:v16+s8+$0x0] =	vst.idx.msk $0xffff, v14;
	v16 =	vld [tilespmem:$0x1FDE0]  }
0x361: {  	v11 =	vsel vm9, v11, v32;
	v32 =	vld [tilespmem:$0x1FDF0];
	_ =	sdelay $0x3  }
0x362: {  	v13 =	vunpack.i.u.bf16.f32 v13  }
0x363: {  	v30 =	vunpack.i.l.bf16.f32 v12;
	v31 =	vmul.f32 v13, v29  }
0x364: {  	v14 =	vmul.f32 v30, v29  }
0x365: {  	v12 =	vunpack.i.u.bf16.f32 v12;
	[tilespmem:v16+s8+$0x0] =	vst.idx.msk $0xffff, v31  }
0x366: {  	v31 =	vmul.f32 v12, v29;
	[tilespmem:v32+s8+$0x0] =	vst.idx.msk $0xffff, v14;
	v14 =	vmul.f32 v15, v29;
	v29 =	vld [tilespmem:$0x1FE00]  }
0x367: {  	v32 =	vld [tilespmem:$0x1FE10];
	_ =	sdelay $0x6  }
0x368: {  	[tilespmem:v29+s8+$0x0] =	vst.idx.msk $0xffff, v31;
	v31 =	vld [tilespmem:$0x1FE20]  }
0x369: {  	[tilespmem:v32+s8+$0x0] =	vst.idx.msk $0xffff, v14;
	v32 =	vld [tilespmem:$0x1FE30]  }
0x36a: {  	v16 =	vld [tilespmem:$0x1FE40];
	_ =	sdelay $0x3  }
0x36b: {  	v29 =	vpop (erf)  }
0x36c: {  	v14 =	vmul.f32 v28, v29  }
0x36d: {  	[tilespmem:v31+s8+$0x0] =	vst.idx.msk $0xffff, v29;
	v31 =	vmul.f32 v13, v29  }
0x36e: {  	[tilespmem:v32+s8+$0x0] =	vst.idx.msk $0xffff, v14  }
0x36f: {  	[tilespmem:v16+s8+$0x0] =	vst.idx.msk $0xffff, v31;
	v31 =	vld [tilespmem:$0x1FE50];
	_ =	sdelay $0x5  }
0x370: {  	v32 =	vmul.f32 v30, v29;
	_ =	sdelay $0x1  }
0x371: {  	v14 =	vmul.f32 v12, v29;
	[tilespmem:v31+s8+$0x0] =	vst.idx.msk $0xffff, v32;
	v32 =	vmul.f32 v15, v29;
	v29 =	vld [tilespmem:$0x1FE60]  }
0x372: {  	v31 =	vld [tilespmem:$0x1FE70];
	_ =	sdelay $0x6  }
0x373: {  	[tilespmem:v29+s8+$0x0] =	vst.idx.msk $0xffff, v14;
	v29 =	vld [tilespmem:$0x1FE80]  }
0x374: {  	[tilespmem:v31+s8+$0x0] =	vst.idx.msk $0xffff, v32;
	v31 =	vld [tilespmem:$0x1FE90];
	_ =	sdelay $0x4  }
0x375: {  	v14 =	vpop (erf)  }
0x376: {  	v32 =	vmul.f32 v14, v28  }
0x377: {  	[tilespmem:v29+s8+$0x0] =	vst.idx.msk $0xffff, v14  }
0x378: {  	[tilespmem:v31+s8+$0x0] =	vst.idx.msk $0xffff, v32;
	v32 =	vld [tilespmem:$0x1FEA0]  }
0x379: {  	v31 =	vld [tilespmem:$0x1FEB0];
	_ =	sdelay $0x1  }
0x37a: {  	v11 =	vsub.f32 v11, v61;
	_ =	sdelay $0x1  }
0x37b: {  	v11 =	vmul.f32 $1.442695020e+00, v11  }
0x37c: {  	v29 =	vmul.f32 v14, v13  }
0x37d: {  	(erf) = vpow2.f32 v11;
	v11 =	vmul.f32 v30, v14  }
0x37e: {  	v16 =	vld [tilespmem:$0x1FEC0];
	[tilespmem:v32+s8+$0x0] =	vst.idx.msk $0xffff, v29  }
0x37f: {  	[tilespmem:v31+s8+$0x0] =	vst.idx.msk $0xffff, v11;
	v31 =	vld [tilespmem:$0x1FED0];
	_ =	sdelay $0x4  }
0x380: {  	v29 =	vmul.f32 v12, v14  }
0x381: {  	v32 =	vmul.f32 v15, v14  }
0x382: {  	v14 =	vpop (erf);
	[tilespmem:v16+s8+$0x0] =	vst.idx.msk $0xffff, v29  }
0x383: {  	[tilespmem:v31+s8+$0x0] =	vst.idx.msk $0xffff, v32;
	v32 =	vmul.f32 v28, v14;
	v28 =	vld [tilespmem:$0x1FEE0]  }
0x384: {  	v29 =	vld [tilespmem:$0x1FEF0];
	_ =	sdelay $0x6  }
0x385: {  	v31 =	vld [tilespmem:$0x1FF00];
	[tilespmem:v28+s8+$0x0] =	vst.idx.msk $0xffff, v14  }
0x386: {  	[tilespmem:v29+s8+$0x0] =	vst.idx.msk $0xffff, v32;
	v32 =	vld [tilespmem:$0x1FF10]  }
0x387: {  	v28 =	vld [tilespmem:$0x1FF20]  }
0x388: {  	v29 =	vld [tilespmem:$0x1FF30];
	_ =	sdelay $0x2  }
0x389: {  	v13 =	vmul.f32 v14, v13  }
0x38a: {  	v30 =	vmul.f32 v30, v14  }
0x38b: {  	v12 =	vmul.f32 v12, v14;
	[tilespmem:v31+s8+$0x0] =	vst.idx.msk $0xffff, v13  }
0x38c: {  	v16 =	vmul.f32 v15, v14;
	[tilespmem:v32+s8+$0x0] =	vst.idx.msk $0xffff, v30  }
0x38d: {  	[tilespmem:v28+s8+$0x0] =	vst.idx.msk $0xffff, v12  }
0x38e: {  	[tilespmem:v29+s8+$0x0] =	vst.idx.msk $0xffff, v16  }
0x38f: {  	v11 =	vld [tilespmem:$0x16178];
	_ =	sdelay $0x4  }
0x390: {  	v30 =	vmul.u32 $0xCCCD, v11  }
0x391: {  	v13 =	vld [tilespmem:$0x160F8]  }
0x392: {  	v12 =	vshrl.u32 v30, $0x13  }
0x393: {  	v31 =	vmul.u32 $0xFFFFFFF6, v12  }
0x394: {  	v12 =	vmul.u32 $0x5, v12  }
0x395: {  	v14 =	vadd.s32 v11, v31  }
0x396: {  	v15 =	vadd.s32 $0x2718, v13;
	vm10 =	vlt.s32 v14, $0x5;
	v12 =	vadd.s32 v12, v14  }
0x397: {  	v12 =	vnsel vm10, $0x1388, v12  }
0x398: {  	[tilespmem:$0x16278] =	vst v12  }
0x399: {  	v12 =	vld.idx.msk [tilespmem:v11+s24+$0x0], $0xffff  }
0x39a: {  	v14 =	vld.idx.msk [tilespmem:v13+s6+$0x0], $0xffff  }
0x39b: {  	v29 =	vld.idx.msk [tilespmem:v15+s6+$0x0], $0xffff;
	_ =	sdelay $0x2  }
0x39c: {  	v28 =	vadd.s32 $0x4E30, v13  }
0x39d: {  	v11 =	vadd.s32 $0x2718, v11;
	v32 =	vunpack.i.l.bf16.f32 v12;
	v12 =	vunpack.i.u.bf16.f32 v12  }
0x39e: {  	v14 =	vadd.f32 v32, v14;
	v12 =	vadd.f32 v12, v29;
	v29 =	vadd.s32 $0x7548, v13;
	_ =	sdelay $0x1  }
0x39f: {  	v16 =	vmul.f32 $2.000000030e-01, v14  }
0x3a0: {  	v30 =	vld.idx.msk [tilespmem:v28+s6+$0x0], $0xffff;
	vm11 =	vgt.f32 v14, $0.0e+00  }
0x3a1: {  	v11 =	vld.idx.msk [tilespmem:v11+s24+$0x0], $0xffff;
	v14 =	vsel vm11, v14, v16  }
0x3a2: {  	v14 =	vsub.f32 v14, v60;
	v29 =	vld.idx.msk [tilespmem:v29+s6+$0x0], $0xffff;
	_ =	sdelay $0x1  }
0x3a3: {  	v14 =	vmul.f32 $1.442695020e+00, v14;
	_ =	sdelay $0x1  }
0x3a4: {  	v16 =	vunpack.i.l.bf16.f32 v11;
	v11 =	vunpack.i.u.bf16.f32 v11;
	(erf) = vpow2.f32 v14  }
0x3a5: {  	v31 =	vmul.f32 $2.000000030e-01, v12;
	v14 =	vadd.f32 v16, v30;
	v11 =	vadd.f32 v11, v29  }
0x3a6: {  	v13 =	vld.idx.msk [tilespmem:v13+s25+$0x0], $0xffff;
	vm12 =	vgt.f32 v12, $0.0e+00  }
0x3a7: {  	v12 =	vsel vm12, v12, v31;
	v31 =	vld [tilespmem:$0x1FF40];
	v30 =	vmul.f32 $2.000000030e-01, v14;
	v32 =	vmul.f32 $2.000000030e-01, v11  }
0x3a8: {  	v12 =	vsub.f32 v12, v63;
	v16 =	vld [tilespmem:$0x1FF50];
	vm13 =	vgt.f32 v14, $0.0e+00;
	vm14 =	vgt.f32 v11, $0.0e+00  }
0x3a9: {  	v14 =	vsel vm13, v14, v30;
	v11 =	vsel vm14, v11, v32;
	v32 =	vld [tilespmem:$0x1FF60]  }
0x3aa: {  	v12 =	vmul.f32 $1.442695020e+00, v12;
	v14 =	vsub.f32 v14, v62;
	_ =	sdelay $0x1  }
0x3ab: {  	(erf) = vpow2.f32 v12;
	v12 =	vld.idx.msk [tilespmem:v15+s25+$0x0], $0xffff;
	v14 =	vmul.f32 $1.442695020e+00, v14  }
0x3ac: {  	v15 =	vld.idx.msk [tilespmem:v28+s25+$0x0], $0xffff;
	v28 =	vunpack.i.l.bf16.f32 v13;
	v29 =	vpop (erf)  }
0x3ad: {  	v13 =	vunpack.i.u.bf16.f32 v13;
	(erf) = vpow2.f32 v14;
	v14 =	vmul.f32 v28, v29  }
0x3ae: {  	[tilespmem:v31+s8+$0x0] =	vst.idx.msk $0xffff, v29;
	v31 =	vmul.f32 v13, v29  }
0x3af: {  	[tilespmem:v16+s8+$0x0] =	vst.idx.msk $0xffff, v14  }
0x3b0: {  	[tilespmem:v32+s8+$0x0] =	vst.idx.msk $0xffff, v31;
	v32 =	vld [tilespmem:$0x1FF70];
	_ =	sdelay $0x4  }
0x3b1: {  	v30 =	vunpack.i.l.bf16.f32 v12  }
0x3b2: {  	v14 =	vmul.f32 v30, v29  }
0x3b3: {  	v12 =	vunpack.i.u.bf16.f32 v12  }
0x3b4: {  	v31 =	vmul.f32 v12, v29;
	[tilespmem:v32+s8+$0x0] =	vst.idx.msk $0xffff, v14;
	v14 =	vmul.f32 v15, v29;
	v29 =	vld [tilespmem:$0x1FF80]  }
0x3b5: {  	v32 =	vld [tilespmem:$0x1FF90];
	_ =	sdelay $0x6  }
0x3b6: {  	[tilespmem:v29+s8+$0x0] =	vst.idx.msk $0xffff, v31;
	v31 =	vld [tilespmem:$0x1FFA0]  }
0x3b7: {  	[tilespmem:v32+s8+$0x0] =	vst.idx.msk $0xffff, v14;
	v32 =	vld [tilespmem:$0x1FFB0]  }
0x3b8: {  	v16 =	vld [tilespmem:$0x1FFC0];
	_ =	sdelay $0x3  }
0x3b9: {  	v29 =	vpop (erf)  }
0x3ba: {  	v14 =	vmul.f32 v28, v29  }
0x3bb: {  	[tilespmem:v31+s8+$0x0] =	vst.idx.msk $0xffff, v29;
	v31 =	vmul.f32 v13, v29  }
0x3bc: {  	[tilespmem:v32+s8+$0x0] =	vst.idx.msk $0xffff, v14  }
0x3bd: {  	[tilespmem:v16+s8+$0x0] =	vst.idx.msk $0xffff, v31;
	v31 =	vld [tilespmem:$0x1FFD0];
	_ =	sdelay $0x5  }
0x3be: {  	v32 =	vmul.f32 v30, v29;
	_ =	sdelay $0x1  }
0x3bf: {  	v14 =	vmul.f32 v12, v29;
	[tilespmem:v31+s8+$0x0] =	vst.idx.msk $0xffff, v32;
	v32 =	vmul.f32 v15, v29;
	v29 =	vld [tilespmem:$0x1FFE0]  }
0x3c0: {  	v31 =	vld [tilespmem:$0x1FFF0];
	_ =	sdelay $0x6  }
0x3c1: {  	[tilespmem:v29+s8+$0x0] =	vst.idx.msk $0xffff, v14;
	v29 =	vld [tilespmem:$0x1F710]  }
0x3c2: {  	[tilespmem:v31+s8+$0x0] =	vst.idx.msk $0xffff, v32;
	v31 =	vld [tilespmem:$0x1F720];
	_ =	sdelay $0x4  }
0x3c3: {  	v14 =	vpop (erf)  }
0x3c4: {  	v32 =	vmul.f32 v14, v28  }
0x3c5: {  	[tilespmem:v29+s8+$0x0] =	vst.idx.msk $0xffff, v14  }
0x3c6: {  	[tilespmem:v31+s8+$0x0] =	vst.idx.msk $0xffff, v32;
	v32 =	vld [tilespmem:$0x1F730]  }
0x3c7: {  	v31 =	vld [tilespmem:$0x1F740];
	_ =	sdelay $0x1  }
0x3c8: {  	v11 =	vsub.f32 v11, v61;
	_ =	sdelay $0x1  }
0x3c9: {  	v11 =	vmul.f32 $1.442695020e+00, v11  }
0x3ca: {  	v29 =	vmul.f32 v14, v13  }
0x3cb: {  	(erf) = vpow2.f32 v11;
	v11 =	vmul.f32 v30, v14  }
0x3cc: {  	v16 =	vld [tilespmem:$0x1F750];
	[tilespmem:v32+s8+$0x0] =	vst.idx.msk $0xffff, v29  }
0x3cd: {  	[tilespmem:v31+s8+$0x0] =	vst.idx.msk $0xffff, v11;
	v31 =	vld [tilespmem:$0x1F760];
	_ =	sdelay $0x4  }
0x3ce: {  	v29 =	vmul.f32 v12, v14  }
0x3cf: {  	v32 =	vmul.f32 v15, v14  }
0x3d0: {  	v14 =	vpop (erf);
	[tilespmem:v16+s8+$0x0] =	vst.idx.msk $0xffff, v29  }
0x3d1: {  	[tilespmem:v31+s8+$0x0] =	vst.idx.msk $0xffff, v32;
	v32 =	vmul.f32 v28, v14;
	v28 =	vld [tilespmem:$0x1F770]  }
0x3d2: {  	v29 =	vld [tilespmem:$0x1F780];
	_ =	sdelay $0x6  }
0x3d3: {  	v31 =	vld [tilespmem:$0x1F790];
	[tilespmem:v28+s8+$0x0] =	vst.idx.msk $0xffff, v14  }
0x3d4: {  	[tilespmem:v29+s8+$0x0] =	vst.idx.msk $0xffff, v32;
	v32 =	vld [tilespmem:$0x1F7A0]  }
0x3d5: {  	v28 =	vld [tilespmem:$0x1F7B0]  }
0x3d6: {  	v29 =	vld [tilespmem:$0x1F7C0];
	_ =	sdelay $0x2  }
0x3d7: {  	v13 =	vmul.f32 v14, v13  }
0x3d8: {  	v30 =	vmul.f32 v30, v14  }
0x3d9: {  	v12 =	vmul.f32 v12, v14;
	[tilespmem:v31+s8+$0x0] =	vst.idx.msk $0xffff, v13  }
0x3da: {  	v16 =	vmul.f32 v15, v14;
	[tilespmem:v32+s8+$0x0] =	vst.idx.msk $0xffff, v30  }
0x3db: {  	[tilespmem:v28+s8+$0x0] =	vst.idx.msk $0xffff, v12  }
0x3dc: {  	[tilespmem:v29+s8+$0x0] =	vst.idx.msk $0xffff, v16  }
0x3dd: {  	v11 =	vld [tilespmem:$0x16188];
	_ =	sdelay $0x4  }
0x3de: {  	v30 =	vmul.u32 $0xCCCD, v11;
	_ =	sdelay $0x1  }
0x3df: {  	v13 =	vld [tilespmem:$0x16108];
	v12 =	vshrl.u32 v30, $0x13  }
0x3e0: {  	v31 =	vmul.u32 $0xFFFFFFF6, v12  }
0x3e1: {  	v12 =	vmul.u32 $0x5, v12  }
0x3e2: {  	v14 =	vadd.s32 v11, v31  }
0x3e3: {  	vm15 =	vlt.s32 v14, $0x5;
	v12 =	vadd.s32 v12, v14  }
0x3e4: {  	v12 =	vnsel vm15, $0x1388, v12  }
0x3e5: {  	[tilespmem:$0x16288] =	vst v12  }
0x3e6: {  	v12 =	vld.idx.msk [tilespmem:v11+s24+$0x0], $0xffff  }
0x3e7: {  	v14 =	vld.idx.msk [tilespmem:v13+s6+$0x0], $0xffff;
	_ =	sdelay $0x1  }
0x3e8: {  	v15 =	vadd.s32 $0x2718, v13;
	_ =	sdelay $0x1  }
0x3e9: {  	v11 =	vadd.s32 $0x2718, v11;
	v32 =	vunpack.i.l.bf16.f32 v12  }
0x3ea: {  	v28 =	vadd.s32 $0x4E30, v13;
	v14 =	vadd.f32 v32, v14;
	_ =	sdelay $0x1  }
0x3eb: {  	v29 =	vld.idx.msk [tilespmem:v15+s6+$0x0], $0xffff;
	v16 =	vmul.f32 $2.000000030e-01, v14  }
0x3ec: {  	vm4 =	vgt.f32 v14, $0.0e+00  }
0x3ed: {  	v11 =	vld.idx.msk [tilespmem:v11+s24+$0x0], $0xffff;
	v14 =	vsel vm4, v14, v16  }
0x3ee: {  	v30 =	vld.idx.msk [tilespmem:v28+s6+$0x0], $0xffff;
	v14 =	vsub.f32 v14, v60  }
0x3ef: {  	v12 =	vunpack.i.u.bf16.f32 v12  }
0x3f0: {  	v12 =	vadd.f32 v12, v29;
	v29 =	vadd.s32 $0x7548, v13;
	v14 =	vmul.f32 $1.442695020e+00, v14;
	_ =	sdelay $0x1  }
0x3f1: {  	v31 =	vmul.f32 $2.000000030e-01, v12;
	v16 =	vunpack.i.l.bf16.f32 v11;
	(erf) = vpow2.f32 v14  }
0x3f2: {  	v13 =	vld.idx.msk [tilespmem:v13+s25+$0x0], $0xffff;
	vm5 =	vgt.f32 v12, $0.0e+00;
	v14 =	vadd.f32 v16, v30  }
0x3f3: {  	v12 =	vsel vm5, v12, v31;
	v31 =	vld [tilespmem:$0x1F7D0]  }
0x3f4: {  	v29 =	vld.idx.msk [tilespmem:v29+s6+$0x0], $0xffff;
	v30 =	vmul.f32 $2.000000030e-01, v14  }
0x3f5: {  	v12 =	vsub.f32 v12, v63;
	v16 =	vld [tilespmem:$0x1F7E0];
	vm6 =	vgt.f32 v14, $0.0e+00  }
0x3f6: {  	v14 =	vsel vm6, v14, v30  }
0x3f7: {  	v12 =	vmul.f32 $1.442695020e+00, v12;
	v14 =	vsub.f32 v14, v62;
	_ =	sdelay $0x1  }
0x3f8: {  	v11 =	vunpack.i.u.bf16.f32 v11;
	(erf) = vpow2.f32 v12;
	v12 =	vld.idx.msk [tilespmem:v15+s25+$0x0], $0xffff;
	v14 =	vmul.f32 $1.442695020e+00, v14  }
0x3f9: {  	v11 =	vadd.f32 v11, v29;
	v15 =	vld.idx.msk [tilespmem:v28+s25+$0x0], $0xffff;
	v28 =	vunpack.i.l.bf16.f32 v13;
	v29 =	vpop (erf)  }
0x3fa: {  	(erf) = vpow2.f32 v14;
	v14 =	vmul.f32 v28, v29  }
0x3fb: {  	v32 =	vmul.f32 $2.000000030e-01, v11;
	[tilespmem:v31+s8+$0x0] =	vst.idx.msk $0xffff, v29  }
0x3fc: {  	vm7 =	vgt.f32 v11, $0.0e+00;
	[tilespmem:v16+s8+$0x0] =	vst.idx.msk $0xffff, v14;
	v16 =	vld [tilespmem:$0x1F7F0]  }
0x3fd: {  	v11 =	vsel vm7, v11, v32;
	v32 =	vld [tilespmem:$0x1F800];
	_ =	sdelay $0x3  }
0x3fe: {  	v13 =	vunpack.i.u.bf16.f32 v13  }
0x3ff: {  	v30 =	vunpack.i.l.bf16.f32 v12;
	v31 =	vmul.f32 v13, v29  }
0x400: {  	v14 =	vmul.f32 v30, v29  }
0x401: {  	v12 =	vunpack.i.u.bf16.f32 v12;
	[tilespmem:v16+s8+$0x0] =	vst.idx.msk $0xffff, v31  }
0x402: {  	v31 =	vmul.f32 v12, v29;
	[tilespmem:v32+s8+$0x0] =	vst.idx.msk $0xffff, v14;
	v14 =	vmul.f32 v15, v29;
	v29 =	vld [tilespmem:$0x1F810]  }
0x403: {  	v32 =	vld [tilespmem:$0x1F820];
	_ =	sdelay $0x6  }
0x404: {  	[tilespmem:v29+s8+$0x0] =	vst.idx.msk $0xffff, v31;
	v31 =	vld [tilespmem:$0x1F830]  }
0x405: {  	[tilespmem:v32+s8+$0x0] =	vst.idx.msk $0xffff, v14;
	v32 =	vld [tilespmem:$0x1F840]  }
0x406: {  	v16 =	vld [tilespmem:$0x1F850];
	_ =	sdelay $0x3  }
0x407: {  	v29 =	vpop (erf)  }
0x408: {  	v14 =	vmul.f32 v28, v29  }
0x409: {  	[tilespmem:v31+s8+$0x0] =	vst.idx.msk $0xffff, v29;
	v31 =	vmul.f32 v13, v29  }
0x40a: {  	[tilespmem:v32+s8+$0x0] =	vst.idx.msk $0xffff, v14  }
0x40b: {  	[tilespmem:v16+s8+$0x0] =	vst.idx.msk $0xffff, v31;
	v31 =	vld [tilespmem:$0x1F860];
	_ =	sdelay $0x5  }
0x40c: {  	v32 =	vmul.f32 v30, v29;
	_ =	sdelay $0x1  }
0x40d: {  	v14 =	vmul.f32 v12, v29;
	[tilespmem:v31+s8+$0x0] =	vst.idx.msk $0xffff, v32;
	v32 =	vmul.f32 v15, v29;
	v29 =	vld [tilespmem:$0x1F870]  }
0x40e: {  	v31 =	vld [tilespmem:$0x1F880];
	_ =	sdelay $0x6  }
0x40f: {  	[tilespmem:v29+s8+$0x0] =	vst.idx.msk $0xffff, v14;
	v29 =	vld [tilespmem:$0x1F890]  }
0x410: {  	[tilespmem:v31+s8+$0x0] =	vst.idx.msk $0xffff, v32;
	v31 =	vld [tilespmem:$0x1F8A0];
	_ =	sdelay $0x4  }
0x411: {  	v14 =	vpop (erf)  }
0x412: {  	v32 =	vmul.f32 v14, v28  }
0x413: {  	[tilespmem:v29+s8+$0x0] =	vst.idx.msk $0xffff, v14  }
0x414: {  	[tilespmem:v31+s8+$0x0] =	vst.idx.msk $0xffff, v32;
	v32 =	vld [tilespmem:$0x1F8B0]  }
0x415: {  	v31 =	vld [tilespmem:$0x1F8C0];
	_ =	sdelay $0x1  }
0x416: {  	v11 =	vsub.f32 v11, v61;
	_ =	sdelay $0x1  }
0x417: {  	v11 =	vmul.f32 $1.442695020e+00, v11  }
0x418: {  	v29 =	vmul.f32 v14, v13  }
0x419: {  	(erf) = vpow2.f32 v11;
	v11 =	vmul.f32 v30, v14  }
0x41a: {  	v16 =	vld [tilespmem:$0x1F8D0];
	[tilespmem:v32+s8+$0x0] =	vst.idx.msk $0xffff, v29  }
0x41b: {  	[tilespmem:v31+s8+$0x0] =	vst.idx.msk $0xffff, v11;
	v31 =	vld [tilespmem:$0x1F8E0];
	_ =	sdelay $0x4  }
0x41c: {  	v29 =	vmul.f32 v12, v14  }
0x41d: {  	v32 =	vmul.f32 v15, v14  }
0x41e: {  	v14 =	vpop (erf);
	[tilespmem:v16+s8+$0x0] =	vst.idx.msk $0xffff, v29  }
0x41f: {  	[tilespmem:v31+s8+$0x0] =	vst.idx.msk $0xffff, v32;
	v32 =	vmul.f32 v28, v14;
	v28 =	vld [tilespmem:$0x1F8F0]  }
0x420: {  	v29 =	vld [tilespmem:$0x1F900];
	_ =	sdelay $0x6  }
0x421: {  	v31 =	vld [tilespmem:$0x1F910];
	[tilespmem:v28+s8+$0x0] =	vst.idx.msk $0xffff, v14  }
0x422: {  	[tilespmem:v29+s8+$0x0] =	vst.idx.msk $0xffff, v32;
	v32 =	vld [tilespmem:$0x1F920]  }
0x423: {  	v28 =	vld [tilespmem:$0x1F930]  }
0x424: {  	v29 =	vld [tilespmem:$0x1F940];
	_ =	sdelay $0x2  }
0x425: {  	v13 =	vmul.f32 v14, v13  }
0x426: {  	v30 =	vmul.f32 v30, v14  }
0x427: {  	v12 =	vmul.f32 v12, v14;
	[tilespmem:v31+s8+$0x0] =	vst.idx.msk $0xffff, v13  }
0x428: {  	v16 =	vmul.f32 v15, v14;
	[tilespmem:v32+s8+$0x0] =	vst.idx.msk $0xffff, v30  }
0x429: {  	[tilespmem:v28+s8+$0x0] =	vst.idx.msk $0xffff, v12  }
0x42a: {  	[tilespmem:v29+s8+$0x0] =	vst.idx.msk $0xffff, v16  }
0x42b: {  	v11 =	vld [tilespmem:$0x16198];
	_ =	sdelay $0x4  }
0x42c: {  	v30 =	vmul.u32 $0xCCCD, v11;
	_ =	sdelay $0x1  }
0x42d: {  	v13 =	vld [tilespmem:$0x16118];
	v12 =	vshrl.u32 v30, $0x13  }
0x42e: {  	v31 =	vmul.u32 $0xFFFFFFF6, v12  }
0x42f: {  	v12 =	vmul.u32 $0x5, v12  }
0x430: {  	v14 =	vadd.s32 v11, v31  }
0x431: {  	vm8 =	vlt.s32 v14, $0x5;
	v12 =	vadd.s32 v12, v14  }
0x432: {  	v12 =	vnsel vm8, $0x1388, v12  }
0x433: {  	[tilespmem:$0x16298] =	vst v12  }
0x434: {  	v12 =	vld.idx.msk [tilespmem:v11+s24+$0x0], $0xffff  }
0x435: {  	v14 =	vld.idx.msk [tilespmem:v13+s6+$0x0], $0xffff;
	_ =	sdelay $0x1  }
0x436: {  	v15 =	vadd.s32 $0x2718, v13;
	_ =	sdelay $0x1  }
0x437: {  	v11 =	vadd.s32 $0x2718, v11;
	v32 =	vunpack.i.l.bf16.f32 v12  }
0x438: {  	v28 =	vadd.s32 $0x4E30, v13;
	v14 =	vadd.f32 v32, v14;
	_ =	sdelay $0x1  }
0x439: {  	v29 =	vld.idx.msk [tilespmem:v15+s6+$0x0], $0xffff;
	v16 =	vmul.f32 $2.000000030e-01, v14  }
0x43a: {  	vm9 =	vgt.f32 v14, $0.0e+00  }
0x43b: {  	v11 =	vld.idx.msk [tilespmem:v11+s24+$0x0], $0xffff;
	v14 =	vsel vm9, v14, v16  }
0x43c: {  	v30 =	vld.idx.msk [tilespmem:v28+s6+$0x0], $0xffff;
	v14 =	vsub.f32 v14, v60  }
0x43d: {  	v12 =	vunpack.i.u.bf16.f32 v12  }
0x43e: {  	v12 =	vadd.f32 v12, v29;
	v29 =	vadd.s32 $0x7548, v13;
	v14 =	vmul.f32 $1.442695020e+00, v14;
	_ =	sdelay $0x1  }
0x43f: {  	v31 =	vmul.f32 $2.000000030e-01, v12;
	v16 =	vunpack.i.l.bf16.f32 v11;
	(erf) = vpow2.f32 v14  }
0x440: {  	v13 =	vld.idx.msk [tilespmem:v13+s25+$0x0], $0xffff;
	vm10 =	vgt.f32 v12, $0.0e+00;
	v14 =	vadd.f32 v16, v30  }
0x441: {  	v12 =	vsel vm10, v12, v31;
	v31 =	vld [tilespmem:$0x1F950]  }
0x442: {  	v29 =	vld.idx.msk [tilespmem:v29+s6+$0x0], $0xffff;
	v30 =	vmul.f32 $2.000000030e-01, v14  }
0x443: {  	v12 =	vsub.f32 v12, v63;
	v16 =	vld [tilespmem:$0x1F960];
	vm11 =	vgt.f32 v14, $0.0e+00  }
0x444: {  	v14 =	vsel vm11, v14, v30  }
0x445: {  	v12 =	vmul.f32 $1.442695020e+00, v12;
	v14 =	vsub.f32 v14, v62;
	_ =	sdelay $0x1  }
0x446: {  	v11 =	vunpack.i.u.bf16.f32 v11;
	(erf) = vpow2.f32 v12;
	v12 =	vld.idx.msk [tilespmem:v15+s25+$0x0], $0xffff;
	v14 =	vmul.f32 $1.442695020e+00, v14  }
0x447: {  	v11 =	vadd.f32 v11, v29;
	v15 =	vld.idx.msk [tilespmem:v28+s25+$0x0], $0xffff;
	v28 =	vunpack.i.l.bf16.f32 v13;
	v29 =	vpop (erf)  }
0x448: {  	(erf) = vpow2.f32 v14;
	v14 =	vmul.f32 v28, v29  }
0x449: {  	v32 =	vmul.f32 $2.000000030e-01, v11;
	[tilespmem:v31+s8+$0x0] =	vst.idx.msk $0xffff, v29  }
0x44a: {  	vm12 =	vgt.f32 v11, $0.0e+00;
	[tilespmem:v16+s8+$0x0] =	vst.idx.msk $0xffff, v14;
	v16 =	vld [tilespmem:$0x1F970]  }
0x44b: {  	v11 =	vsel vm12, v11, v32;
	v32 =	vld [tilespmem:$0x1F980];
	_ =	sdelay $0x3  }
0x44c: {  	v13 =	vunpack.i.u.bf16.f32 v13  }
0x44d: {  	v30 =	vunpack.i.l.bf16.f32 v12;
	v31 =	vmul.f32 v13, v29  }
0x44e: {  	v14 =	vmul.f32 v30, v29  }
0x44f: {  	v12 =	vunpack.i.u.bf16.f32 v12;
	[tilespmem:v16+s8+$0x0] =	vst.idx.msk $0xffff, v31  }
0x450: {  	v31 =	vmul.f32 v12, v29;
	[tilespmem:v32+s8+$0x0] =	vst.idx.msk $0xffff, v14;
	v14 =	vmul.f32 v15, v29;
	v29 =	vld [tilespmem:$0x1F990]  }
0x451: {  	v32 =	vld [tilespmem:$0x1F9A0];
	_ =	sdelay $0x6  }
0x452: {  	[tilespmem:v29+s8+$0x0] =	vst.idx.msk $0xffff, v31;
	v31 =	vld [tilespmem:$0x1F9B0]  }
0x453: {  	[tilespmem:v32+s8+$0x0] =	vst.idx.msk $0xffff, v14;
	v32 =	vld [tilespmem:$0x1F9C0]  }
0x454: {  	v16 =	vld [tilespmem:$0x1F9D0];
	_ =	sdelay $0x3  }
0x455: {  	v29 =	vpop (erf)  }
0x456: {  	v14 =	vmul.f32 v28, v29  }
0x457: {  	[tilespmem:v31+s8+$0x0] =	vst.idx.msk $0xffff, v29;
	v31 =	vmul.f32 v13, v29  }
0x458: {  	[tilespmem:v32+s8+$0x0] =	vst.idx.msk $0xffff, v14  }
0x459: {  	[tilespmem:v16+s8+$0x0] =	vst.idx.msk $0xffff, v31;
	v31 =	vld [tilespmem:$0x1F9E0];
	_ =	sdelay $0x5  }
0x45a: {  	v32 =	vmul.f32 v30, v29;
	_ =	sdelay $0x1  }
0x45b: {  	v14 =	vmul.f32 v12, v29;
	[tilespmem:v31+s8+$0x0] =	vst.idx.msk $0xffff, v32;
	v32 =	vmul.f32 v15, v29;
	v29 =	vld [tilespmem:$0x1F9F0]  }
0x45c: {  	v31 =	vld [tilespmem:$0x1FA00];
	_ =	sdelay $0x6  }
0x45d: {  	[tilespmem:v29+s8+$0x0] =	vst.idx.msk $0xffff, v14;
	v29 =	vld [tilespmem:$0x1FA10]  }
0x45e: {  	[tilespmem:v31+s8+$0x0] =	vst.idx.msk $0xffff, v32;
	v31 =	vld [tilespmem:$0x1FA20];
	_ =	sdelay $0x4  }
0x45f: {  	v14 =	vpop (erf)  }
0x460: {  	v32 =	vmul.f32 v14, v28  }
0x461: {  	[tilespmem:v29+s8+$0x0] =	vst.idx.msk $0xffff, v14  }
0x462: {  	[tilespmem:v31+s8+$0x0] =	vst.idx.msk $0xffff, v32;
	v32 =	vld [tilespmem:$0x1FA30]  }
0x463: {  	v31 =	vld [tilespmem:$0x1FA40];
	_ =	sdelay $0x1  }
0x464: {  	v11 =	vsub.f32 v11, v61;
	_ =	sdelay $0x1  }
0x465: {  	v11 =	vmul.f32 $1.442695020e+00, v11  }
0x466: {  	v29 =	vmul.f32 v14, v13  }
0x467: {  	(erf) = vpow2.f32 v11;
	v11 =	vmul.f32 v30, v14  }
0x468: {  	v16 =	vld [tilespmem:$0x1FA50];
	[tilespmem:v32+s8+$0x0] =	vst.idx.msk $0xffff, v29  }
0x469: {  	[tilespmem:v31+s8+$0x0] =	vst.idx.msk $0xffff, v11;
	v31 =	vld [tilespmem:$0x1FA60];
	_ =	sdelay $0x4  }
0x46a: {  	v29 =	vmul.f32 v12, v14  }
0x46b: {  	v32 =	vmul.f32 v15, v14  }
0x46c: {  	v14 =	vpop (erf);
	[tilespmem:v16+s8+$0x0] =	vst.idx.msk $0xffff, v29  }
0x46d: {  	[tilespmem:v31+s8+$0x0] =	vst.idx.msk $0xffff, v32;
	v32 =	vmul.f32 v28, v14;
	v28 =	vld [tilespmem:$0x1FA70]  }
0x46e: {  	v29 =	vld [tilespmem:$0x1FA80];
	_ =	sdelay $0x6  }
0x46f: {  	v31 =	vld [tilespmem:$0x1FA90];
	[tilespmem:v28+s8+$0x0] =	vst.idx.msk $0xffff, v14  }
0x470: {  	[tilespmem:v29+s8+$0x0] =	vst.idx.msk $0xffff, v32;
	v32 =	vld [tilespmem:$0x1FAA0]  }
0x471: {  	v28 =	vld [tilespmem:$0x1FAB0]  }
0x472: {  	v29 =	vld [tilespmem:$0x1FAC0];
	_ =	sdelay $0x2  }
0x473: {  	v13 =	vmul.f32 v14, v13  }
0x474: {  	v30 =	vmul.f32 v30, v14  }
0x475: {  	v12 =	vmul.f32 v12, v14;
	[tilespmem:v31+s8+$0x0] =	vst.idx.msk $0xffff, v13  }
0x476: {  	v16 =	vmul.f32 v15, v14;
	[tilespmem:v32+s8+$0x0] =	vst.idx.msk $0xffff, v30  }
0x477: {  	[tilespmem:v28+s8+$0x0] =	vst.idx.msk $0xffff, v12  }
0x478: {  	[tilespmem:v29+s8+$0x0] =	vst.idx.msk $0xffff, v16  }
0x479: {  	v11 =	vld [tilespmem:$0x161A8];
	_ =	sdelay $0x4  }
0x47a: {  	v30 =	vmul.u32 $0xCCCD, v11;
	_ =	sdelay $0x1  }
0x47b: {  	v13 =	vld [tilespmem:$0x16128];
	v12 =	vshrl.u32 v30, $0x13  }
0x47c: {  	v31 =	vmul.u32 $0xFFFFFFF6, v12  }
0x47d: {  	v12 =	vmul.u32 $0x5, v12  }
0x47e: {  	v14 =	vadd.s32 v11, v31  }
0x47f: {  	vm13 =	vlt.s32 v14, $0x5;
	v12 =	vadd.s32 v12, v14  }
0x480: {  	v12 =	vnsel vm13, $0x1388, v12  }
0x481: {  	[tilespmem:$0x162A8] =	vst v12  }
0x482: {  	v12 =	vld.idx.msk [tilespmem:v11+s24+$0x0], $0xffff  }
0x483: {  	v14 =	vld.idx.msk [tilespmem:v13+s6+$0x0], $0xffff;
	_ =	sdelay $0x1  }
0x484: {  	v15 =	vadd.s32 $0x2718, v13;
	_ =	sdelay $0x1  }
0x485: {  	v11 =	vadd.s32 $0x2718, v11;
	v32 =	vunpack.i.l.bf16.f32 v12  }
0x486: {  	v28 =	vadd.s32 $0x4E30, v13;
	v14 =	vadd.f32 v32, v14;
	_ =	sdelay $0x1  }
0x487: {  	v29 =	vld.idx.msk [tilespmem:v15+s6+$0x0], $0xffff;
	v16 =	vmul.f32 $2.000000030e-01, v14  }
0x488: {  	vm14 =	vgt.f32 v14, $0.0e+00  }
0x489: {  	v11 =	vld.idx.msk [tilespmem:v11+s24+$0x0], $0xffff;
	v14 =	vsel vm14, v14, v16  }
0x48a: {  	v30 =	vld.idx.msk [tilespmem:v28+s6+$0x0], $0xffff;
	v14 =	vsub.f32 v14, v60  }
0x48b: {  	v12 =	vunpack.i.u.bf16.f32 v12  }
0x48c: {  	v12 =	vadd.f32 v12, v29;
	v29 =	vadd.s32 $0x7548, v13;
	v14 =	vmul.f32 $1.442695020e+00, v14;
	_ =	sdelay $0x1  }
0x48d: {  	v31 =	vmul.f32 $2.000000030e-01, v12;
	v16 =	vunpack.i.l.bf16.f32 v11;
	(erf) = vpow2.f32 v14  }
0x48e: {  	v13 =	vld.idx.msk [tilespmem:v13+s25+$0x0], $0xffff;
	vm15 =	vgt.f32 v12, $0.0e+00;
	v14 =	vadd.f32 v16, v30  }
0x48f: {  	v12 =	vsel vm15, v12, v31;
	v31 =	vld [tilespmem:$0x1FAD0]  }
0x490: {  	v29 =	vld.idx.msk [tilespmem:v29+s6+$0x0], $0xffff;
	v30 =	vmul.f32 $2.000000030e-01, v14  }
0x491: {  	v12 =	vsub.f32 v12, v63;
	v16 =	vld [tilespmem:$0x1FAE0];
	vm4 =	vgt.f32 v14, $0.0e+00  }
0x492: {  	v14 =	vsel vm4, v14, v30  }
0x493: {  	v12 =	vmul.f32 $1.442695020e+00, v12;
	v14 =	vsub.f32 v14, v62;
	_ =	sdelay $0x1  }
0x494: {  	v11 =	vunpack.i.u.bf16.f32 v11;
	(erf) = vpow2.f32 v12;
	v12 =	vld.idx.msk [tilespmem:v15+s25+$0x0], $0xffff;
	v14 =	vmul.f32 $1.442695020e+00, v14  }
0x495: {  	v11 =	vadd.f32 v11, v29;
	v15 =	vld.idx.msk [tilespmem:v28+s25+$0x0], $0xffff;
	v28 =	vunpack.i.l.bf16.f32 v13;
	v29 =	vpop (erf)  }
0x496: {  	(erf) = vpow2.f32 v14;
	v14 =	vmul.f32 v28, v29  }
0x497: {  	v32 =	vmul.f32 $2.000000030e-01, v11;
	[tilespmem:v31+s8+$0x0] =	vst.idx.msk $0xffff, v29  }
0x498: {  	vm5 =	vgt.f32 v11, $0.0e+00;
	[tilespmem:v16+s8+$0x0] =	vst.idx.msk $0xffff, v14;
	v16 =	vld [tilespmem:$0x1FAF0]  }
0x499: {  	v11 =	vsel vm5, v11, v32;
	v32 =	vld [tilespmem:$0x1FB00];
	_ =	sdelay $0x3  }
0x49a: {  	v13 =	vunpack.i.u.bf16.f32 v13  }
0x49b: {  	v30 =	vunpack.i.l.bf16.f32 v12;
	v31 =	vmul.f32 v13, v29  }
0x49c: {  	v14 =	vmul.f32 v30, v29  }
0x49d: {  	v12 =	vunpack.i.u.bf16.f32 v12;
	[tilespmem:v16+s8+$0x0] =	vst.idx.msk $0xffff, v31  }
0x49e: {  	v31 =	vmul.f32 v12, v29;
	[tilespmem:v32+s8+$0x0] =	vst.idx.msk $0xffff, v14;
	v14 =	vmul.f32 v15, v29;
	v29 =	vld [tilespmem:$0x1FB10]  }
0x49f: {  	v32 =	vld [tilespmem:$0x1FB20];
	_ =	sdelay $0x6  }
0x4a0: {  	[tilespmem:v29+s8+$0x0] =	vst.idx.msk $0xffff, v31;
	v31 =	vld [tilespmem:$0x1FB30]  }
0x4a1: {  	[tilespmem:v32+s8+$0x0] =	vst.idx.msk $0xffff, v14;
	v32 =	vld [tilespmem:$0x1FB40]  }
0x4a2: {  	v16 =	vld [tilespmem:$0x1FB50];
	_ =	sdelay $0x3  }
0x4a3: {  	v29 =	vpop (erf)  }
0x4a4: {  	v14 =	vmul.f32 v28, v29  }
0x4a5: {  	[tilespmem:v31+s8+$0x0] =	vst.idx.msk $0xffff, v29;
	v31 =	vmul.f32 v13, v29  }
0x4a6: {  	[tilespmem:v32+s8+$0x0] =	vst.idx.msk $0xffff, v14  }
0x4a7: {  	[tilespmem:v16+s8+$0x0] =	vst.idx.msk $0xffff, v31;
	v31 =	vld [tilespmem:$0x1FB60];
	_ =	sdelay $0x5  }
0x4a8: {  	v32 =	vmul.f32 v30, v29;
	_ =	sdelay $0x1  }
0x4a9: {  	v14 =	vmul.f32 v12, v29;
	[tilespmem:v31+s8+$0x0] =	vst.idx.msk $0xffff, v32;
	v32 =	vmul.f32 v15, v29;
	v29 =	vld [tilespmem:$0x1FB70]  }
0x4aa: {  	v31 =	vld [tilespmem:$0x1FB80];
	_ =	sdelay $0x6  }
0x4ab: {  	[tilespmem:v29+s8+$0x0] =	vst.idx.msk $0xffff, v14;
	v29 =	vld [tilespmem:$0x1FB90]  }
0x4ac: {  	[tilespmem:v31+s8+$0x0] =	vst.idx.msk $0xffff, v32;
	v31 =	vld [tilespmem:$0x1FBA0];
	_ =	sdelay $0x4  }
0x4ad: {  	v14 =	vpop (erf)  }
0x4ae: {  	v32 =	vmul.f32 v14, v28  }
0x4af: {  	[tilespmem:v29+s8+$0x0] =	vst.idx.msk $0xffff, v14  }
0x4b0: {  	[tilespmem:v31+s8+$0x0] =	vst.idx.msk $0xffff, v32;
	v32 =	vld [tilespmem:$0x1FBB0]  }
0x4b1: {  	v31 =	vld [tilespmem:$0x1FBC0]  }
0x4b2: {  	v16 =	vld [tilespmem:$0x1FBD0]  }
0x4b3: {  	v11 =	vsub.f32 v11, v61;
	_ =	sdelay $0x1  }
0x4b4: {  	v11 =	vmul.f32 $1.442695020e+00, v11  }
0x4b5: {  	v29 =	vmul.f32 v14, v13  }
0x4b6: {  	(erf) = vpow2.f32 v11;
	v11 =	vmul.f32 v30, v14  }
0x4b7: {  	[tilespmem:v32+s8+$0x0] =	vst.idx.msk $0xffff, v29;
	v29 =	vmul.f32 v12, v14  }
0x4b8: {  	[tilespmem:v31+s8+$0x0] =	vst.idx.msk $0xffff, v11  }
0x4b9: {  	[tilespmem:v16+s8+$0x0] =	vst.idx.msk $0xffff, v29;
	v29 =	vld [tilespmem:$0x1FBE0];
	_ =	sdelay $0x5  }
0x4ba: {  	v32 =	vmul.f32 v15, v14;
	_ =	sdelay $0x1  }
0x4bb: {  	v14 =	vpop (erf);
	[tilespmem:v29+s8+$0x0] =	vst.idx.msk $0xffff, v32;
	v32 =	vld [tilespmem:$0x1FBF0]  }
0x4bc: {  	v31 =	vmul.f32 v28, v14;
	v28 =	vld [tilespmem:$0x1FC00];
	_ =	sdelay $0x6  }
0x4bd: {  	v29 =	vmul.f32 v30, v14;
	v30 =	vld [tilespmem:$0x1FC10];
	[tilespmem:v32+s8+$0x0] =	vst.idx.msk $0xffff, v14  }
0x4be: {  	[tilespmem:v28+s8+$0x0] =	vst.idx.msk $0xffff, v31;
	v31 =	vld [tilespmem:$0x1FC20]  }
0x4bf: {  	v16 =	vld [tilespmem:$0x1FC30];
	_ =	sdelay $0x3  }
0x4c0: {  	v13 =	vmul.f32 v14, v13;
	_ =	sdelay $0x1  }
0x4c1: {  	v12 =	vmul.f32 v12, v14;
	[tilespmem:v30+s8+$0x0] =	vst.idx.msk $0xffff, v13  }
0x4c2: {  	v32 =	vmul.f32 v15, v14;
	[tilespmem:v31+s8+$0x0] =	vst.idx.msk $0xffff, v29  }
0x4c3: {  	[tilespmem:v16+s8+$0x0] =	vst.idx.msk $0xffff, v12  }
0x4c4: {  	[tilespmem:v18+s8+$0x0] =	vst.idx.msk $0xffff, v32  }
0x4c5: {  	v11 =	vld [tilespmem:$0x161B8];
	_ =	sdelay $0x4  }
0x4c6: {  	v28 =	vmul.u32 $0xCCCD, v11;
	_ =	sdelay $0x1  }
0x4c7: {  	v13 =	vld [tilespmem:$0x16138];
	v12 =	vshrl.u32 v28, $0x13  }
0x4c8: {  	v29 =	vmul.u32 $0xFFFFFFF6, v12  }
0x4c9: {  	v12 =	vmul.u32 $0x5, v12  }
0x4ca: {  	v14 =	vadd.s32 v11, v29  }
0x4cb: {  	vm6 =	vlt.s32 v14, $0x5;
	v12 =	vadd.s32 v12, v14  }
0x4cc: {  	v12 =	vnsel vm6, $0x1388, v12  }
0x4cd: {  	[tilespmem:$0x162B8] =	vst v12  }
0x4ce: {  	v12 =	vld.idx.msk [tilespmem:v11+s24+$0x0], $0xffff  }
0x4cf: {  	v30 =	vld.idx.msk [tilespmem:v13+s6+$0x0], $0xffff;
	_ =	sdelay $0x3  }
0x4d0: {  	v15 =	vadd.s32 $0x2718, v13;
	v31 =	vunpack.i.l.bf16.f32 v12  }
0x4d1: {  	v14 =	vadd.f32 v31, v30;
	_ =	sdelay $0x1  }
0x4d2: {  	v32 =	vmul.f32 $2.000000030e-01, v14  }
0x4d3: {  	v11 =	vadd.s32 $0x2718, v11;
	vm7 =	vgt.f32 v14, $0.0e+00  }
0x4d4: {  	v28 =	vadd.s32 $0x4E30, v13;
	v18 =	vld.idx.msk [tilespmem:v15+s6+$0x0], $0xffff;
	v14 =	vsel vm7, v14, v32  }
0x4d5: {  	v14 =	vsub.f32 v14, v60;
	_ =	sdelay $0x1  }
0x4d6: {  	v14 =	vmul.f32 $1.442695020e+00, v14  }
0x4d7: {  	v12 =	vunpack.i.u.bf16.f32 v12;
	v11 =	vld.idx.msk [tilespmem:v11+s24+$0x0], $0xffff  }
0x4d8: {  	v12 =	vadd.f32 v12, v18;
	v18 =	vld.idx.msk [tilespmem:v28+s6+$0x0], $0xffff;
	(erf) = vpow2.f32 v14;
	_ =	sdelay $0x1  }
0x4d9: {  	v16 =	vmul.f32 $2.000000030e-01, v12  }
0x4da: {  	vm8 =	vgt.f32 v12, $0.0e+00;
	v32 =	vld [tilespmem:$0x1FC40]  }
0x4db: {  	v29 =	vadd.s32 $0x7548, v13;
	v13 =	vld.idx.msk [tilespmem:v13+s25+$0x0], $0xffff;
	v12 =	vsel vm8, v12, v16;
	v16 =	vunpack.i.l.bf16.f32 v11  }
0x4dc: {  	v14 =	vadd.f32 v16, v18;
	_ =	sdelay $0x1  }
0x4dd: {  	v18 =	vmul.f32 $2.000000030e-01, v14  }
0x4de: {  	v12 =	vsub.f32 v12, v63;
	vm9 =	vgt.f32 v14, $0.0e+00  }
0x4df: {  	v31 =	vsel vm9, v14, v18;
	v14 =	vld.idx.msk [tilespmem:v28+s25+$0x0], $0xffff;
	v18 =	vunpack.i.u.bf16.f32 v13;
	v13 =	vunpack.i.l.bf16.f32 v13;
	v28 =	vpop (erf)  }
0x4e0: {  	v15 =	vld.idx.msk [tilespmem:v15+s25+$0x0], $0xffff;
	v30 =	vmul.f32 v13, v28  }
0x4e1: {  	v29 =	vld.idx.msk [tilespmem:v29+s6+$0x0], $0xffff;
	v12 =	vmul.f32 $1.442695020e+00, v12;
	[tilespmem:v32+s8+$0x0] =	vst.idx.msk $0xffff, v28  }
0x4e2: {  	[tilespmem:v17+s8+$0x0] =	vst.idx.msk $0xffff, v30;
	v30 =	vld [tilespmem:$0x1FC50]  }
0x4e3: {  	(erf) = vpow2.f32 v12;
	_ =	sdelay $0x1  }
0x4e4: {  	v11 =	vunpack.i.u.bf16.f32 v11;
	v12 =	vsub.f32 v31, v62  }
0x4e5: {  	v11 =	vadd.f32 v11, v29  }
0x4e6: {  	v29 =	vunpack.i.u.bf16.f32 v15;
	v12 =	vmul.f32 $1.442695020e+00, v12  }
0x4e7: {  	v15 =	vunpack.i.l.bf16.f32 v15;
	v31 =	vmul.f32 $2.000000030e-01, v11;
	v16 =	vmul.f32 v18, v28  }
0x4e8: {  	vm10 =	vgt.f32 v11, $0.0e+00;
	(erf) = vpow2.f32 v12;
	v12 =	vmul.f32 v15, v28  }
0x4e9: {  	v11 =	vsel vm10, v11, v31;
	v32 =	vmul.f32 v29, v28;
	[tilespmem:v30+s8+$0x0] =	vst.idx.msk $0xffff, v16  }
0x4ea: {  	v11 =	vsub.f32 v11, v61;
	[tilespmem:v34+s8+$0x0] =	vst.idx.msk $0xffff, v12;
	v34 =	vmul.f32 v14, v28  }
0x4eb: {  	v28 =	vpop (erf);
	[tilespmem:v35+s8+$0x0] =	vst.idx.msk $0xffff, v32  }
0x4ec: {  	v11 =	vmul.f32 $1.442695020e+00, v11;
	v30 =	vmul.f32 v13, v28;
	[tilespmem:v36+s8+$0x0] =	vst.idx.msk $0xffff, v34  }
0x4ed: {  	v31 =	vmul.f32 v18, v28;
	[tilespmem:v19+s8+$0x0] =	vst.idx.msk $0xffff, v28  }
0x4ee: {  	(erf) = vpow2.f32 v11;
	v32 =	vmul.f32 v15, v28;
	[tilespmem:v20+s8+$0x0] =	vst.idx.msk $0xffff, v30  }
0x4ef: {  	v34 =	vmul.f32 v29, v28;
	[tilespmem:v21+s8+$0x0] =	vst.idx.msk $0xffff, v31  }
0x4f0: {  	v35 =	vmul.f32 v14, v28;
	[tilespmem:v22+s8+$0x0] =	vst.idx.msk $0xffff, v32  }
0x4f1: {  	v36 =	vpop (erf);
	[tilespmem:v37+s8+$0x0] =	vst.idx.msk $0xffff, v34  }
0x4f2: {  	v37 =	vmul.f32 v36, v13;
	[tilespmem:v38+s8+$0x0] =	vst.idx.msk $0xffff, v35  }
0x4f3: {  	v38 =	vmul.f32 v36, v18;
	[tilespmem:v39+s8+$0x0] =	vst.idx.msk $0xffff, v36  }
0x4f4: {  	v39 =	vmul.f32 v15, v36;
	[tilespmem:v23+s8+$0x0] =	vst.idx.msk $0xffff, v37  }
0x4f5: {  	[tilespmem:v40+s8+$0x0] =	vst.idx.msk $0xffff, v38;
	v40 =	vmul.f32 v29, v36  }
0x4f6: {  	v17 =	vmul.f32 v14, v36;
	[tilespmem:v41+s8+$0x0] =	vst.idx.msk $0xffff, v39  }
0x4f7: {  	v19 =	vpop (erf);
	[tilespmem:v42+s8+$0x0] =	vst.idx.msk $0xffff, v40  }
0x4f8: {  	v20 =	vmul.f32 v13, v19;
	[tilespmem:v43+s8+$0x0] =	vst.idx.msk $0xffff, v17  }
0x4f9: {  	v21 =	vmul.f32 v19, v18;
	[tilespmem:v44+s8+$0x0] =	vst.idx.msk $0xffff, v19  }
0x4fa: {  	v22 =	vmul.f32 v15, v19;
	[tilespmem:v45+s8+$0x0] =	vst.idx.msk $0xffff, v20  }
0x4fb: {  	v23 =	vmul.f32 v29, v19;
	[tilespmem:v46+s8+$0x0] =	vst.idx.msk $0xffff, v21  }
0x4fc: {  	v28 =	vmul.f32 v14, v19;
	[tilespmem:v47+s8+$0x0] =	vst.idx.msk $0xffff, v22  }
0x4fd: {  	[tilespmem:v48+s8+$0x0] =	vst.idx.msk $0xffff, v23  }
0x4fe: {  	[tilespmem:v52+s8+$0x0] =	vst.idx.msk $0xffff, v28  }
0x4ff: {  	v11 =	vld [tilespmem:$0x161C8];
	_ =	sdelay $0x4  }
0x500: {  	v29 =	vmul.u32 $0xCCCD, v11;
	_ =	sdelay $0x1  }
0x501: {  	v13 =	vld [tilespmem:$0x16148];
	v12 =	vshrl.u32 v29, $0x13  }
0x502: {  	v30 =	vmul.u32 $0xFFFFFFF6, v12  }
0x503: {  	v12 =	vmul.u32 $0x5, v12  }
0x504: {  	v14 =	vadd.s32 v11, v30  }
0x505: {  	vm11 =	vlt.s32 v14, $0x5;
	v12 =	vadd.s32 v12, v14  }
0x506: {  	v12 =	vnsel vm11, $0x1388, v12  }
0x507: {  	[tilespmem:$0x162C8] =	vst v12  }
0x508: {  	v12 =	vld.idx.msk [tilespmem:v11+s24+$0x0], $0xffff  }
0x509: {  	v31 =	vld.idx.msk [tilespmem:v13+s6+$0x0], $0xffff  }
0x50a: {  	v32 =	vadd.s32 $0x2718, v13;
	_ =	sdelay $0x2  }
0x50b: {  	v34 =	vunpack.i.l.bf16.f32 v12  }
0x50c: {  	v14 =	vadd.f32 v34, v31  }
0x50d: {  	v35 =	vld.idx.msk [tilespmem:v32+s6+$0x0], $0xffff;
	v11 =	vadd.s32 $0x2718, v11  }
0x50e: {  	v36 =	vadd.s32 $0x4E30, v13;
	v37 =	vmul.f32 $2.000000030e-01, v14  }
0x50f: {  	vm12 =	vgt.f32 v14, $0.0e+00  }
0x510: {  	v14 =	vsel vm12, v14, v37  }
0x511: {  	v12 =	vunpack.i.u.bf16.f32 v12;
	v14 =	vsub.f32 v14, v60  }
0x512: {  	v11 =	vld.idx.msk [tilespmem:v11+s24+$0x0], $0xffff;
	v12 =	vadd.f32 v12, v35  }
0x513: {  	v38 =	vld.idx.msk [tilespmem:v36+s6+$0x0], $0xffff;
	v14 =	vmul.f32 $1.442695020e+00, v14  }
0x514: {  	v40 =	vmul.f32 $2.000000030e-01, v12  }
0x515: {  	vm13 =	vgt.f32 v12, $0.0e+00;
	(erf) = vpow2.f32 v14  }
0x516: {  	v39 =	vadd.s32 $0x7548, v13;
	v12 =	vsel vm13, v12, v40  }
0x517: {  	v41 =	vunpack.i.l.bf16.f32 v11;
	v12 =	vsub.f32 v12, v63  }
0x518: {  	v13 =	vld.idx.msk [tilespmem:v13+s25+$0x0], $0xffff;
	v14 =	vadd.f32 v41, v38  }
0x519: {  	v15 =	vld.idx.msk [tilespmem:v32+s25+$0x0], $0xffff;
	v12 =	vmul.f32 $1.442695020e+00, v12  }
0x51a: {  	v16 =	vmul.f32 $2.000000030e-01, v14  }
0x51b: {  	v18 =	vld.idx.msk [tilespmem:v39+s6+$0x0], $0xffff;
	(erf) = vpow2.f32 v12;
	vm14 =	vgt.f32 v14, $0.0e+00  }
0x51c: {  	v42 =	vsel vm14, v14, v16  }
0x51d: {  	v12 =	vsub.f32 v42, v62  }
0x51e: {  	v43 =	vld.idx.msk [tilespmem:v36+s25+$0x0], $0xffff;
	v44 =	vunpack.i.u.bf16.f32 v13;
	v13 =	vunpack.i.l.bf16.f32 v13;
	v46 =	vunpack.i.u.bf16.f32 v15;
	v45 =	vpop (erf)  }
0x51f: {  	v11 =	vunpack.i.u.bf16.f32 v11;
	v12 =	vmul.f32 $1.442695020e+00, v12;
	v47 =	vmul.f32 v13, v45  }
0x520: {  	v15 =	vunpack.i.l.bf16.f32 v15;
	v11 =	vadd.f32 v11, v18;
	[tilespmem:v50+s8+$0x0] =	vst.idx.msk $0xffff, v45;
	v48 =	vmul.f32 v44, v45  }
0x521: {  	(erf) = vpow2.f32 v12;
	[tilespmem:v51+s8+$0x0] =	vst.idx.msk $0xffff, v47;
	v51 =	vmul.f32 v15, v45  }
0x522: {  	v50 =	vmul.f32 $2.000000030e-01, v11;
	v52 =	vmul.f32 v46, v45;
	[tilespmem:v49+s8+$0x0] =	vst.idx.msk $0xffff, v48  }
0x523: {  	vm15 =	vgt.f32 v11, $0.0e+00;
	[tilespmem:v53+s8+$0x0] =	vst.idx.msk $0xffff, v51;
	v53 =	vmul.f32 v43, v45  }
0x524: {  	v11 =	vsel vm15, v11, v50;
	[tilespmem:v54+s8+$0x0] =	vst.idx.msk $0xffff, v52;
	v54 =	vpop (erf)  }
0x525: {  	v11 =	vsub.f32 v11, v61;
	[tilespmem:v55+s8+$0x0] =	vst.idx.msk $0xffff, v53;
	v55 =	vmul.f32 v13, v54  }
0x526: {  	[tilespmem:v56+s8+$0x0] =	vst.idx.msk $0xffff, v54;
	v56 =	vmul.f32 v44, v54  }
0x527: {  	v11 =	vmul.f32 $1.442695020e+00, v11;
	[tilespmem:v57+s8+$0x0] =	vst.idx.msk $0xffff, v55;
	v57 =	vmul.f32 v15, v54  }
0x528: {  	[tilespmem:v58+s8+$0x0] =	vst.idx.msk $0xffff, v56;
	v58 =	vmul.f32 v46, v54  }
0x529: {  	(erf) = vpow2.f32 v11;
	[tilespmem:v1+s8+$0x0] =	vst.idx.msk $0xffff, v57;
	v1 =	vmul.f32 v43, v54  }
0x52a: {  	[tilespmem:v59+s8+$0x0] =	vst.idx.msk $0xffff, v58;
	v59 =	vpop (erf)  }
0x52b: {  	[tilespmem:v2+s8+$0x0] =	vst.idx.msk $0xffff, v1;
	v1 =	vmul.f32 v59, v13  }
0x52c: {  	v2 =	vmul.f32 v59, v44;
	[tilespmem:v3+s8+$0x0] =	vst.idx.msk $0xffff, v59  }
0x52d: {  	[tilespmem:v4+s8+$0x0] =	vst.idx.msk $0xffff, v1  }
0x52e: {  	[tilespmem:v5+s8+$0x0] =	vst.idx.msk $0xffff, v2;
	v2 =	vmul.f32 v46, v59  }
0x52f: {  	v1 =	vmul.f32 v15, v59;
	_ =	sdelay $0x1  }
0x530: {  	[tilespmem:v6+s8+$0x0] =	vst.idx.msk $0xffff, v1;
	v1 =	vmul.f32 v43, v59  }
0x531: {  	[tilespmem:v24+s8+$0x0] =	vst.idx.msk $0xffff, v2;
	v2 =	vpop (erf)  }
0x532: {  	[tilespmem:v7+s8+$0x0] =	vst.idx.msk $0xffff, v1;
	v1 =	vmul.f32 v13, v2  }
0x533: {  	p0 =	seq.s32 s16, $0x4C0;
	[tilespmem:v8+s8+$0x0] =	vst.idx.msk $0xffff, v2;
	v3 =	vmul.f32 v2, v44  }
.Ltmp5:
0x534: {  	[tilespmem:v25+s8+$0x0] =	vst.idx.msk $0xffff, v1;
	v1 =	vmul.f32 v15, v2;
	(pc) =	sbr.rel @p0 .LBB2_8-.Ltmp5, $4  }
0x535: {  	[tilespmem:v9+s8+$0x0] =	vst.idx.msk $0xffff, v3;
	v3 =	vmul.f32 v46, v2  }
0x536: {  	[tilespmem:v10+s8+$0x0] =	vst.idx.msk $0xffff, v1;
	v1 =	vmul.f32 v43, v2  }
0x537: {  	[tilespmem:v26+s8+$0x0] =	vst.idx.msk $0xffff, v3  }
0x538: {  	[tilespmem:v27+s8+$0x0] =	vst.idx.msk $0xffff, v1  }
0x539: {  	s17 =	sadd.s32 s16, s19  }
0x53a: {  	[tilespmem:s30], [sflag:$0x2] =	stream.linear.gather [hbm4b:s17+s6], $0x80, $0x38;
	[tilespmem:$0x1AB18] =	vst v63  }
.Ltmp6:
0x53b: {  	_ = 	snop;
	(pc) =	sbr.rel .LBB2_2-.Ltmp6, $4  }
0x53c: {  	s17 =	sadd.s32 s16, s20  }
0x53d: {  	[tilespmem:s31], [sflag:$0x2] =	stream.linear.gather [hbm4b:s17+s6], $0x80, $0x38;
	[tilespmem:$0x1AB18] =	vst v63  }
0x53e: {  	s21 =	sadd.s32 $0x100, s21;
	s16 =	sadd.s32 $0x20, s16  }
0x53f: {  	v32 =	vmov v33;
	[spmem:s4] =	stream.indirect.scatter.add.f32 [tilespmem:s8], [sflag:$0x4], $0x20, s9, s3, $0xb8;
	[tilespmem:$0x1AB18] =	vst v63  }
.LBB2_9:
0x540: {  	_ =	sfence.sel $0x180000  }
0x541: {  	[bflag:$0x0] =	sbarrier.arrive $0xFFFF  }
0x542: {  	_ =	strace $0x90000047  }
0x543: {  	s0 =	stileid.u32;
	[bflag:$0x2] =	sbarrier.arrive $0xFFFF  }
0x544: {  	p0 =	sne.s32 s0, $0x0;
	s0 =	rddreg [dreg:$0x4]  }
0x545: {  	s0 =	sadd.s32 @!p0 $0x100000, s0  }
0x546: {  	[sflag:s0] =	ssyncadd.tile.s32 @!p0 $0x1;
	_ =	shalt  }
.Lfunc_end2:
_tile_overlayer_lowered:
.L_overlay_start_2:
0x547: {  	(tag) =	ssettag $0x2  }
0x548: {  	s0 =	rddreg [dreg:$0x0];
	s2 =	stileid.u32  }
0x549: {  	s1 =	rddreg [dreg:$0x1];
	p0 =	sne.s32 s2, $0x0  }
0x54a: {  	s3 =	rddreg [dreg:$0x2];
	[bflag:$0x3] =	sbarrier.arrive $0xFFFF;
	s2 =	simm.s32 @!p0 $0x1C05  }
0x54b: {  	[timem:s3], [sflag:s2] =	dma.local @!p0 [hbm:s0], s1  }
0x54c: {  	s0 =	simm.s32 @!p0 $0x5  }
0x54d: {  	_ =	swait.ge @!p0 [sflag:s0], s1  }
0x54e: {  	s1 =	ssub.s32 @!p0 $0x0, s1;
	[sflag:s0] =	ssyncset.done @!p0 $0x0  }
0x54f: {  	[sflag:s0] =	ssyncadd.s32 @!p0 s1  }
0x550: {  	[bflag:$0x3] =	sbarrier.arrive $0xFFFF  }
0x551: {  	_ =	shalt  }

</sc_bundles>
